<compile_context>
chip_gen: v7x
topology: tpu7x:2x2x1
jax: 0.10.2.dev20260603
libtpu: 0.0.44.dev20260713+nightly
codegen_flags: <defaults>
</compile_context>

<pallas_src>
import numpy as np
import jax
import jax.numpy as jnp
from jax import lax
from jax.experimental import pallas as pl
from jax.experimental.pallas import tpu as pltpu
from jax.experimental.pallas import tpu_sc as plsc

N = 10000
E = 320000
E2 = 327680
NW = 32
EW = E2 // NW
CH = 1024
K = EW // CH
CHG = 512
PW = 2 * EW
CPAIR = PW // CHG
C0 = 5
G = 48
SROW = 16
NSUB = 16
NROWS = N // NSUB

C1 = float(np.sqrt(3.0))
C2 = float(np.sqrt(15.0))
C3 = float(np.sqrt(5.0) / 2.0)
C4 = float(np.sqrt(15.0) / 2.0)
EMBS = float(1.14136 * np.exp(2.0) * np.sqrt(10.0))
FS = float(1.0 / np.sqrt(10.0))
FH = float(np.sqrt(2.0))
FO = 1.0 / 8.0
SC0 = float(1.0 / np.sqrt(32.0))


def _sel_matrix():
    S = np.zeros((162, 40), np.float32)
    k = 0
    S[0, k] = 1.0
    S[1, k] = 1.0
    k += 1
    for i in range(1, 4):
        for j in range(1, 4):
            c = (i * 9 + j) * 2
            S[c, k] = 1.0
            S[c + 1, k] = 1.0
            k += 1
    for i in range(4, 9):
        for j in range(4, 9):
            c = (i * 9 + j) * 2
            S[c, k] = 1.0
            S[c + 1, k] = 1.0
            k += 1
    return S


_SEL = _sel_matrix()


def _prep_body(x_ref, pos_ref, sel_ref, tbl_ref):
    t = jnp.dot(x_ref[...], sel_ref[...], preferred_element_type=jnp.float32)
    tbl_ref[...] = jnp.concatenate(
        [t, pos_ref[...], jnp.zeros((t.shape[0], 5), jnp.float32)], axis=1)


def _build_tbl(x, pos, sel):
    nb = 10
    bs = N // nb
    return pl.pallas_call(
        _prep_body,
        grid=(nb,),
        in_specs=[pl.BlockSpec((bs, 162), lambda i: (i, 0)),
                  pl.BlockSpec((bs, 3), lambda i: (i, 0)),
                  pl.BlockSpec((162, 40), lambda i: (0, 0))],
        out_specs=pl.BlockSpec((bs, G), lambda i: (i, 0)),
        out_shape=jax.ShapeDtypeStruct((N, G), jnp.float32),
    )(x, pos, sel)


def _gather_body(tbl_hbm, posc_hbm, row_hbm, col_hbm, g_hbm,
                 rowi, coli, bG0, bB0, bG1, bB1, sem0, sem1):
    cid = lax.axis_index("c")
    sid = lax.axis_index("s")
    pltpu.sync_copy(row_hbm.at[sid], rowi)
    pltpu.sync_copy(col_hbm.at[sid], coli)
    pairbase = sid * PW

    def run(first_chunk, nchunks):
        bufs = ((bG0, bB0, sem0), (bG1, bB1, sem1))

        def fire(k, bset):
            off = (first_chunk + k) * CHG
            bG, bB, sem = bset
            return (pltpu.async_copy(tbl_hbm.at[rowi.at[pl.ds(off, CHG)]],
                                     bG, sem),
                    pltpu.async_copy(posc_hbm.at[coli.at[pl.ds(off, CHG)]],
                                     bB, sem))

        pend = [fire(0, bufs[0]), None]
        for k in range(nchunks):
            cur = k % 2
            if k + 1 < nchunks:
                pend[1 - cur] = fire(k + 1, bufs[1 - cur])
            ca, cb = pend[cur]
            ca.wait()
            cb.wait()
            bG, bB, _ = bufs[cur]

            def body(i, carry):
                bG[i, pl.ds(32, 16)] = bG[i, pl.ds(32, 16)] - bB[i, :]
                return carry

            lax.fori_loop(0, CHG, body, 0)
            pltpu.sync_copy(
                bG, g_hbm.at[pl.ds(pairbase + (first_chunk + k) * CHG, CHG)])

    @pl.when(cid == 0)
    def _():
        run(0, C0)

    @pl.when(cid == 1)
    def _():
        run(C0, CPAIR - C0)


def _gather(tbl, posc, row2, col2):
    call = pl.kernel(
        _gather_body,
        out_type=jax.ShapeDtypeStruct((E2, G), jnp.float32),
        mesh=plsc.VectorSubcoreMesh(core_axis_name="c", subcore_axis_name="s"),
        scratch_types=[pltpu.VMEM((PW,), jnp.int32),
                       pltpu.VMEM((PW,), jnp.int32),
                       pltpu.VMEM((CHG, G), jnp.float32),
                       pltpu.VMEM((CHG, 16), jnp.float32),
                       pltpu.VMEM((CHG, G), jnp.float32),
                       pltpu.VMEM((CHG, 16), jnp.float32),
                       pltpu.SemaphoreType.DMA,
                       pltpu.SemaphoreType.DMA],
        compiler_params=pltpu.CompilerParams(use_tc_tiling_on_sc=False),
    )
    return call(tbl, posc, row2, col2)


BE = 4096


def _edge_body(vals_ref, g_ref, ws1_ref, ws2_ref, wp1_ref,
               wp2_ref, wd1_ref, wd2_ref, out_ref):
    gt = g_ref[...].T
    vx = gt[40:41]
    vy = gt[41:42]
    vz = gt[42:43]
    r2 = vx * vx + vy * vy + vz * vz + 1e-12
    length = jnp.sqrt(r2)
    inv = 1.0 / length
    ux = vx * inv
    uy = vy * inv
    uz = vz * inv
    s1x = C1 * ux
    s1y = C1 * uy
    s1z = C1 * uz
    s20 = C2 * ux * uy
    s21 = C2 * uy * uz
    s22 = C3 * (3.0 * uz * uz - 1.0)
    s23 = C2 * ux * uz
    s24 = C4 * (ux * ux - uy * uy)
    valsv = vals_ref[0:1, 0:10].T
    diff = (length - valsv) * vals_ref[0:1, 10:11]
    ap = diff + 1.0
    bp = 1.0 - diff
    sa = jnp.where(ap > 0.0, jnp.exp(-1.0 / jnp.where(ap > 0.0, ap, 1.0)), 0.0)
    sb = jnp.where(bp > 0.0, jnp.exp(-1.0 / jnp.where(bp > 0.0, bp, 1.0)), 0.0)
    emb = EMBS * sa * sb

    def fc(w1t_ref, w2t_ref, oscale):
        h = jnp.dot(w1t_ref[...], emb, preferred_element_type=jnp.float32) * FS
        h = FH * jnp.maximum(h, 0.0)
        return jnp.dot(w2t_ref[...], h,
                       preferred_element_type=jnp.float32) * (FO * oscale)

    ws = fc(ws1_ref, ws2_ref, SC0)
    wp = fc(wp1_ref, wp2_ref, SC0 / 3.0)
    wd = fc(wd1_ref, wd2_ref, SC0 / 5.0)
    ip0 = gt[1:2] * s1x + gt[2:3] * s1y + gt[3:4] * s1z
    ip1 = gt[4:5] * s1x + gt[5:6] * s1y + gt[6:7] * s1z
    ip2 = gt[7:8] * s1x + gt[8:9] * s1y + gt[9:10] * s1z
    id0 = (gt[10:11] * s20 + gt[11:12] * s21 + gt[12:13] * s22
           + gt[13:14] * s23 + gt[14:15] * s24)
    id1 = (gt[15:16] * s20 + gt[16:17] * s21 + gt[17:18] * s22
           + gt[18:19] * s23 + gt[19:20] * s24)
    id2 = (gt[20:21] * s20 + gt[21:22] * s21 + gt[22:23] * s22
           + gt[23:24] * s23 + gt[24:25] * s24)
    id3 = (gt[25:26] * s20 + gt[26:27] * s21 + gt[27:28] * s22
           + gt[28:29] * s23 + gt[29:30] * s24)
    id4 = (gt[30:31] * s20 + gt[31:32] * s21 + gt[32:33] * s22
           + gt[33:34] * s23 + gt[34:35] * s24)
    out_s = gt[0:1] * ws
    out_p = ip0 * wp[0:4] + ip1 * wp[4:8] + ip2 * wp[8:12]
    out_d = (id0 * wd[0:4] + id1 * wd[4:8] + id2 * wd[8:12]
             + id3 * wd[12:16] + id4 * wd[16:20])
    out_t = jnp.concatenate(
        [out_s, out_p, out_d, jnp.zeros_like(out_s)], axis=0)
    out_ref[...] = out_t.T


def _edge(vals, ge, Ws1, Ws2, Wp1, Wp2, Wd1, Wd2):
    nb = E2 // BE
    wspec = lambda shape: pl.BlockSpec(shape, lambda i: (0, 0))
    return pl.pallas_call(
        _edge_body,
        grid=(nb,),
        in_specs=[wspec((1, 16)),
                  pl.BlockSpec((BE, G), lambda i: (i, 0)),
                  wspec((64, 10)), wspec((4, 64)),
                  wspec((64, 10)), wspec((12, 64)),
                  wspec((64, 10)), wspec((20, 64))],
        out_specs=pl.BlockSpec((BE, SROW), lambda i: (i, 0)),
        out_shape=jax.ShapeDtypeStruct((E2, SROW), jnp.float32),
    )(vals, ge, Ws1, Ws2, Wp1, Wp2, Wd1, Wd2)


def _scatter_body(s_hbm, col_hbm, z_hbm, part_hbm, coli, stage, acc):
    cid = lax.axis_index("c")
    sid = lax.axis_index("s")
    wid = sid * 2 + cid
    pltpu.sync_copy(col_hbm.at[wid], coli)
    pltpu.sync_copy(z_hbm, acc.at[pl.ds(sid * NROWS, NROWS)])
    plsc.subcore_barrier()
    base = wid * EW
    for k in range(K):
        pltpu.sync_copy(s_hbm.at[pl.ds(base + k * CH, CH)], stage)
        pltpu.sync_copy(stage, acc.at[coli.at[k]], add=True)
    plsc.subcore_barrier()
    pltpu.sync_copy(acc.at[pl.ds(sid * NROWS, NROWS)],
                    part_hbm.at[cid, pl.ds(sid * NROWS, NROWS)])


def _scatter(s16, col3, zer):
    call = pl.kernel(
        _scatter_body,
        out_type=jax.ShapeDtypeStruct((2, N, SROW), jnp.float32),
        mesh=plsc.VectorSubcoreMesh(core_axis_name="c", subcore_axis_name="s"),
        scratch_types=[pltpu.VMEM((K, CH), jnp.int32),
                       pltpu.VMEM((CH, SROW), jnp.float32),
                       pltpu.VMEM_SHARED((N, SROW), jnp.float32)],
        compiler_params=pltpu.CompilerParams(use_tc_tiling_on_sc=False),
    )
    return call(s16, col3, zer)


def _combine_body(p_ref, o_ref):
    s = p_ref[0] + p_ref[1]
    o_ref[...] = s[:, 0:12]


def _combine(part):
    nb = 10
    bs = N // nb
    return pl.pallas_call(
        _combine_body,
        grid=(nb,),
        in_specs=[pl.BlockSpec((2, bs, SROW), lambda i: (0, i, 0))],
        out_specs=pl.BlockSpec((bs, 12), lambda i: (i, 0)),
        out_shape=jax.ShapeDtypeStruct((N, 12), jnp.float32),
    )(part)


def kernel(x, edge_index, pos, max_radius, num_nodes, Ws1, Ws2, Wp1, Wp2,
           Wd1, Wd2):
    padz = jnp.zeros((E2 - E,), edge_index.dtype)
    rowp = jnp.concatenate([edge_index[0], padz])
    colp = jnp.concatenate([edge_index[1], padz])
    row2 = rowp.reshape(NW // 2, PW)
    col2 = colp.reshape(NW // 2, PW)
    col3 = colp.reshape(NW, K, CH)
    posc = jnp.pad(pos, ((0, 0), (8, 5)))
    mr = jnp.asarray(max_radius, jnp.float32)
    idx = jnp.arange(1, 11, dtype=jnp.float32)
    vals = jnp.concatenate([idx * (mr / 11.0), (11.0 / mr)[None],
                            jnp.zeros((5,), jnp.float32)]).reshape(1, 16)
    tbl = _build_tbl(x, pos, jnp.asarray(_SEL))
    ge = _gather(tbl, posc, row2, col2)
    s16 = _edge(vals, ge, Ws1.T, Ws2.T, Wp1.T, Wp2.T, Wd1.T, Wd2.T)
    zer = jnp.zeros((NROWS, SROW), jnp.float32)
    part = _scatter(s16, col3, zer)
    return _combine(part)

# --- scband reference (transcript-rebuilt; emitter-appended) ---
"""Pipeline reference for scband-node-equi-model-47768626266279 (READ-ONLY COPY).

The authoritative reference and input builder live on the scoring server;
editing this copy changes nothing except your own understanding.
"""

import jax, jax.numpy as jnp
import numpy as np

N_NODES = 10000
N_EDGES = 320000
NUM_BASIS = 10
HIDDEN = 64
MUL_OUT = 4


def soft_unit_step(x):
    safe = jnp.where(x > 0.0, x, 1.0)
    return jnp.where(x > 0.0, jnp.exp(-1.0 / safe), 0.0)


def soft_one_hot_linspace(x, start, end, number):
    # e3nn soft_one_hot_linspace, basis='smooth_finite', cutoff=True
    values = jnp.linspace(start, end, number + 2)[1:-1]
    step = values[1] - values[0]
    diff = (x[..., None] - values) / step
    return 1.14136 * np.exp(2.0) * soft_unit_step(diff + 1.0) * soft_unit_step(1.0 - diff)


def spherical_harmonics_lmax2(v):
    # e3nn real spherical harmonics lmax=2, component normalization, unit input
    x, y, z = v[..., 0], v[..., 1], v[..., 2]
    c1 = np.sqrt(3.0)
    c2 = np.sqrt(15.0)
    sh = jnp.stack([
        jnp.ones_like(x),
        c1 * x, c1 * y, c1 * z,
        c2 * x * y,
        c2 * y * z,
        (np.sqrt(5.0) / 2.0) * (3.0 * z * z - 1.0),
        c2 * x * z,
        (c2 / 2.0) * (x * x - y * y),
    ], axis=-1)
    return sh


def fc_net(x, W1, W2):
    # e3nn FullyConnectedNet([num_basis, hidden, out], relu): variance-preserving
    h = (x @ W1) / np.sqrt(x.shape[-1])
    h = np.sqrt(2.0) * jax.nn.relu(h)  # normalize2mom(relu)
    return (h @ W2) / np.sqrt(W1.shape[1])


def tp_ll0(x_flat, sh_l, w, mul_in, l):
    # FullyConnectedTensorProduct: (mul_in x l) tensor (1 x l) -> (MUL_OUT x 0e)
    # single path, w3j(l,l,0)=delta/sqrt(2l+1), element path norm 1/sqrt(mul_in)
    dim = 2 * l + 1
    xr = x_flat.reshape(-1, mul_in, dim)
    wr = w.reshape(-1, mul_in, MUL_OUT)
    inner = jnp.einsum('eud,ed->eu', xr, sh_l) / np.sqrt(dim)
    return jnp.einsum('eu,euw->ew', inner, wr) / np.sqrt(mul_in)


def setup_inputs(seed: int = 0) -> dict:
    key = jax.random.key(seed)
    ks = jax.random.split(key, 10)
    x = jax.random.normal(ks[0], (N_NODES, 162), dtype=jnp.float32)
    edge_index = jax.random.randint(ks[1], (2, N_EDGES), 0, N_NODES, dtype=jnp.int32)
    pos = jax.random.normal(ks[2], (N_NODES, 3), dtype=jnp.float32)
    Ws1 = jax.random.normal(ks[3], (NUM_BASIS, HIDDEN), dtype=jnp.float32)
    Ws2 = jax.random.normal(ks[4], (HIDDEN, 1 * MUL_OUT), dtype=jnp.float32)
    Wp1 = jax.random.normal(ks[5], (NUM_BASIS, HIDDEN), dtype=jnp.float32)
    Wp2 = jax.random.normal(ks[6], (HIDDEN, 3 * MUL_OUT), dtype=jnp.float32)
    Wd1 = jax.random.normal(ks[7], (NUM_BASIS, HIDDEN), dtype=jnp.float32)
    Wd2 = jax.random.normal(ks[8], (HIDDEN, 5 * MUL_OUT), dtype=jnp.float32)
    return {"x": x, "edge_index": edge_index, "pos": pos, "max_radius": 5,
            "num_nodes": N_NODES, "Ws1": Ws1, "Ws2": Ws2, "Wp1": Wp1,
            "Wp2": Wp2, "Wd1": Wd1, "Wd2": Wd2}


def reference(x, edge_index, pos, max_radius, num_nodes, Ws1, Ws2, Wp1, Wp2, Wd1, Wd2):
    row = edge_index[0]
    col = edge_index[1]
    edge_vec = pos[row] - pos[col]
    num_neighbors = edge_index.shape[1] / num_nodes
    lengths = jnp.sqrt(jnp.sum(edge_vec * edge_vec, axis=1) + 1e-12)
    unit = edge_vec / lengths[:, None]
    sh = spherical_harmonics_lmax2(unit)
    emb = soft_one_hot_linspace(lengths, 0.0, jnp.asarray(max_radius, jnp.float32), NUM_BASIS) * (NUM_BASIS ** 0.5)
    ws = fc_net(emb, Ws1, Ws2)
    wp = fc_net(emb, Wp1, Wp2)
    wd = fc_net(emb, Wd1, Wd2)
    f = x.reshape(-1, 9, 9, 2)
    f_s = f[:, 0:1, 0:1, :].reshape(f.shape[0], 1, 2)
    f_p = f[:, 1:4, 1:4, :].reshape(f.shape[0], 9, 2)
    f_d = f[:, 4:9, 4:9, :].reshape(f.shape[0], 25, 2)
    sh0 = sh[:, 0:1]
    sh1 = sh[:, 1:4]
    sh2 = sh[:, 4:9]
    out_s = tp_ll0(f_s[..., 0][row], sh0, ws, 1, 0) + tp_ll0(f_s[..., 1][row], sh0, ws, 1, 0)
    out_p = tp_ll0(f_p[..., 0][row], sh1, wp, 3, 1) + tp_ll0(f_p[..., 1][row], sh1, wp, 3, 1)
    out_d = tp_ll0(f_d[..., 0][row], sh2, wd, 5, 2) + tp_ll0(f_d[..., 1][row], sh2, wd, 5, 2)
    summand = jnp.concatenate([out_s, out_p, out_d], axis=1)
    f_out = jax.ops.segment_sum(summand, col, num_segments=x.shape[0])
    return f_out / jnp.sqrt(num_neighbors)

if __name__ == "__main__":
    import jax
    _d = setup_inputs()
    print(jax.jit(kernel)(*tuple(_d.values())))

</pallas_src>

<mosaic_0001>
#map = affine_map<(d0, d1) -> (0, 0)>
module attributes {stable_mosaic.version = 14 : i64} {
  func.func @_gather_body(%arg0: i32, %arg1: i32, %arg2: memref<10000x48xf32, #tpu.memory_space<hbm>>, %arg3: memref<10000x16xf32, #tpu.memory_space<hbm>>, %arg4: memref<16x20480xi32, #tpu.memory_space<hbm>>, %arg5: memref<16x20480xi32, #tpu.memory_space<hbm>>, %arg6: memref<327680x48xf32, #tpu.memory_space<hbm>>, %arg7: memref<20480xi32, #tpu.memory_space<vmem>>, %arg8: memref<20480xi32, #tpu.memory_space<vmem>>, %arg9: memref<512x48xf32, #tpu.memory_space<vmem>>, %arg10: memref<512x16xf32, #tpu.memory_space<vmem>>, %arg11: memref<512x48xf32, #tpu.memory_space<vmem>>, %arg12: memref<512x16xf32, #tpu.memory_space<vmem>>, %arg13: memref<!tpu.dma_semaphore, #tpu.memory_space<semaphore_mem>>, %arg14: memref<!tpu.dma_semaphore, #tpu.memory_space<semaphore_mem>>) attributes {dimension_semantics = [#tpu.dimension_semantics<core_parallel>, #tpu.dimension_semantics<subcore_parallel>], iteration_bounds = array<i64: 2, 16>, scalar_prefetch = 0 : i64, scratch_operands = 8 : i64, tpu.core_type = #tpu.core_type<sc_vector_subcore>, window_params = [{transform_indices = #map}, {transform_indices = #map}, {transform_indices = #map}, {transform_indices = #map}, {transform_indices = #map}]} {
    "tpu.region"() ({
      %run_scoped3A = tpu.sem_alloc : memref<!tpu.dma_semaphore, #tpu.memory_space<semaphore_mem>>
      %dma_start3A = arith.constant 0 : i32
      %dma_start3A_8 = tpu.memref_slice %arg4[%arg1, %dma_start3A] : memref<16x20480xi32, #tpu.memory_space<hbm>> -> memref<1x20480xi32, #tpu.memory_space<hbm>>
      %dma_start3A_9 = tpu.memref_squeeze %dma_start3A_8 : memref<1x20480xi32, #tpu.memory_space<hbm>> -> memref<20480xi32, #tpu.memory_space<hbm>>
      %dma_start3A_10 = arith.constant 0 : i32
      %dma_start3A_11 = tpu.memref_slice %arg4[%arg1, %dma_start3A_10] : memref<16x20480xi32, #tpu.memory_space<hbm>> -> memref<1x20480xi32, #tpu.memory_space<hbm>>
      %dma_start3A_12 = tpu.memref_squeeze %dma_start3A_11 : memref<1x20480xi32, #tpu.memory_space<hbm>> -> memref<20480xi32, #tpu.memory_space<hbm>>
      tpu.enqueue_dma source(%dma_start3A_12 : memref<20480xi32, #tpu.memory_space<hbm>>) target(%arg7 : memref<20480xi32, #tpu.memory_space<vmem>>) target_semaphore(%run_scoped3A : memref<!tpu.dma_semaphore, #tpu.memory_space<semaphore_mem>>)
      %dma_wait3A = arith.constant 0 : i32
      %dma_wait3A_13 = tpu.memref_slice %arg4[%arg1, %dma_wait3A] : memref<16x20480xi32, #tpu.memory_space<hbm>> -> memref<1x20480xi32, #tpu.memory_space<hbm>>
      %dma_wait3A_14 = tpu.memref_squeeze %dma_wait3A_13 : memref<1x20480xi32, #tpu.memory_space<hbm>> -> memref<20480xi32, #tpu.memory_space<hbm>>
      %dma_wait3A_15 = arith.constant 0 : i32
      %dma_wait3A_16 = tpu.memref_slice %arg4[%arg1, %dma_wait3A_15] : memref<16x20480xi32, #tpu.memory_space<hbm>> -> memref<1x20480xi32, #tpu.memory_space<hbm>>
      %dma_wait3A_17 = tpu.memref_squeeze %dma_wait3A_16 : memref<1x20480xi32, #tpu.memory_space<hbm>> -> memref<20480xi32, #tpu.memory_space<hbm>>
      tpu.wait_dma2 semaphore(%run_scoped3A : memref<!tpu.dma_semaphore, #tpu.memory_space<semaphore_mem>>) src(%dma_wait3A_17 : memref<20480xi32, #tpu.memory_space<hbm>>) dst(%arg7 : memref<20480xi32, #tpu.memory_space<vmem>>)
      tpu.yield
    }) : () -> ()
    "tpu.region"() ({
      %run_scoped3A = tpu.sem_alloc : memref<!tpu.dma_semaphore, #tpu.memory_space<semaphore_mem>>
      %dma_start3A = arith.constant 0 : i32
      %dma_start3A_8 = tpu.memref_slice %arg5[%arg1, %dma_start3A] : memref<16x20480xi32, #tpu.memory_space<hbm>> -> memref<1x20480xi32, #tpu.memory_space<hbm>>
      %dma_start3A_9 = tpu.memref_squeeze %dma_start3A_8 : memref<1x20480xi32, #tpu.memory_space<hbm>> -> memref<20480xi32, #tpu.memory_space<hbm>>
      %dma_start3A_10 = arith.constant 0 : i32
      %dma_start3A_11 = tpu.memref_slice %arg5[%arg1, %dma_start3A_10] : memref<16x20480xi32, #tpu.memory_space<hbm>> -> memref<1x20480xi32, #tpu.memory_space<hbm>>
      %dma_start3A_12 = tpu.memref_squeeze %dma_start3A_11 : memref<1x20480xi32, #tpu.memory_space<hbm>> -> memref<20480xi32, #tpu.memory_space<hbm>>
      tpu.enqueue_dma source(%dma_start3A_12 : memref<20480xi32, #tpu.memory_space<hbm>>) target(%arg8 : memref<20480xi32, #tpu.memory_space<vmem>>) target_semaphore(%run_scoped3A : memref<!tpu.dma_semaphore, #tpu.memory_space<semaphore_mem>>)
      %dma_wait3A = arith.constant 0 : i32
      %dma_wait3A_13 = tpu.memref_slice %arg5[%arg1, %dma_wait3A] : memref<16x20480xi32, #tpu.memory_space<hbm>> -> memref<1x20480xi32, #tpu.memory_space<hbm>>
      %dma_wait3A_14 = tpu.memref_squeeze %dma_wait3A_13 : memref<1x20480xi32, #tpu.memory_space<hbm>> -> memref<20480xi32, #tpu.memory_space<hbm>>
      %dma_wait3A_15 = arith.constant 0 : i32
      %dma_wait3A_16 = tpu.memref_slice %arg5[%arg1, %dma_wait3A_15] : memref<16x20480xi32, #tpu.memory_space<hbm>> -> memref<1x20480xi32, #tpu.memory_space<hbm>>
      %dma_wait3A_17 = tpu.memref_squeeze %dma_wait3A_16 : memref<1x20480xi32, #tpu.memory_space<hbm>> -> memref<20480xi32, #tpu.memory_space<hbm>>
      tpu.wait_dma2 semaphore(%run_scoped3A : memref<!tpu.dma_semaphore, #tpu.memory_space<semaphore_mem>>) src(%dma_wait3A_17 : memref<20480xi32, #tpu.memory_space<hbm>>) dst(%arg8 : memref<20480xi32, #tpu.memory_space<vmem>>)
      tpu.yield
    }) : () -> ()
    %mul3A = arith.constant 20480 : i32
    %mul3A_0 = arith.muli %arg1, %mul3A : i32
    %eq3A = arith.constant 0 : i32
    %eq3A_1 = arith.cmpi eq, %arg0, %eq3A : i32
    %convert_element_type3A = arith.extui %eq3A_1 : i1 to i32
    %cond3A = arith.constant 0 : i32
    %cond3A_2 = arith.cmpi ne, %convert_element_type3A, %cond3A : i32
    scf.if %cond3A_2 {
      %dma_start3A = arith.constant 0 : i32
      %dma_start3A_8 = tpu.memref_slice %arg7[%dma_start3A] : memref<20480xi32, #tpu.memory_space<vmem>> -> memref<512xi32, #tpu.memory_space<vmem>>
      %dma_start3A_9 = arith.constant 0 : i32
      %dma_start3A_10 = arith.constant 0 : i32
      %dma_start3A_11 = tpu.memref_slice %arg2[%dma_start3A_9, %dma_start3A_10] : memref<10000x48xf32, #tpu.memory_space<hbm>> -> memref<10000x48xf32, #tpu.memory_space<hbm>>
      tpu.enqueue_indirect_dma source(%dma_start3A_11 : memref<10000x48xf32, #tpu.memory_space<hbm>>) target(%arg9 : memref<512x48xf32, #tpu.memory_space<vmem>>) offsets(%dma_start3A_8 : memref<512xi32, #tpu.memory_space<vmem>>) semaphore(%arg13 : memref<!tpu.dma_semaphore, #tpu.memory_space<semaphore_mem>>)
      %dma_start3A_12 = arith.constant 0 : i32
      %dma_start3A_13 = tpu.memref_slice %arg8[%dma_start3A_12] : memref<20480xi32, #tpu.memory_space<vmem>> -> memref<512xi32, #tpu.memory_space<vmem>>
      %dma_start3A_14 = arith.constant 0 : i32
      %dma_start3A_15 = arith.constant 0 : i32
      %dma_start3A_16 = tpu.memref_slice %arg3[%dma_start3A_14, %dma_start3A_15] : memref<10000x16xf32, #tpu.memory_space<hbm>> -> memref<10000x16xf32, #tpu.memory_space<hbm>>
      tpu.enqueue_indirect_dma source(%dma_start3A_16 : memref<10000x16xf32, #tpu.memory_space<hbm>>) target(%arg10 : memref<512x16xf32, #tpu.memory_space<vmem>>) offsets(%dma_start3A_13 : memref<512xi32, #tpu.memory_space<vmem>>) semaphore(%arg13 : memref<!tpu.dma_semaphore, #tpu.memory_space<semaphore_mem>>)
      %dma_start3A_17 = arith.constant 512 : i32
      %dma_start3A_18 = tpu.memref_slice %arg7[%dma_start3A_17] : memref<20480xi32, #tpu.memory_space<vmem>> -> memref<512xi32, #tpu.memory_space<vmem>>
      %dma_start3A_19 = arith.constant 0 : i32
      %dma_start3A_20 = arith.constant 0 : i32
      %dma_start3A_21 = tpu.memref_slice %arg2[%dma_start3A_19, %dma_start3A_20] : memref<10000x48xf32, #tpu.memory_space<hbm>> -> memref<10000x48xf32, #tpu.memory_space<hbm>>
      tpu.enqueue_indirect_dma source(%dma_start3A_21 : memref<10000x48xf32, #tpu.memory_space<hbm>>) target(%arg11 : memref<512x48xf32, #tpu.memory_space<vmem>>) offsets(%dma_start3A_18 : memref<512xi32, #tpu.memory_space<vmem>>) semaphore(%arg14 : memref<!tpu.dma_semaphore, #tpu.memory_space<semaphore_mem>>)
      %dma_start3A_22 = arith.constant 512 : i32
      %dma_start3A_23 = tpu.memref_slice %arg8[%dma_start3A_22] : memref<20480xi32, #tpu.memory_space<vmem>> -> memref<512xi32, #tpu.memory_space<vmem>>
      %dma_start3A_24 = arith.constant 0 : i32
      %dma_start3A_25 = arith.constant 0 : i32
      %dma_start3A_26 = tpu.memref_slice %arg3[%dma_start3A_24, %dma_start3A_25] : memref<10000x16xf32, #tpu.memory_space<hbm>> -> memref<10000x16xf32, #tpu.memory_space<hbm>>
      tpu.enqueue_indirect_dma source(%dma_start3A_26 : memref<10000x16xf32, #tpu.memory_space<hbm>>) target(%arg12 : memref<512x16xf32, #tpu.memory_space<vmem>>) offsets(%dma_start3A_23 : memref<512xi32, #tpu.memory_space<vmem>>) semaphore(%arg14 : memref<!tpu.dma_semaphore, #tpu.memory_space<semaphore_mem>>)
      %dma_wait3A = arith.constant 0 : i32
      %dma_wait3A_27 = tpu.memref_slice %arg7[%dma_wait3A] : memref<20480xi32, #tpu.memory_space<vmem>> -> memref<512xi32, #tpu.memory_space<vmem>>
      %dma_wait3A_28 = arith.constant 0 : i32
      %dma_wait3A_29 = arith.constant 0 : i32
      %dma_wait3A_30 = tpu.memref_slice %arg2[%dma_wait3A_28, %dma_wait3A_29] : memref<10000x48xf32, #tpu.memory_space<hbm>> -> memref<10000x48xf32, #tpu.memory_space<hbm>>
      tpu.wait_indirect_dma semaphore(%arg13 : memref<!tpu.dma_semaphore, #tpu.memory_space<semaphore_mem>>) src(%dma_wait3A_30 : memref<10000x48xf32, #tpu.memory_space<hbm>>) dst(%arg9 : memref<512x48xf32, #tpu.memory_space<vmem>>)
      %dma_wait3A_31 = arith.constant 0 : i32
      %dma_wait3A_32 = tpu.memref_slice %arg8[%dma_wait3A_31] : memref<20480xi32, #tpu.memory_space<vmem>> -> memref<512xi32, #tpu.memory_space<vmem>>
      %dma_wait3A_33 = arith.constant 0 : i32
      %dma_wait3A_34 = arith.constant 0 : i32
      %dma_wait3A_35 = tpu.memref_slice %arg3[%dma_wait3A_33, %dma_wait3A_34] : memref<10000x16xf32, #tpu.memory_space<hbm>> -> memref<10000x16xf32, #tpu.memory_space<hbm>>
      tpu.wait_indirect_dma semaphore(%arg13 : memref<!tpu.dma_semaphore, #tpu.memory_space<semaphore_mem>>) src(%dma_wait3A_35 : memref<10000x16xf32, #tpu.memory_space<hbm>>) dst(%arg10 : memref<512x16xf32, #tpu.memory_space<vmem>>)
      %scan3A = arith.constant 0 : i32
      %scan3A_36 = arith.constant 0 : i32
      %scan3A_37 = arith.constant 512 : i32
      %scan3A_38 = arith.addi %scan3A_36, %scan3A_37 : i32
      %scan3A_39 = arith.constant 1 : i32
      scf.for %scan3A_144 = %scan3A_36 to %scan3A_38 step %scan3A_39  : i32 {
        %get3A = arith.index_cast %scan3A_144 : i32 to index
        %get3A_145 = arith.constant 32 : index
        %get3A_146 = tpu.vector_load %arg9[%get3A, %get3A_145] {strides = array<i32>} : memref<512x48xf32, #tpu.memory_space<vmem>>, vector<1x16xf32>,
        %get3A_147 = vector.shape_cast %get3A_146 : vector<1x16xf32> to vector<16xf32>
        %get3A_148 = arith.index_cast %scan3A_144 : i32 to index
        %get3A_149 = arith.constant 0 : index
        %get3A_150 = tpu.vector_load %arg10[%get3A_148, %get3A_149] {strides = array<i32>} : memref<512x16xf32, #tpu.memory_space<vmem>>, vector<1x16xf32>,
        %get3A_151 = vector.shape_cast %get3A_150 : vector<1x16xf32> to vector<16xf32>
        %sub3A = arith.subf %get3A_147, %get3A_151 : vector<16xf32>
        %swap3A = arith.index_cast %scan3A_144 : i32 to index
        %swap3A_152 = arith.constant 32 : index
        %swap3A_153 = tpu.vector_load %arg9[%swap3A, %swap3A_152] {strides = array<i32>} : memref<512x48xf32, #tpu.memory_space<vmem>>, vector<1x16xf32>,
        %swap3A_154 = vector.shape_cast %swap3A_153 : vector<1x16xf32> to vector<16xf32>
        %swap3A_155 = vector.shape_cast %sub3A : vector<16xf32> to vector<1x16xf32>
        tpu.vector_store %arg9[%swap3A, %swap3A_152], %swap3A_155 {strides = array<i32>} : memref<512x48xf32, #tpu.memory_space<vmem>>, vector<1x16xf32>,
      }
      %scan3A_40 = arith.constant 512 : i32
      %add3A = arith.constant 0 : i32
      %add3A_41 = arith.addi %mul3A_0, %add3A : i32
      "tpu.region"() ({
        %run_scoped3A = tpu.sem_alloc : memref<!tpu.dma_semaphore, #tpu.memory_space<semaphore_mem>>
        %dma_start3A_144 = arith.constant 0 : i32
        %dma_start3A_145 = tpu.memref_slice %arg6[%add3A_41, %dma_start3A_144] : memref<327680x48xf32, #tpu.memory_space<hbm>> -> memref<512x48xf32, #tpu.memory_space<hbm>>
        %dma_start3A_146 = arith.constant 0 : i32
        %dma_start3A_147 = tpu.memref_slice %arg6[%add3A_41, %dma_start3A_146] : memref<327680x48xf32, #tpu.memory_space<hbm>> -> memref<512x48xf32, #tpu.memory_space<hbm>>
        tpu.enqueue_dma source(%arg9 : memref<512x48xf32, #tpu.memory_space<vmem>>) target(%dma_start3A_147 : memref<512x48xf32, #tpu.memory_space<hbm>>) target_semaphore(%run_scoped3A : memref<!tpu.dma_semaphore, #tpu.memory_space<semaphore_mem>>)
        %dma_wait3A_148 = arith.constant 0 : i32
        %dma_wait3A_149 = tpu.memref_slice %arg6[%add3A_41, %dma_wait3A_148] : memref<327680x48xf32, #tpu.memory_space<hbm>> -> memref<512x48xf32, #tpu.memory_space<hbm>>
        %dma_wait3A_150 = arith.constant 0 : i32
        %dma_wait3A_151 = tpu.memref_slice %arg6[%add3A_41, %dma_wait3A_150] : memref<327680x48xf32, #tpu.memory_space<hbm>> -> memref<512x48xf32, #tpu.memory_space<hbm>>
        tpu.wait_dma2 semaphore(%run_scoped3A : memref<!tpu.dma_semaphore, #tpu.memory_space<semaphore_mem>>) src(%arg9 : memref<512x48xf32, #tpu.memory_space<vmem>>) dst(%dma_wait3A_151 : memref<512x48xf32, #tpu.memory_space<hbm>>)
        tpu.yield
      }) : () -> ()
      %dma_start3A_42 = arith.constant 1024 : i32
      %dma_start3A_43 = tpu.memref_slice %arg7[%dma_start3A_42] : memref<20480xi32, #tpu.memory_space<vmem>> -> memref<512xi32, #tpu.memory_space<vmem>>
      %dma_start3A_44 = arith.constant 0 : i32
      %dma_start3A_45 = arith.constant 0 : i32
      %dma_start3A_46 = tpu.memref_slice %arg2[%dma_start3A_44, %dma_start3A_45] : memref<10000x48xf32, #tpu.memory_space<hbm>> -> memref<10000x48xf32, #tpu.memory_space<hbm>>
      tpu.enqueue_indirect_dma source(%dma_start3A_46 : memref<10000x48xf32, #tpu.memory_space<hbm>>) target(%arg9 : memref<512x48xf32, #tpu.memory_space<vmem>>) offsets(%dma_start3A_43 : memref<512xi32, #tpu.memory_space<vmem>>) semaphore(%arg13 : memref<!tpu.dma_semaphore, #tpu.memory_space<semaphore_mem>>)
      %dma_start3A_47 = arith.constant 1024 : i32
      %dma_start3A_48 = tpu.memref_slice %arg8[%dma_start3A_47] : memref<20480xi32, #tpu.memory_space<vmem>> -> memref<512xi32, #tpu.memory_space<vmem>>
      %dma_start3A_49 = arith.constant 0 : i32
      %dma_start3A_50 = arith.constant 0 : i32
      %dma_start3A_51 = tpu.memref_slice %arg3[%dma_start3A_49, %dma_start3A_50] : memref<10000x16xf32, #tpu.memory_space<hbm>> -> memref<10000x16xf32, #tpu.memory_space<hbm>>
      tpu.enqueue_indirect_dma source(%dma_start3A_51 : memref<10000x16xf32, #tpu.memory_space<hbm>>) target(%arg10 : memref<512x16xf32, #tpu.memory_space<vmem>>) offsets(%dma_start3A_48 : memref<512xi32, #tpu.memory_space<vmem>>) semaphore(%arg13 : memref<!tpu.dma_semaphore, #tpu.memory_space<semaphore_mem>>)
      %dma_wait3A_52 = arith.constant 512 : i32
      %dma_wait3A_53 = tpu.memref_slice %arg7[%dma_wait3A_52] : memref<20480xi32, #tpu.memory_space<vmem>> -> memref<512xi32, #tpu.memory_space<vmem>>
      %dma_wait3A_54 = arith.constant 0 : i32
      %dma_wait3A_55 = arith.constant 0 : i32
      %dma_wait3A_56 = tpu.memref_slice %arg2[%dma_wait3A_54, %dma_wait3A_55] : memref<10000x48xf32, #tpu.memory_space<hbm>> -> memref<10000x48xf32, #tpu.memory_space<hbm>>
      tpu.wait_indirect_dma semaphore(%arg14 : memref<!tpu.dma_semaphore, #tpu.memory_space<semaphore_mem>>) src(%dma_wait3A_56 : memref<10000x48xf32, #tpu.memory_space<hbm>>) dst(%arg11 : memref<512x48xf32, #tpu.memory_space<vmem>>)
      %dma_wait3A_57 = arith.constant 512 : i32
      %dma_wait3A_58 = tpu.memref_slice %arg8[%dma_wait3A_57] : memref<20480xi32, #tpu.memory_space<vmem>> -> memref<512xi32, #tpu.memory_space<vmem>>
      %dma_wait3A_59 = arith.constant 0 : i32
      %dma_wait3A_60 = arith.constant 0 : i32
      %dma_wait3A_61 = tpu.memref_slice %arg3[%dma_wait3A_59, %dma_wait3A_60] : memref<10000x16xf32, #tpu.memory_space<hbm>> -> memref<10000x16xf32, #tpu.memory_space<hbm>>
      tpu.wait_indirect_dma semaphore(%arg14 : memref<!tpu.dma_semaphore, #tpu.memory_space<semaphore_mem>>) src(%dma_wait3A_61 : memref<10000x16xf32, #tpu.memory_space<hbm>>) dst(%arg12 : memref<512x16xf32, #tpu.memory_space<vmem>>)
      %scan3A_62 = arith.constant 0 : i32
      %scan3A_63 = arith.constant 0 : i32
      %scan3A_64 = arith.constant 512 : i32
      %scan3A_65 = arith.addi %scan3A_63, %scan3A_64 : i32
      %scan3A_66 = arith.constant 1 : i32
      scf.for %scan3A_144 = %scan3A_63 to %scan3A_65 step %scan3A_66  : i32 {
        %get3A = arith.index_cast %scan3A_144 : i32 to index
        %get3A_145 = arith.constant 32 : index
        %get3A_146 = tpu.vector_load %arg11[%get3A, %get3A_145] {strides = array<i32>} : memref<512x48xf32, #tpu.memory_space<vmem>>, vector<1x16xf32>,
        %get3A_147 = vector.shape_cast %get3A_146 : vector<1x16xf32> to vector<16xf32>
        %get3A_148 = arith.index_cast %scan3A_144 : i32 to index
        %get3A_149 = arith.constant 0 : index
        %get3A_150 = tpu.vector_load %arg12[%get3A_148, %get3A_149] {strides = array<i32>} : memref<512x16xf32, #tpu.memory_space<vmem>>, vector<1x16xf32>,
        %get3A_151 = vector.shape_cast %get3A_150 : vector<1x16xf32> to vector<16xf32>
        %sub3A = arith.subf %get3A_147, %get3A_151 : vector<16xf32>
        %swap3A = arith.index_cast %scan3A_144 : i32 to index
        %swap3A_152 = arith.constant 32 : index
        %swap3A_153 = tpu.vector_load %arg11[%swap3A, %swap3A_152] {strides = array<i32>} : memref<512x48xf32, #tpu.memory_space<vmem>>, vector<1x16xf32>,
        %swap3A_154 = vector.shape_cast %swap3A_153 : vector<1x16xf32> to vector<16xf32>
        %swap3A_155 = vector.shape_cast %sub3A : vector<16xf32> to vector<1x16xf32>
        tpu.vector_store %arg11[%swap3A, %swap3A_152], %swap3A_155 {strides = array<i32>} : memref<512x48xf32, #tpu.memory_space<vmem>>, vector<1x16xf32>,
      }
      %scan3A_67 = arith.constant 512 : i32
      %add3A_68 = arith.constant 512 : i32
      %add3A_69 = arith.addi %mul3A_0, %add3A_68 : i32
      "tpu.region"() ({
        %run_scoped3A = tpu.sem_alloc : memref<!tpu.dma_semaphore, #tpu.memory_space<semaphore_mem>>
        %dma_start3A_144 = arith.constant 0 : i32
        %dma_start3A_145 = tpu.memref_slice %arg6[%add3A_69, %dma_start3A_144] : memref<327680x48xf32, #tpu.memory_space<hbm>> -> memref<512x48xf32, #tpu.memory_space<hbm>>
        %dma_start3A_146 = arith.constant 0 : i32
        %dma_start3A_147 = tpu.memref_slice %arg6[%add3A_69, %dma_start3A_146] : memref<327680x48xf32, #tpu.memory_space<hbm>> -> memref<512x48xf32, #tpu.memory_space<hbm>>
        tpu.enqueue_dma source(%arg11 : memref<512x48xf32, #tpu.memory_space<vmem>>) target(%dma_start3A_147 : memref<512x48xf32, #tpu.memory_space<hbm>>) target_semaphore(%run_scoped3A : memref<!tpu.dma_semaphore, #tpu.memory_space<semaphore_mem>>)
        %dma_wait3A_148 = arith.constant 0 : i32
        %dma_wait3A_149 = tpu.memref_slice %arg6[%add3A_69, %dma_wait3A_148] : memref<327680x48xf32, #tpu.memory_space<hbm>> -> memref<512x48xf32, #tpu.memory_space<hbm>>
        %dma_wait3A_150 = arith.constant 0 : i32
        %dma_wait3A_151 = tpu.memref_slice %arg6[%add3A_69, %dma_wait3A_150] : memref<327680x48xf32, #tpu.memory_space<hbm>> -> memref<512x48xf32, #tpu.memory_space<hbm>>
        tpu.wait_dma2 semaphore(%run_scoped3A : memref<!tpu.dma_semaphore, #tpu.memory_space<semaphore_mem>>) src(%arg11 : memref<512x48xf32, #tpu.memory_space<vmem>>) dst(%dma_wait3A_151 : memref<512x48xf32, #tpu.memory_space<hbm>>)
        tpu.yield
      }) : () -> ()
      %dma_start3A_70 = arith.constant 1536 : i32
      %dma_start3A_71 = tpu.memref_slice %arg7[%dma_start3A_70] : memref<20480xi32, #tpu.memory_space<vmem>> -> memref<512xi32, #tpu.memory_space<vmem>>
      %dma_start3A_72 = arith.constant 0 : i32
      %dma_start3A_73 = arith.constant 0 : i32
      %dma_start3A_74 = tpu.memref_slice %arg2[%dma_start3A_72, %dma_start3A_73] : memref<10000x48xf32, #tpu.memory_space<hbm>> -> memref<10000x48xf32, #tpu.memory_space<hbm>>
      tpu.enqueue_indirect_dma source(%dma_start3A_74 : memref<10000x48xf32, #tpu.memory_space<hbm>>) target(%arg11 : memref<512x48xf32, #tpu.memory_space<vmem>>) offsets(%dma_start3A_71 : memref<512xi32, #tpu.memory_space<vmem>>) semaphore(%arg14 : memref<!tpu.dma_semaphore, #tpu.memory_space<semaphore_mem>>)
      %dma_start3A_75 = arith.constant 1536 : i32
      %dma_start3A_76 = tpu.memref_slice %arg8[%dma_start3A_75] : memref<20480xi32, #tpu.memory_space<vmem>> -> memref<512xi32, #tpu.memory_space<vmem>>
      %dma_start3A_77 = arith.constant 0 : i32
      %dma_start3A_78 = arith.constant 0 : i32
      %dma_start3A_79 = tpu.memref_slice %arg3[%dma_start3A_77, %dma_start3A_78] : memref<10000x16xf32, #tpu.memory_space<hbm>> -> memref<10000x16xf32, #tpu.memory_space<hbm>>
      tpu.enqueue_indirect_dma source(%dma_start3A_79 : memref<10000x16xf32, #tpu.memory_space<hbm>>) target(%arg12 : memref<512x16xf32, #tpu.memory_space<vmem>>) offsets(%dma_start3A_76 : memref<512xi32, #tpu.memory_space<vmem>>) semaphore(%arg14 : memref<!tpu.dma_semaphore, #tpu.memory_space<semaphore_mem>>)
      %dma_wait3A_80 = arith.constant 1024 : i32
      %dma_wait3A_81 = tpu.memref_slice %arg7[%dma_wait3A_80] : memref<20480xi32, #tpu.memory_space<vmem>> -> memref<512xi32, #tpu.memory_space<vmem>>
      %dma_wait3A_82 = arith.constant 0 : i32
      %dma_wait3A_83 = arith.constant 0 : i32
      %dma_wait3A_84 = tpu.memref_slice %arg2[%dma_wait3A_82, %dma_wait3A_83] : memref<10000x48xf32, #tpu.memory_space<hbm>> -> memref<10000x48xf32, #tpu.memory_space<hbm>>
      tpu.wait_indirect_dma semaphore(%arg13 : memref<!tpu.dma_semaphore, #tpu.memory_space<semaphore_mem>>) src(%dma_wait3A_84 : memref<10000x48xf32, #tpu.memory_space<hbm>>) dst(%arg9 : memref<512x48xf32, #tpu.memory_space<vmem>>)
      %dma_wait3A_85 = arith.constant 1024 : i32
      %dma_wait3A_86 = tpu.memref_slice %arg8[%dma_wait3A_85] : memref<20480xi32, #tpu.memory_space<vmem>> -> memref<512xi32, #tpu.memory_space<vmem>>
      %dma_wait3A_87 = arith.constant 0 : i32
      %dma_wait3A_88 = arith.constant 0 : i32
      %dma_wait3A_89 = tpu.memref_slice %arg3[%dma_wait3A_87, %dma_wait3A_88] : memref<10000x16xf32, #tpu.memory_space<hbm>> -> memref<10000x16xf32, #tpu.memory_space<hbm>>
      tpu.wait_indirect_dma semaphore(%arg13 : memref<!tpu.dma_semaphore, #tpu.memory_space<semaphore_mem>>) src(%dma_wait3A_89 : memref<10000x16xf32, #tpu.memory_space<hbm>>) dst(%arg10 : memref<512x16xf32, #tpu.memory_space<vmem>>)
      %scan3A_90 = arith.constant 0 : i32
      %scan3A_91 = arith.constant 0 : i32
      %scan3A_92 = arith.constant 512 : i32
      %scan3A_93 = arith.addi %scan3A_91, %scan3A_92 : i32
      %scan3A_94 = arith.constant 1 : i32
      scf.for %scan3A_144 = %scan3A_91 to %scan3A_93 step %scan3A_94  : i32 {
        %get3A = arith.index_cast %scan3A_144 : i32 to index
        %get3A_145 = arith.constant 32 : index
        %get3A_146 = tpu.vector_load %arg9[%get3A, %get3A_145] {strides = array<i32>} : memref<512x48xf32, #tpu.memory_space<vmem>>, vector<1x16xf32>,
        %get3A_147 = vector.shape_cast %get3A_146 : vector<1x16xf32> to vector<16xf32>
        %get3A_148 = arith.index_cast %scan3A_144 : i32 to index
        %get3A_149 = arith.constant 0 : index
        %get3A_150 = tpu.vector_load %arg10[%get3A_148, %get3A_149] {strides = array<i32>} : memref<512x16xf32, #tpu.memory_space<vmem>>, vector<1x16xf32>,
        %get3A_151 = vector.shape_cast %get3A_150 : vector<1x16xf32> to vector<16xf32>
        %sub3A = arith.subf %get3A_147, %get3A_151 : vector<16xf32>
        %swap3A = arith.index_cast %scan3A_144 : i32 to index
        %swap3A_152 = arith.constant 32 : index
        %swap3A_153 = tpu.vector_load %arg9[%swap3A, %swap3A_152] {strides = array<i32>} : memref<512x48xf32, #tpu.memory_space<vmem>>, vector<1x16xf32>,
        %swap3A_154 = vector.shape_cast %swap3A_153 : vector<1x16xf32> to vector<16xf32>
        %swap3A_155 = vector.shape_cast %sub3A : vector<16xf32> to vector<1x16xf32>
        tpu.vector_store %arg9[%swap3A, %swap3A_152], %swap3A_155 {strides = array<i32>} : memref<512x48xf32, #tpu.memory_space<vmem>>, vector<1x16xf32>,
      }
      %scan3A_95 = arith.constant 512 : i32
      %add3A_96 = arith.constant 1024 : i32
      %add3A_97 = arith.addi %mul3A_0, %add3A_96 : i32
      "tpu.region"() ({
        %run_scoped3A = tpu.sem_alloc : memref<!tpu.dma_semaphore, #tpu.memory_space<semaphore_mem>>
        %dma_start3A_144 = arith.constant 0 : i32
        %dma_start3A_145 = tpu.memref_slice %arg6[%add3A_97, %dma_start3A_144] : memref<327680x48xf32, #tpu.memory_space<hbm>> -> memref<512x48xf32, #tpu.memory_space<hbm>>
        %dma_start3A_146 = arith.constant 0 : i32
        %dma_start3A_147 = tpu.memref_slice %arg6[%add3A_97, %dma_start3A_146] : memref<327680x48xf32, #tpu.memory_space<hbm>> -> memref<512x48xf32, #tpu.memory_space<hbm>>
        tpu.enqueue_dma source(%arg9 : memref<512x48xf32, #tpu.memory_space<vmem>>) target(%dma_start3A_147 : memref<512x48xf32, #tpu.memory_space<hbm>>) target_semaphore(%run_scoped3A : memref<!tpu.dma_semaphore, #tpu.memory_space<semaphore_mem>>)
        %dma_wait3A_148 = arith.constant 0 : i32
        %dma_wait3A_149 = tpu.memref_slice %arg6[%add3A_97, %dma_wait3A_148] : memref<327680x48xf32, #tpu.memory_space<hbm>> -> memref<512x48xf32, #tpu.memory_space<hbm>>
        %dma_wait3A_150 = arith.constant 0 : i32
        %dma_wait3A_151 = tpu.memref_slice %arg6[%add3A_97, %dma_wait3A_150] : memref<327680x48xf32, #tpu.memory_space<hbm>> -> memref<512x48xf32, #tpu.memory_space<hbm>>
        tpu.wait_dma2 semaphore(%run_scoped3A : memref<!tpu.dma_semaphore, #tpu.memory_space<semaphore_mem>>) src(%arg9 : memref<512x48xf32, #tpu.memory_space<vmem>>) dst(%dma_wait3A_151 : memref<512x48xf32, #tpu.memory_space<hbm>>)
        tpu.yield
      }) : () -> ()
      %dma_start3A_98 = arith.constant 2048 : i32
      %dma_start3A_99 = tpu.memref_slice %arg7[%dma_start3A_98] : memref<20480xi32, #tpu.memory_space<vmem>> -> memref<512xi32, #tpu.memory_space<vmem>>
      %dma_start3A_100 = arith.constant 0 : i32
      %dma_start3A_101 = arith.constant 0 : i32
      %dma_start3A_102 = tpu.memref_slice %arg2[%dma_start3A_100, %dma_start3A_101] : memref<10000x48xf32, #tpu.memory_space<hbm>> -> memref<10000x48xf32, #tpu.memory_space<hbm>>
      tpu.enqueue_indirect_dma source(%dma_start3A_102 : memref<10000x48xf32, #tpu.memory_space<hbm>>) target(%arg9 : memref<512x48xf32, #tpu.memory_space<vmem>>) offsets(%dma_start3A_99 : memref<512xi32, #tpu.memory_space<vmem>>) semaphore(%arg13 : memref<!tpu.dma_semaphore, #tpu.memory_space<semaphore_mem>>)
      %dma_start3A_103 = arith.constant 2048 : i32
      %dma_start3A_104 = tpu.memref_slice %arg8[%dma_start3A_103] : memref<20480xi32, #tpu.memory_space<vmem>> -> memref<512xi32, #tpu.memory_space<vmem>>
      %dma_start3A_105 = arith.constant 0 : i32
      %dma_start3A_106 = arith.constant 0 : i32
      %dma_start3A_107 = tpu.memref_slice %arg3[%dma_start3A_105, %dma_start3A_106] : memref<10000x16xf32, #tpu.memory_space<hbm>> -> memref<10000x16xf32, #tpu.memory_space<hbm>>
      tpu.enqueue_indirect_dma source(%dma_start3A_107 : memref<10000x16xf32, #tpu.memory_space<hbm>>) target(%arg10 : memref<512x16xf32, #tpu.memory_space<vmem>>) offsets(%dma_start3A_104 : memref<512xi32, #tpu.memory_space<vmem>>) semaphore(%arg13 : memref<!tpu.dma_semaphore, #tpu.memory_space<semaphore_mem>>)
      %dma_wait3A_108 = arith.constant 1536 : i32
      %dma_wait3A_109 = tpu.memref_slice %arg7[%dma_wait3A_108] : memref<20480xi32, #tpu.memory_space<vmem>> -> memref<512xi32, #tpu.memory_space<vmem>>
      %dma_wait3A_110 = arith.constant 0 : i32
      %dma_wait3A_111 = arith.constant 0 : i32
      %dma_wait3A_112 = tpu.memref_slice %arg2[%dma_wait3A_110, %dma_wait3A_111] : memref<10000x48xf32, #tpu.memory_space<hbm>> -> memref<10000x48xf32, #tpu.memory_space<hbm>>
      tpu.wait_indirect_dma semaphore(%arg14 : memref<!tpu.dma_semaphore, #tpu.memory_space<semaphore_mem>>) src(%dma_wait3A_112 : memref<10000x48xf32, #tpu.memory_space<hbm>>) dst(%arg11 : memref<512x48xf32, #tpu.memory_space<vmem>>)
      %dma_wait3A_113 = arith.constant 1536 : i32
      %dma_wait3A_114 = tpu.memref_slice %arg8[%dma_wait3A_113] : memref<20480xi32, #tpu.memory_space<vmem>> -> memref<512xi32, #tpu.memory_space<vmem>>
      %dma_wait3A_115 = arith.constant 0 : i32
      %dma_wait3A_116 = arith.constant 0 : i32
      %dma_wait3A_117 = tpu.memref_slice %arg3[%dma_wait3A_115, %dma_wait3A_116] : memref<10000x16xf32, #tpu.memory_space<hbm>> -> memref<10000x16xf32, #tpu.memory_space<hbm>>
      tpu.wait_indirect_dma semaphore(%arg14 : memref<!tpu.dma_semaphore, #tpu.memory_space<semaphore_mem>>) src(%dma_wait3A_117 : memref<10000x16xf32, #tpu.memory_space<hbm>>) dst(%arg12 : memref<512x16xf32, #tpu.memory_space<vmem>>)
      %scan3A_118 = arith.constant 0 : i32
      %scan3A_119 = arith.constant 0 : i32
      %scan3A_120 = arith.constant 512 : i32
      %scan3A_121 = arith.addi %scan3A_119, %scan3A_120 : i32
      %scan3A_122 = arith.constant 1 : i32
      scf.for %scan3A_144 = %scan3A_119 to %scan3A_121 step %scan3A_122  : i32 {
        %get3A = arith.index_cast %scan3A_144 : i32 to index
        %get3A_145 = arith.constant 32 : index
        %get3A_146 = tpu.vector_load %arg11[%get3A, %get3A_145] {strides = array<i32>} : memref<512x48xf32, #tpu.memory_space<vmem>>, vector<1x16xf32>,
        %get3A_147 = vector.shape_cast %get3A_146 : vector<1x16xf32> to vector<16xf32>
        %get3A_148 = arith.index_cast %scan3A_144 : i32 to index
        %get3A_149 = arith.constant 0 : index
        %get3A_150 = tpu.vector_load %arg12[%get3A_148, %get3A_149] {strides = array<i32>} : memref<512x16xf32, #tpu.memory_space<vmem>>, vector<1x16xf32>,
        %get3A_151 = vector.shape_cast %get3A_150 : vector<1x16xf32> to vector<16xf32>
        %sub3A = arith.subf %get3A_147, %get3A_151 : vector<16xf32>
        %swap3A = arith.index_cast %scan3A_144 : i32 to index
        %swap3A_152 = arith.constant 32 : index
        %swap3A_153 = tpu.vector_load %arg11[%swap3A, %swap3A_152] {strides = array<i32>} : memref<512x48xf32, #tpu.memory_space<vmem>>, vector<1x16xf32>,
        %swap3A_154 = vector.shape_cast %swap3A_153 : vector<1x16xf32> to vector<16xf32>
        %swap3A_155 = vector.shape_cast %sub3A : vector<16xf32> to vector<1x16xf32>
        tpu.vector_store %arg11[%swap3A, %swap3A_152], %swap3A_155 {strides = array<i32>} : memref<512x48xf32, #tpu.memory_space<vmem>>, vector<1x16xf32>,
      }
      %scan3A_123 = arith.constant 512 : i32
      %add3A_124 = arith.constant 1536 : i32
      %add3A_125 = arith.addi %mul3A_0, %add3A_124 : i32
      "tpu.region"() ({
        %run_scoped3A = tpu.sem_alloc : memref<!tpu.dma_semaphore, #tpu.memory_space<semaphore_mem>>
        %dma_start3A_144 = arith.constant 0 : i32
        %dma_start3A_145 = tpu.memref_slice %arg6[%add3A_125, %dma_start3A_144] : memref<327680x48xf32, #tpu.memory_space<hbm>> -> memref<512x48xf32, #tpu.memory_space<hbm>>
        %dma_start3A_146 = arith.constant 0 : i32
        %dma_start3A_147 = tpu.memref_slice %arg6[%add3A_125, %dma_start3A_146] : memref<327680x48xf32, #tpu.memory_space<hbm>> -> memref<512x48xf32, #tpu.memory_space<hbm>>
        tpu.enqueue_dma source(%arg11 : memref<512x48xf32, #tpu.memory_space<vmem>>) target(%dma_start3A_147 : memref<512x48xf32, #tpu.memory_space<hbm>>) target_semaphore(%run_scoped3A : memref<!tpu.dma_semaphore, #tpu.memory_space<semaphore_mem>>)
        %dma_wait3A_148 = arith.constant 0 : i32
        %dma_wait3A_149 = tpu.memref_slice %arg6[%add3A_125, %dma_wait3A_148] : memref<327680x48xf32, #tpu.memory_space<hbm>> -> memref<512x48xf32, #tpu.memory_space<hbm>>
        %dma_wait3A_150 = arith.constant 0 : i32
        %dma_wait3A_151 = tpu.memref_slice %arg6[%add3A_125, %dma_wait3A_150] : memref<327680x48xf32, #tpu.memory_space<hbm>> -> memref<512x48xf32, #tpu.memory_space<hbm>>
        tpu.wait_dma2 semaphore(%run_scoped3A : memref<!tpu.dma_semaphore, #tpu.memory_space<semaphore_mem>>) src(%arg11 : memref<512x48xf32, #tpu.memory_space<vmem>>) dst(%dma_wait3A_151 : memref<512x48xf32, #tpu.memory_space<hbm>>)
        tpu.yield
      }) : () -> ()
      %dma_wait3A_126 = arith.constant 2048 : i32
      %dma_wait3A_127 = tpu.memref_slice %arg7[%dma_wait3A_126] : memref<20480xi32, #tpu.memory_space<vmem>> -> memref<512xi32, #tpu.memory_space<vmem>>
      %dma_wait3A_128 = arith.constant 0 : i32
      %dma_wait3A_129 = arith.constant 0 : i32
      %dma_wait3A_130 = tpu.memref_slice %arg2[%dma_wait3A_128, %dma_wait3A_129] : memref<10000x48xf32, #tpu.memory_space<hbm>> -> memref<10000x48xf32, #tpu.memory_space<hbm>>
      tpu.wait_indirect_dma semaphore(%arg13 : memref<!tpu.dma_semaphore, #tpu.memory_space<semaphore_mem>>) src(%dma_wait3A_130 : memref<10000x48xf32, #tpu.memory_space<hbm>>) dst(%arg9 : memref<512x48xf32, #tpu.memory_space<vmem>>)
      %dma_wait3A_131 = arith.constant 2048 : i32
      %dma_wait3A_132 = tpu.memref_slice %arg8[%dma_wait3A_131] : memref<20480xi32, #tpu.memory_space<vmem>> -> memref<512xi32, #tpu.memory_space<vmem>>
      %dma_wait3A_133 = arith.constant 0 : i32
      %dma_wait3A_134 = arith.constant 0 : i32
      %dma_wait3A_135 = tpu.memref_slice %arg3[%dma_wait3A_133, %dma_wait3A_134] : memref<10000x16xf32, #tpu.memory_space<hbm>> -> memref<10000x16xf32, #tpu.memory_space<hbm>>
      tpu.wait_indirect_dma semaphore(%arg13 : memref<!tpu.dma_semaphore, #tpu.memory_space<semaphore_mem>>) src(%dma_wait3A_135 : memref<10000x16xf32, #tpu.memory_space<hbm>>) dst(%arg10 : memref<512x16xf32, #tpu.memory_space<vmem>>)
      %scan3A_136 = arith.constant 0 : i32
      %scan3A_137 = arith.constant 0 : i32
      %scan3A_138 = arith.constant 512 : i32
      %scan3A_139 = arith.addi %scan3A_137, %scan3A_138 : i32
      %scan3A_140 = arith.constant 1 : i32
      scf.for %scan3A_144 = %scan3A_137 to %scan3A_139 step %scan3A_140  : i32 {
        %get3A = arith.index_cast %scan3A_144 : i32 to index
        %get3A_145 = arith.constant 32 : index
        %get3A_146 = tpu.vector_load %arg9[%get3A, %get3A_145] {strides = array<i32>} : memref<512x48xf32, #tpu.memory_space<vmem>>, vector<1x16xf32>,
        %get3A_147 = vector.shape_cast %get3A_146 : vector<1x16xf32> to vector<16xf32>
        %get3A_148 = arith.index_cast %scan3A_144 : i32 to index
        %get3A_149 = arith.constant 0 : index
        %get3A_150 = tpu.vector_load %arg10[%get3A_148, %get3A_149] {strides = array<i32>} : memref<512x16xf32, #tpu.memory_space<vmem>>, vector<1x16xf32>,
        %get3A_151 = vector.shape_cast %get3A_150 : vector<1x16xf32> to vector<16xf32>
        %sub3A = arith.subf %get3A_147, %get3A_151 : vector<16xf32>
        %swap3A = arith.index_cast %scan3A_144 : i32 to index
        %swap3A_152 = arith.constant 32 : index
        %swap3A_153 = tpu.vector_load %arg9[%swap3A, %swap3A_152] {strides = array<i32>} : memref<512x48xf32, #tpu.memory_space<vmem>>, vector<1x16xf32>,
        %swap3A_154 = vector.shape_cast %swap3A_153 : vector<1x16xf32> to vector<16xf32>
        %swap3A_155 = vector.shape_cast %sub3A : vector<16xf32> to vector<1x16xf32>
        tpu.vector_store %arg9[%swap3A, %swap3A_152], %swap3A_155 {strides = array<i32>} : memref<512x48xf32, #tpu.memory_space<vmem>>, vector<1x16xf32>,
      }
      %scan3A_141 = arith.constant 512 : i32
      %add3A_142 = arith.constant 2048 : i32
      %add3A_143 = arith.addi %mul3A_0, %add3A_142 : i32
      "tpu.region"() ({
        %run_scoped3A = tpu.sem_alloc : memref<!tpu.dma_semaphore, #tpu.memory_space<semaphore_mem>>
        %dma_start3A_144 = arith.constant 0 : i32
        %dma_start3A_145 = tpu.memref_slice %arg6[%add3A_143, %dma_start3A_144] : memref<327680x48xf32, #tpu.memory_space<hbm>> -> memref<512x48xf32, #tpu.memory_space<hbm>>
        %dma_start3A_146 = arith.constant 0 : i32
        %dma_start3A_147 = tpu.memref_slice %arg6[%add3A_143, %dma_start3A_146] : memref<327680x48xf32, #tpu.memory_space<hbm>> -> memref<512x48xf32, #tpu.memory_space<hbm>>
        tpu.enqueue_dma source(%arg9 : memref<512x48xf32, #tpu.memory_space<vmem>>) target(%dma_start3A_147 : memref<512x48xf32, #tpu.memory_space<hbm>>) target_semaphore(%run_scoped3A : memref<!tpu.dma_semaphore, #tpu.memory_space<semaphore_mem>>)
        %dma_wait3A_148 = arith.constant 0 : i32
        %dma_wait3A_149 = tpu.memref_slice %arg6[%add3A_143, %dma_wait3A_148] : memref<327680x48xf32, #tpu.memory_space<hbm>> -> memref<512x48xf32, #tpu.memory_space<hbm>>
        %dma_wait3A_150 = arith.constant 0 : i32
        %dma_wait3A_151 = tpu.memref_slice %arg6[%add3A_143, %dma_wait3A_150] : memref<327680x48xf32, #tpu.memory_space<hbm>> -> memref<512x48xf32, #tpu.memory_space<hbm>>
        tpu.wait_dma2 semaphore(%run_scoped3A : memref<!tpu.dma_semaphore, #tpu.memory_space<semaphore_mem>>) src(%arg9 : memref<512x48xf32, #tpu.memory_space<vmem>>) dst(%dma_wait3A_151 : memref<512x48xf32, #tpu.memory_space<hbm>>)
        tpu.yield
      }) : () -> ()
    } else {
    }
    %eq3A_3 = arith.constant 1 : i32
    %eq3A_4 = arith.cmpi eq, %arg0, %eq3A_3 : i32
    %convert_element_type3A_5 = arith.extui %eq3A_4 : i1 to i32
    %cond3A_6 = arith.constant 0 : i32
    %cond3A_7 = arith.cmpi ne, %convert_element_type3A_5, %cond3A_6 : i32
    scf.if %cond3A_7 {
      %dma_start3A = arith.constant 2560 : i32
      %dma_start3A_8 = tpu.memref_slice %arg7[%dma_start3A] : memref<20480xi32, #tpu.memory_space<vmem>> -> memref<512xi32, #tpu.memory_space<vmem>>
      %dma_start3A_9 = arith.constant 0 : i32
      %dma_start3A_10 = arith.constant 0 : i32
      %dma_start3A_11 = tpu.memref_slice %arg2[%dma_start3A_9, %dma_start3A_10] : memref<10000x48xf32, #tpu.memory_space<hbm>> -> memref<10000x48xf32, #tpu.memory_space<hbm>>
      tpu.enqueue_indirect_dma source(%dma_start3A_11 : memref<10000x48xf32, #tpu.memory_space<hbm>>) target(%arg9 : memref<512x48xf32, #tpu.memory_space<vmem>>) offsets(%dma_start3A_8 : memref<512xi32, #tpu.memory_space<vmem>>) semaphore(%arg13 : memref<!tpu.dma_semaphore, #tpu.memory_space<semaphore_mem>>)
      %dma_start3A_12 = arith.constant 2560 : i32
      %dma_start3A_13 = tpu.memref_slice %arg8[%dma_start3A_12] : memref<20480xi32, #tpu.memory_space<vmem>> -> memref<512xi32, #tpu.memory_space<vmem>>
      %dma_start3A_14 = arith.constant 0 : i32
      %dma_start3A_15 = arith.constant 0 : i32
      %dma_start3A_16 = tpu.memref_slice %arg3[%dma_start3A_14, %dma_start3A_15] : memref<10000x16xf32, #tpu.memory_space<hbm>> -> memref<10000x16xf32, #tpu.memory_space<hbm>>
      tpu.enqueue_indirect_dma source(%dma_start3A_16 : memref<10000x16xf32, #tpu.memory_space<hbm>>) target(%arg10 : memref<512x16xf32, #tpu.memory_space<vmem>>) offsets(%dma_start3A_13 : memref<512xi32, #tpu.memory_space<vmem>>) semaphore(%arg13 : memref<!tpu.dma_semaphore, #tpu.memory_space<semaphore_mem>>)
      %dma_start3A_17 = arith.constant 3072 : i32
      %dma_start3A_18 = tpu.memref_slice %arg7[%dma_start3A_17] : memref<20480xi32, #tpu.memory_space<vmem>> -> memref<512xi32, #tpu.memory_space<vmem>>
      %dma_start3A_19 = arith.constant 0 : i32
      %dma_start3A_20 = arith.constant 0 : i32
      %dma_start3A_21 = tpu.memref_slice %arg2[%dma_start3A_19, %dma_start3A_20] : memref<10000x48xf32, #tpu.memory_space<hbm>> -> memref<10000x48xf32, #tpu.memory_space<hbm>>
      tpu.enqueue_indirect_dma source(%dma_start3A_21 : memref<10000x48xf32, #tpu.memory_space<hbm>>) target(%arg11 : memref<512x48xf32, #tpu.memory_space<vmem>>) offsets(%dma_start3A_18 : memref<512xi32, #tpu.memory_space<vmem>>) semaphore(%arg14 : memref<!tpu.dma_semaphore, #tpu.memory_space<semaphore_mem>>)
      %dma_start3A_22 = arith.constant 3072 : i32
      %dma_start3A_23 = tpu.memref_slice %arg8[%dma_start3A_22] : memref<20480xi32, #tpu.memory_space<vmem>> -> memref<512xi32, #tpu.memory_space<vmem>>
      %dma_start3A_24 = arith.constant 0 : i32
      %dma_start3A_25 = arith.constant 0 : i32
      %dma_start3A_26 = tpu.memref_slice %arg3[%dma_start3A_24, %dma_start3A_25] : memref<10000x16xf32, #tpu.memory_space<hbm>> -> memref<10000x16xf32, #tpu.memory_space<hbm>>
      tpu.enqueue_indirect_dma source(%dma_start3A_26 : memref<10000x16xf32, #tpu.memory_space<hbm>>) target(%arg12 : memref<512x16xf32, #tpu.memory_space<vmem>>) offsets(%dma_start3A_23 : memref<512xi32, #tpu.memory_space<vmem>>) semaphore(%arg14 : memref<!tpu.dma_semaphore, #tpu.memory_space<semaphore_mem>>)
      %dma_wait3A = arith.constant 2560 : i32
      %dma_wait3A_27 = tpu.memref_slice %arg7[%dma_wait3A] : memref<20480xi32, #tpu.memory_space<vmem>> -> memref<512xi32, #tpu.memory_space<vmem>>
      %dma_wait3A_28 = arith.constant 0 : i32
      %dma_wait3A_29 = arith.constant 0 : i32
      %dma_wait3A_30 = tpu.memref_slice %arg2[%dma_wait3A_28, %dma_wait3A_29] : memref<10000x48xf32, #tpu.memory_space<hbm>> -> memref<10000x48xf32, #tpu.memory_space<hbm>>
      tpu.wait_indirect_dma semaphore(%arg13 : memref<!tpu.dma_semaphore, #tpu.memory_space<semaphore_mem>>) src(%dma_wait3A_30 : memref<10000x48xf32, #tpu.memory_space<hbm>>) dst(%arg9 : memref<512x48xf32, #tpu.memory_space<vmem>>)
      %dma_wait3A_31 = arith.constant 2560 : i32
      %dma_wait3A_32 = tpu.memref_slice %arg8[%dma_wait3A_31] : memref<20480xi32, #tpu.memory_space<vmem>> -> memref<512xi32, #tpu.memory_space<vmem>>
      %dma_wait3A_33 = arith.constant 0 : i32
      %dma_wait3A_34 = arith.constant 0 : i32
      %dma_wait3A_35 = tpu.memref_slice %arg3[%dma_wait3A_33, %dma_wait3A_34] : memref<10000x16xf32, #tpu.memory_space<hbm>> -> memref<10000x16xf32, #tpu.memory_space<hbm>>
      tpu.wait_indirect_dma semaphore(%arg13 : memref<!tpu.dma_semaphore, #tpu.memory_space<semaphore_mem>>) src(%dma_wait3A_35 : memref<10000x16xf32, #tpu.memory_space<hbm>>) dst(%arg10 : memref<512x16xf32, #tpu.memory_space<vmem>>)
      %scan3A = arith.constant 0 : i32
      %scan3A_36 = arith.constant 0 : i32
      %scan3A_37 = arith.constant 512 : i32
      %scan3A_38 = arith.addi %scan3A_36, %scan3A_37 : i32
      %scan3A_39 = arith.constant 1 : i32
      scf.for %scan3A_984 = %scan3A_36 to %scan3A_38 step %scan3A_39  : i32 {
        %get3A = arith.index_cast %scan3A_984 : i32 to index
        %get3A_985 = arith.constant 32 : index
        %get3A_986 = tpu.vector_load %arg9[%get3A, %get3A_985] {strides = array<i32>} : memref<512x48xf32, #tpu.memory_space<vmem>>, vector<1x16xf32>,
        %get3A_987 = vector.shape_cast %get3A_986 : vector<1x16xf32> to vector<16xf32>
        %get3A_988 = arith.index_cast %scan3A_984 : i32 to index
        %get3A_989 = arith.constant 0 : index
        %get3A_990 = tpu.vector_load %arg10[%get3A_988, %get3A_989] {strides = array<i32>} : memref<512x16xf32, #tpu.memory_space<vmem>>, vector<1x16xf32>,
        %get3A_991 = vector.shape_cast %get3A_990 : vector<1x16xf32> to vector<16xf32>
        %sub3A = arith.subf %get3A_987, %get3A_991 : vector<16xf32>
        %swap3A = arith.index_cast %scan3A_984 : i32 to index
        %swap3A_992 = arith.constant 32 : index
        %swap3A_993 = tpu.vector_load %arg9[%swap3A, %swap3A_992] {strides = array<i32>} : memref<512x48xf32, #tpu.memory_space<vmem>>, vector<1x16xf32>,
        %swap3A_994 = vector.shape_cast %swap3A_993 : vector<1x16xf32> to vector<16xf32>
        %swap3A_995 = vector.shape_cast %sub3A : vector<16xf32> to vector<1x16xf32>
        tpu.vector_store %arg9[%swap3A, %swap3A_992], %swap3A_995 {strides = array<i32>} : memref<512x48xf32, #tpu.memory_space<vmem>>, vector<1x16xf32>,
      }
      %scan3A_40 = arith.constant 512 : i32
      %add3A = arith.constant 2560 : i32
      %add3A_41 = arith.addi %mul3A_0, %add3A : i32
      "tpu.region"() ({
        %run_scoped3A = tpu.sem_alloc : memref<!tpu.dma_semaphore, #tpu.memory_space<semaphore_mem>>
        %dma_start3A_984 = arith.constant 0 : i32
        %dma_start3A_985 = tpu.memref_slice %arg6[%add3A_41, %dma_start3A_984] : memref<327680x48xf32, #tpu.memory_space<hbm>> -> memref<512x48xf32, #tpu.memory_space<hbm>>
        %dma_start3A_986 = arith.constant 0 : i32
        %dma_start3A_987 = tpu.memref_slice %arg6[%add3A_41, %dma_start3A_986] : memref<327680x48xf32, #tpu.memory_space<hbm>> -> memref<512x48xf32, #tpu.memory_space<hbm>>
        tpu.enqueue_dma source(%arg9 : memref<512x48xf32, #tpu.memory_space<vmem>>) target(%dma_start3A_987 : memref<512x48xf32, #tpu.memory_space<hbm>>) target_semaphore(%run_scoped3A : memref<!tpu.dma_semaphore, #tpu.memory_space<semaphore_mem>>)
        %dma_wait3A_988 = arith.constant 0 : i32
        %dma_wait3A_989 = tpu.memref_slice %arg6[%add3A_41, %dma_wait3A_988] : memref<327680x48xf32, #tpu.memory_space<hbm>> -> memref<512x48xf32, #tpu.memory_space<hbm>>
        %dma_wait3A_990 = arith.constant 0 : i32
        %dma_wait3A_991 = tpu.memref_slice %arg6[%add3A_41, %dma_wait3A_990] : memref<327680x48xf32, #tpu.memory_space<hbm>> -> memref<512x48xf32, #tpu.memory_space<hbm>>
        tpu.wait_dma2 semaphore(%run_scoped3A : memref<!tpu.dma_semaphore, #tpu.memory_space<semaphore_mem>>) src(%arg9 : memref<512x48xf32, #tpu.memory_space<vmem>>) dst(%dma_wait3A_991 : memref<512x48xf32, #tpu.memory_space<hbm>>)
        tpu.yield
      }) : () -> ()
      %dma_start3A_42 = arith.constant 3584 : i32
      %dma_start3A_43 = tpu.memref_slice %arg7[%dma_start3A_42] : memref<20480xi32, #tpu.memory_space<vmem>> -> memref<512xi32, #tpu.memory_space<vmem>>
      %dma_start3A_44 = arith.constant 0 : i32
      %dma_start3A_45 = arith.constant 0 : i32
      %dma_start3A_46 = tpu.memref_slice %arg2[%dma_start3A_44, %dma_start3A_45] : memref<10000x48xf32, #tpu.memory_space<hbm>> -> memref<10000x48xf32, #tpu.memory_space<hbm>>
      tpu.enqueue_indirect_dma source(%dma_start3A_46 : memref<10000x48xf32, #tpu.memory_space<hbm>>) target(%arg9 : memref<512x48xf32, #tpu.memory_space<vmem>>) offsets(%dma_start3A_43 : memref<512xi32, #tpu.memory_space<vmem>>) semaphore(%arg13 : memref<!tpu.dma_semaphore, #tpu.memory_space<semaphore_mem>>)
      %dma_start3A_47 = arith.constant 3584 : i32
      %dma_start3A_48 = tpu.memref_slice %arg8[%dma_start3A_47] : memref<20480xi32, #tpu.memory_space<vmem>> -> memref<512xi32, #tpu.memory_space<vmem>>
      %dma_start3A_49 = arith.constant 0 : i32
      %dma_start3A_50 = arith.constant 0 : i32
      %dma_start3A_51 = tpu.memref_slice %arg3[%dma_start3A_49, %dma_start3A_50] : memref<10000x16xf32, #tpu.memory_space<hbm>> -> memref<10000x16xf32, #tpu.memory_space<hbm>>
      tpu.enqueue_indirect_dma source(%dma_start3A_51 : memref<10000x16xf32, #tpu.memory_space<hbm>>) target(%arg10 : memref<512x16xf32, #tpu.memory_space<vmem>>) offsets(%dma_start3A_48 : memref<512xi32, #tpu.memory_space<vmem>>) semaphore(%arg13 : memref<!tpu.dma_semaphore, #tpu.memory_space<semaphore_mem>>)
      %dma_wait3A_52 = arith.constant 3072 : i32
      %dma_wait3A_53 = tpu.memref_slice %arg7[%dma_wait3A_52] : memref<20480xi32, #tpu.memory_space<vmem>> -> memref<512xi32, #tpu.memory_space<vmem>>
      %dma_wait3A_54 = arith.constant 0 : i32
      %dma_wait3A_55 = arith.constant 0 : i32
      %dma_wait3A_56 = tpu.memref_slice %arg2[%dma_wait3A_54, %dma_wait3A_55] : memref<10000x48xf32, #tpu.memory_space<hbm>> -> memref<10000x48xf32, #tpu.memory_space<hbm>>
      tpu.wait_indirect_dma semaphore(%arg14 : memref<!tpu.dma_semaphore, #tpu.memory_space<semaphore_mem>>) src(%dma_wait3A_56 : memref<10000x48xf32, #tpu.memory_space<hbm>>) dst(%arg11 : memref<512x48xf32, #tpu.memory_space<vmem>>)
      %dma_wait3A_57 = arith.constant 3072 : i32
      %dma_wait3A_58 = tpu.memref_slice %arg8[%dma_wait3A_57] : memref<20480xi32, #tpu.memory_space<vmem>> -> memref<512xi32, #tpu.memory_space<vmem>>
      %dma_wait3A_59 = arith.constant 0 : i32
      %dma_wait3A_60 = arith.constant 0 : i32
      %dma_wait3A_61 = tpu.memref_slice %arg3[%dma_wait3A_59, %dma_wait3A_60] : memref<10000x16xf32, #tpu.memory_space<hbm>> -> memref<10000x16xf32, #tpu.memory_space<hbm>>
      tpu.wait_indirect_dma semaphore(%arg14 : memref<!tpu.dma_semaphore, #tpu.memory_space<semaphore_mem>>) src(%dma_wait3A_61 : memref<10000x16xf32, #tpu.memory_space<hbm>>) dst(%arg12 : memref<512x16xf32, #tpu.memory_space<vmem>>)
      %scan3A_62 = arith.constant 0 : i32
      %scan3A_63 = arith.constant 0 : i32
      %scan3A_64 = arith.constant 512 : i32
      %scan3A_65 = arith.addi %scan3A_63, %scan3A_64 : i32
      %scan3A_66 = arith.constant 1 : i32
      scf.for %scan3A_984 = %scan3A_63 to %scan3A_65 step %scan3A_66  : i32 {
        %get3A = arith.index_cast %scan3A_984 : i32 to index
        %get3A_985 = arith.constant 32 : index
        %get3A_986 = tpu.vector_load %arg11[%get3A, %get3A_985] {strides = array<i32>} : memref<512x48xf32, #tpu.memory_space<vmem>>, vector<1x16xf32>,
        %get3A_987 = vector.shape_cast %get3A_986 : vector<1x16xf32> to vector<16xf32>
        %get3A_988 = arith.index_cast %scan3A_984 : i32 to index
        %get3A_989 = arith.constant 0 : index
        %get3A_990 = tpu.vector_load %arg12[%get3A_988, %get3A_989] {strides = array<i32>} : memref<512x16xf32, #tpu.memory_space<vmem>>, vector<1x16xf32>,
        %get3A_991 = vector.shape_cast %get3A_990 : vector<1x16xf32> to vector<16xf32>
        %sub3A = arith.subf %get3A_987, %get3A_991 : vector<16xf32>
        %swap3A = arith.index_cast %scan3A_984 : i32 to index
        %swap3A_992 = arith.constant 32 : index
        %swap3A_993 = tpu.vector_load %arg11[%swap3A, %swap3A_992] {strides = array<i32>} : memref<512x48xf32, #tpu.memory_space<vmem>>, vector<1x16xf32>,
        %swap3A_994 = vector.shape_cast %swap3A_993 : vector<1x16xf32> to vector<16xf32>
        %swap3A_995 = vector.shape_cast %sub3A : vector<16xf32> to vector<1x16xf32>
        tpu.vector_store %arg11[%swap3A, %swap3A_992], %swap3A_995 {strides = array<i32>} : memref<512x48xf32, #tpu.memory_space<vmem>>, vector<1x16xf32>,
      }
      %scan3A_67 = arith.constant 512 : i32
      %add3A_68 = arith.constant 3072 : i32
      %add3A_69 = arith.addi %mul3A_0, %add3A_68 : i32
      "tpu.region"() ({
        %run_scoped3A = tpu.sem_alloc : memref<!tpu.dma_semaphore, #tpu.memory_space<semaphore_mem>>
        %dma_start3A_984 = arith.constant 0 : i32
        %dma_start3A_985 = tpu.memref_slice %arg6[%add3A_69, %dma_start3A_984] : memref<327680x48xf32, #tpu.memory_space<hbm>> -> memref<512x48xf32, #tpu.memory_space<hbm>>
        %dma_start3A_986 = arith.constant 0 : i32
        %dma_start3A_987 = tpu.memref_slice %arg6[%add3A_69, %dma_start3A_986] : memref<327680x48xf32, #tpu.memory_space<hbm>> -> memref<512x48xf32, #tpu.memory_space<hbm>>
        tpu.enqueue_dma source(%arg11 : memref<512x48xf32, #tpu.memory_space<vmem>>) target(%dma_start3A_987 : memref<512x48xf32, #tpu.memory_space<hbm>>) target_semaphore(%run_scoped3A : memref<!tpu.dma_semaphore, #tpu.memory_space<semaphore_mem>>)
        %dma_wait3A_988 = arith.constant 0 : i32
        %dma_wait3A_989 = tpu.memref_slice %arg6[%add3A_69, %dma_wait3A_988] : memref<327680x48xf32, #tpu.memory_space<hbm>> -> memref<512x48xf32, #tpu.memory_space<hbm>>
        %dma_wait3A_990 = arith.constant 0 : i32
        %dma_wait3A_991 = tpu.memref_slice %arg6[%add3A_69, %dma_wait3A_990] : memref<327680x48xf32, #tpu.memory_space<hbm>> -> memref<512x48xf32, #tpu.memory_space<hbm>>
        tpu.wait_dma2 semaphore(%run_scoped3A : memref<!tpu.dma_semaphore, #tpu.memory_space<semaphore_mem>>) src(%arg11 : memref<512x48xf32, #tpu.memory_space<vmem>>) dst(%dma_wait3A_991 : memref<512x48xf32, #tpu.memory_space<hbm>>)
        tpu.yield
      }) : () -> ()
      %dma_start3A_70 = arith.constant 4096 : i32
      %dma_start3A_71 = tpu.memref_slice %arg7[%dma_start3A_70] : memref<20480xi32, #tpu.memory_space<vmem>> -> memref<512xi32, #tpu.memory_space<vmem>>
      %dma_start3A_72 = arith.constant 0 : i32
      %dma_start3A_73 = arith.constant 0 : i32
      %dma_start3A_74 = tpu.memref_slice %arg2[%dma_start3A_72, %dma_start3A_73] : memref<10000x48xf32, #tpu.memory_space<hbm>> -> memref<10000x48xf32, #tpu.memory_space<hbm>>
      tpu.enqueue_indirect_dma source(%dma_start3A_74 : memref<10000x48xf32, #tpu.memory_space<hbm>>) target(%arg11 : memref<512x48xf32, #tpu.memory_space<vmem>>) offsets(%dma_start3A_71 : memref<512xi32, #tpu.memory_space<vmem>>) semaphore(%arg14 : memref<!tpu.dma_semaphore, #tpu.memory_space<semaphore_mem>>)
      %dma_start3A_75 = arith.constant 4096 : i32
      %dma_start3A_76 = tpu.memref_slice %arg8[%dma_start3A_75] : memref<20480xi32, #tpu.memory_space<vmem>> -> memref<512xi32, #tpu.memory_space<vmem>>
      %dma_start3A_77 = arith.constant 0 : i32
      %dma_start3A_78 = arith.constant 0 : i32
      %dma_start3A_79 = tpu.memref_slice %arg3[%dma_start3A_77, %dma_start3A_78] : memref<10000x16xf32, #tpu.memory_space<hbm>> -> memref<10000x16xf32, #tpu.memory_space<hbm>>
      tpu.enqueue_indirect_dma source(%dma_start3A_79 : memref<10000x16xf32, #tpu.memory_space<hbm>>) target(%arg12 : memref<512x16xf32, #tpu.memory_space<vmem>>) offsets(%dma_start3A_76 : memref<512xi32, #tpu.memory_space<vmem>>) semaphore(%arg14 : memref<!tpu.dma_semaphore, #tpu.memory_space<semaphore_mem>>)
      %dma_wait3A_80 = arith.constant 3584 : i32
      %dma_wait3A_81 = tpu.memref_slice %arg7[%dma_wait3A_80] : memref<20480xi32, #tpu.memory_space<vmem>> -> memref<512xi32, #tpu.memory_space<vmem>>
      %dma_wait3A_82 = arith.constant 0 : i32
      %dma_wait3A_83 = arith.constant 0 : i32
      %dma_wait3A_84 = tpu.memref_slice %arg2[%dma_wait3A_82, %dma_wait3A_83] : memref<10000x48xf32, #tpu.memory_space<hbm>> -> memref<10000x48xf32, #tpu.memory_space<hbm>>
      tpu.wait_indirect_dma semaphore(%arg13 : memref<!tpu.dma_semaphore, #tpu.memory_space<semaphore_mem>>) src(%dma_wait3A_84 : memref<10000x48xf32, #tpu.memory_space<hbm>>) dst(%arg9 : memref<512x48xf32, #tpu.memory_space<vmem>>)
      %dma_wait3A_85 = arith.constant 3584 : i32
      %dma_wait3A_86 = tpu.memref_slice %arg8[%dma_wait3A_85] : memref<20480xi32, #tpu.memory_space<vmem>> -> memref<512xi32, #tpu.memory_space<vmem>>
      %dma_wait3A_87 = arith.constant 0 : i32
      %dma_wait3A_88 = arith.constant 0 : i32
      %dma_wait3A_89 = tpu.memref_slice %arg3[%dma_wait3A_87, %dma_wait3A_88] : memref<10000x16xf32, #tpu.memory_space<hbm>> -> memref<10000x16xf32, #tpu.memory_space<hbm>>
      tpu.wait_indirect_dma semaphore(%arg13 : memref<!tpu.dma_semaphore, #tpu.memory_space<semaphore_mem>>) src(%dma_wait3A_89 : memref<10000x16xf32, #tpu.memory_space<hbm>>) dst(%arg10 : memref<512x16xf32, #tpu.memory_space<vmem>>)
      %scan3A_90 = arith.constant 0 : i32
      %scan3A_91 = arith.constant 0 : i32
      %scan3A_92 = arith.constant 512 : i32
      %scan3A_93 = arith.addi %scan3A_91, %scan3A_92 : i32
      %scan3A_94 = arith.constant 1 : i32
      scf.for %scan3A_984 = %scan3A_91 to %scan3A_93 step %scan3A_94  : i32 {
        %get3A = arith.index_cast %scan3A_984 : i32 to index
        %get3A_985 = arith.constant 32 : index
        %get3A_986 = tpu.vector_load %arg9[%get3A, %get3A_985] {strides = array<i32>} : memref<512x48xf32, #tpu.memory_space<vmem>>, vector<1x16xf32>,
        %get3A_987 = vector.shape_cast %get3A_986 : vector<1x16xf32> to vector<16xf32>
        %get3A_988 = arith.index_cast %scan3A_984 : i32 to index
        %get3A_989 = arith.constant 0 : index
        %get3A_990 = tpu.vector_load %arg10[%get3A_988, %get3A_989] {strides = array<i32>} : memref<512x16xf32, #tpu.memory_space<vmem>>, vector<1x16xf32>,
        %get3A_991 = vector.shape_cast %get3A_990 : vector<1x16xf32> to vector<16xf32>
        %sub3A = arith.subf %get3A_987, %get3A_991 : vector<16xf32>
        %swap3A = arith.index_cast %scan3A_984 : i32 to index
        %swap3A_992 = arith.constant 32 : index
        %swap3A_993 = tpu.vector_load %arg9[%swap3A, %swap3A_992] {strides = array<i32>} : memref<512x48xf32, #tpu.memory_space<vmem>>, vector<1x16xf32>,
        %swap3A_994 = vector.shape_cast %swap3A_993 : vector<1x16xf32> to vector<16xf32>
        %swap3A_995 = vector.shape_cast %sub3A : vector<16xf32> to vector<1x16xf32>
        tpu.vector_store %arg9[%swap3A, %swap3A_992], %swap3A_995 {strides = array<i32>} : memref<512x48xf32, #tpu.memory_space<vmem>>, vector<1x16xf32>,
      }
      %scan3A_95 = arith.constant 512 : i32
      %add3A_96 = arith.constant 3584 : i32
      %add3A_97 = arith.addi %mul3A_0, %add3A_96 : i32
      "tpu.region"() ({
        %run_scoped3A = tpu.sem_alloc : memref<!tpu.dma_semaphore, #tpu.memory_space<semaphore_mem>>
        %dma_start3A_984 = arith.constant 0 : i32
        %dma_start3A_985 = tpu.memref_slice %arg6[%add3A_97, %dma_start3A_984] : memref<327680x48xf32, #tpu.memory_space<hbm>> -> memref<512x48xf32, #tpu.memory_space<hbm>>
        %dma_start3A_986 = arith.constant 0 : i32
        %dma_start3A_987 = tpu.memref_slice %arg6[%add3A_97, %dma_start3A_986] : memref<327680x48xf32, #tpu.memory_space<hbm>> -> memref<512x48xf32, #tpu.memory_space<hbm>>
        tpu.enqueue_dma source(%arg9 : memref<512x48xf32, #tpu.memory_space<vmem>>) target(%dma_start3A_987 : memref<512x48xf32, #tpu.memory_space<hbm>>) target_semaphore(%run_scoped3A : memref<!tpu.dma_semaphore, #tpu.memory_space<semaphore_mem>>)
        %dma_wait3A_988 = arith.constant 0 : i32
        %dma_wait3A_989 = tpu.memref_slice %arg6[%add3A_97, %dma_wait3A_988] : memref<327680x48xf32, #tpu.memory_space<hbm>> -> memref<512x48xf32, #tpu.memory_space<hbm>>
        %dma_wait3A_990 = arith.constant 0 : i32
        %dma_wait3A_991 = tpu.memref_slice %arg6[%add3A_97, %dma_wait3A_990] : memref<327680x48xf32, #tpu.memory_space<hbm>> -> memref<512x48xf32, #tpu.memory_space<hbm>>
        tpu.wait_dma2 semaphore(%run_scoped3A : memref<!tpu.dma_semaphore, #tpu.memory_space<semaphore_mem>>) src(%arg9 : memref<512x48xf32, #tpu.memory_space<vmem>>) dst(%dma_wait3A_991 : memref<512x48xf32, #tpu.memory_space<hbm>>)
        tpu.yield
      }) : () -> ()
      %dma_start3A_98 = arith.constant 4608 : i32
      %dma_start3A_99 = tpu.memref_slice %arg7[%dma_start3A_98] : memref<20480xi32, #tpu.memory_space<vmem>> -> memref<512xi32, #tpu.memory_space<vmem>>
      %dma_start3A_100 = arith.constant 0 : i32
      %dma_start3A_101 = arith.constant 0 : i32
      %dma_start3A_102 = tpu.memref_slice %arg2[%dma_start3A_100, %dma_start3A_101] : memref<10000x48xf32, #tpu.memory_space<hbm>> -> memref<10000x48xf32, #tpu.memory_space<hbm>>
      tpu.enqueue_indirect_dma source(%dma_start3A_102 : memref<10000x48xf32, #tpu.memory_space<hbm>>) target(%arg9 : memref<512x48xf32, #tpu.memory_space<vmem>>) offsets(%dma_start3A_99 : memref<512xi32, #tpu.memory_space<vmem>>) semaphore(%arg13 : memref<!tpu.dma_semaphore, #tpu.memory_space<semaphore_mem>>)
      %dma_start3A_103 = arith.constant 4608 : i32
      %dma_start3A_104 = tpu.memref_slice %arg8[%dma_start3A_103] : memref<20480xi32, #tpu.memory_space<vmem>> -> memref<512xi32, #tpu.memory_space<vmem>>
      %dma_start3A_105 = arith.constant 0 : i32
      %dma_start3A_106 = arith.constant 0 : i32
      %dma_start3A_107 = tpu.memref_slice %arg3[%dma_start3A_105, %dma_start3A_106] : memref<10000x16xf32, #tpu.memory_space<hbm>> -> memref<10000x16xf32, #tpu.memory_space<hbm>>
      tpu.enqueue_indirect_dma source(%dma_start3A_107 : memref<10000x16xf32, #tpu.memory_space<hbm>>) target(%arg10 : memref<512x16xf32, #tpu.memory_space<vmem>>) offsets(%dma_start3A_104 : memref<512xi32, #tpu.memory_space<vmem>>) semaphore(%arg13 : memref<!tpu.dma_semaphore, #tpu.memory_space<semaphore_mem>>)
      %dma_wait3A_108 = arith.constant 4096 : i32
      %dma_wait3A_109 = tpu.memref_slice %arg7[%dma_wait3A_108] : memref<20480xi32, #tpu.memory_space<vmem>> -> memref<512xi32, #tpu.memory_space<vmem>>
      %dma_wait3A_110 = arith.constant 0 : i32
      %dma_wait3A_111 = arith.constant 0 : i32
      %dma_wait3A_112 = tpu.memref_slice %arg2[%dma_wait3A_110, %dma_wait3A_111] : memref<10000x48xf32, #tpu.memory_space<hbm>> -> memref<10000x48xf32, #tpu.memory_space<hbm>>
      tpu.wait_indirect_dma semaphore(%arg14 : memref<!tpu.dma_semaphore, #tpu.memory_space<semaphore_mem>>) src(%dma_wait3A_112 : memref<10000x48xf32, #tpu.memory_space<hbm>>) dst(%arg11 : memref<512x48xf32, #tpu.memory_space<vmem>>)
      %dma_wait3A_113 = arith.constant 4096 : i32
      %dma_wait3A_114 = tpu.memref_slice %arg8[%dma_wait3A_113] : memref<20480xi32, #tpu.memory_space<vmem>> -> memref<512xi32, #tpu.memory_space<vmem>>
      %dma_wait3A_115 = arith.constant 0 : i32
      %dma_wait3A_116 = arith.constant 0 : i32
      %dma_wait3A_117 = tpu.memref_slice %arg3[%dma_wait3A_115, %dma_wait3A_116] : memref<10000x16xf32, #tpu.memory_space<hbm>> -> memref<10000x16xf32, #tpu.memory_space<hbm>>
      tpu.wait_indirect_dma semaphore(%arg14 : memref<!tpu.dma_semaphore, #tpu.memory_space<semaphore_mem>>) src(%dma_wait3A_117 : memref<10000x16xf32, #tpu.memory_space<hbm>>) dst(%arg12 : memref<512x16xf32, #tpu.memory_space<vmem>>)
      %scan3A_118 = arith.constant 0 : i32
      %scan3A_119 = arith.constant 0 : i32
      %scan3A_120 = arith.constant 512 : i32
      %scan3A_121 = arith.addi %scan3A_119, %scan3A_120 : i32
      %scan3A_122 = arith.constant 1 : i32
      scf.for %scan3A_984 = %scan3A_119 to %scan3A_121 step %scan3A_122  : i32 {
        %get3A = arith.index_cast %scan3A_984 : i32 to index
        %get3A_985 = arith.constant 32 : index
        %get3A_986 = tpu.vector_load %arg11[%get3A, %get3A_985] {strides = array<i32>} : memref<512x48xf32, #tpu.memory_space<vmem>>, vector<1x16xf32>,
        %get3A_987 = vector.shape_cast %get3A_986 : vector<1x16xf32> to vector<16xf32>
        %get3A_988 = arith.index_cast %scan3A_984 : i32 to index
        %get3A_989 = arith.constant 0 : index
        %get3A_990 = tpu.vector_load %arg12[%get3A_988, %get3A_989] {strides = array<i32>} : memref<512x16xf32, #tpu.memory_space<vmem>>, vector<1x16xf32>,
        %get3A_991 = vector.shape_cast %get3A_990 : vector<1x16xf32> to vector<16xf32>
        %sub3A = arith.subf %get3A_987, %get3A_991 : vector<16xf32>
        %swap3A = arith.index_cast %scan3A_984 : i32 to index
        %swap3A_992 = arith.constant 32 : index
        %swap3A_993 = tpu.vector_load %arg11[%swap3A, %swap3A_992] {strides = array<i32>} : memref<512x48xf32, #tpu.memory_space<vmem>>, vector<1x16xf32>,
        %swap3A_994 = vector.shape_cast %swap3A_993 : vector<1x16xf32> to vector<16xf32>
        %swap3A_995 = vector.shape_cast %sub3A : vector<16xf32> to vector<1x16xf32>
        tpu.vector_store %arg11[%swap3A, %swap3A_992], %swap3A_995 {strides = array<i32>} : memref<512x48xf32, #tpu.memory_space<vmem>>, vector<1x16xf32>,
      }
      %scan3A_123 = arith.constant 512 : i32
      %add3A_124 = arith.constant 4096 : i32
      %add3A_125 = arith.addi %mul3A_0, %add3A_124 : i32
      "tpu.region"() ({
        %run_scoped3A = tpu.sem_alloc : memref<!tpu.dma_semaphore, #tpu.memory_space<semaphore_mem>>
        %dma_start3A_984 = arith.constant 0 : i32
        %dma_start3A_985 = tpu.memref_slice %arg6[%add3A_125, %dma_start3A_984] : memref<327680x48xf32, #tpu.memory_space<hbm>> -> memref<512x48xf32, #tpu.memory_space<hbm>>
        %dma_start3A_986 = arith.constant 0 : i32
        %dma_start3A_987 = tpu.memref_slice %arg6[%add3A_125, %dma_start3A_986] : memref<327680x48xf32, #tpu.memory_space<hbm>> -> memref<512x48xf32, #tpu.memory_space<hbm>>
        tpu.enqueue_dma source(%arg11 : memref<512x48xf32, #tpu.memory_space<vmem>>) target(%dma_start3A_987 : memref<512x48xf32, #tpu.memory_space<hbm>>) target_semaphore(%run_scoped3A : memref<!tpu.dma_semaphore, #tpu.memory_space<semaphore_mem>>)
        %dma_wait3A_988 = arith.constant 0 : i32
        %dma_wait3A_989 = tpu.memref_slice %arg6[%add3A_125, %dma_wait3A_988] : memref<327680x48xf32, #tpu.memory_space<hbm>> -> memref<512x48xf32, #tpu.memory_space<hbm>>
        %dma_wait3A_990 = arith.constant 0 : i32
        %dma_wait3A_991 = tpu.memref_slice %arg6[%add3A_125, %dma_wait3A_990] : memref<327680x48xf32, #tpu.memory_space<hbm>> -> memref<512x48xf32, #tpu.memory_space<hbm>>
        tpu.wait_dma2 semaphore(%run_scoped3A : memref<!tpu.dma_semaphore, #tpu.memory_space<semaphore_mem>>) src(%arg11 : memref<512x48xf32, #tpu.memory_space<vmem>>) dst(%dma_wait3A_991 : memref<512x48xf32, #tpu.memory_space<hbm>>)
        tpu.yield
      }) : () -> ()
      %dma_start3A_126 = arith.constant 5120 : i32
      %dma_start3A_127 = tpu.memref_slice %arg7[%dma_start3A_126] : memref<20480xi32, #tpu.memory_space<vmem>> -> memref<512xi32, #tpu.memory_space<vmem>>
      %dma_start3A_128 = arith.constant 0 : i32
      %dma_start3A_129 = arith.constant 0 : i32
      %dma_start3A_130 = tpu.memref_slice %arg2[%dma_start3A_128, %dma_start3A_129] : memref<10000x48xf32, #tpu.memory_space<hbm>> -> memref<10000x48xf32, #tpu.memory_space<hbm>>
      tpu.enqueue_indirect_dma source(%dma_start3A_130 : memref<10000x48xf32, #tpu.memory_space<hbm>>) target(%arg11 : memref<512x48xf32, #tpu.memory_space<vmem>>) offsets(%dma_start3A_127 : memref<512xi32, #tpu.memory_space<vmem>>) semaphore(%arg14 : memref<!tpu.dma_semaphore, #tpu.memory_space<semaphore_mem>>)
      %dma_start3A_131 = arith.constant 5120 : i32
      %dma_start3A_132 = tpu.memref_slice %arg8[%dma_start3A_131] : memref<20480xi32, #tpu.memory_space<vmem>> -> memref<512xi32, #tpu.memory_space<vmem>>
      %dma_start3A_133 = arith.constant 0 : i32
      %dma_start3A_134 = arith.constant 0 : i32
      %dma_start3A_135 = tpu.memref_slice %arg3[%dma_start3A_133, %dma_start3A_134] : memref<10000x16xf32, #tpu.memory_space<hbm>> -> memref<10000x16xf32, #tpu.memory_space<hbm>>
      tpu.enqueue_indirect_dma source(%dma_start3A_135 : memref<10000x16xf32, #tpu.memory_space<hbm>>) target(%arg12 : memref<512x16xf32, #tpu.memory_space<vmem>>) offsets(%dma_start3A_132 : memref<512xi32, #tpu.memory_space<vmem>>) semaphore(%arg14 : memref<!tpu.dma_semaphore, #tpu.memory_space<semaphore_mem>>)
      %dma_wait3A_136 = arith.constant 4608 : i32
      %dma_wait3A_137 = tpu.memref_slice %arg7[%dma_wait3A_136] : memref<20480xi32, #tpu.memory_space<vmem>> -> memref<512xi32, #tpu.memory_space<vmem>>
      %dma_wait3A_138 = arith.constant 0 : i32
      %dma_wait3A_139 = arith.constant 0 : i32
      %dma_wait3A_140 = tpu.memref_slice %arg2[%dma_wait3A_138, %dma_wait3A_139] : memref<10000x48xf32, #tpu.memory_space<hbm>> -> memref<10000x48xf32, #tpu.memory_space<hbm>>
      tpu.wait_indirect_dma semaphore(%arg13 : memref<!tpu.dma_semaphore, #tpu.memory_space<semaphore_mem>>) src(%dma_wait3A_140 : memref<10000x48xf32, #tpu.memory_space<hbm>>) dst(%arg9 : memref<512x48xf32, #tpu.memory_space<vmem>>)
      %dma_wait3A_141 = arith.constant 4608 : i32
      %dma_wait3A_142 = tpu.memref_slice %arg8[%dma_wait3A_141] : memref<20480xi32, #tpu.memory_space<vmem>> -> memref<512xi32, #tpu.memory_space<vmem>>
      %dma_wait3A_143 = arith.constant 0 : i32
      %dma_wait3A_144 = arith.constant 0 : i32
      %dma_wait3A_145 = tpu.memref_slice %arg3[%dma_wait3A_143, %dma_wait3A_144] : memref<10000x16xf32, #tpu.memory_space<hbm>> -> memref<10000x16xf32, #tpu.memory_space<hbm>>
      tpu.wait_indirect_dma semaphore(%arg13 : memref<!tpu.dma_semaphore, #tpu.memory_space<semaphore_mem>>) src(%dma_wait3A_145 : memref<10000x16xf32, #tpu.memory_space<hbm>>) dst(%arg10 : memref<512x16xf32, #tpu.memory_space<vmem>>)
      %scan3A_146 = arith.constant 0 : i32
      %scan3A_147 = arith.constant 0 : i32
      %scan3A_148 = arith.constant 512 : i32
      %scan3A_149 = arith.addi %scan3A_147, %scan3A_148 : i32
      %scan3A_150 = arith.constant 1 : i32
      scf.for %scan3A_984 = %scan3A_147 to %scan3A_149 step %scan3A_150  : i32 {
        %get3A = arith.index_cast %scan3A_984 : i32 to index
        %get3A_985 = arith.constant 32 : index
        %get3A_986 = tpu.vector_load %arg9[%get3A, %get3A_985] {strides = array<i32>} : memref<512x48xf32, #tpu.memory_space<vmem>>, vector<1x16xf32>,
        %get3A_987 = vector.shape_cast %get3A_986 : vector<1x16xf32> to vector<16xf32>
        %get3A_988 = arith.index_cast %scan3A_984 : i32 to index
        %get3A_989 = arith.constant 0 : index
        %get3A_990 = tpu.vector_load %arg10[%get3A_988, %get3A_989] {strides = array<i32>} : memref<512x16xf32, #tpu.memory_space<vmem>>, vector<1x16xf32>,
        %get3A_991 = vector.shape_cast %get3A_990 : vector<1x16xf32> to vector<16xf32>
        %sub3A = arith.subf %get3A_987, %get3A_991 : vector<16xf32>
        %swap3A = arith.index_cast %scan3A_984 : i32 to index
        %swap3A_992 = arith.constant 32 : index
        %swap3A_993 = tpu.vector_load %arg9[%swap3A, %swap3A_992] {strides = array<i32>} : memref<512x48xf32, #tpu.memory_space<vmem>>, vector<1x16xf32>,
        %swap3A_994 = vector.shape_cast %swap3A_993 : vector<1x16xf32> to vector<16xf32>
        %swap3A_995 = vector.shape_cast %sub3A : vector<16xf32> to vector<1x16xf32>
        tpu.vector_store %arg9[%swap3A, %swap3A_992], %swap3A_995 {strides = array<i32>} : memref<512x48xf32, #tpu.memory_space<vmem>>, vector<1x16xf32>,
      }
      %scan3A_151 = arith.constant 512 : i32
      %add3A_152 = arith.constant 4608 : i32
      %add3A_153 = arith.addi %mul3A_0, %add3A_152 : i32
      "tpu.region"() ({
        %run_scoped3A = tpu.sem_alloc : memref<!tpu.dma_semaphore, #tpu.memory_space<semaphore_mem>>
        %dma_start3A_984 = arith.constant 0 : i32
        %dma_start3A_985 = tpu.memref_slice %arg6[%add3A_153, %dma_start3A_984] : memref<327680x48xf32, #tpu.memory_space<hbm>> -> memref<512x48xf32, #tpu.memory_space<hbm>>
        %dma_start3A_986 = arith.constant 0 : i32
        %dma_start3A_987 = tpu.memref_slice %arg6[%add3A_153, %dma_start3A_986] : memref<327680x48xf32, #tpu.memory_space<hbm>> -> memref<512x48xf32, #tpu.memory_space<hbm>>
        tpu.enqueue_dma source(%arg9 : memref<512x48xf32, #tpu.memory_space<vmem>>) target(%dma_start3A_987 : memref<512x48xf32, #tpu.memory_space<hbm>>) target_semaphore(%run_scoped3A : memref<!tpu.dma_semaphore, #tpu.memory_space<semaphore_mem>>)
        %dma_wait3A_988 = arith.constant 0 : i32
        %dma_wait3A_989 = tpu.memref_slice %arg6[%add3A_153, %dma_wait3A_988] : memref<327680x48xf32, #tpu.memory_space<hbm>> -> memref<512x48xf32, #tpu.memory_space<hbm>>
        %dma_wait3A_990 = arith.constant 0 : i32
        %dma_wait3A_991 = tpu.memref_slice %arg6[%add3A_153, %dma_wait3A_990] : memref<327680x48xf32, #tpu.memory_space<hbm>> -> memref<512x48xf32, #tpu.memory_space<hbm>>
        tpu.wait_dma2 semaphore(%run_scoped3A : memref<!tpu.dma_semaphore, #tpu.memory_space<semaphore_mem>>) src(%arg9 : memref<512x48xf32, #tpu.memory_space<vmem>>) dst(%dma_wait3A_991 : memref<512x48xf32, #tpu.memory_space<hbm>>)
        tpu.yield
      }) : () -> ()
      %dma_start3A_154 = arith.constant 5632 : i32
      %dma_start3A_155 = tpu.memref_slice %arg7[%dma_start3A_154] : memref<20480xi32, #tpu.memory_space<vmem>> -> memref<512xi32, #tpu.memory_space<vmem>>
      %dma_start3A_156 = arith.constant 0 : i32
      %dma_start3A_157 = arith.constant 0 : i32
      %dma_start3A_158 = tpu.memref_slice %arg2[%dma_start3A_156, %dma_start3A_157] : memref<10000x48xf32, #tpu.memory_space<hbm>> -> memref<10000x48xf32, #tpu.memory_space<hbm>>
      tpu.enqueue_indirect_dma source(%dma_start3A_158 : memref<10000x48xf32, #tpu.memory_space<hbm>>) target(%arg9 : memref<512x48xf32, #tpu.memory_space<vmem>>) offsets(%dma_start3A_155 : memref<512xi32, #tpu.memory_space<vmem>>) semaphore(%arg13 : memref<!tpu.dma_semaphore, #tpu.memory_space<semaphore_mem>>)
      %dma_start3A_159 = arith.constant 5632 : i32
      %dma_start3A_160 = tpu.memref_slice %arg8[%dma_start3A_159] : memref<20480xi32, #tpu.memory_space<vmem>> -> memref<512xi32, #tpu.memory_space<vmem>>
      %dma_start3A_161 = arith.constant 0 : i32
      %dma_start3A_162 = arith.constant 0 : i32
      %dma_start3A_163 = tpu.memref_slice %arg3[%dma_start3A_161, %dma_start3A_162] : memref<10000x16xf32, #tpu.memory_space<hbm>> -> memref<10000x16xf32, #tpu.memory_space<hbm>>
      tpu.enqueue_indirect_dma source(%dma_start3A_163 : memref<10000x16xf32, #tpu.memory_space<hbm>>) target(%arg10 : memref<512x16xf32, #tpu.memory_space<vmem>>) offsets(%dma_start3A_160 : memref<512xi32, #tpu.memory_space<vmem>>) semaphore(%arg13 : memref<!tpu.dma_semaphore, #tpu.memory_space<semaphore_mem>>)
      %dma_wait3A_164 = arith.constant 5120 : i32
      %dma_wait3A_165 = tpu.memref_slice %arg7[%dma_wait3A_164] : memref<20480xi32, #tpu.memory_space<vmem>> -> memref<512xi32, #tpu.memory_space<vmem>>
      %dma_wait3A_166 = arith.constant 0 : i32
      %dma_wait3A_167 = arith.constant 0 : i32
      %dma_wait3A_168 = tpu.memref_slice %arg2[%dma_wait3A_166, %dma_wait3A_167] : memref<10000x48xf32, #tpu.memory_space<hbm>> -> memref<10000x48xf32, #tpu.memory_space<hbm>>
      tpu.wait_indirect_dma semaphore(%arg14 : memref<!tpu.dma_semaphore, #tpu.memory_space<semaphore_mem>>) src(%dma_wait3A_168 : memref<10000x48xf32, #tpu.memory_space<hbm>>) dst(%arg11 : memref<512x48xf32, #tpu.memory_space<vmem>>)
      %dma_wait3A_169 = arith.constant 5120 : i32
      %dma_wait3A_170 = tpu.memref_slice %arg8[%dma_wait3A_169] : memref<20480xi32, #tpu.memory_space<vmem>> -> memref<512xi32, #tpu.memory_space<vmem>>
      %dma_wait3A_171 = arith.constant 0 : i32
      %dma_wait3A_172 = arith.constant 0 : i32
      %dma_wait3A_173 = tpu.memref_slice %arg3[%dma_wait3A_171, %dma_wait3A_172] : memref<10000x16xf32, #tpu.memory_space<hbm>> -> memref<10000x16xf32, #tpu.memory_space<hbm>>
      tpu.wait_indirect_dma semaphore(%arg14 : memref<!tpu.dma_semaphore, #tpu.memory_space<semaphore_mem>>) src(%dma_wait3A_173 : memref<10000x16xf32, #tpu.memory_space<hbm>>) dst(%arg12 : memref<512x16xf32, #tpu.memory_space<vmem>>)
      %scan3A_174 = arith.constant 0 : i32
      %scan3A_175 = arith.constant 0 : i32
      %scan3A_176 = arith.constant 512 : i32
      %scan3A_177 = arith.addi %scan3A_175, %scan3A_176 : i32
      %scan3A_178 = arith.constant 1 : i32
      scf.for %scan3A_984 = %scan3A_175 to %scan3A_177 step %scan3A_178  : i32 {
        %get3A = arith.index_cast %scan3A_984 : i32 to index
        %get3A_985 = arith.constant 32 : index
        %get3A_986 = tpu.vector_load %arg11[%get3A, %get3A_985] {strides = array<i32>} : memref<512x48xf32, #tpu.memory_space<vmem>>, vector<1x16xf32>,
        %get3A_987 = vector.shape_cast %get3A_986 : vector<1x16xf32> to vector<16xf32>
        %get3A_988 = arith.index_cast %scan3A_984 : i32 to index
        %get3A_989 = arith.constant 0 : index
        %get3A_990 = tpu.vector_load %arg12[%get3A_988, %get3A_989] {strides = array<i32>} : memref<512x16xf32, #tpu.memory_space<vmem>>, vector<1x16xf32>,
        %get3A_991 = vector.shape_cast %get3A_990 : vector<1x16xf32> to vector<16xf32>
        %sub3A = arith.subf %get3A_987, %get3A_991 : vector<16xf32>
        %swap3A = arith.index_cast %scan3A_984 : i32 to index
        %swap3A_992 = arith.constant 32 : index
        %swap3A_993 = tpu.vector_load %arg11[%swap3A, %swap3A_992] {strides = array<i32>} : memref<512x48xf32, #tpu.memory_space<vmem>>, vector<1x16xf32>,
        %swap3A_994 = vector.shape_cast %swap3A_993 : vector<1x16xf32> to vector<16xf32>
        %swap3A_995 = vector.shape_cast %sub3A : vector<16xf32> to vector<1x16xf32>
        tpu.vector_store %arg11[%swap3A, %swap3A_992], %swap3A_995 {strides = array<i32>} : memref<512x48xf32, #tpu.memory_space<vmem>>, vector<1x16xf32>,
      }
      %scan3A_179 = arith.constant 512 : i32
      %add3A_180 = arith.constant 5120 : i32
      %add3A_181 = arith.addi %mul3A_0, %add3A_180 : i32
      "tpu.region"() ({
        %run_scoped3A = tpu.sem_alloc : memref<!tpu.dma_semaphore, #tpu.memory_space<semaphore_mem>>
        %dma_start3A_984 = arith.constant 0 : i32
        %dma_start3A_985 = tpu.memref_slice %arg6[%add3A_181, %dma_start3A_984] : memref<327680x48xf32, #tpu.memory_space<hbm>> -> memref<512x48xf32, #tpu.memory_space<hbm>>
        %dma_start3A_986 = arith.constant 0 : i32
        %dma_start3A_987 = tpu.memref_slice %arg6[%add3A_181, %dma_start3A_986] : memref<327680x48xf32, #tpu.memory_space<hbm>> -> memref<512x48xf32, #tpu.memory_space<hbm>>
        tpu.enqueue_dma source(%arg11 : memref<512x48xf32, #tpu.memory_space<vmem>>) target(%dma_start3A_987 : memref<512x48xf32, #tpu.memory_space<hbm>>) target_semaphore(%run_scoped3A : memref<!tpu.dma_semaphore, #tpu.memory_space<semaphore_mem>>)
        %dma_wait3A_988 = arith.constant 0 : i32
        %dma_wait3A_989 = tpu.memref_slice %arg6[%add3A_181, %dma_wait3A_988] : memref<327680x48xf32, #tpu.memory_space<hbm>> -> memref<512x48xf32, #tpu.memory_space<hbm>>
        %dma_wait3A_990 = arith.constant 0 : i32
        %dma_wait3A_991 = tpu.memref_slice %arg6[%add3A_181, %dma_wait3A_990] : memref<327680x48xf32, #tpu.memory_space<hbm>> -> memref<512x48xf32, #tpu.memory_space<hbm>>
        tpu.wait_dma2 semaphore(%run_scoped3A : memref<!tpu.dma_semaphore, #tpu.memory_space<semaphore_mem>>) src(%arg11 : memref<512x48xf32, #tpu.memory_space<vmem>>) dst(%dma_wait3A_991 : memref<512x48xf32, #tpu.memory_space<hbm>>)
        tpu.yield
      }) : () -> ()
      %dma_start3A_182 = arith.constant 6144 : i32
      %dma_start3A_183 = tpu.memref_slice %arg7[%dma_start3A_182] : memref<20480xi32, #tpu.memory_space<vmem>> -> memref<512xi32, #tpu.memory_space<vmem>>
      %dma_start3A_184 = arith.constant 0 : i32
      %dma_start3A_185 = arith.constant 0 : i32
      %dma_start3A_186 = tpu.memref_slice %arg2[%dma_start3A_184, %dma_start3A_185] : memref<10000x48xf32, #tpu.memory_space<hbm>> -> memref<10000x48xf32, #tpu.memory_space<hbm>>
      tpu.enqueue_indirect_dma source(%dma_start3A_186 : memref<10000x48xf32, #tpu.memory_space<hbm>>) target(%arg11 : memref<512x48xf32, #tpu.memory_space<vmem>>) offsets(%dma_start3A_183 : memref<512xi32, #tpu.memory_space<vmem>>) semaphore(%arg14 : memref<!tpu.dma_semaphore, #tpu.memory_space<semaphore_mem>>)
      %dma_start3A_187 = arith.constant 6144 : i32
      %dma_start3A_188 = tpu.memref_slice %arg8[%dma_start3A_187] : memref<20480xi32, #tpu.memory_space<vmem>> -> memref<512xi32, #tpu.memory_space<vmem>>
      %dma_start3A_189 = arith.constant 0 : i32
      %dma_start3A_190 = arith.constant 0 : i32
      %dma_start3A_191 = tpu.memref_slice %arg3[%dma_start3A_189, %dma_start3A_190] : memref<10000x16xf32, #tpu.memory_space<hbm>> -> memref<10000x16xf32, #tpu.memory_space<hbm>>
      tpu.enqueue_indirect_dma source(%dma_start3A_191 : memref<10000x16xf32, #tpu.memory_space<hbm>>) target(%arg12 : memref<512x16xf32, #tpu.memory_space<vmem>>) offsets(%dma_start3A_188 : memref<512xi32, #tpu.memory_space<vmem>>) semaphore(%arg14 : memref<!tpu.dma_semaphore, #tpu.memory_space<semaphore_mem>>)
      %dma_wait3A_192 = arith.constant 5632 : i32
      %dma_wait3A_193 = tpu.memref_slice %arg7[%dma_wait3A_192] : memref<20480xi32, #tpu.memory_space<vmem>> -> memref<512xi32, #tpu.memory_space<vmem>>
      %dma_wait3A_194 = arith.constant 0 : i32
      %dma_wait3A_195 = arith.constant 0 : i32
      %dma_wait3A_196 = tpu.memref_slice %arg2[%dma_wait3A_194, %dma_wait3A_195] : memref<10000x48xf32, #tpu.memory_space<hbm>> -> memref<10000x48xf32, #tpu.memory_space<hbm>>
      tpu.wait_indirect_dma semaphore(%arg13 : memref<!tpu.dma_semaphore, #tpu.memory_space<semaphore_mem>>) src(%dma_wait3A_196 : memref<10000x48xf32, #tpu.memory_space<hbm>>) dst(%arg9 : memref<512x48xf32, #tpu.memory_space<vmem>>)
      %dma_wait3A_197 = arith.constant 5632 : i32
      %dma_wait3A_198 = tpu.memref_slice %arg8[%dma_wait3A_197] : memref<20480xi32, #tpu.memory_space<vmem>> -> memref<512xi32, #tpu.memory_space<vmem>>
      %dma_wait3A_199 = arith.constant 0 : i32
      %dma_wait3A_200 = arith.constant 0 : i32
      %dma_wait3A_201 = tpu.memref_slice %arg3[%dma_wait3A_199, %dma_wait3A_200] : memref<10000x16xf32, #tpu.memory_space<hbm>> -> memref<10000x16xf32, #tpu.memory_space<hbm>>
      tpu.wait_indirect_dma semaphore(%arg13 : memref<!tpu.dma_semaphore, #tpu.memory_space<semaphore_mem>>) src(%dma_wait3A_201 : memref<10000x16xf32, #tpu.memory_space<hbm>>) dst(%arg10 : memref<512x16xf32, #tpu.memory_space<vmem>>)
      %scan3A_202 = arith.constant 0 : i32
      %scan3A_203 = arith.constant 0 : i32
      %scan3A_204 = arith.constant 512 : i32
      %scan3A_205 = arith.addi %scan3A_203, %scan3A_204 : i32
      %scan3A_206 = arith.constant 1 : i32
      scf.for %scan3A_984 = %scan3A_203 to %scan3A_205 step %scan3A_206  : i32 {
        %get3A = arith.index_cast %scan3A_984 : i32 to index
        %get3A_985 = arith.constant 32 : index
        %get3A_986 = tpu.vector_load %arg9[%get3A, %get3A_985] {strides = array<i32>} : memref<512x48xf32, #tpu.memory_space<vmem>>, vector<1x16xf32>,
        %get3A_987 = vector.shape_cast %get3A_986 : vector<1x16xf32> to vector<16xf32>
        %get3A_988 = arith.index_cast %scan3A_984 : i32 to index
        %get3A_989 = arith.constant 0 : index
        %get3A_990 = tpu.vector_load %arg10[%get3A_988, %get3A_989] {strides = array<i32>} : memref<512x16xf32, #tpu.memory_space<vmem>>, vector<1x16xf32>,
        %get3A_991 = vector.shape_cast %get3A_990 : vector<1x16xf32> to vector<16xf32>
        %sub3A = arith.subf %get3A_987, %get3A_991 : vector<16xf32>
        %swap3A = arith.index_cast %scan3A_984 : i32 to index
        %swap3A_992 = arith.constant 32 : index
        %swap3A_993 = tpu.vector_load %arg9[%swap3A, %swap3A_992] {strides = array<i32>} : memref<512x48xf32, #tpu.memory_space<vmem>>, vector<1x16xf32>,
        %swap3A_994 = vector.shape_cast %swap3A_993 : vector<1x16xf32> to vector<16xf32>
        %swap3A_995 = vector.shape_cast %sub3A : vector<16xf32> to vector<1x16xf32>
        tpu.vector_store %arg9[%swap3A, %swap3A_992], %swap3A_995 {strides = array<i32>} : memref<512x48xf32, #tpu.memory_space<vmem>>, vector<1x16xf32>,
      }
      %scan3A_207 = arith.constant 512 : i32
      %add3A_208 = arith.constant 5632 : i32
      %add3A_209 = arith.addi %mul3A_0, %add3A_208 : i32
      "tpu.region"() ({
        %run_scoped3A = tpu.sem_alloc : memref<!tpu.dma_semaphore, #tpu.memory_space<semaphore_mem>>
        %dma_start3A_984 = arith.constant 0 : i32
        %dma_start3A_985 = tpu.memref_slice %arg6[%add3A_209, %dma_start3A_984] : memref<327680x48xf32, #tpu.memory_space<hbm>> -> memref<512x48xf32, #tpu.memory_space<hbm>>
        %dma_start3A_986 = arith.constant 0 : i32
        %dma_start3A_987 = tpu.memref_slice %arg6[%add3A_209, %dma_start3A_986] : memref<327680x48xf32, #tpu.memory_space<hbm>> -> memref<512x48xf32, #tpu.memory_space<hbm>>
        tpu.enqueue_dma source(%arg9 : memref<512x48xf32, #tpu.memory_space<vmem>>) target(%dma_start3A_987 : memref<512x48xf32, #tpu.memory_space<hbm>>) target_semaphore(%run_scoped3A : memref<!tpu.dma_semaphore, #tpu.memory_space<semaphore_mem>>)
        %dma_wait3A_988 = arith.constant 0 : i32
        %dma_wait3A_989 = tpu.memref_slice %arg6[%add3A_209, %dma_wait3A_988] : memref<327680x48xf32, #tpu.memory_space<hbm>> -> memref<512x48xf32, #tpu.memory_space<hbm>>
        %dma_wait3A_990 = arith.constant 0 : i32
        %dma_wait3A_991 = tpu.memref_slice %arg6[%add3A_209, %dma_wait3A_990] : memref<327680x48xf32, #tpu.memory_space<hbm>> -> memref<512x48xf32, #tpu.memory_space<hbm>>
        tpu.wait_dma2 semaphore(%run_scoped3A : memref<!tpu.dma_semaphore, #tpu.memory_space<semaphore_mem>>) src(%arg9 : memref<512x48xf32, #tpu.memory_space<vmem>>) dst(%dma_wait3A_991 : memref<512x48xf32, #tpu.memory_space<hbm>>)
        tpu.yield
      }) : () -> ()
      %dma_start3A_210 = arith.constant 6656 : i32
      %dma_start3A_211 = tpu.memref_slice %arg7[%dma_start3A_210] : memref<20480xi32, #tpu.memory_space<vmem>> -> memref<512xi32, #tpu.memory_space<vmem>>
      %dma_start3A_212 = arith.constant 0 : i32
      %dma_start3A_213 = arith.constant 0 : i32
      %dma_start3A_214 = tpu.memref_slice %arg2[%dma_start3A_212, %dma_start3A_213] : memref<10000x48xf32, #tpu.memory_space<hbm>> -> memref<10000x48xf32, #tpu.memory_space<hbm>>
      tpu.enqueue_indirect_dma source(%dma_start3A_214 : memref<10000x48xf32, #tpu.memory_space<hbm>>) target(%arg9 : memref<512x48xf32, #tpu.memory_space<vmem>>) offsets(%dma_start3A_211 : memref<512xi32, #tpu.memory_space<vmem>>) semaphore(%arg13 : memref<!tpu.dma_semaphore, #tpu.memory_space<semaphore_mem>>)
      %dma_start3A_215 = arith.constant 6656 : i32
      %dma_start3A_216 = tpu.memref_slice %arg8[%dma_start3A_215] : memref<20480xi32, #tpu.memory_space<vmem>> -> memref<512xi32, #tpu.memory_space<vmem>>
      %dma_start3A_217 = arith.constant 0 : i32
      %dma_start3A_218 = arith.constant 0 : i32
      %dma_start3A_219 = tpu.memref_slice %arg3[%dma_start3A_217, %dma_start3A_218] : memref<10000x16xf32, #tpu.memory_space<hbm>> -> memref<10000x16xf32, #tpu.memory_space<hbm>>
      tpu.enqueue_indirect_dma source(%dma_start3A_219 : memref<10000x16xf32, #tpu.memory_space<hbm>>) target(%arg10 : memref<512x16xf32, #tpu.memory_space<vmem>>) offsets(%dma_start3A_216 : memref<512xi32, #tpu.memory_space<vmem>>) semaphore(%arg13 : memref<!tpu.dma_semaphore, #tpu.memory_space<semaphore_mem>>)
      %dma_wait3A_220 = arith.constant 6144 : i32
      %dma_wait3A_221 = tpu.memref_slice %arg7[%dma_wait3A_220] : memref<20480xi32, #tpu.memory_space<vmem>> -> memref<512xi32, #tpu.memory_space<vmem>>
      %dma_wait3A_222 = arith.constant 0 : i32
      %dma_wait3A_223 = arith.constant 0 : i32
      %dma_wait3A_224 = tpu.memref_slice %arg2[%dma_wait3A_222, %dma_wait3A_223] : memref<10000x48xf32, #tpu.memory_space<hbm>> -> memref<10000x48xf32, #tpu.memory_space<hbm>>
      tpu.wait_indirect_dma semaphore(%arg14 : memref<!tpu.dma_semaphore, #tpu.memory_space<semaphore_mem>>) src(%dma_wait3A_224 : memref<10000x48xf32, #tpu.memory_space<hbm>>) dst(%arg11 : memref<512x48xf32, #tpu.memory_space<vmem>>)
      %dma_wait3A_225 = arith.constant 6144 : i32
      %dma_wait3A_226 = tpu.memref_slice %arg8[%dma_wait3A_225] : memref<20480xi32, #tpu.memory_space<vmem>> -> memref<512xi32, #tpu.memory_space<vmem>>
      %dma_wait3A_227 = arith.constant 0 : i32
      %dma_wait3A_228 = arith.constant 0 : i32
      %dma_wait3A_229 = tpu.memref_slice %arg3[%dma_wait3A_227, %dma_wait3A_228] : memref<10000x16xf32, #tpu.memory_space<hbm>> -> memref<10000x16xf32, #tpu.memory_space<hbm>>
      tpu.wait_indirect_dma semaphore(%arg14 : memref<!tpu.dma_semaphore, #tpu.memory_space<semaphore_mem>>) src(%dma_wait3A_229 : memref<10000x16xf32, #tpu.memory_space<hbm>>) dst(%arg12 : memref<512x16xf32, #tpu.memory_space<vmem>>)
      %scan3A_230 = arith.constant 0 : i32
      %scan3A_231 = arith.constant 0 : i32
      %scan3A_232 = arith.constant 512 : i32
      %scan3A_233 = arith.addi %scan3A_231, %scan3A_232 : i32
      %scan3A_234 = arith.constant 1 : i32
      scf.for %scan3A_984 = %scan3A_231 to %scan3A_233 step %scan3A_234  : i32 {
        %get3A = arith.index_cast %scan3A_984 : i32 to index
        %get3A_985 = arith.constant 32 : index
        %get3A_986 = tpu.vector_load %arg11[%get3A, %get3A_985] {strides = array<i32>} : memref<512x48xf32, #tpu.memory_space<vmem>>, vector<1x16xf32>,
        %get3A_987 = vector.shape_cast %get3A_986 : vector<1x16xf32> to vector<16xf32>
        %get3A_988 = arith.index_cast %scan3A_984 : i32 to index
        %get3A_989 = arith.constant 0 : index
        %get3A_990 = tpu.vector_load %arg12[%get3A_988, %get3A_989] {strides = array<i32>} : memref<512x16xf32, #tpu.memory_space<vmem>>, vector<1x16xf32>,
        %get3A_991 = vector.shape_cast %get3A_990 : vector<1x16xf32> to vector<16xf32>
        %sub3A = arith.subf %get3A_987, %get3A_991 : vector<16xf32>
        %swap3A = arith.index_cast %scan3A_984 : i32 to index
        %swap3A_992 = arith.constant 32 : index
        %swap3A_993 = tpu.vector_load %arg11[%swap3A, %swap3A_992] {strides = array<i32>} : memref<512x48xf32, #tpu.memory_space<vmem>>, vector<1x16xf32>,
        %swap3A_994 = vector.shape_cast %swap3A_993 : vector<1x16xf32> to vector<16xf32>
        %swap3A_995 = vector.shape_cast %sub3A : vector<16xf32> to vector<1x16xf32>
        tpu.vector_store %arg11[%swap3A, %swap3A_992], %swap3A_995 {strides = array<i32>} : memref<512x48xf32, #tpu.memory_space<vmem>>, vector<1x16xf32>,
      }
      %scan3A_235 = arith.constant 512 : i32
      %add3A_236 = arith.constant 6144 : i32
      %add3A_237 = arith.addi %mul3A_0, %add3A_236 : i32
      "tpu.region"() ({
        %run_scoped3A = tpu.sem_alloc : memref<!tpu.dma_semaphore, #tpu.memory_space<semaphore_mem>>
        %dma_start3A_984 = arith.constant 0 : i32
        %dma_start3A_985 = tpu.memref_slice %arg6[%add3A_237, %dma_start3A_984] : memref<327680x48xf32, #tpu.memory_space<hbm>> -> memref<512x48xf32, #tpu.memory_space<hbm>>
        %dma_start3A_986 = arith.constant 0 : i32
        %dma_start3A_987 = tpu.memref_slice %arg6[%add3A_237, %dma_start3A_986] : memref<327680x48xf32, #tpu.memory_space<hbm>> -> memref<512x48xf32, #tpu.memory_space<hbm>>
        tpu.enqueue_dma source(%arg11 : memref<512x48xf32, #tpu.memory_space<vmem>>) target(%dma_start3A_987 : memref<512x48xf32, #tpu.memory_space<hbm>>) target_semaphore(%run_scoped3A : memref<!tpu.dma_semaphore, #tpu.memory_space<semaphore_mem>>)
        %dma_wait3A_988 = arith.constant 0 : i32
        %dma_wait3A_989 = tpu.memref_slice %arg6[%add3A_237, %dma_wait3A_988] : memref<327680x48xf32, #tpu.memory_space<hbm>> -> memref<512x48xf32, #tpu.memory_space<hbm>>
        %dma_wait3A_990 = arith.constant 0 : i32
        %dma_wait3A_991 = tpu.memref_slice %arg6[%add3A_237, %dma_wait3A_990] : memref<327680x48xf32, #tpu.memory_space<hbm>> -> memref<512x48xf32, #tpu.memory_space<hbm>>
        tpu.wait_dma2 semaphore(%run_scoped3A : memref<!tpu.dma_semaphore, #tpu.memory_space<semaphore_mem>>) src(%arg11 : memref<512x48xf32, #tpu.memory_space<vmem>>) dst(%dma_wait3A_991 : memref<512x48xf32, #tpu.memory_space<hbm>>)
        tpu.yield
      }) : () -> ()
      %dma_start3A_238 = arith.constant 7168 : i32
      %dma_start3A_239 = tpu.memref_slice %arg7[%dma_start3A_238] : memref<20480xi32, #tpu.memory_space<vmem>> -> memref<512xi32, #tpu.memory_space<vmem>>
      %dma_start3A_240 = arith.constant 0 : i32
      %dma_start3A_241 = arith.constant 0 : i32
      %dma_start3A_242 = tpu.memref_slice %arg2[%dma_start3A_240, %dma_start3A_241] : memref<10000x48xf32, #tpu.memory_space<hbm>> -> memref<10000x48xf32, #tpu.memory_space<hbm>>
      tpu.enqueue_indirect_dma source(%dma_start3A_242 : memref<10000x48xf32, #tpu.memory_space<hbm>>) target(%arg11 : memref<512x48xf32, #tpu.memory_space<vmem>>) offsets(%dma_start3A_239 : memref<512xi32, #tpu.memory_space<vmem>>) semaphore(%arg14 : memref<!tpu.dma_semaphore, #tpu.memory_space<semaphore_mem>>)
      %dma_start3A_243 = arith.constant 7168 : i32
      %dma_start3A_244 = tpu.memref_slice %arg8[%dma_start3A_243] : memref<20480xi32, #tpu.memory_space<vmem>> -> memref<512xi32, #tpu.memory_space<vmem>>
      %dma_start3A_245 = arith.constant 0 : i32
      %dma_start3A_246 = arith.constant 0 : i32
      %dma_start3A_247 = tpu.memref_slice %arg3[%dma_start3A_245, %dma_start3A_246] : memref<10000x16xf32, #tpu.memory_space<hbm>> -> memref<10000x16xf32, #tpu.memory_space<hbm>>
      tpu.enqueue_indirect_dma source(%dma_start3A_247 : memref<10000x16xf32, #tpu.memory_space<hbm>>) target(%arg12 : memref<512x16xf32, #tpu.memory_space<vmem>>) offsets(%dma_start3A_244 : memref<512xi32, #tpu.memory_space<vmem>>) semaphore(%arg14 : memref<!tpu.dma_semaphore, #tpu.memory_space<semaphore_mem>>)
      %dma_wait3A_248 = arith.constant 6656 : i32
      %dma_wait3A_249 = tpu.memref_slice %arg7[%dma_wait3A_248] : memref<20480xi32, #tpu.memory_space<vmem>> -> memref<512xi32, #tpu.memory_space<vmem>>
      %dma_wait3A_250 = arith.constant 0 : i32
      %dma_wait3A_251 = arith.constant 0 : i32
      %dma_wait3A_252 = tpu.memref_slice %arg2[%dma_wait3A_250, %dma_wait3A_251] : memref<10000x48xf32, #tpu.memory_space<hbm>> -> memref<10000x48xf32, #tpu.memory_space<hbm>>
      tpu.wait_indirect_dma semaphore(%arg13 : memref<!tpu.dma_semaphore, #tpu.memory_space<semaphore_mem>>) src(%dma_wait3A_252 : memref<10000x48xf32, #tpu.memory_space<hbm>>) dst(%arg9 : memref<512x48xf32, #tpu.memory_space<vmem>>)
      %dma_wait3A_253 = arith.constant 6656 : i32
      %dma_wait3A_254 = tpu.memref_slice %arg8[%dma_wait3A_253] : memref<20480xi32, #tpu.memory_space<vmem>> -> memref<512xi32, #tpu.memory_space<vmem>>
      %dma_wait3A_255 = arith.constant 0 : i32
      %dma_wait3A_256 = arith.constant 0 : i32
      %dma_wait3A_257 = tpu.memref_slice %arg3[%dma_wait3A_255, %dma_wait3A_256] : memref<10000x16xf32, #tpu.memory_space<hbm>> -> memref<10000x16xf32, #tpu.memory_space<hbm>>
      tpu.wait_indirect_dma semaphore(%arg13 : memref<!tpu.dma_semaphore, #tpu.memory_space<semaphore_mem>>) src(%dma_wait3A_257 : memref<10000x16xf32, #tpu.memory_space<hbm>>) dst(%arg10 : memref<512x16xf32, #tpu.memory_space<vmem>>)
      %scan3A_258 = arith.constant 0 : i32
      %scan3A_259 = arith.constant 0 : i32
      %scan3A_260 = arith.constant 512 : i32
      %scan3A_261 = arith.addi %scan3A_259, %scan3A_260 : i32
      %scan3A_262 = arith.constant 1 : i32
      scf.for %scan3A_984 = %scan3A_259 to %scan3A_261 step %scan3A_262  : i32 {
        %get3A = arith.index_cast %scan3A_984 : i32 to index
        %get3A_985 = arith.constant 32 : index
        %get3A_986 = tpu.vector_load %arg9[%get3A, %get3A_985] {strides = array<i32>} : memref<512x48xf32, #tpu.memory_space<vmem>>, vector<1x16xf32>,
        %get3A_987 = vector.shape_cast %get3A_986 : vector<1x16xf32> to vector<16xf32>
        %get3A_988 = arith.index_cast %scan3A_984 : i32 to index
        %get3A_989 = arith.constant 0 : index
        %get3A_990 = tpu.vector_load %arg10[%get3A_988, %get3A_989] {strides = array<i32>} : memref<512x16xf32, #tpu.memory_space<vmem>>, vector<1x16xf32>,
        %get3A_991 = vector.shape_cast %get3A_990 : vector<1x16xf32> to vector<16xf32>
        %sub3A = arith.subf %get3A_987, %get3A_991 : vector<16xf32>
        %swap3A = arith.index_cast %scan3A_984 : i32 to index
        %swap3A_992 = arith.constant 32 : index
        %swap3A_993 = tpu.vector_load %arg9[%swap3A, %swap3A_992] {strides = array<i32>} : memref<512x48xf32, #tpu.memory_space<vmem>>, vector<1x16xf32>,
        %swap3A_994 = vector.shape_cast %swap3A_993 : vector<1x16xf32> to vector<16xf32>
        %swap3A_995 = vector.shape_cast %sub3A : vector<16xf32> to vector<1x16xf32>
        tpu.vector_store %arg9[%swap3A, %swap3A_992], %swap3A_995 {strides = array<i32>} : memref<512x48xf32, #tpu.memory_space<vmem>>, vector<1x16xf32>,
      }
      %scan3A_263 = arith.constant 512 : i32
      %add3A_264 = arith.constant 6656 : i32
      %add3A_265 = arith.addi %mul3A_0, %add3A_264 : i32
      "tpu.region"() ({
        %run_scoped3A = tpu.sem_alloc : memref<!tpu.dma_semaphore, #tpu.memory_space<semaphore_mem>>
        %dma_start3A_984 = arith.constant 0 : i32
        %dma_start3A_985 = tpu.memref_slice %arg6[%add3A_265, %dma_start3A_984] : memref<327680x48xf32, #tpu.memory_space<hbm>> -> memref<512x48xf32, #tpu.memory_space<hbm>>
        %dma_start3A_986 = arith.constant 0 : i32
        %dma_start3A_987 = tpu.memref_slice %arg6[%add3A_265, %dma_start3A_986] : memref<327680x48xf32, #tpu.memory_space<hbm>> -> memref<512x48xf32, #tpu.memory_space<hbm>>
        tpu.enqueue_dma source(%arg9 : memref<512x48xf32, #tpu.memory_space<vmem>>) target(%dma_start3A_987 : memref<512x48xf32, #tpu.memory_space<hbm>>) target_semaphore(%run_scoped3A : memref<!tpu.dma_semaphore, #tpu.memory_space<semaphore_mem>>)
        %dma_wait3A_988 = arith.constant 0 : i32
        %dma_wait3A_989 = tpu.memref_slice %arg6[%add3A_265, %dma_wait3A_988] : memref<327680x48xf32, #tpu.memory_space<hbm>> -> memref<512x48xf32, #tpu.memory_space<hbm>>
        %dma_wait3A_990 = arith.constant 0 : i32
        %dma_wait3A_991 = tpu.memref_slice %arg6[%add3A_265, %dma_wait3A_990] : memref<327680x48xf32, #tpu.memory_space<hbm>> -> memref<512x48xf32, #tpu.memory_space<hbm>>
        tpu.wait_dma2 semaphore(%run_scoped3A : memref<!tpu.dma_semaphore, #tpu.memory_space<semaphore_mem>>) src(%arg9 : memref<512x48xf32, #tpu.memory_space<vmem>>) dst(%dma_wait3A_991 : memref<512x48xf32, #tpu.memory_space<hbm>>)
        tpu.yield
      }) : () -> ()
      %dma_start3A_266 = arith.constant 7680 : i32
      %dma_start3A_267 = tpu.memref_slice %arg7[%dma_start3A_266] : memref<20480xi32, #tpu.memory_space<vmem>> -> memref<512xi32, #tpu.memory_space<vmem>>
      %dma_start3A_268 = arith.constant 0 : i32
      %dma_start3A_269 = arith.constant 0 : i32
      %dma_start3A_270 = tpu.memref_slice %arg2[%dma_start3A_268, %dma_start3A_269] : memref<10000x48xf32, #tpu.memory_space<hbm>> -> memref<10000x48xf32, #tpu.memory_space<hbm>>
      tpu.enqueue_indirect_dma source(%dma_start3A_270 : memref<10000x48xf32, #tpu.memory_space<hbm>>) target(%arg9 : memref<512x48xf32, #tpu.memory_space<vmem>>) offsets(%dma_start3A_267 : memref<512xi32, #tpu.memory_space<vmem>>) semaphore(%arg13 : memref<!tpu.dma_semaphore, #tpu.memory_space<semaphore_mem>>)
      %dma_start3A_271 = arith.constant 7680 : i32
      %dma_start3A_272 = tpu.memref_slice %arg8[%dma_start3A_271] : memref<20480xi32, #tpu.memory_space<vmem>> -> memref<512xi32, #tpu.memory_space<vmem>>
      %dma_start3A_273 = arith.constant 0 : i32
      %dma_start3A_274 = arith.constant 0 : i32
      %dma_start3A_275 = tpu.memref_slice %arg3[%dma_start3A_273, %dma_start3A_274] : memref<10000x16xf32, #tpu.memory_space<hbm>> -> memref<10000x16xf32, #tpu.memory_space<hbm>>
      tpu.enqueue_indirect_dma source(%dma_start3A_275 : memref<10000x16xf32, #tpu.memory_space<hbm>>) target(%arg10 : memref<512x16xf32, #tpu.memory_space<vmem>>) offsets(%dma_start3A_272 : memref<512xi32, #tpu.memory_space<vmem>>) semaphore(%arg13 : memref<!tpu.dma_semaphore, #tpu.memory_space<semaphore_mem>>)
      %dma_wait3A_276 = arith.constant 7168 : i32
      %dma_wait3A_277 = tpu.memref_slice %arg7[%dma_wait3A_276] : memref<20480xi32, #tpu.memory_space<vmem>> -> memref<512xi32, #tpu.memory_space<vmem>>
      %dma_wait3A_278 = arith.constant 0 : i32
      %dma_wait3A_279 = arith.constant 0 : i32
      %dma_wait3A_280 = tpu.memref_slice %arg2[%dma_wait3A_278, %dma_wait3A_279] : memref<10000x48xf32, #tpu.memory_space<hbm>> -> memref<10000x48xf32, #tpu.memory_space<hbm>>
      tpu.wait_indirect_dma semaphore(%arg14 : memref<!tpu.dma_semaphore, #tpu.memory_space<semaphore_mem>>) src(%dma_wait3A_280 : memref<10000x48xf32, #tpu.memory_space<hbm>>) dst(%arg11 : memref<512x48xf32, #tpu.memory_space<vmem>>)
      %dma_wait3A_281 = arith.constant 7168 : i32
      %dma_wait3A_282 = tpu.memref_slice %arg8[%dma_wait3A_281] : memref<20480xi32, #tpu.memory_space<vmem>> -> memref<512xi32, #tpu.memory_space<vmem>>
      %dma_wait3A_283 = arith.constant 0 : i32
      %dma_wait3A_284 = arith.constant 0 : i32
      %dma_wait3A_285 = tpu.memref_slice %arg3[%dma_wait3A_283, %dma_wait3A_284] : memref<10000x16xf32, #tpu.memory_space<hbm>> -> memref<10000x16xf32, #tpu.memory_space<hbm>>
      tpu.wait_indirect_dma semaphore(%arg14 : memref<!tpu.dma_semaphore, #tpu.memory_space<semaphore_mem>>) src(%dma_wait3A_285 : memref<10000x16xf32, #tpu.memory_space<hbm>>) dst(%arg12 : memref<512x16xf32, #tpu.memory_space<vmem>>)
      %scan3A_286 = arith.constant 0 : i32
      %scan3A_287 = arith.constant 0 : i32
      %scan3A_288 = arith.constant 512 : i32
      %scan3A_289 = arith.addi %scan3A_287, %scan3A_288 : i32
      %scan3A_290 = arith.constant 1 : i32
      scf.for %scan3A_984 = %scan3A_287 to %scan3A_289 step %scan3A_290  : i32 {
        %get3A = arith.index_cast %scan3A_984 : i32 to index
        %get3A_985 = arith.constant 32 : index
        %get3A_986 = tpu.vector_load %arg11[%get3A, %get3A_985] {strides = array<i32>} : memref<512x48xf32, #tpu.memory_space<vmem>>, vector<1x16xf32>,
        %get3A_987 = vector.shape_cast %get3A_986 : vector<1x16xf32> to vector<16xf32>
        %get3A_988 = arith.index_cast %scan3A_984 : i32 to index
        %get3A_989 = arith.constant 0 : index
        %get3A_990 = tpu.vector_load %arg12[%get3A_988, %get3A_989] {strides = array<i32>} : memref<512x16xf32, #tpu.memory_space<vmem>>, vector<1x16xf32>,
        %get3A_991 = vector.shape_cast %get3A_990 : vector<1x16xf32> to vector<16xf32>
        %sub3A = arith.subf %get3A_987, %get3A_991 : vector<16xf32>
        %swap3A = arith.index_cast %scan3A_984 : i32 to index
        %swap3A_992 = arith.constant 32 : index
        %swap3A_993 = tpu.vector_load %arg11[%swap3A, %swap3A_992] {strides = array<i32>} : memref<512x48xf32, #tpu.memory_space<vmem>>, vector<1x16xf32>,
        %swap3A_994 = vector.shape_cast %swap3A_993 : vector<1x16xf32> to vector<16xf32>
        %swap3A_995 = vector.shape_cast %sub3A : vector<16xf32> to vector<1x16xf32>
        tpu.vector_store %arg11[%swap3A, %swap3A_992], %swap3A_995 {strides = array<i32>} : memref<512x48xf32, #tpu.memory_space<vmem>>, vector<1x16xf32>,
      }
      %scan3A_291 = arith.constant 512 : i32
      %add3A_292 = arith.constant 7168 : i32
      %add3A_293 = arith.addi %mul3A_0, %add3A_292 : i32
      "tpu.region"() ({
        %run_scoped3A = tpu.sem_alloc : memref<!tpu.dma_semaphore, #tpu.memory_space<semaphore_mem>>
        %dma_start3A_984 = arith.constant 0 : i32
        %dma_start3A_985 = tpu.memref_slice %arg6[%add3A_293, %dma_start3A_984] : memref<327680x48xf32, #tpu.memory_space<hbm>> -> memref<512x48xf32, #tpu.memory_space<hbm>>
        %dma_start3A_986 = arith.constant 0 : i32
        %dma_start3A_987 = tpu.memref_slice %arg6[%add3A_293, %dma_start3A_986] : memref<327680x48xf32, #tpu.memory_space<hbm>> -> memref<512x48xf32, #tpu.memory_space<hbm>>
        tpu.enqueue_dma source(%arg11 : memref<512x48xf32, #tpu.memory_space<vmem>>) target(%dma_start3A_987 : memref<512x48xf32, #tpu.memory_space<hbm>>) target_semaphore(%run_scoped3A : memref<!tpu.dma_semaphore, #tpu.memory_space<semaphore_mem>>)
        %dma_wait3A_988 = arith.constant 0 : i32
        %dma_wait3A_989 = tpu.memref_slice %arg6[%add3A_293, %dma_wait3A_988] : memref<327680x48xf32, #tpu.memory_space<hbm>> -> memref<512x48xf32, #tpu.memory_space<hbm>>
        %dma_wait3A_990 = arith.constant 0 : i32
        %dma_wait3A_991 = tpu.memref_slice %arg6[%add3A_293, %dma_wait3A_990] : memref<327680x48xf32, #tpu.memory_space<hbm>> -> memref<512x48xf32, #tpu.memory_space<hbm>>
        tpu.wait_dma2 semaphore(%run_scoped3A : memref<!tpu.dma_semaphore, #tpu.memory_space<semaphore_mem>>) src(%arg11 : memref<512x48xf32, #tpu.memory_space<vmem>>) dst(%dma_wait3A_991 : memref<512x48xf32, #tpu.memory_space<hbm>>)
        tpu.yield
      }) : () -> ()
      %dma_start3A_294 = arith.constant 8192 : i32
      %dma_start3A_295 = tpu.memref_slice %arg7[%dma_start3A_294] : memref<20480xi32, #tpu.memory_space<vmem>> -> memref<512xi32, #tpu.memory_space<vmem>>
      %dma_start3A_296 = arith.constant 0 : i32
      %dma_start3A_297 = arith.constant 0 : i32
      %dma_start3A_298 = tpu.memref_slice %arg2[%dma_start3A_296, %dma_start3A_297] : memref<10000x48xf32, #tpu.memory_space<hbm>> -> memref<10000x48xf32, #tpu.memory_space<hbm>>
      tpu.enqueue_indirect_dma source(%dma_start3A_298 : memref<10000x48xf32, #tpu.memory_space<hbm>>) target(%arg11 : memref<512x48xf32, #tpu.memory_space<vmem>>) offsets(%dma_start3A_295 : memref<512xi32, #tpu.memory_space<vmem>>) semaphore(%arg14 : memref<!tpu.dma_semaphore, #tpu.memory_space<semaphore_mem>>)
      %dma_start3A_299 = arith.constant 8192 : i32
      %dma_start3A_300 = tpu.memref_slice %arg8[%dma_start3A_299] : memref<20480xi32, #tpu.memory_space<vmem>> -> memref<512xi32, #tpu.memory_space<vmem>>
      %dma_start3A_301 = arith.constant 0 : i32
      %dma_start3A_302 = arith.constant 0 : i32
      %dma_start3A_303 = tpu.memref_slice %arg3[%dma_start3A_301, %dma_start3A_302] : memref<10000x16xf32, #tpu.memory_space<hbm>> -> memref<10000x16xf32, #tpu.memory_space<hbm>>
      tpu.enqueue_indirect_dma source(%dma_start3A_303 : memref<10000x16xf32, #tpu.memory_space<hbm>>) target(%arg12 : memref<512x16xf32, #tpu.memory_space<vmem>>) offsets(%dma_start3A_300 : memref<512xi32, #tpu.memory_space<vmem>>) semaphore(%arg14 : memref<!tpu.dma_semaphore, #tpu.memory_space<semaphore_mem>>)
      %dma_wait3A_304 = arith.constant 7680 : i32
      %dma_wait3A_305 = tpu.memref_slice %arg7[%dma_wait3A_304] : memref<20480xi32, #tpu.memory_space<vmem>> -> memref<512xi32, #tpu.memory_space<vmem>>
      %dma_wait3A_306 = arith.constant 0 : i32
      %dma_wait3A_307 = arith.constant 0 : i32
      %dma_wait3A_308 = tpu.memref_slice %arg2[%dma_wait3A_306, %dma_wait3A_307] : memref<10000x48xf32, #tpu.memory_space<hbm>> -> memref<10000x48xf32, #tpu.memory_space<hbm>>
      tpu.wait_indirect_dma semaphore(%arg13 : memref<!tpu.dma_semaphore, #tpu.memory_space<semaphore_mem>>) src(%dma_wait3A_308 : memref<10000x48xf32, #tpu.memory_space<hbm>>) dst(%arg9 : memref<512x48xf32, #tpu.memory_space<vmem>>)
      %dma_wait3A_309 = arith.constant 7680 : i32
      %dma_wait3A_310 = tpu.memref_slice %arg8[%dma_wait3A_309] : memref<20480xi32, #tpu.memory_space<vmem>> -> memref<512xi32, #tpu.memory_space<vmem>>
      %dma_wait3A_311 = arith.constant 0 : i32
      %dma_wait3A_312 = arith.constant 0 : i32
      %dma_wait3A_313 = tpu.memref_slice %arg3[%dma_wait3A_311, %dma_wait3A_312] : memref<10000x16xf32, #tpu.memory_space<hbm>> -> memref<10000x16xf32, #tpu.memory_space<hbm>>
      tpu.wait_indirect_dma semaphore(%arg13 : memref<!tpu.dma_semaphore, #tpu.memory_space<semaphore_mem>>) src(%dma_wait3A_313 : memref<10000x16xf32, #tpu.memory_space<hbm>>) dst(%arg10 : memref<512x16xf32, #tpu.memory_space<vmem>>)
      %scan3A_314 = arith.constant 0 : i32
      %scan3A_315 = arith.constant 0 : i32
      %scan3A_316 = arith.constant 512 : i32
      %scan3A_317 = arith.addi %scan3A_315, %scan3A_316 : i32
      %scan3A_318 = arith.constant 1 : i32
      scf.for %scan3A_984 = %scan3A_315 to %scan3A_317 step %scan3A_318  : i32 {
        %get3A = arith.index_cast %scan3A_984 : i32 to index
        %get3A_985 = arith.constant 32 : index
        %get3A_986 = tpu.vector_load %arg9[%get3A, %get3A_985] {strides = array<i32>} : memref<512x48xf32, #tpu.memory_space<vmem>>, vector<1x16xf32>,
        %get3A_987 = vector.shape_cast %get3A_986 : vector<1x16xf32> to vector<16xf32>
        %get3A_988 = arith.index_cast %scan3A_984 : i32 to index
        %get3A_989 = arith.constant 0 : index
        %get3A_990 = tpu.vector_load %arg10[%get3A_988, %get3A_989] {strides = array<i32>} : memref<512x16xf32, #tpu.memory_space<vmem>>, vector<1x16xf32>,
        %get3A_991 = vector.shape_cast %get3A_990 : vector<1x16xf32> to vector<16xf32>
        %sub3A = arith.subf %get3A_987, %get3A_991 : vector<16xf32>
        %swap3A = arith.index_cast %scan3A_984 : i32 to index
        %swap3A_992 = arith.constant 32 : index
        %swap3A_993 = tpu.vector_load %arg9[%swap3A, %swap3A_992] {strides = array<i32>} : memref<512x48xf32, #tpu.memory_space<vmem>>, vector<1x16xf32>,
        %swap3A_994 = vector.shape_cast %swap3A_993 : vector<1x16xf32> to vector<16xf32>
        %swap3A_995 = vector.shape_cast %sub3A : vector<16xf32> to vector<1x16xf32>
        tpu.vector_store %arg9[%swap3A, %swap3A_992], %swap3A_995 {strides = array<i32>} : memref<512x48xf32, #tpu.memory_space<vmem>>, vector<1x16xf32>,
      }
      %scan3A_319 = arith.constant 512 : i32
      %add3A_320 = arith.constant 7680 : i32
      %add3A_321 = arith.addi %mul3A_0, %add3A_320 : i32
      "tpu.region"() ({
        %run_scoped3A = tpu.sem_alloc : memref<!tpu.dma_semaphore, #tpu.memory_space<semaphore_mem>>
        %dma_start3A_984 = arith.constant 0 : i32
        %dma_start3A_985 = tpu.memref_slice %arg6[%add3A_321, %dma_start3A_984] : memref<327680x48xf32, #tpu.memory_space<hbm>> -> memref<512x48xf32, #tpu.memory_space<hbm>>
        %dma_start3A_986 = arith.constant 0 : i32
        %dma_start3A_987 = tpu.memref_slice %arg6[%add3A_321, %dma_start3A_986] : memref<327680x48xf32, #tpu.memory_space<hbm>> -> memref<512x48xf32, #tpu.memory_space<hbm>>
        tpu.enqueue_dma source(%arg9 : memref<512x48xf32, #tpu.memory_space<vmem>>) target(%dma_start3A_987 : memref<512x48xf32, #tpu.memory_space<hbm>>) target_semaphore(%run_scoped3A : memref<!tpu.dma_semaphore, #tpu.memory_space<semaphore_mem>>)
        %dma_wait3A_988 = arith.constant 0 : i32
        %dma_wait3A_989 = tpu.memref_slice %arg6[%add3A_321, %dma_wait3A_988] : memref<327680x48xf32, #tpu.memory_space<hbm>> -> memref<512x48xf32, #tpu.memory_space<hbm>>
        %dma_wait3A_990 = arith.constant 0 : i32
        %dma_wait3A_991 = tpu.memref_slice %arg6[%add3A_321, %dma_wait3A_990] : memref<327680x48xf32, #tpu.memory_space<hbm>> -> memref<512x48xf32, #tpu.memory_space<hbm>>
        tpu.wait_dma2 semaphore(%run_scoped3A : memref<!tpu.dma_semaphore, #tpu.memory_space<semaphore_mem>>) src(%arg9 : memref<512x48xf32, #tpu.memory_space<vmem>>) dst(%dma_wait3A_991 : memref<512x48xf32, #tpu.memory_space<hbm>>)
        tpu.yield
      }) : () -> ()
      %dma_start3A_322 = arith.constant 8704 : i32
      %dma_start3A_323 = tpu.memref_slice %arg7[%dma_start3A_322] : memref<20480xi32, #tpu.memory_space<vmem>> -> memref<512xi32, #tpu.memory_space<vmem>>
      %dma_start3A_324 = arith.constant 0 : i32
      %dma_start3A_325 = arith.constant 0 : i32
      %dma_start3A_326 = tpu.memref_slice %arg2[%dma_start3A_324, %dma_start3A_325] : memref<10000x48xf32, #tpu.memory_space<hbm>> -> memref<10000x48xf32, #tpu.memory_space<hbm>>
      tpu.enqueue_indirect_dma source(%dma_start3A_326 : memref<10000x48xf32, #tpu.memory_space<hbm>>) target(%arg9 : memref<512x48xf32, #tpu.memory_space<vmem>>) offsets(%dma_start3A_323 : memref<512xi32, #tpu.memory_space<vmem>>) semaphore(%arg13 : memref<!tpu.dma_semaphore, #tpu.memory_space<semaphore_mem>>)
      %dma_start3A_327 = arith.constant 8704 : i32
      %dma_start3A_328 = tpu.memref_slice %arg8[%dma_start3A_327] : memref<20480xi32, #tpu.memory_space<vmem>> -> memref<512xi32, #tpu.memory_space<vmem>>
      %dma_start3A_329 = arith.constant 0 : i32
      %dma_start3A_330 = arith.constant 0 : i32
      %dma_start3A_331 = tpu.memref_slice %arg3[%dma_start3A_329, %dma_start3A_330] : memref<10000x16xf32, #tpu.memory_space<hbm>> -> memref<10000x16xf32, #tpu.memory_space<hbm>>
      tpu.enqueue_indirect_dma source(%dma_start3A_331 : memref<10000x16xf32, #tpu.memory_space<hbm>>) target(%arg10 : memref<512x16xf32, #tpu.memory_space<vmem>>) offsets(%dma_start3A_328 : memref<512xi32, #tpu.memory_space<vmem>>) semaphore(%arg13 : memref<!tpu.dma_semaphore, #tpu.memory_space<semaphore_mem>>)
      %dma_wait3A_332 = arith.constant 8192 : i32
      %dma_wait3A_333 = tpu.memref_slice %arg7[%dma_wait3A_332] : memref<20480xi32, #tpu.memory_space<vmem>> -> memref<512xi32, #tpu.memory_space<vmem>>
      %dma_wait3A_334 = arith.constant 0 : i32
      %dma_wait3A_335 = arith.constant 0 : i32
      %dma_wait3A_336 = tpu.memref_slice %arg2[%dma_wait3A_334, %dma_wait3A_335] : memref<10000x48xf32, #tpu.memory_space<hbm>> -> memref<10000x48xf32, #tpu.memory_space<hbm>>
      tpu.wait_indirect_dma semaphore(%arg14 : memref<!tpu.dma_semaphore, #tpu.memory_space<semaphore_mem>>) src(%dma_wait3A_336 : memref<10000x48xf32, #tpu.memory_space<hbm>>) dst(%arg11 : memref<512x48xf32, #tpu.memory_space<vmem>>)
      %dma_wait3A_337 = arith.constant 8192 : i32
      %dma_wait3A_338 = tpu.memref_slice %arg8[%dma_wait3A_337] : memref<20480xi32, #tpu.memory_space<vmem>> -> memref<512xi32, #tpu.memory_space<vmem>>
      %dma_wait3A_339 = arith.constant 0 : i32
      %dma_wait3A_340 = arith.constant 0 : i32
      %dma_wait3A_341 = tpu.memref_slice %arg3[%dma_wait3A_339, %dma_wait3A_340] : memref<10000x16xf32, #tpu.memory_space<hbm>> -> memref<10000x16xf32, #tpu.memory_space<hbm>>
      tpu.wait_indirect_dma semaphore(%arg14 : memref<!tpu.dma_semaphore, #tpu.memory_space<semaphore_mem>>) src(%dma_wait3A_341 : memref<10000x16xf32, #tpu.memory_space<hbm>>) dst(%arg12 : memref<512x16xf32, #tpu.memory_space<vmem>>)
      %scan3A_342 = arith.constant 0 : i32
      %scan3A_343 = arith.constant 0 : i32
      %scan3A_344 = arith.constant 512 : i32
      %scan3A_345 = arith.addi %scan3A_343, %scan3A_344 : i32
      %scan3A_346 = arith.constant 1 : i32
      scf.for %scan3A_984 = %scan3A_343 to %scan3A_345 step %scan3A_346  : i32 {
        %get3A = arith.index_cast %scan3A_984 : i32 to index
        %get3A_985 = arith.constant 32 : index
        %get3A_986 = tpu.vector_load %arg11[%get3A, %get3A_985] {strides = array<i32>} : memref<512x48xf32, #tpu.memory_space<vmem>>, vector<1x16xf32>,
        %get3A_987 = vector.shape_cast %get3A_986 : vector<1x16xf32> to vector<16xf32>
        %get3A_988 = arith.index_cast %scan3A_984 : i32 to index
        %get3A_989 = arith.constant 0 : index
        %get3A_990 = tpu.vector_load %arg12[%get3A_988, %get3A_989] {strides = array<i32>} : memref<512x16xf32, #tpu.memory_space<vmem>>, vector<1x16xf32>,
        %get3A_991 = vector.shape_cast %get3A_990 : vector<1x16xf32> to vector<16xf32>
        %sub3A = arith.subf %get3A_987, %get3A_991 : vector<16xf32>
        %swap3A = arith.index_cast %scan3A_984 : i32 to index
        %swap3A_992 = arith.constant 32 : index
        %swap3A_993 = tpu.vector_load %arg11[%swap3A, %swap3A_992] {strides = array<i32>} : memref<512x48xf32, #tpu.memory_space<vmem>>, vector<1x16xf32>,
        %swap3A_994 = vector.shape_cast %swap3A_993 : vector<1x16xf32> to vector<16xf32>
        %swap3A_995 = vector.shape_cast %sub3A : vector<16xf32> to vector<1x16xf32>
        tpu.vector_store %arg11[%swap3A, %swap3A_992], %swap3A_995 {strides = array<i32>} : memref<512x48xf32, #tpu.memory_space<vmem>>, vector<1x16xf32>,
      }
      %scan3A_347 = arith.constant 512 : i32
      %add3A_348 = arith.constant 8192 : i32
      %add3A_349 = arith.addi %mul3A_0, %add3A_348 : i32
      "tpu.region"() ({
        %run_scoped3A = tpu.sem_alloc : memref<!tpu.dma_semaphore, #tpu.memory_space<semaphore_mem>>
        %dma_start3A_984 = arith.constant 0 : i32
        %dma_start3A_985 = tpu.memref_slice %arg6[%add3A_349, %dma_start3A_984] : memref<327680x48xf32, #tpu.memory_space<hbm>> -> memref<512x48xf32, #tpu.memory_space<hbm>>
        %dma_start3A_986 = arith.constant 0 : i32
        %dma_start3A_987 = tpu.memref_slice %arg6[%add3A_349, %dma_start3A_986] : memref<327680x48xf32, #tpu.memory_space<hbm>> -> memref<512x48xf32, #tpu.memory_space<hbm>>
        tpu.enqueue_dma source(%arg11 : memref<512x48xf32, #tpu.memory_space<vmem>>) target(%dma_start3A_987 : memref<512x48xf32, #tpu.memory_space<hbm>>) target_semaphore(%run_scoped3A : memref<!tpu.dma_semaphore, #tpu.memory_space<semaphore_mem>>)
        %dma_wait3A_988 = arith.constant 0 : i32
        %dma_wait3A_989 = tpu.memref_slice %arg6[%add3A_349, %dma_wait3A_988] : memref<327680x48xf32, #tpu.memory_space<hbm>> -> memref<512x48xf32, #tpu.memory_space<hbm>>
        %dma_wait3A_990 = arith.constant 0 : i32
        %dma_wait3A_991 = tpu.memref_slice %arg6[%add3A_349, %dma_wait3A_990] : memref<327680x48xf32, #tpu.memory_space<hbm>> -> memref<512x48xf32, #tpu.memory_space<hbm>>
        tpu.wait_dma2 semaphore(%run_scoped3A : memref<!tpu.dma_semaphore, #tpu.memory_space<semaphore_mem>>) src(%arg11 : memref<512x48xf32, #tpu.memory_space<vmem>>) dst(%dma_wait3A_991 : memref<512x48xf32, #tpu.memory_space<hbm>>)
        tpu.yield
      }) : () -> ()
      %dma_start3A_350 = arith.constant 9216 : i32
      %dma_start3A_351 = tpu.memref_slice %arg7[%dma_start3A_350] : memref<20480xi32, #tpu.memory_space<vmem>> -> memref<512xi32, #tpu.memory_space<vmem>>
      %dma_start3A_352 = arith.constant 0 : i32
      %dma_start3A_353 = arith.constant 0 : i32
      %dma_start3A_354 = tpu.memref_slice %arg2[%dma_start3A_352, %dma_start3A_353] : memref<10000x48xf32, #tpu.memory_space<hbm>> -> memref<10000x48xf32, #tpu.memory_space<hbm>>
      tpu.enqueue_indirect_dma source(%dma_start3A_354 : memref<10000x48xf32, #tpu.memory_space<hbm>>) target(%arg11 : memref<512x48xf32, #tpu.memory_space<vmem>>) offsets(%dma_start3A_351 : memref<512xi32, #tpu.memory_space<vmem>>) semaphore(%arg14 : memref<!tpu.dma_semaphore, #tpu.memory_space<semaphore_mem>>)
      %dma_start3A_355 = arith.constant 9216 : i32
      %dma_start3A_356 = tpu.memref_slice %arg8[%dma_start3A_355] : memref<20480xi32, #tpu.memory_space<vmem>> -> memref<512xi32, #tpu.memory_space<vmem>>
      %dma_start3A_357 = arith.constant 0 : i32
      %dma_start3A_358 = arith.constant 0 : i32
      %dma_start3A_359 = tpu.memref_slice %arg3[%dma_start3A_357, %dma_start3A_358] : memref<10000x16xf32, #tpu.memory_space<hbm>> -> memref<10000x16xf32, #tpu.memory_space<hbm>>
      tpu.enqueue_indirect_dma source(%dma_start3A_359 : memref<10000x16xf32, #tpu.memory_space<hbm>>) target(%arg12 : memref<512x16xf32, #tpu.memory_space<vmem>>) offsets(%dma_start3A_356 : memref<512xi32, #tpu.memory_space<vmem>>) semaphore(%arg14 : memref<!tpu.dma_semaphore, #tpu.memory_space<semaphore_mem>>)
      %dma_wait3A_360 = arith.constant 8704 : i32
      %dma_wait3A_361 = tpu.memref_slice %arg7[%dma_wait3A_360] : memref<20480xi32, #tpu.memory_space<vmem>> -> memref<512xi32, #tpu.memory_space<vmem>>
      %dma_wait3A_362 = arith.constant 0 : i32
      %dma_wait3A_363 = arith.constant 0 : i32
      %dma_wait3A_364 = tpu.memref_slice %arg2[%dma_wait3A_362, %dma_wait3A_363] : memref<10000x48xf32, #tpu.memory_space<hbm>> -> memref<10000x48xf32, #tpu.memory_space<hbm>>
      tpu.wait_indirect_dma semaphore(%arg13 : memref<!tpu.dma_semaphore, #tpu.memory_space<semaphore_mem>>) src(%dma_wait3A_364 : memref<10000x48xf32, #tpu.memory_space<hbm>>) dst(%arg9 : memref<512x48xf32, #tpu.memory_space<vmem>>)
      %dma_wait3A_365 = arith.constant 8704 : i32
      %dma_wait3A_366 = tpu.memref_slice %arg8[%dma_wait3A_365] : memref<20480xi32, #tpu.memory_space<vmem>> -> memref<512xi32, #tpu.memory_space<vmem>>
      %dma_wait3A_367 = arith.constant 0 : i32
      %dma_wait3A_368 = arith.constant 0 : i32
      %dma_wait3A_369 = tpu.memref_slice %arg3[%dma_wait3A_367, %dma_wait3A_368] : memref<10000x16xf32, #tpu.memory_space<hbm>> -> memref<10000x16xf32, #tpu.memory_space<hbm>>
      tpu.wait_indirect_dma semaphore(%arg13 : memref<!tpu.dma_semaphore, #tpu.memory_space<semaphore_mem>>) src(%dma_wait3A_369 : memref<10000x16xf32, #tpu.memory_space<hbm>>) dst(%arg10 : memref<512x16xf32, #tpu.memory_space<vmem>>)
      %scan3A_370 = arith.constant 0 : i32
      %scan3A_371 = arith.constant 0 : i32
      %scan3A_372 = arith.constant 512 : i32
      %scan3A_373 = arith.addi %scan3A_371, %scan3A_372 : i32
      %scan3A_374 = arith.constant 1 : i32
      scf.for %scan3A_984 = %scan3A_371 to %scan3A_373 step %scan3A_374  : i32 {
        %get3A = arith.index_cast %scan3A_984 : i32 to index
        %get3A_985 = arith.constant 32 : index
        %get3A_986 = tpu.vector_load %arg9[%get3A, %get3A_985] {strides = array<i32>} : memref<512x48xf32, #tpu.memory_space<vmem>>, vector<1x16xf32>,
        %get3A_987 = vector.shape_cast %get3A_986 : vector<1x16xf32> to vector<16xf32>
        %get3A_988 = arith.index_cast %scan3A_984 : i32 to index
        %get3A_989 = arith.constant 0 : index
        %get3A_990 = tpu.vector_load %arg10[%get3A_988, %get3A_989] {strides = array<i32>} : memref<512x16xf32, #tpu.memory_space<vmem>>, vector<1x16xf32>,
        %get3A_991 = vector.shape_cast %get3A_990 : vector<1x16xf32> to vector<16xf32>
        %sub3A = arith.subf %get3A_987, %get3A_991 : vector<16xf32>
        %swap3A = arith.index_cast %scan3A_984 : i32 to index
        %swap3A_992 = arith.constant 32 : index
        %swap3A_993 = tpu.vector_load %arg9[%swap3A, %swap3A_992] {strides = array<i32>} : memref<512x48xf32, #tpu.memory_space<vmem>>, vector<1x16xf32>,
        %swap3A_994 = vector.shape_cast %swap3A_993 : vector<1x16xf32> to vector<16xf32>
        %swap3A_995 = vector.shape_cast %sub3A : vector<16xf32> to vector<1x16xf32>
        tpu.vector_store %arg9[%swap3A, %swap3A_992], %swap3A_995 {strides = array<i32>} : memref<512x48xf32, #tpu.memory_space<vmem>>, vector<1x16xf32>,
      }
      %scan3A_375 = arith.constant 512 : i32
      %add3A_376 = arith.constant 8704 : i32
      %add3A_377 = arith.addi %mul3A_0, %add3A_376 : i32
      "tpu.region"() ({
        %run_scoped3A = tpu.sem_alloc : memref<!tpu.dma_semaphore, #tpu.memory_space<semaphore_mem>>
        %dma_start3A_984 = arith.constant 0 : i32
        %dma_start3A_985 = tpu.memref_slice %arg6[%add3A_377, %dma_start3A_984] : memref<327680x48xf32, #tpu.memory_space<hbm>> -> memref<512x48xf32, #tpu.memory_space<hbm>>
        %dma_start3A_986 = arith.constant 0 : i32
        %dma_start3A_987 = tpu.memref_slice %arg6[%add3A_377, %dma_start3A_986] : memref<327680x48xf32, #tpu.memory_space<hbm>> -> memref<512x48xf32, #tpu.memory_space<hbm>>
        tpu.enqueue_dma source(%arg9 : memref<512x48xf32, #tpu.memory_space<vmem>>) target(%dma_start3A_987 : memref<512x48xf32, #tpu.memory_space<hbm>>) target_semaphore(%run_scoped3A : memref<!tpu.dma_semaphore, #tpu.memory_space<semaphore_mem>>)
        %dma_wait3A_988 = arith.constant 0 : i32
        %dma_wait3A_989 = tpu.memref_slice %arg6[%add3A_377, %dma_wait3A_988] : memref<327680x48xf32, #tpu.memory_space<hbm>> -> memref<512x48xf32, #tpu.memory_space<hbm>>
        %dma_wait3A_990 = arith.constant 0 : i32
        %dma_wait3A_991 = tpu.memref_slice %arg6[%add3A_377, %dma_wait3A_990] : memref<327680x48xf32, #tpu.memory_space<hbm>> -> memref<512x48xf32, #tpu.memory_space<hbm>>
        tpu.wait_dma2 semaphore(%run_scoped3A : memref<!tpu.dma_semaphore, #tpu.memory_space<semaphore_mem>>) src(%arg9 : memref<512x48xf32, #tpu.memory_space<vmem>>) dst(%dma_wait3A_991 : memref<512x48xf32, #tpu.memory_space<hbm>>)
        tpu.yield
      }) : () -> ()
      %dma_start3A_378 = arith.constant 9728 : i32
      %dma_start3A_379 = tpu.memref_slice %arg7[%dma_start3A_378] : memref<20480xi32, #tpu.memory_space<vmem>> -> memref<512xi32, #tpu.memory_space<vmem>>
      %dma_start3A_380 = arith.constant 0 : i32
      %dma_start3A_381 = arith.constant 0 : i32
      %dma_start3A_382 = tpu.memref_slice %arg2[%dma_start3A_380, %dma_start3A_381] : memref<10000x48xf32, #tpu.memory_space<hbm>> -> memref<10000x48xf32, #tpu.memory_space<hbm>>
      tpu.enqueue_indirect_dma source(%dma_start3A_382 : memref<10000x48xf32, #tpu.memory_space<hbm>>) target(%arg9 : memref<512x48xf32, #tpu.memory_space<vmem>>) offsets(%dma_start3A_379 : memref<512xi32, #tpu.memory_space<vmem>>) semaphore(%arg13 : memref<!tpu.dma_semaphore, #tpu.memory_space<semaphore_mem>>)
      %dma_start3A_383 = arith.constant 9728 : i32
      %dma_start3A_384 = tpu.memref_slice %arg8[%dma_start3A_383] : memref<20480xi32, #tpu.memory_space<vmem>> -> memref<512xi32, #tpu.memory_space<vmem>>
      %dma_start3A_385 = arith.constant 0 : i32
      %dma_start3A_386 = arith.constant 0 : i32
      %dma_start3A_387 = tpu.memref_slice %arg3[%dma_start3A_385, %dma_start3A_386] : memref<10000x16xf32, #tpu.memory_space<hbm>> -> memref<10000x16xf32, #tpu.memory_space<hbm>>
      tpu.enqueue_indirect_dma source(%dma_start3A_387 : memref<10000x16xf32, #tpu.memory_space<hbm>>) target(%arg10 : memref<512x16xf32, #tpu.memory_space<vmem>>) offsets(%dma_start3A_384 : memref<512xi32, #tpu.memory_space<vmem>>) semaphore(%arg13 : memref<!tpu.dma_semaphore, #tpu.memory_space<semaphore_mem>>)
      %dma_wait3A_388 = arith.constant 9216 : i32
      %dma_wait3A_389 = tpu.memref_slice %arg7[%dma_wait3A_388] : memref<20480xi32, #tpu.memory_space<vmem>> -> memref<512xi32, #tpu.memory_space<vmem>>
      %dma_wait3A_390 = arith.constant 0 : i32
      %dma_wait3A_391 = arith.constant 0 : i32
      %dma_wait3A_392 = tpu.memref_slice %arg2[%dma_wait3A_390, %dma_wait3A_391] : memref<10000x48xf32, #tpu.memory_space<hbm>> -> memref<10000x48xf32, #tpu.memory_space<hbm>>
      tpu.wait_indirect_dma semaphore(%arg14 : memref<!tpu.dma_semaphore, #tpu.memory_space<semaphore_mem>>) src(%dma_wait3A_392 : memref<10000x48xf32, #tpu.memory_space<hbm>>) dst(%arg11 : memref<512x48xf32, #tpu.memory_space<vmem>>)
      %dma_wait3A_393 = arith.constant 9216 : i32
      %dma_wait3A_394 = tpu.memref_slice %arg8[%dma_wait3A_393] : memref<20480xi32, #tpu.memory_space<vmem>> -> memref<512xi32, #tpu.memory_space<vmem>>
      %dma_wait3A_395 = arith.constant 0 : i32
      %dma_wait3A_396 = arith.constant 0 : i32
      %dma_wait3A_397 = tpu.memref_slice %arg3[%dma_wait3A_395, %dma_wait3A_396] : memref<10000x16xf32, #tpu.memory_space<hbm>> -> memref<10000x16xf32, #tpu.memory_space<hbm>>
      tpu.wait_indirect_dma semaphore(%arg14 : memref<!tpu.dma_semaphore, #tpu.memory_space<semaphore_mem>>) src(%dma_wait3A_397 : memref<10000x16xf32, #tpu.memory_space<hbm>>) dst(%arg12 : memref<512x16xf32, #tpu.memory_space<vmem>>)
      %scan3A_398 = arith.constant 0 : i32
      %scan3A_399 = arith.constant 0 : i32
      %scan3A_400 = arith.constant 512 : i32
      %scan3A_401 = arith.addi %scan3A_399, %scan3A_400 : i32
      %scan3A_402 = arith.constant 1 : i32
      scf.for %scan3A_984 = %scan3A_399 to %scan3A_401 step %scan3A_402  : i32 {
        %get3A = arith.index_cast %scan3A_984 : i32 to index
        %get3A_985 = arith.constant 32 : index
        %get3A_986 = tpu.vector_load %arg11[%get3A, %get3A_985] {strides = array<i32>} : memref<512x48xf32, #tpu.memory_space<vmem>>, vector<1x16xf32>,
        %get3A_987 = vector.shape_cast %get3A_986 : vector<1x16xf32> to vector<16xf32>
        %get3A_988 = arith.index_cast %scan3A_984 : i32 to index
        %get3A_989 = arith.constant 0 : index
        %get3A_990 = tpu.vector_load %arg12[%get3A_988, %get3A_989] {strides = array<i32>} : memref<512x16xf32, #tpu.memory_space<vmem>>, vector<1x16xf32>,
        %get3A_991 = vector.shape_cast %get3A_990 : vector<1x16xf32> to vector<16xf32>
        %sub3A = arith.subf %get3A_987, %get3A_991 : vector<16xf32>
        %swap3A = arith.index_cast %scan3A_984 : i32 to index
        %swap3A_992 = arith.constant 32 : index
        %swap3A_993 = tpu.vector_load %arg11[%swap3A, %swap3A_992] {strides = array<i32>} : memref<512x48xf32, #tpu.memory_space<vmem>>, vector<1x16xf32>,
        %swap3A_994 = vector.shape_cast %swap3A_993 : vector<1x16xf32> to vector<16xf32>
        %swap3A_995 = vector.shape_cast %sub3A : vector<16xf32> to vector<1x16xf32>
        tpu.vector_store %arg11[%swap3A, %swap3A_992], %swap3A_995 {strides = array<i32>} : memref<512x48xf32, #tpu.memory_space<vmem>>, vector<1x16xf32>,
      }
      %scan3A_403 = arith.constant 512 : i32
      %add3A_404 = arith.constant 9216 : i32
      %add3A_405 = arith.addi %mul3A_0, %add3A_404 : i32
      "tpu.region"() ({
        %run_scoped3A = tpu.sem_alloc : memref<!tpu.dma_semaphore, #tpu.memory_space<semaphore_mem>>
        %dma_start3A_984 = arith.constant 0 : i32
        %dma_start3A_985 = tpu.memref_slice %arg6[%add3A_405, %dma_start3A_984] : memref<327680x48xf32, #tpu.memory_space<hbm>> -> memref<512x48xf32, #tpu.memory_space<hbm>>
        %dma_start3A_986 = arith.constant 0 : i32
        %dma_start3A_987 = tpu.memref_slice %arg6[%add3A_405, %dma_start3A_986] : memref<327680x48xf32, #tpu.memory_space<hbm>> -> memref<512x48xf32, #tpu.memory_space<hbm>>
        tpu.enqueue_dma source(%arg11 : memref<512x48xf32, #tpu.memory_space<vmem>>) target(%dma_start3A_987 : memref<512x48xf32, #tpu.memory_space<hbm>>) target_semaphore(%run_scoped3A : memref<!tpu.dma_semaphore, #tpu.memory_space<semaphore_mem>>)
        %dma_wait3A_988 = arith.constant 0 : i32
        %dma_wait3A_989 = tpu.memref_slice %arg6[%add3A_405, %dma_wait3A_988] : memref<327680x48xf32, #tpu.memory_space<hbm>> -> memref<512x48xf32, #tpu.memory_space<hbm>>
        %dma_wait3A_990 = arith.constant 0 : i32
        %dma_wait3A_991 = tpu.memref_slice %arg6[%add3A_405, %dma_wait3A_990] : memref<327680x48xf32, #tpu.memory_space<hbm>> -> memref<512x48xf32, #tpu.memory_space<hbm>>
        tpu.wait_dma2 semaphore(%run_scoped3A : memref<!tpu.dma_semaphore, #tpu.memory_space<semaphore_mem>>) src(%arg11 : memref<512x48xf32, #tpu.memory_space<vmem>>) dst(%dma_wait3A_991 : memref<512x48xf32, #tpu.memory_space<hbm>>)
        tpu.yield
      }) : () -> ()
      %dma_start3A_406 = arith.constant 10240 : i32
      %dma_start3A_407 = tpu.memref_slice %arg7[%dma_start3A_406] : memref<20480xi32, #tpu.memory_space<vmem>> -> memref<512xi32, #tpu.memory_space<vmem>>
      %dma_start3A_408 = arith.constant 0 : i32
      %dma_start3A_409 = arith.constant 0 : i32
      %dma_start3A_410 = tpu.memref_slice %arg2[%dma_start3A_408, %dma_start3A_409] : memref<10000x48xf32, #tpu.memory_space<hbm>> -> memref<10000x48xf32, #tpu.memory_space<hbm>>
      tpu.enqueue_indirect_dma source(%dma_start3A_410 : memref<10000x48xf32, #tpu.memory_space<hbm>>) target(%arg11 : memref<512x48xf32, #tpu.memory_space<vmem>>) offsets(%dma_start3A_407 : memref<512xi32, #tpu.memory_space<vmem>>) semaphore(%arg14 : memref<!tpu.dma_semaphore, #tpu.memory_space<semaphore_mem>>)
      %dma_start3A_411 = arith.constant 10240 : i32
      %dma_start3A_412 = tpu.memref_slice %arg8[%dma_start3A_411] : memref<20480xi32, #tpu.memory_space<vmem>> -> memref<512xi32, #tpu.memory_space<vmem>>
      %dma_start3A_413 = arith.constant 0 : i32
      %dma_start3A_414 = arith.constant 0 : i32
      %dma_start3A_415 = tpu.memref_slice %arg3[%dma_start3A_413, %dma_start3A_414] : memref<10000x16xf32, #tpu.memory_space<hbm>> -> memref<10000x16xf32, #tpu.memory_space<hbm>>
      tpu.enqueue_indirect_dma source(%dma_start3A_415 : memref<10000x16xf32, #tpu.memory_space<hbm>>) target(%arg12 : memref<512x16xf32, #tpu.memory_space<vmem>>) offsets(%dma_start3A_412 : memref<512xi32, #tpu.memory_space<vmem>>) semaphore(%arg14 : memref<!tpu.dma_semaphore, #tpu.memory_space<semaphore_mem>>)
      %dma_wait3A_416 = arith.constant 9728 : i32
      %dma_wait3A_417 = tpu.memref_slice %arg7[%dma_wait3A_416] : memref<20480xi32, #tpu.memory_space<vmem>> -> memref<512xi32, #tpu.memory_space<vmem>>
      %dma_wait3A_418 = arith.constant 0 : i32
      %dma_wait3A_419 = arith.constant 0 : i32
      %dma_wait3A_420 = tpu.memref_slice %arg2[%dma_wait3A_418, %dma_wait3A_419] : memref<10000x48xf32, #tpu.memory_space<hbm>> -> memref<10000x48xf32, #tpu.memory_space<hbm>>
      tpu.wait_indirect_dma semaphore(%arg13 : memref<!tpu.dma_semaphore, #tpu.memory_space<semaphore_mem>>) src(%dma_wait3A_420 : memref<10000x48xf32, #tpu.memory_space<hbm>>) dst(%arg9 : memref<512x48xf32, #tpu.memory_space<vmem>>)
      %dma_wait3A_421 = arith.constant 9728 : i32
      %dma_wait3A_422 = tpu.memref_slice %arg8[%dma_wait3A_421] : memref<20480xi32, #tpu.memory_space<vmem>> -> memref<512xi32, #tpu.memory_space<vmem>>
      %dma_wait3A_423 = arith.constant 0 : i32
      %dma_wait3A_424 = arith.constant 0 : i32
      %dma_wait3A_425 = tpu.memref_slice %arg3[%dma_wait3A_423, %dma_wait3A_424] : memref<10000x16xf32, #tpu.memory_space<hbm>> -> memref<10000x16xf32, #tpu.memory_space<hbm>>
      tpu.wait_indirect_dma semaphore(%arg13 : memref<!tpu.dma_semaphore, #tpu.memory_space<semaphore_mem>>) src(%dma_wait3A_425 : memref<10000x16xf32, #tpu.memory_space<hbm>>) dst(%arg10 : memref<512x16xf32, #tpu.memory_space<vmem>>)
      %scan3A_426 = arith.constant 0 : i32
      %scan3A_427 = arith.constant 0 : i32
      %scan3A_428 = arith.constant 512 : i32
      %scan3A_429 = arith.addi %scan3A_427, %scan3A_428 : i32
      %scan3A_430 = arith.constant 1 : i32
      scf.for %scan3A_984 = %scan3A_427 to %scan3A_429 step %scan3A_430  : i32 {
        %get3A = arith.index_cast %scan3A_984 : i32 to index
        %get3A_985 = arith.constant 32 : index
        %get3A_986 = tpu.vector_load %arg9[%get3A, %get3A_985] {strides = array<i32>} : memref<512x48xf32, #tpu.memory_space<vmem>>, vector<1x16xf32>,
        %get3A_987 = vector.shape_cast %get3A_986 : vector<1x16xf32> to vector<16xf32>
        %get3A_988 = arith.index_cast %scan3A_984 : i32 to index
        %get3A_989 = arith.constant 0 : index
        %get3A_990 = tpu.vector_load %arg10[%get3A_988, %get3A_989] {strides = array<i32>} : memref<512x16xf32, #tpu.memory_space<vmem>>, vector<1x16xf32>,
        %get3A_991 = vector.shape_cast %get3A_990 : vector<1x16xf32> to vector<16xf32>
        %sub3A = arith.subf %get3A_987, %get3A_991 : vector<16xf32>
        %swap3A = arith.index_cast %scan3A_984 : i32 to index
        %swap3A_992 = arith.constant 32 : index
        %swap3A_993 = tpu.vector_load %arg9[%swap3A, %swap3A_992] {strides = array<i32>} : memref<512x48xf32, #tpu.memory_space<vmem>>, vector<1x16xf32>,
        %swap3A_994 = vector.shape_cast %swap3A_993 : vector<1x16xf32> to vector<16xf32>
        %swap3A_995 = vector.shape_cast %sub3A : vector<16xf32> to vector<1x16xf32>
        tpu.vector_store %arg9[%swap3A, %swap3A_992], %swap3A_995 {strides = array<i32>} : memref<512x48xf32, #tpu.memory_space<vmem>>, vector<1x16xf32>,
      }
      %scan3A_431 = arith.constant 512 : i32
      %add3A_432 = arith.constant 9728 : i32
      %add3A_433 = arith.addi %mul3A_0, %add3A_432 : i32
      "tpu.region"() ({
        %run_scoped3A = tpu.sem_alloc : memref<!tpu.dma_semaphore, #tpu.memory_space<semaphore_mem>>
        %dma_start3A_984 = arith.constant 0 : i32
        %dma_start3A_985 = tpu.memref_slice %arg6[%add3A_433, %dma_start3A_984] : memref<327680x48xf32, #tpu.memory_space<hbm>> -> memref<512x48xf32, #tpu.memory_space<hbm>>
        %dma_start3A_986 = arith.constant 0 : i32
        %dma_start3A_987 = tpu.memref_slice %arg6[%add3A_433, %dma_start3A_986] : memref<327680x48xf32, #tpu.memory_space<hbm>> -> memref<512x48xf32, #tpu.memory_space<hbm>>
        tpu.enqueue_dma source(%arg9 : memref<512x48xf32, #tpu.memory_space<vmem>>) target(%dma_start3A_987 : memref<512x48xf32, #tpu.memory_space<hbm>>) target_semaphore(%run_scoped3A : memref<!tpu.dma_semaphore, #tpu.memory_space<semaphore_mem>>)
        %dma_wait3A_988 = arith.constant 0 : i32
        %dma_wait3A_989 = tpu.memref_slice %arg6[%add3A_433, %dma_wait3A_988] : memref<327680x48xf32, #tpu.memory_space<hbm>> -> memref<512x48xf32, #tpu.memory_space<hbm>>
        %dma_wait3A_990 = arith.constant 0 : i32
        %dma_wait3A_991 = tpu.memref_slice %arg6[%add3A_433, %dma_wait3A_990] : memref<327680x48xf32, #tpu.memory_space<hbm>> -> memref<512x48xf32, #tpu.memory_space<hbm>>
        tpu.wait_dma2 semaphore(%run_scoped3A : memref<!tpu.dma_semaphore, #tpu.memory_space<semaphore_mem>>) src(%arg9 : memref<512x48xf32, #tpu.memory_space<vmem>>) dst(%dma_wait3A_991 : memref<512x48xf32, #tpu.memory_space<hbm>>)
        tpu.yield
      }) : () -> ()
      %dma_start3A_434 = arith.constant 10752 : i32
      %dma_start3A_435 = tpu.memref_slice %arg7[%dma_start3A_434] : memref<20480xi32, #tpu.memory_space<vmem>> -> memref<512xi32, #tpu.memory_space<vmem>>
      %dma_start3A_436 = arith.constant 0 : i32
      %dma_start3A_437 = arith.constant 0 : i32
      %dma_start3A_438 = tpu.memref_slice %arg2[%dma_start3A_436, %dma_start3A_437] : memref<10000x48xf32, #tpu.memory_space<hbm>> -> memref<10000x48xf32, #tpu.memory_space<hbm>>
      tpu.enqueue_indirect_dma source(%dma_start3A_438 : memref<10000x48xf32, #tpu.memory_space<hbm>>) target(%arg9 : memref<512x48xf32, #tpu.memory_space<vmem>>) offsets(%dma_start3A_435 : memref<512xi32, #tpu.memory_space<vmem>>) semaphore(%arg13 : memref<!tpu.dma_semaphore, #tpu.memory_space<semaphore_mem>>)
      %dma_start3A_439 = arith.constant 10752 : i32
      %dma_start3A_440 = tpu.memref_slice %arg8[%dma_start3A_439] : memref<20480xi32, #tpu.memory_space<vmem>> -> memref<512xi32, #tpu.memory_space<vmem>>
      %dma_start3A_441 = arith.constant 0 : i32
      %dma_start3A_442 = arith.constant 0 : i32
      %dma_start3A_443 = tpu.memref_slice %arg3[%dma_start3A_441, %dma_start3A_442] : memref<10000x16xf32, #tpu.memory_space<hbm>> -> memref<10000x16xf32, #tpu.memory_space<hbm>>
      tpu.enqueue_indirect_dma source(%dma_start3A_443 : memref<10000x16xf32, #tpu.memory_space<hbm>>) target(%arg10 : memref<512x16xf32, #tpu.memory_space<vmem>>) offsets(%dma_start3A_440 : memref<512xi32, #tpu.memory_space<vmem>>) semaphore(%arg13 : memref<!tpu.dma_semaphore, #tpu.memory_space<semaphore_mem>>)
      %dma_wait3A_444 = arith.constant 10240 : i32
      %dma_wait3A_445 = tpu.memref_slice %arg7[%dma_wait3A_444] : memref<20480xi32, #tpu.memory_space<vmem>> -> memref<512xi32, #tpu.memory_space<vmem>>
      %dma_wait3A_446 = arith.constant 0 : i32
      %dma_wait3A_447 = arith.constant 0 : i32
      %dma_wait3A_448 = tpu.memref_slice %arg2[%dma_wait3A_446, %dma_wait3A_447] : memref<10000x48xf32, #tpu.memory_space<hbm>> -> memref<10000x48xf32, #tpu.memory_space<hbm>>
      tpu.wait_indirect_dma semaphore(%arg14 : memref<!tpu.dma_semaphore, #tpu.memory_space<semaphore_mem>>) src(%dma_wait3A_448 : memref<10000x48xf32, #tpu.memory_space<hbm>>) dst(%arg11 : memref<512x48xf32, #tpu.memory_space<vmem>>)
      %dma_wait3A_449 = arith.constant 10240 : i32
      %dma_wait3A_450 = tpu.memref_slice %arg8[%dma_wait3A_449] : memref<20480xi32, #tpu.memory_space<vmem>> -> memref<512xi32, #tpu.memory_space<vmem>>
      %dma_wait3A_451 = arith.constant 0 : i32
      %dma_wait3A_452 = arith.constant 0 : i32
      %dma_wait3A_453 = tpu.memref_slice %arg3[%dma_wait3A_451, %dma_wait3A_452] : memref<10000x16xf32, #tpu.memory_space<hbm>> -> memref<10000x16xf32, #tpu.memory_space<hbm>>
      tpu.wait_indirect_dma semaphore(%arg14 : memref<!tpu.dma_semaphore, #tpu.memory_space<semaphore_mem>>) src(%dma_wait3A_453 : memref<10000x16xf32, #tpu.memory_space<hbm>>) dst(%arg12 : memref<512x16xf32, #tpu.memory_space<vmem>>)
      %scan3A_454 = arith.constant 0 : i32
      %scan3A_455 = arith.constant 0 : i32
      %scan3A_456 = arith.constant 512 : i32
      %scan3A_457 = arith.addi %scan3A_455, %scan3A_456 : i32
      %scan3A_458 = arith.constant 1 : i32
      scf.for %scan3A_984 = %scan3A_455 to %scan3A_457 step %scan3A_458  : i32 {
        %get3A = arith.index_cast %scan3A_984 : i32 to index
        %get3A_985 = arith.constant 32 : index
        %get3A_986 = tpu.vector_load %arg11[%get3A, %get3A_985] {strides = array<i32>} : memref<512x48xf32, #tpu.memory_space<vmem>>, vector<1x16xf32>,
        %get3A_987 = vector.shape_cast %get3A_986 : vector<1x16xf32> to vector<16xf32>
        %get3A_988 = arith.index_cast %scan3A_984 : i32 to index
        %get3A_989 = arith.constant 0 : index
        %get3A_990 = tpu.vector_load %arg12[%get3A_988, %get3A_989] {strides = array<i32>} : memref<512x16xf32, #tpu.memory_space<vmem>>, vector<1x16xf32>,
        %get3A_991 = vector.shape_cast %get3A_990 : vector<1x16xf32> to vector<16xf32>
        %sub3A = arith.subf %get3A_987, %get3A_991 : vector<16xf32>
        %swap3A = arith.index_cast %scan3A_984 : i32 to index
        %swap3A_992 = arith.constant 32 : index
        %swap3A_993 = tpu.vector_load %arg11[%swap3A, %swap3A_992] {strides = array<i32>} : memref<512x48xf32, #tpu.memory_space<vmem>>, vector<1x16xf32>,
        %swap3A_994 = vector.shape_cast %swap3A_993 : vector<1x16xf32> to vector<16xf32>
        %swap3A_995 = vector.shape_cast %sub3A : vector<16xf32> to vector<1x16xf32>
        tpu.vector_store %arg11[%swap3A, %swap3A_992], %swap3A_995 {strides = array<i32>} : memref<512x48xf32, #tpu.memory_space<vmem>>, vector<1x16xf32>,
      }
      %scan3A_459 = arith.constant 512 : i32
      %add3A_460 = arith.constant 10240 : i32
      %add3A_461 = arith.addi %mul3A_0, %add3A_460 : i32
      "tpu.region"() ({
        %run_scoped3A = tpu.sem_alloc : memref<!tpu.dma_semaphore, #tpu.memory_space<semaphore_mem>>
        %dma_start3A_984 = arith.constant 0 : i32
        %dma_start3A_985 = tpu.memref_slice %arg6[%add3A_461, %dma_start3A_984] : memref<327680x48xf32, #tpu.memory_space<hbm>> -> memref<512x48xf32, #tpu.memory_space<hbm>>
        %dma_start3A_986 = arith.constant 0 : i32
        %dma_start3A_987 = tpu.memref_slice %arg6[%add3A_461, %dma_start3A_986] : memref<327680x48xf32, #tpu.memory_space<hbm>> -> memref<512x48xf32, #tpu.memory_space<hbm>>
        tpu.enqueue_dma source(%arg11 : memref<512x48xf32, #tpu.memory_space<vmem>>) target(%dma_start3A_987 : memref<512x48xf32, #tpu.memory_space<hbm>>) target_semaphore(%run_scoped3A : memref<!tpu.dma_semaphore, #tpu.memory_space<semaphore_mem>>)
        %dma_wait3A_988 = arith.constant 0 : i32
        %dma_wait3A_989 = tpu.memref_slice %arg6[%add3A_461, %dma_wait3A_988] : memref<327680x48xf32, #tpu.memory_space<hbm>> -> memref<512x48xf32, #tpu.memory_space<hbm>>
        %dma_wait3A_990 = arith.constant 0 : i32
        %dma_wait3A_991 = tpu.memref_slice %arg6[%add3A_461, %dma_wait3A_990] : memref<327680x48xf32, #tpu.memory_space<hbm>> -> memref<512x48xf32, #tpu.memory_space<hbm>>
        tpu.wait_dma2 semaphore(%run_scoped3A : memref<!tpu.dma_semaphore, #tpu.memory_space<semaphore_mem>>) src(%arg11 : memref<512x48xf32, #tpu.memory_space<vmem>>) dst(%dma_wait3A_991 : memref<512x48xf32, #tpu.memory_space<hbm>>)
        tpu.yield
      }) : () -> ()
      %dma_start3A_462 = arith.constant 11264 : i32
      %dma_start3A_463 = tpu.memref_slice %arg7[%dma_start3A_462] : memref<20480xi32, #tpu.memory_space<vmem>> -> memref<512xi32, #tpu.memory_space<vmem>>
      %dma_start3A_464 = arith.constant 0 : i32
      %dma_start3A_465 = arith.constant 0 : i32
      %dma_start3A_466 = tpu.memref_slice %arg2[%dma_start3A_464, %dma_start3A_465] : memref<10000x48xf32, #tpu.memory_space<hbm>> -> memref<10000x48xf32, #tpu.memory_space<hbm>>
      tpu.enqueue_indirect_dma source(%dma_start3A_466 : memref<10000x48xf32, #tpu.memory_space<hbm>>) target(%arg11 : memref<512x48xf32, #tpu.memory_space<vmem>>) offsets(%dma_start3A_463 : memref<512xi32, #tpu.memory_space<vmem>>) semaphore(%arg14 : memref<!tpu.dma_semaphore, #tpu.memory_space<semaphore_mem>>)
      %dma_start3A_467 = arith.constant 11264 : i32
      %dma_start3A_468 = tpu.memref_slice %arg8[%dma_start3A_467] : memref<20480xi32, #tpu.memory_space<vmem>> -> memref<512xi32, #tpu.memory_space<vmem>>
      %dma_start3A_469 = arith.constant 0 : i32
      %dma_start3A_470 = arith.constant 0 : i32
      %dma_start3A_471 = tpu.memref_slice %arg3[%dma_start3A_469, %dma_start3A_470] : memref<10000x16xf32, #tpu.memory_space<hbm>> -> memref<10000x16xf32, #tpu.memory_space<hbm>>
      tpu.enqueue_indirect_dma source(%dma_start3A_471 : memref<10000x16xf32, #tpu.memory_space<hbm>>) target(%arg12 : memref<512x16xf32, #tpu.memory_space<vmem>>) offsets(%dma_start3A_468 : memref<512xi32, #tpu.memory_space<vmem>>) semaphore(%arg14 : memref<!tpu.dma_semaphore, #tpu.memory_space<semaphore_mem>>)
      %dma_wait3A_472 = arith.constant 10752 : i32
      %dma_wait3A_473 = tpu.memref_slice %arg7[%dma_wait3A_472] : memref<20480xi32, #tpu.memory_space<vmem>> -> memref<512xi32, #tpu.memory_space<vmem>>
      %dma_wait3A_474 = arith.constant 0 : i32
      %dma_wait3A_475 = arith.constant 0 : i32
      %dma_wait3A_476 = tpu.memref_slice %arg2[%dma_wait3A_474, %dma_wait3A_475] : memref<10000x48xf32, #tpu.memory_space<hbm>> -> memref<10000x48xf32, #tpu.memory_space<hbm>>
      tpu.wait_indirect_dma semaphore(%arg13 : memref<!tpu.dma_semaphore, #tpu.memory_space<semaphore_mem>>) src(%dma_wait3A_476 : memref<10000x48xf32, #tpu.memory_space<hbm>>) dst(%arg9 : memref<512x48xf32, #tpu.memory_space<vmem>>)
      %dma_wait3A_477 = arith.constant 10752 : i32
      %dma_wait3A_478 = tpu.memref_slice %arg8[%dma_wait3A_477] : memref<20480xi32, #tpu.memory_space<vmem>> -> memref<512xi32, #tpu.memory_space<vmem>>
      %dma_wait3A_479 = arith.constant 0 : i32
      %dma_wait3A_480 = arith.constant 0 : i32
      %dma_wait3A_481 = tpu.memref_slice %arg3[%dma_wait3A_479, %dma_wait3A_480] : memref<10000x16xf32, #tpu.memory_space<hbm>> -> memref<10000x16xf32, #tpu.memory_space<hbm>>
      tpu.wait_indirect_dma semaphore(%arg13 : memref<!tpu.dma_semaphore, #tpu.memory_space<semaphore_mem>>) src(%dma_wait3A_481 : memref<10000x16xf32, #tpu.memory_space<hbm>>) dst(%arg10 : memref<512x16xf32, #tpu.memory_space<vmem>>)
      %scan3A_482 = arith.constant 0 : i32
      %scan3A_483 = arith.constant 0 : i32
      %scan3A_484 = arith.constant 512 : i32
      %scan3A_485 = arith.addi %scan3A_483, %scan3A_484 : i32
      %scan3A_486 = arith.constant 1 : i32
      scf.for %scan3A_984 = %scan3A_483 to %scan3A_485 step %scan3A_486  : i32 {
        %get3A = arith.index_cast %scan3A_984 : i32 to index
        %get3A_985 = arith.constant 32 : index
        %get3A_986 = tpu.vector_load %arg9[%get3A, %get3A_985] {strides = array<i32>} : memref<512x48xf32, #tpu.memory_space<vmem>>, vector<1x16xf32>,
        %get3A_987 = vector.shape_cast %get3A_986 : vector<1x16xf32> to vector<16xf32>
        %get3A_988 = arith.index_cast %scan3A_984 : i32 to index
        %get3A_989 = arith.constant 0 : index
        %get3A_990 = tpu.vector_load %arg10[%get3A_988, %get3A_989] {strides = array<i32>} : memref<512x16xf32, #tpu.memory_space<vmem>>, vector<1x16xf32>,
        %get3A_991 = vector.shape_cast %get3A_990 : vector<1x16xf32> to vector<16xf32>
        %sub3A = arith.subf %get3A_987, %get3A_991 : vector<16xf32>
        %swap3A = arith.index_cast %scan3A_984 : i32 to index
        %swap3A_992 = arith.constant 32 : index
        %swap3A_993 = tpu.vector_load %arg9[%swap3A, %swap3A_992] {strides = array<i32>} : memref<512x48xf32, #tpu.memory_space<vmem>>, vector<1x16xf32>,
        %swap3A_994 = vector.shape_cast %swap3A_993 : vector<1x16xf32> to vector<16xf32>
        %swap3A_995 = vector.shape_cast %sub3A : vector<16xf32> to vector<1x16xf32>
        tpu.vector_store %arg9[%swap3A, %swap3A_992], %swap3A_995 {strides = array<i32>} : memref<512x48xf32, #tpu.memory_space<vmem>>, vector<1x16xf32>,
      }
      %scan3A_487 = arith.constant 512 : i32
      %add3A_488 = arith.constant 10752 : i32
      %add3A_489 = arith.addi %mul3A_0, %add3A_488 : i32
      "tpu.region"() ({
        %run_scoped3A = tpu.sem_alloc : memref<!tpu.dma_semaphore, #tpu.memory_space<semaphore_mem>>
        %dma_start3A_984 = arith.constant 0 : i32
        %dma_start3A_985 = tpu.memref_slice %arg6[%add3A_489, %dma_start3A_984] : memref<327680x48xf32, #tpu.memory_space<hbm>> -> memref<512x48xf32, #tpu.memory_space<hbm>>
        %dma_start3A_986 = arith.constant 0 : i32
        %dma_start3A_987 = tpu.memref_slice %arg6[%add3A_489, %dma_start3A_986] : memref<327680x48xf32, #tpu.memory_space<hbm>> -> memref<512x48xf32, #tpu.memory_space<hbm>>
        tpu.enqueue_dma source(%arg9 : memref<512x48xf32, #tpu.memory_space<vmem>>) target(%dma_start3A_987 : memref<512x48xf32, #tpu.memory_space<hbm>>) target_semaphore(%run_scoped3A : memref<!tpu.dma_semaphore, #tpu.memory_space<semaphore_mem>>)
        %dma_wait3A_988 = arith.constant 0 : i32
        %dma_wait3A_989 = tpu.memref_slice %arg6[%add3A_489, %dma_wait3A_988] : memref<327680x48xf32, #tpu.memory_space<hbm>> -> memref<512x48xf32, #tpu.memory_space<hbm>>
        %dma_wait3A_990 = arith.constant 0 : i32
        %dma_wait3A_991 = tpu.memref_slice %arg6[%add3A_489, %dma_wait3A_990] : memref<327680x48xf32, #tpu.memory_space<hbm>> -> memref<512x48xf32, #tpu.memory_space<hbm>>
        tpu.wait_dma2 semaphore(%run_scoped3A : memref<!tpu.dma_semaphore, #tpu.memory_space<semaphore_mem>>) src(%arg9 : memref<512x48xf32, #tpu.memory_space<vmem>>) dst(%dma_wait3A_991 : memref<512x48xf32, #tpu.memory_space<hbm>>)
        tpu.yield
      }) : () -> ()
      %dma_start3A_490 = arith.constant 11776 : i32
      %dma_start3A_491 = tpu.memref_slice %arg7[%dma_start3A_490] : memref<20480xi32, #tpu.memory_space<vmem>> -> memref<512xi32, #tpu.memory_space<vmem>>
      %dma_start3A_492 = arith.constant 0 : i32
      %dma_start3A_493 = arith.constant 0 : i32
      %dma_start3A_494 = tpu.memref_slice %arg2[%dma_start3A_492, %dma_start3A_493] : memref<10000x48xf32, #tpu.memory_space<hbm>> -> memref<10000x48xf32, #tpu.memory_space<hbm>>
      tpu.enqueue_indirect_dma source(%dma_start3A_494 : memref<10000x48xf32, #tpu.memory_space<hbm>>) target(%arg9 : memref<512x48xf32, #tpu.memory_space<vmem>>) offsets(%dma_start3A_491 : memref<512xi32, #tpu.memory_space<vmem>>) semaphore(%arg13 : memref<!tpu.dma_semaphore, #tpu.memory_space<semaphore_mem>>)
      %dma_start3A_495 = arith.constant 11776 : i32
      %dma_start3A_496 = tpu.memref_slice %arg8[%dma_start3A_495] : memref<20480xi32, #tpu.memory_space<vmem>> -> memref<512xi32, #tpu.memory_space<vmem>>
      %dma_start3A_497 = arith.constant 0 : i32
      %dma_start3A_498 = arith.constant 0 : i32
      %dma_start3A_499 = tpu.memref_slice %arg3[%dma_start3A_497, %dma_start3A_498] : memref<10000x16xf32, #tpu.memory_space<hbm>> -> memref<10000x16xf32, #tpu.memory_space<hbm>>
      tpu.enqueue_indirect_dma source(%dma_start3A_499 : memref<10000x16xf32, #tpu.memory_space<hbm>>) target(%arg10 : memref<512x16xf32, #tpu.memory_space<vmem>>) offsets(%dma_start3A_496 : memref<512xi32, #tpu.memory_space<vmem>>) semaphore(%arg13 : memref<!tpu.dma_semaphore, #tpu.memory_space<semaphore_mem>>)
      %dma_wait3A_500 = arith.constant 11264 : i32
      %dma_wait3A_501 = tpu.memref_slice %arg7[%dma_wait3A_500] : memref<20480xi32, #tpu.memory_space<vmem>> -> memref<512xi32, #tpu.memory_space<vmem>>
      %dma_wait3A_502 = arith.constant 0 : i32
      %dma_wait3A_503 = arith.constant 0 : i32
      %dma_wait3A_504 = tpu.memref_slice %arg2[%dma_wait3A_502, %dma_wait3A_503] : memref<10000x48xf32, #tpu.memory_space<hbm>> -> memref<10000x48xf32, #tpu.memory_space<hbm>>
      tpu.wait_indirect_dma semaphore(%arg14 : memref<!tpu.dma_semaphore, #tpu.memory_space<semaphore_mem>>) src(%dma_wait3A_504 : memref<10000x48xf32, #tpu.memory_space<hbm>>) dst(%arg11 : memref<512x48xf32, #tpu.memory_space<vmem>>)
      %dma_wait3A_505 = arith.constant 11264 : i32
      %dma_wait3A_506 = tpu.memref_slice %arg8[%dma_wait3A_505] : memref<20480xi32, #tpu.memory_space<vmem>> -> memref<512xi32, #tpu.memory_space<vmem>>
      %dma_wait3A_507 = arith.constant 0 : i32
      %dma_wait3A_508 = arith.constant 0 : i32
      %dma_wait3A_509 = tpu.memref_slice %arg3[%dma_wait3A_507, %dma_wait3A_508] : memref<10000x16xf32, #tpu.memory_space<hbm>> -> memref<10000x16xf32, #tpu.memory_space<hbm>>
      tpu.wait_indirect_dma semaphore(%arg14 : memref<!tpu.dma_semaphore, #tpu.memory_space<semaphore_mem>>) src(%dma_wait3A_509 : memref<10000x16xf32, #tpu.memory_space<hbm>>) dst(%arg12 : memref<512x16xf32, #tpu.memory_space<vmem>>)
      %scan3A_510 = arith.constant 0 : i32
      %scan3A_511 = arith.constant 0 : i32
      %scan3A_512 = arith.constant 512 : i32
      %scan3A_513 = arith.addi %scan3A_511, %scan3A_512 : i32
      %scan3A_514 = arith.constant 1 : i32
      scf.for %scan3A_984 = %scan3A_511 to %scan3A_513 step %scan3A_514  : i32 {
        %get3A = arith.index_cast %scan3A_984 : i32 to index
        %get3A_985 = arith.constant 32 : index
        %get3A_986 = tpu.vector_load %arg11[%get3A, %get3A_985] {strides = array<i32>} : memref<512x48xf32, #tpu.memory_space<vmem>>, vector<1x16xf32>,
        %get3A_987 = vector.shape_cast %get3A_986 : vector<1x16xf32> to vector<16xf32>
        %get3A_988 = arith.index_cast %scan3A_984 : i32 to index
        %get3A_989 = arith.constant 0 : index
        %get3A_990 = tpu.vector_load %arg12[%get3A_988, %get3A_989] {strides = array<i32>} : memref<512x16xf32, #tpu.memory_space<vmem>>, vector<1x16xf32>,
        %get3A_991 = vector.shape_cast %get3A_990 : vector<1x16xf32> to vector<16xf32>
        %sub3A = arith.subf %get3A_987, %get3A_991 : vector<16xf32>
        %swap3A = arith.index_cast %scan3A_984 : i32 to index
        %swap3A_992 = arith.constant 32 : index
        %swap3A_993 = tpu.vector_load %arg11[%swap3A, %swap3A_992] {strides = array<i32>} : memref<512x48xf32, #tpu.memory_space<vmem>>, vector<1x16xf32>,
        %swap3A_994 = vector.shape_cast %swap3A_993 : vector<1x16xf32> to vector<16xf32>
        %swap3A_995 = vector.shape_cast %sub3A : vector<16xf32> to vector<1x16xf32>
        tpu.vector_store %arg11[%swap3A, %swap3A_992], %swap3A_995 {strides = array<i32>} : memref<512x48xf32, #tpu.memory_space<vmem>>, vector<1x16xf32>,
      }
      %scan3A_515 = arith.constant 512 : i32
      %add3A_516 = arith.constant 11264 : i32
      %add3A_517 = arith.addi %mul3A_0, %add3A_516 : i32
      "tpu.region"() ({
        %run_scoped3A = tpu.sem_alloc : memref<!tpu.dma_semaphore, #tpu.memory_space<semaphore_mem>>
        %dma_start3A_984 = arith.constant 0 : i32
        %dma_start3A_985 = tpu.memref_slice %arg6[%add3A_517, %dma_start3A_984] : memref<327680x48xf32, #tpu.memory_space<hbm>> -> memref<512x48xf32, #tpu.memory_space<hbm>>
        %dma_start3A_986 = arith.constant 0 : i32
        %dma_start3A_987 = tpu.memref_slice %arg6[%add3A_517, %dma_start3A_986] : memref<327680x48xf32, #tpu.memory_space<hbm>> -> memref<512x48xf32, #tpu.memory_space<hbm>>
        tpu.enqueue_dma source(%arg11 : memref<512x48xf32, #tpu.memory_space<vmem>>) target(%dma_start3A_987 : memref<512x48xf32, #tpu.memory_space<hbm>>) target_semaphore(%run_scoped3A : memref<!tpu.dma_semaphore, #tpu.memory_space<semaphore_mem>>)
        %dma_wait3A_988 = arith.constant 0 : i32
        %dma_wait3A_989 = tpu.memref_slice %arg6[%add3A_517, %dma_wait3A_988] : memref<327680x48xf32, #tpu.memory_space<hbm>> -> memref<512x48xf32, #tpu.memory_space<hbm>>
        %dma_wait3A_990 = arith.constant 0 : i32
        %dma_wait3A_991 = tpu.memref_slice %arg6[%add3A_517, %dma_wait3A_990] : memref<327680x48xf32, #tpu.memory_space<hbm>> -> memref<512x48xf32, #tpu.memory_space<hbm>>
        tpu.wait_dma2 semaphore(%run_scoped3A : memref<!tpu.dma_semaphore, #tpu.memory_space<semaphore_mem>>) src(%arg11 : memref<512x48xf32, #tpu.memory_space<vmem>>) dst(%dma_wait3A_991 : memref<512x48xf32, #tpu.memory_space<hbm>>)
        tpu.yield
      }) : () -> ()
      %dma_start3A_518 = arith.constant 12288 : i32
      %dma_start3A_519 = tpu.memref_slice %arg7[%dma_start3A_518] : memref<20480xi32, #tpu.memory_space<vmem>> -> memref<512xi32, #tpu.memory_space<vmem>>
      %dma_start3A_520 = arith.constant 0 : i32
      %dma_start3A_521 = arith.constant 0 : i32
      %dma_start3A_522 = tpu.memref_slice %arg2[%dma_start3A_520, %dma_start3A_521] : memref<10000x48xf32, #tpu.memory_space<hbm>> -> memref<10000x48xf32, #tpu.memory_space<hbm>>
      tpu.enqueue_indirect_dma source(%dma_start3A_522 : memref<10000x48xf32, #tpu.memory_space<hbm>>) target(%arg11 : memref<512x48xf32, #tpu.memory_space<vmem>>) offsets(%dma_start3A_519 : memref<512xi32, #tpu.memory_space<vmem>>) semaphore(%arg14 : memref<!tpu.dma_semaphore, #tpu.memory_space<semaphore_mem>>)
      %dma_start3A_523 = arith.constant 12288 : i32
      %dma_start3A_524 = tpu.memref_slice %arg8[%dma_start3A_523] : memref<20480xi32, #tpu.memory_space<vmem>> -> memref<512xi32, #tpu.memory_space<vmem>>
      %dma_start3A_525 = arith.constant 0 : i32
      %dma_start3A_526 = arith.constant 0 : i32
      %dma_start3A_527 = tpu.memref_slice %arg3[%dma_start3A_525, %dma_start3A_526] : memref<10000x16xf32, #tpu.memory_space<hbm>> -> memref<10000x16xf32, #tpu.memory_space<hbm>>
      tpu.enqueue_indirect_dma source(%dma_start3A_527 : memref<10000x16xf32, #tpu.memory_space<hbm>>) target(%arg12 : memref<512x16xf32, #tpu.memory_space<vmem>>) offsets(%dma_start3A_524 : memref<512xi32, #tpu.memory_space<vmem>>) semaphore(%arg14 : memref<!tpu.dma_semaphore, #tpu.memory_space<semaphore_mem>>)
      %dma_wait3A_528 = arith.constant 11776 : i32
      %dma_wait3A_529 = tpu.memref_slice %arg7[%dma_wait3A_528] : memref<20480xi32, #tpu.memory_space<vmem>> -> memref<512xi32, #tpu.memory_space<vmem>>
      %dma_wait3A_530 = arith.constant 0 : i32
      %dma_wait3A_531 = arith.constant 0 : i32
      %dma_wait3A_532 = tpu.memref_slice %arg2[%dma_wait3A_530, %dma_wait3A_531] : memref<10000x48xf32, #tpu.memory_space<hbm>> -> memref<10000x48xf32, #tpu.memory_space<hbm>>
      tpu.wait_indirect_dma semaphore(%arg13 : memref<!tpu.dma_semaphore, #tpu.memory_space<semaphore_mem>>) src(%dma_wait3A_532 : memref<10000x48xf32, #tpu.memory_space<hbm>>) dst(%arg9 : memref<512x48xf32, #tpu.memory_space<vmem>>)
      %dma_wait3A_533 = arith.constant 11776 : i32
      %dma_wait3A_534 = tpu.memref_slice %arg8[%dma_wait3A_533] : memref<20480xi32, #tpu.memory_space<vmem>> -> memref<512xi32, #tpu.memory_space<vmem>>
      %dma_wait3A_535 = arith.constant 0 : i32
      %dma_wait3A_536 = arith.constant 0 : i32
      %dma_wait3A_537 = tpu.memref_slice %arg3[%dma_wait3A_535, %dma_wait3A_536] : memref<10000x16xf32, #tpu.memory_space<hbm>> -> memref<10000x16xf32, #tpu.memory_space<hbm>>
      tpu.wait_indirect_dma semaphore(%arg13 : memref<!tpu.dma_semaphore, #tpu.memory_space<semaphore_mem>>) src(%dma_wait3A_537 : memref<10000x16xf32, #tpu.memory_space<hbm>>) dst(%arg10 : memref<512x16xf32, #tpu.memory_space<vmem>>)
      %scan3A_538 = arith.constant 0 : i32
      %scan3A_539 = arith.constant 0 : i32
      %scan3A_540 = arith.constant 512 : i32
      %scan3A_541 = arith.addi %scan3A_539, %scan3A_540 : i32
      %scan3A_542 = arith.constant 1 : i32
      scf.for %scan3A_984 = %scan3A_539 to %scan3A_541 step %scan3A_542  : i32 {
        %get3A = arith.index_cast %scan3A_984 : i32 to index
        %get3A_985 = arith.constant 32 : index
        %get3A_986 = tpu.vector_load %arg9[%get3A, %get3A_985] {strides = array<i32>} : memref<512x48xf32, #tpu.memory_space<vmem>>, vector<1x16xf32>,
        %get3A_987 = vector.shape_cast %get3A_986 : vector<1x16xf32> to vector<16xf32>
        %get3A_988 = arith.index_cast %scan3A_984 : i32 to index
        %get3A_989 = arith.constant 0 : index
        %get3A_990 = tpu.vector_load %arg10[%get3A_988, %get3A_989] {strides = array<i32>} : memref<512x16xf32, #tpu.memory_space<vmem>>, vector<1x16xf32>,
        %get3A_991 = vector.shape_cast %get3A_990 : vector<1x16xf32> to vector<16xf32>
        %sub3A = arith.subf %get3A_987, %get3A_991 : vector<16xf32>
        %swap3A = arith.index_cast %scan3A_984 : i32 to index
        %swap3A_992 = arith.constant 32 : index
        %swap3A_993 = tpu.vector_load %arg9[%swap3A, %swap3A_992] {strides = array<i32>} : memref<512x48xf32, #tpu.memory_space<vmem>>, vector<1x16xf32>,
        %swap3A_994 = vector.shape_cast %swap3A_993 : vector<1x16xf32> to vector<16xf32>
        %swap3A_995 = vector.shape_cast %sub3A : vector<16xf32> to vector<1x16xf32>
        tpu.vector_store %arg9[%swap3A, %swap3A_992], %swap3A_995 {strides = array<i32>} : memref<512x48xf32, #tpu.memory_space<vmem>>, vector<1x16xf32>,
      }
      %scan3A_543 = arith.constant 512 : i32
      %add3A_544 = arith.constant 11776 : i32
      %add3A_545 = arith.addi %mul3A_0, %add3A_544 : i32
      "tpu.region"() ({
        %run_scoped3A = tpu.sem_alloc : memref<!tpu.dma_semaphore, #tpu.memory_space<semaphore_mem>>
        %dma_start3A_984 = arith.constant 0 : i32
        %dma_start3A_985 = tpu.memref_slice %arg6[%add3A_545, %dma_start3A_984] : memref<327680x48xf32, #tpu.memory_space<hbm>> -> memref<512x48xf32, #tpu.memory_space<hbm>>
        %dma_start3A_986 = arith.constant 0 : i32
        %dma_start3A_987 = tpu.memref_slice %arg6[%add3A_545, %dma_start3A_986] : memref<327680x48xf32, #tpu.memory_space<hbm>> -> memref<512x48xf32, #tpu.memory_space<hbm>>
        tpu.enqueue_dma source(%arg9 : memref<512x48xf32, #tpu.memory_space<vmem>>) target(%dma_start3A_987 : memref<512x48xf32, #tpu.memory_space<hbm>>) target_semaphore(%run_scoped3A : memref<!tpu.dma_semaphore, #tpu.memory_space<semaphore_mem>>)
        %dma_wait3A_988 = arith.constant 0 : i32
        %dma_wait3A_989 = tpu.memref_slice %arg6[%add3A_545, %dma_wait3A_988] : memref<327680x48xf32, #tpu.memory_space<hbm>> -> memref<512x48xf32, #tpu.memory_space<hbm>>
        %dma_wait3A_990 = arith.constant 0 : i32
        %dma_wait3A_991 = tpu.memref_slice %arg6[%add3A_545, %dma_wait3A_990] : memref<327680x48xf32, #tpu.memory_space<hbm>> -> memref<512x48xf32, #tpu.memory_space<hbm>>
        tpu.wait_dma2 semaphore(%run_scoped3A : memref<!tpu.dma_semaphore, #tpu.memory_space<semaphore_mem>>) src(%arg9 : memref<512x48xf32, #tpu.memory_space<vmem>>) dst(%dma_wait3A_991 : memref<512x48xf32, #tpu.memory_space<hbm>>)
        tpu.yield
      }) : () -> ()
      %dma_start3A_546 = arith.constant 12800 : i32
      %dma_start3A_547 = tpu.memref_slice %arg7[%dma_start3A_546] : memref<20480xi32, #tpu.memory_space<vmem>> -> memref<512xi32, #tpu.memory_space<vmem>>
      %dma_start3A_548 = arith.constant 0 : i32
      %dma_start3A_549 = arith.constant 0 : i32
      %dma_start3A_550 = tpu.memref_slice %arg2[%dma_start3A_548, %dma_start3A_549] : memref<10000x48xf32, #tpu.memory_space<hbm>> -> memref<10000x48xf32, #tpu.memory_space<hbm>>
      tpu.enqueue_indirect_dma source(%dma_start3A_550 : memref<10000x48xf32, #tpu.memory_space<hbm>>) target(%arg9 : memref<512x48xf32, #tpu.memory_space<vmem>>) offsets(%dma_start3A_547 : memref<512xi32, #tpu.memory_space<vmem>>) semaphore(%arg13 : memref<!tpu.dma_semaphore, #tpu.memory_space<semaphore_mem>>)
      %dma_start3A_551 = arith.constant 12800 : i32
      %dma_start3A_552 = tpu.memref_slice %arg8[%dma_start3A_551] : memref<20480xi32, #tpu.memory_space<vmem>> -> memref<512xi32, #tpu.memory_space<vmem>>
      %dma_start3A_553 = arith.constant 0 : i32
      %dma_start3A_554 = arith.constant 0 : i32
      %dma_start3A_555 = tpu.memref_slice %arg3[%dma_start3A_553, %dma_start3A_554] : memref<10000x16xf32, #tpu.memory_space<hbm>> -> memref<10000x16xf32, #tpu.memory_space<hbm>>
      tpu.enqueue_indirect_dma source(%dma_start3A_555 : memref<10000x16xf32, #tpu.memory_space<hbm>>) target(%arg10 : memref<512x16xf32, #tpu.memory_space<vmem>>) offsets(%dma_start3A_552 : memref<512xi32, #tpu.memory_space<vmem>>) semaphore(%arg13 : memref<!tpu.dma_semaphore, #tpu.memory_space<semaphore_mem>>)
      %dma_wait3A_556 = arith.constant 12288 : i32
      %dma_wait3A_557 = tpu.memref_slice %arg7[%dma_wait3A_556] : memref<20480xi32, #tpu.memory_space<vmem>> -> memref<512xi32, #tpu.memory_space<vmem>>
      %dma_wait3A_558 = arith.constant 0 : i32
      %dma_wait3A_559 = arith.constant 0 : i32
      %dma_wait3A_560 = tpu.memref_slice %arg2[%dma_wait3A_558, %dma_wait3A_559] : memref<10000x48xf32, #tpu.memory_space<hbm>> -> memref<10000x48xf32, #tpu.memory_space<hbm>>
      tpu.wait_indirect_dma semaphore(%arg14 : memref<!tpu.dma_semaphore, #tpu.memory_space<semaphore_mem>>) src(%dma_wait3A_560 : memref<10000x48xf32, #tpu.memory_space<hbm>>) dst(%arg11 : memref<512x48xf32, #tpu.memory_space<vmem>>)
      %dma_wait3A_561 = arith.constant 12288 : i32
      %dma_wait3A_562 = tpu.memref_slice %arg8[%dma_wait3A_561] : memref<20480xi32, #tpu.memory_space<vmem>> -> memref<512xi32, #tpu.memory_space<vmem>>
      %dma_wait3A_563 = arith.constant 0 : i32
      %dma_wait3A_564 = arith.constant 0 : i32
      %dma_wait3A_565 = tpu.memref_slice %arg3[%dma_wait3A_563, %dma_wait3A_564] : memref<10000x16xf32, #tpu.memory_space<hbm>> -> memref<10000x16xf32, #tpu.memory_space<hbm>>
      tpu.wait_indirect_dma semaphore(%arg14 : memref<!tpu.dma_semaphore, #tpu.memory_space<semaphore_mem>>) src(%dma_wait3A_565 : memref<10000x16xf32, #tpu.memory_space<hbm>>) dst(%arg12 : memref<512x16xf32, #tpu.memory_space<vmem>>)
      %scan3A_566 = arith.constant 0 : i32
      %scan3A_567 = arith.constant 0 : i32
      %scan3A_568 = arith.constant 512 : i32
      %scan3A_569 = arith.addi %scan3A_567, %scan3A_568 : i32
      %scan3A_570 = arith.constant 1 : i32
      scf.for %scan3A_984 = %scan3A_567 to %scan3A_569 step %scan3A_570  : i32 {
        %get3A = arith.index_cast %scan3A_984 : i32 to index
        %get3A_985 = arith.constant 32 : index
        %get3A_986 = tpu.vector_load %arg11[%get3A, %get3A_985] {strides = array<i32>} : memref<512x48xf32, #tpu.memory_space<vmem>>, vector<1x16xf32>,
        %get3A_987 = vector.shape_cast %get3A_986 : vector<1x16xf32> to vector<16xf32>
        %get3A_988 = arith.index_cast %scan3A_984 : i32 to index
        %get3A_989 = arith.constant 0 : index
        %get3A_990 = tpu.vector_load %arg12[%get3A_988, %get3A_989] {strides = array<i32>} : memref<512x16xf32, #tpu.memory_space<vmem>>, vector<1x16xf32>,
        %get3A_991 = vector.shape_cast %get3A_990 : vector<1x16xf32> to vector<16xf32>
        %sub3A = arith.subf %get3A_987, %get3A_991 : vector<16xf32>
        %swap3A = arith.index_cast %scan3A_984 : i32 to index
        %swap3A_992 = arith.constant 32 : index
        %swap3A_993 = tpu.vector_load %arg11[%swap3A, %swap3A_992] {strides = array<i32>} : memref<512x48xf32, #tpu.memory_space<vmem>>, vector<1x16xf32>,
        %swap3A_994 = vector.shape_cast %swap3A_993 : vector<1x16xf32> to vector<16xf32>
        %swap3A_995 = vector.shape_cast %sub3A : vector<16xf32> to vector<1x16xf32>
        tpu.vector_store %arg11[%swap3A, %swap3A_992], %swap3A_995 {strides = array<i32>} : memref<512x48xf32, #tpu.memory_space<vmem>>, vector<1x16xf32>,
      }
      %scan3A_571 = arith.constant 512 : i32
      %add3A_572 = arith.constant 12288 : i32
      %add3A_573 = arith.addi %mul3A_0, %add3A_572 : i32
      "tpu.region"() ({
        %run_scoped3A = tpu.sem_alloc : memref<!tpu.dma_semaphore, #tpu.memory_space<semaphore_mem>>
        %dma_start3A_984 = arith.constant 0 : i32
        %dma_start3A_985 = tpu.memref_slice %arg6[%add3A_573, %dma_start3A_984] : memref<327680x48xf32, #tpu.memory_space<hbm>> -> memref<512x48xf32, #tpu.memory_space<hbm>>
        %dma_start3A_986 = arith.constant 0 : i32
        %dma_start3A_987 = tpu.memref_slice %arg6[%add3A_573, %dma_start3A_986] : memref<327680x48xf32, #tpu.memory_space<hbm>> -> memref<512x48xf32, #tpu.memory_space<hbm>>
        tpu.enqueue_dma source(%arg11 : memref<512x48xf32, #tpu.memory_space<vmem>>) target(%dma_start3A_987 : memref<512x48xf32, #tpu.memory_space<hbm>>) target_semaphore(%run_scoped3A : memref<!tpu.dma_semaphore, #tpu.memory_space<semaphore_mem>>)
        %dma_wait3A_988 = arith.constant 0 : i32
        %dma_wait3A_989 = tpu.memref_slice %arg6[%add3A_573, %dma_wait3A_988] : memref<327680x48xf32, #tpu.memory_space<hbm>> -> memref<512x48xf32, #tpu.memory_space<hbm>>
        %dma_wait3A_990 = arith.constant 0 : i32
        %dma_wait3A_991 = tpu.memref_slice %arg6[%add3A_573, %dma_wait3A_990] : memref<327680x48xf32, #tpu.memory_space<hbm>> -> memref<512x48xf32, #tpu.memory_space<hbm>>
        tpu.wait_dma2 semaphore(%run_scoped3A : memref<!tpu.dma_semaphore, #tpu.memory_space<semaphore_mem>>) src(%arg11 : memref<512x48xf32, #tpu.memory_space<vmem>>) dst(%dma_wait3A_991 : memref<512x48xf32, #tpu.memory_space<hbm>>)
        tpu.yield
      }) : () -> ()
      %dma_start3A_574 = arith.constant 13312 : i32
      %dma_start3A_575 = tpu.memref_slice %arg7[%dma_start3A_574] : memref<20480xi32, #tpu.memory_space<vmem>> -> memref<512xi32, #tpu.memory_space<vmem>>
      %dma_start3A_576 = arith.constant 0 : i32
      %dma_start3A_577 = arith.constant 0 : i32
      %dma_start3A_578 = tpu.memref_slice %arg2[%dma_start3A_576, %dma_start3A_577] : memref<10000x48xf32, #tpu.memory_space<hbm>> -> memref<10000x48xf32, #tpu.memory_space<hbm>>
      tpu.enqueue_indirect_dma source(%dma_start3A_578 : memref<10000x48xf32, #tpu.memory_space<hbm>>) target(%arg11 : memref<512x48xf32, #tpu.memory_space<vmem>>) offsets(%dma_start3A_575 : memref<512xi32, #tpu.memory_space<vmem>>) semaphore(%arg14 : memref<!tpu.dma_semaphore, #tpu.memory_space<semaphore_mem>>)
      %dma_start3A_579 = arith.constant 13312 : i32
      %dma_start3A_580 = tpu.memref_slice %arg8[%dma_start3A_579] : memref<20480xi32, #tpu.memory_space<vmem>> -> memref<512xi32, #tpu.memory_space<vmem>>
      %dma_start3A_581 = arith.constant 0 : i32
      %dma_start3A_582 = arith.constant 0 : i32
      %dma_start3A_583 = tpu.memref_slice %arg3[%dma_start3A_581, %dma_start3A_582] : memref<10000x16xf32, #tpu.memory_space<hbm>> -> memref<10000x16xf32, #tpu.memory_space<hbm>>
      tpu.enqueue_indirect_dma source(%dma_start3A_583 : memref<10000x16xf32, #tpu.memory_space<hbm>>) target(%arg12 : memref<512x16xf32, #tpu.memory_space<vmem>>) offsets(%dma_start3A_580 : memref<512xi32, #tpu.memory_space<vmem>>) semaphore(%arg14 : memref<!tpu.dma_semaphore, #tpu.memory_space<semaphore_mem>>)
      %dma_wait3A_584 = arith.constant 12800 : i32
      %dma_wait3A_585 = tpu.memref_slice %arg7[%dma_wait3A_584] : memref<20480xi32, #tpu.memory_space<vmem>> -> memref<512xi32, #tpu.memory_space<vmem>>
      %dma_wait3A_586 = arith.constant 0 : i32
      %dma_wait3A_587 = arith.constant 0 : i32
      %dma_wait3A_588 = tpu.memref_slice %arg2[%dma_wait3A_586, %dma_wait3A_587] : memref<10000x48xf32, #tpu.memory_space<hbm>> -> memref<10000x48xf32, #tpu.memory_space<hbm>>
      tpu.wait_indirect_dma semaphore(%arg13 : memref<!tpu.dma_semaphore, #tpu.memory_space<semaphore_mem>>) src(%dma_wait3A_588 : memref<10000x48xf32, #tpu.memory_space<hbm>>) dst(%arg9 : memref<512x48xf32, #tpu.memory_space<vmem>>)
      %dma_wait3A_589 = arith.constant 12800 : i32
      %dma_wait3A_590 = tpu.memref_slice %arg8[%dma_wait3A_589] : memref<20480xi32, #tpu.memory_space<vmem>> -> memref<512xi32, #tpu.memory_space<vmem>>
      %dma_wait3A_591 = arith.constant 0 : i32
      %dma_wait3A_592 = arith.constant 0 : i32
      %dma_wait3A_593 = tpu.memref_slice %arg3[%dma_wait3A_591, %dma_wait3A_592] : memref<10000x16xf32, #tpu.memory_space<hbm>> -> memref<10000x16xf32, #tpu.memory_space<hbm>>
      tpu.wait_indirect_dma semaphore(%arg13 : memref<!tpu.dma_semaphore, #tpu.memory_space<semaphore_mem>>) src(%dma_wait3A_593 : memref<10000x16xf32, #tpu.memory_space<hbm>>) dst(%arg10 : memref<512x16xf32, #tpu.memory_space<vmem>>)
      %scan3A_594 = arith.constant 0 : i32
      %scan3A_595 = arith.constant 0 : i32
      %scan3A_596 = arith.constant 512 : i32
      %scan3A_597 = arith.addi %scan3A_595, %scan3A_596 : i32
      %scan3A_598 = arith.constant 1 : i32
      scf.for %scan3A_984 = %scan3A_595 to %scan3A_597 step %scan3A_598  : i32 {
        %get3A = arith.index_cast %scan3A_984 : i32 to index
        %get3A_985 = arith.constant 32 : index
        %get3A_986 = tpu.vector_load %arg9[%get3A, %get3A_985] {strides = array<i32>} : memref<512x48xf32, #tpu.memory_space<vmem>>, vector<1x16xf32>,
        %get3A_987 = vector.shape_cast %get3A_986 : vector<1x16xf32> to vector<16xf32>
        %get3A_988 = arith.index_cast %scan3A_984 : i32 to index
        %get3A_989 = arith.constant 0 : index
        %get3A_990 = tpu.vector_load %arg10[%get3A_988, %get3A_989] {strides = array<i32>} : memref<512x16xf32, #tpu.memory_space<vmem>>, vector<1x16xf32>,
        %get3A_991 = vector.shape_cast %get3A_990 : vector<1x16xf32> to vector<16xf32>
        %sub3A = arith.subf %get3A_987, %get3A_991 : vector<16xf32>
        %swap3A = arith.index_cast %scan3A_984 : i32 to index
        %swap3A_992 = arith.constant 32 : index
        %swap3A_993 = tpu.vector_load %arg9[%swap3A, %swap3A_992] {strides = array<i32>} : memref<512x48xf32, #tpu.memory_space<vmem>>, vector<1x16xf32>,
        %swap3A_994 = vector.shape_cast %swap3A_993 : vector<1x16xf32> to vector<16xf32>
        %swap3A_995 = vector.shape_cast %sub3A : vector<16xf32> to vector<1x16xf32>
        tpu.vector_store %arg9[%swap3A, %swap3A_992], %swap3A_995 {strides = array<i32>} : memref<512x48xf32, #tpu.memory_space<vmem>>, vector<1x16xf32>,
      }
      %scan3A_599 = arith.constant 512 : i32
      %add3A_600 = arith.constant 12800 : i32
      %add3A_601 = arith.addi %mul3A_0, %add3A_600 : i32
      "tpu.region"() ({
        %run_scoped3A = tpu.sem_alloc : memref<!tpu.dma_semaphore, #tpu.memory_space<semaphore_mem>>
        %dma_start3A_984 = arith.constant 0 : i32
        %dma_start3A_985 = tpu.memref_slice %arg6[%add3A_601, %dma_start3A_984] : memref<327680x48xf32, #tpu.memory_space<hbm>> -> memref<512x48xf32, #tpu.memory_space<hbm>>
        %dma_start3A_986 = arith.constant 0 : i32
        %dma_start3A_987 = tpu.memref_slice %arg6[%add3A_601, %dma_start3A_986] : memref<327680x48xf32, #tpu.memory_space<hbm>> -> memref<512x48xf32, #tpu.memory_space<hbm>>
        tpu.enqueue_dma source(%arg9 : memref<512x48xf32, #tpu.memory_space<vmem>>) target(%dma_start3A_987 : memref<512x48xf32, #tpu.memory_space<hbm>>) target_semaphore(%run_scoped3A : memref<!tpu.dma_semaphore, #tpu.memory_space<semaphore_mem>>)
        %dma_wait3A_988 = arith.constant 0 : i32
        %dma_wait3A_989 = tpu.memref_slice %arg6[%add3A_601, %dma_wait3A_988] : memref<327680x48xf32, #tpu.memory_space<hbm>> -> memref<512x48xf32, #tpu.memory_space<hbm>>
        %dma_wait3A_990 = arith.constant 0 : i32
        %dma_wait3A_991 = tpu.memref_slice %arg6[%add3A_601, %dma_wait3A_990] : memref<327680x48xf32, #tpu.memory_space<hbm>> -> memref<512x48xf32, #tpu.memory_space<hbm>>
        tpu.wait_dma2 semaphore(%run_scoped3A : memref<!tpu.dma_semaphore, #tpu.memory_space<semaphore_mem>>) src(%arg9 : memref<512x48xf32, #tpu.memory_space<vmem>>) dst(%dma_wait3A_991 : memref<512x48xf32, #tpu.memory_space<hbm>>)
        tpu.yield
      }) : () -> ()
      %dma_start3A_602 = arith.constant 13824 : i32
      %dma_start3A_603 = tpu.memref_slice %arg7[%dma_start3A_602] : memref<20480xi32, #tpu.memory_space<vmem>> -> memref<512xi32, #tpu.memory_space<vmem>>
      %dma_start3A_604 = arith.constant 0 : i32
      %dma_start3A_605 = arith.constant 0 : i32
      %dma_start3A_606 = tpu.memref_slice %arg2[%dma_start3A_604, %dma_start3A_605] : memref<10000x48xf32, #tpu.memory_space<hbm>> -> memref<10000x48xf32, #tpu.memory_space<hbm>>
      tpu.enqueue_indirect_dma source(%dma_start3A_606 : memref<10000x48xf32, #tpu.memory_space<hbm>>) target(%arg9 : memref<512x48xf32, #tpu.memory_space<vmem>>) offsets(%dma_start3A_603 : memref<512xi32, #tpu.memory_space<vmem>>) semaphore(%arg13 : memref<!tpu.dma_semaphore, #tpu.memory_space<semaphore_mem>>)
      %dma_start3A_607 = arith.constant 13824 : i32
      %dma_start3A_608 = tpu.memref_slice %arg8[%dma_start3A_607] : memref<20480xi32, #tpu.memory_space<vmem>> -> memref<512xi32, #tpu.memory_space<vmem>>
      %dma_start3A_609 = arith.constant 0 : i32
      %dma_start3A_610 = arith.constant 0 : i32
      %dma_start3A_611 = tpu.memref_slice %arg3[%dma_start3A_609, %dma_start3A_610] : memref<10000x16xf32, #tpu.memory_space<hbm>> -> memref<10000x16xf32, #tpu.memory_space<hbm>>
      tpu.enqueue_indirect_dma source(%dma_start3A_611 : memref<10000x16xf32, #tpu.memory_space<hbm>>) target(%arg10 : memref<512x16xf32, #tpu.memory_space<vmem>>) offsets(%dma_start3A_608 : memref<512xi32, #tpu.memory_space<vmem>>) semaphore(%arg13 : memref<!tpu.dma_semaphore, #tpu.memory_space<semaphore_mem>>)
      %dma_wait3A_612 = arith.constant 13312 : i32
      %dma_wait3A_613 = tpu.memref_slice %arg7[%dma_wait3A_612] : memref<20480xi32, #tpu.memory_space<vmem>> -> memref<512xi32, #tpu.memory_space<vmem>>
      %dma_wait3A_614 = arith.constant 0 : i32
      %dma_wait3A_615 = arith.constant 0 : i32
      %dma_wait3A_616 = tpu.memref_slice %arg2[%dma_wait3A_614, %dma_wait3A_615] : memref<10000x48xf32, #tpu.memory_space<hbm>> -> memref<10000x48xf32, #tpu.memory_space<hbm>>
      tpu.wait_indirect_dma semaphore(%arg14 : memref<!tpu.dma_semaphore, #tpu.memory_space<semaphore_mem>>) src(%dma_wait3A_616 : memref<10000x48xf32, #tpu.memory_space<hbm>>) dst(%arg11 : memref<512x48xf32, #tpu.memory_space<vmem>>)
      %dma_wait3A_617 = arith.constant 13312 : i32
      %dma_wait3A_618 = tpu.memref_slice %arg8[%dma_wait3A_617] : memref<20480xi32, #tpu.memory_space<vmem>> -> memref<512xi32, #tpu.memory_space<vmem>>
      %dma_wait3A_619 = arith.constant 0 : i32
      %dma_wait3A_620 = arith.constant 0 : i32
      %dma_wait3A_621 = tpu.memref_slice %arg3[%dma_wait3A_619, %dma_wait3A_620] : memref<10000x16xf32, #tpu.memory_space<hbm>> -> memref<10000x16xf32, #tpu.memory_space<hbm>>
      tpu.wait_indirect_dma semaphore(%arg14 : memref<!tpu.dma_semaphore, #tpu.memory_space<semaphore_mem>>) src(%dma_wait3A_621 : memref<10000x16xf32, #tpu.memory_space<hbm>>) dst(%arg12 : memref<512x16xf32, #tpu.memory_space<vmem>>)
      %scan3A_622 = arith.constant 0 : i32
      %scan3A_623 = arith.constant 0 : i32
      %scan3A_624 = arith.constant 512 : i32
      %scan3A_625 = arith.addi %scan3A_623, %scan3A_624 : i32
      %scan3A_626 = arith.constant 1 : i32
      scf.for %scan3A_984 = %scan3A_623 to %scan3A_625 step %scan3A_626  : i32 {
        %get3A = arith.index_cast %scan3A_984 : i32 to index
        %get3A_985 = arith.constant 32 : index
        %get3A_986 = tpu.vector_load %arg11[%get3A, %get3A_985] {strides = array<i32>} : memref<512x48xf32, #tpu.memory_space<vmem>>, vector<1x16xf32>,
        %get3A_987 = vector.shape_cast %get3A_986 : vector<1x16xf32> to vector<16xf32>
        %get3A_988 = arith.index_cast %scan3A_984 : i32 to index
        %get3A_989 = arith.constant 0 : index
        %get3A_990 = tpu.vector_load %arg12[%get3A_988, %get3A_989] {strides = array<i32>} : memref<512x16xf32, #tpu.memory_space<vmem>>, vector<1x16xf32>,
        %get3A_991 = vector.shape_cast %get3A_990 : vector<1x16xf32> to vector<16xf32>
        %sub3A = arith.subf %get3A_987, %get3A_991 : vector<16xf32>
        %swap3A = arith.index_cast %scan3A_984 : i32 to index
        %swap3A_992 = arith.constant 32 : index
        %swap3A_993 = tpu.vector_load %arg11[%swap3A, %swap3A_992] {strides = array<i32>} : memref<512x48xf32, #tpu.memory_space<vmem>>, vector<1x16xf32>,
        %swap3A_994 = vector.shape_cast %swap3A_993 : vector<1x16xf32> to vector<16xf32>
        %swap3A_995 = vector.shape_cast %sub3A : vector<16xf32> to vector<1x16xf32>
        tpu.vector_store %arg11[%swap3A, %swap3A_992], %swap3A_995 {strides = array<i32>} : memref<512x48xf32, #tpu.memory_space<vmem>>, vector<1x16xf32>,
      }
      %scan3A_627 = arith.constant 512 : i32
      %add3A_628 = arith.constant 13312 : i32
      %add3A_629 = arith.addi %mul3A_0, %add3A_628 : i32
      "tpu.region"() ({
        %run_scoped3A = tpu.sem_alloc : memref<!tpu.dma_semaphore, #tpu.memory_space<semaphore_mem>>
        %dma_start3A_984 = arith.constant 0 : i32
        %dma_start3A_985 = tpu.memref_slice %arg6[%add3A_629, %dma_start3A_984] : memref<327680x48xf32, #tpu.memory_space<hbm>> -> memref<512x48xf32, #tpu.memory_space<hbm>>
        %dma_start3A_986 = arith.constant 0 : i32
        %dma_start3A_987 = tpu.memref_slice %arg6[%add3A_629, %dma_start3A_986] : memref<327680x48xf32, #tpu.memory_space<hbm>> -> memref<512x48xf32, #tpu.memory_space<hbm>>
        tpu.enqueue_dma source(%arg11 : memref<512x48xf32, #tpu.memory_space<vmem>>) target(%dma_start3A_987 : memref<512x48xf32, #tpu.memory_space<hbm>>) target_semaphore(%run_scoped3A : memref<!tpu.dma_semaphore, #tpu.memory_space<semaphore_mem>>)
        %dma_wait3A_988 = arith.constant 0 : i32
        %dma_wait3A_989 = tpu.memref_slice %arg6[%add3A_629, %dma_wait3A_988] : memref<327680x48xf32, #tpu.memory_space<hbm>> -> memref<512x48xf32, #tpu.memory_space<hbm>>
        %dma_wait3A_990 = arith.constant 0 : i32
        %dma_wait3A_991 = tpu.memref_slice %arg6[%add3A_629, %dma_wait3A_990] : memref<327680x48xf32, #tpu.memory_space<hbm>> -> memref<512x48xf32, #tpu.memory_space<hbm>>
        tpu.wait_dma2 semaphore(%run_scoped3A : memref<!tpu.dma_semaphore, #tpu.memory_space<semaphore_mem>>) src(%arg11 : memref<512x48xf32, #tpu.memory_space<vmem>>) dst(%dma_wait3A_991 : memref<512x48xf32, #tpu.memory_space<hbm>>)
        tpu.yield
      }) : () -> ()
      %dma_start3A_630 = arith.constant 14336 : i32
      %dma_start3A_631 = tpu.memref_slice %arg7[%dma_start3A_630] : memref<20480xi32, #tpu.memory_space<vmem>> -> memref<512xi32, #tpu.memory_space<vmem>>
      %dma_start3A_632 = arith.constant 0 : i32
      %dma_start3A_633 = arith.constant 0 : i32
      %dma_start3A_634 = tpu.memref_slice %arg2[%dma_start3A_632, %dma_start3A_633] : memref<10000x48xf32, #tpu.memory_space<hbm>> -> memref<10000x48xf32, #tpu.memory_space<hbm>>
      tpu.enqueue_indirect_dma source(%dma_start3A_634 : memref<10000x48xf32, #tpu.memory_space<hbm>>) target(%arg11 : memref<512x48xf32, #tpu.memory_space<vmem>>) offsets(%dma_start3A_631 : memref<512xi32, #tpu.memory_space<vmem>>) semaphore(%arg14 : memref<!tpu.dma_semaphore, #tpu.memory_space<semaphore_mem>>)
      %dma_start3A_635 = arith.constant 14336 : i32
      %dma_start3A_636 = tpu.memref_slice %arg8[%dma_start3A_635] : memref<20480xi32, #tpu.memory_space<vmem>> -> memref<512xi32, #tpu.memory_space<vmem>>
      %dma_start3A_637 = arith.constant 0 : i32
      %dma_start3A_638 = arith.constant 0 : i32
      %dma_start3A_639 = tpu.memref_slice %arg3[%dma_start3A_637, %dma_start3A_638] : memref<10000x16xf32, #tpu.memory_space<hbm>> -> memref<10000x16xf32, #tpu.memory_space<hbm>>
      tpu.enqueue_indirect_dma source(%dma_start3A_639 : memref<10000x16xf32, #tpu.memory_space<hbm>>) target(%arg12 : memref<512x16xf32, #tpu.memory_space<vmem>>) offsets(%dma_start3A_636 : memref<512xi32, #tpu.memory_space<vmem>>) semaphore(%arg14 : memref<!tpu.dma_semaphore, #tpu.memory_space<semaphore_mem>>)
      %dma_wait3A_640 = arith.constant 13824 : i32
      %dma_wait3A_641 = tpu.memref_slice %arg7[%dma_wait3A_640] : memref<20480xi32, #tpu.memory_space<vmem>> -> memref<512xi32, #tpu.memory_space<vmem>>
      %dma_wait3A_642 = arith.constant 0 : i32
      %dma_wait3A_643 = arith.constant 0 : i32
      %dma_wait3A_644 = tpu.memref_slice %arg2[%dma_wait3A_642, %dma_wait3A_643] : memref<10000x48xf32, #tpu.memory_space<hbm>> -> memref<10000x48xf32, #tpu.memory_space<hbm>>
      tpu.wait_indirect_dma semaphore(%arg13 : memref<!tpu.dma_semaphore, #tpu.memory_space<semaphore_mem>>) src(%dma_wait3A_644 : memref<10000x48xf32, #tpu.memory_space<hbm>>) dst(%arg9 : memref<512x48xf32, #tpu.memory_space<vmem>>)
      %dma_wait3A_645 = arith.constant 13824 : i32
      %dma_wait3A_646 = tpu.memref_slice %arg8[%dma_wait3A_645] : memref<20480xi32, #tpu.memory_space<vmem>> -> memref<512xi32, #tpu.memory_space<vmem>>
      %dma_wait3A_647 = arith.constant 0 : i32
      %dma_wait3A_648 = arith.constant 0 : i32
      %dma_wait3A_649 = tpu.memref_slice %arg3[%dma_wait3A_647, %dma_wait3A_648] : memref<10000x16xf32, #tpu.memory_space<hbm>> -> memref<10000x16xf32, #tpu.memory_space<hbm>>
      tpu.wait_indirect_dma semaphore(%arg13 : memref<!tpu.dma_semaphore, #tpu.memory_space<semaphore_mem>>) src(%dma_wait3A_649 : memref<10000x16xf32, #tpu.memory_space<hbm>>) dst(%arg10 : memref<512x16xf32, #tpu.memory_space<vmem>>)
      %scan3A_650 = arith.constant 0 : i32
      %scan3A_651 = arith.constant 0 : i32
      %scan3A_652 = arith.constant 512 : i32
      %scan3A_653 = arith.addi %scan3A_651, %scan3A_652 : i32
      %scan3A_654 = arith.constant 1 : i32
      scf.for %scan3A_984 = %scan3A_651 to %scan3A_653 step %scan3A_654  : i32 {
        %get3A = arith.index_cast %scan3A_984 : i32 to index
        %get3A_985 = arith.constant 32 : index
        %get3A_986 = tpu.vector_load %arg9[%get3A, %get3A_985] {strides = array<i32>} : memref<512x48xf32, #tpu.memory_space<vmem>>, vector<1x16xf32>,
        %get3A_987 = vector.shape_cast %get3A_986 : vector<1x16xf32> to vector<16xf32>
        %get3A_988 = arith.index_cast %scan3A_984 : i32 to index
        %get3A_989 = arith.constant 0 : index
        %get3A_990 = tpu.vector_load %arg10[%get3A_988, %get3A_989] {strides = array<i32>} : memref<512x16xf32, #tpu.memory_space<vmem>>, vector<1x16xf32>,
        %get3A_991 = vector.shape_cast %get3A_990 : vector<1x16xf32> to vector<16xf32>
        %sub3A = arith.subf %get3A_987, %get3A_991 : vector<16xf32>
        %swap3A = arith.index_cast %scan3A_984 : i32 to index
        %swap3A_992 = arith.constant 32 : index
        %swap3A_993 = tpu.vector_load %arg9[%swap3A, %swap3A_992] {strides = array<i32>} : memref<512x48xf32, #tpu.memory_space<vmem>>, vector<1x16xf32>,
        %swap3A_994 = vector.shape_cast %swap3A_993 : vector<1x16xf32> to vector<16xf32>
        %swap3A_995 = vector.shape_cast %sub3A : vector<16xf32> to vector<1x16xf32>
        tpu.vector_store %arg9[%swap3A, %swap3A_992], %swap3A_995 {strides = array<i32>} : memref<512x48xf32, #tpu.memory_space<vmem>>, vector<1x16xf32>,
      }
      %scan3A_655 = arith.constant 512 : i32
      %add3A_656 = arith.constant 13824 : i32
      %add3A_657 = arith.addi %mul3A_0, %add3A_656 : i32
      "tpu.region"() ({
        %run_scoped3A = tpu.sem_alloc : memref<!tpu.dma_semaphore, #tpu.memory_space<semaphore_mem>>
        %dma_start3A_984 = arith.constant 0 : i32
        %dma_start3A_985 = tpu.memref_slice %arg6[%add3A_657, %dma_start3A_984] : memref<327680x48xf32, #tpu.memory_space<hbm>> -> memref<512x48xf32, #tpu.memory_space<hbm>>
        %dma_start3A_986 = arith.constant 0 : i32
        %dma_start3A_987 = tpu.memref_slice %arg6[%add3A_657, %dma_start3A_986] : memref<327680x48xf32, #tpu.memory_space<hbm>> -> memref<512x48xf32, #tpu.memory_space<hbm>>
        tpu.enqueue_dma source(%arg9 : memref<512x48xf32, #tpu.memory_space<vmem>>) target(%dma_start3A_987 : memref<512x48xf32, #tpu.memory_space<hbm>>) target_semaphore(%run_scoped3A : memref<!tpu.dma_semaphore, #tpu.memory_space<semaphore_mem>>)
        %dma_wait3A_988 = arith.constant 0 : i32
        %dma_wait3A_989 = tpu.memref_slice %arg6[%add3A_657, %dma_wait3A_988] : memref<327680x48xf32, #tpu.memory_space<hbm>> -> memref<512x48xf32, #tpu.memory_space<hbm>>
        %dma_wait3A_990 = arith.constant 0 : i32
        %dma_wait3A_991 = tpu.memref_slice %arg6[%add3A_657, %dma_wait3A_990] : memref<327680x48xf32, #tpu.memory_space<hbm>> -> memref<512x48xf32, #tpu.memory_space<hbm>>
        tpu.wait_dma2 semaphore(%run_scoped3A : memref<!tpu.dma_semaphore, #tpu.memory_space<semaphore_mem>>) src(%arg9 : memref<512x48xf32, #tpu.memory_space<vmem>>) dst(%dma_wait3A_991 : memref<512x48xf32, #tpu.memory_space<hbm>>)
        tpu.yield
      }) : () -> ()
      %dma_start3A_658 = arith.constant 14848 : i32
      %dma_start3A_659 = tpu.memref_slice %arg7[%dma_start3A_658] : memref<20480xi32, #tpu.memory_space<vmem>> -> memref<512xi32, #tpu.memory_space<vmem>>
      %dma_start3A_660 = arith.constant 0 : i32
      %dma_start3A_661 = arith.constant 0 : i32
      %dma_start3A_662 = tpu.memref_slice %arg2[%dma_start3A_660, %dma_start3A_661] : memref<10000x48xf32, #tpu.memory_space<hbm>> -> memref<10000x48xf32, #tpu.memory_space<hbm>>
      tpu.enqueue_indirect_dma source(%dma_start3A_662 : memref<10000x48xf32, #tpu.memory_space<hbm>>) target(%arg9 : memref<512x48xf32, #tpu.memory_space<vmem>>) offsets(%dma_start3A_659 : memref<512xi32, #tpu.memory_space<vmem>>) semaphore(%arg13 : memref<!tpu.dma_semaphore, #tpu.memory_space<semaphore_mem>>)
      %dma_start3A_663 = arith.constant 14848 : i32
      %dma_start3A_664 = tpu.memref_slice %arg8[%dma_start3A_663] : memref<20480xi32, #tpu.memory_space<vmem>> -> memref<512xi32, #tpu.memory_space<vmem>>
      %dma_start3A_665 = arith.constant 0 : i32
      %dma_start3A_666 = arith.constant 0 : i32
      %dma_start3A_667 = tpu.memref_slice %arg3[%dma_start3A_665, %dma_start3A_666] : memref<10000x16xf32, #tpu.memory_space<hbm>> -> memref<10000x16xf32, #tpu.memory_space<hbm>>
      tpu.enqueue_indirect_dma source(%dma_start3A_667 : memref<10000x16xf32, #tpu.memory_space<hbm>>) target(%arg10 : memref<512x16xf32, #tpu.memory_space<vmem>>) offsets(%dma_start3A_664 : memref<512xi32, #tpu.memory_space<vmem>>) semaphore(%arg13 : memref<!tpu.dma_semaphore, #tpu.memory_space<semaphore_mem>>)
      %dma_wait3A_668 = arith.constant 14336 : i32
      %dma_wait3A_669 = tpu.memref_slice %arg7[%dma_wait3A_668] : memref<20480xi32, #tpu.memory_space<vmem>> -> memref<512xi32, #tpu.memory_space<vmem>>
      %dma_wait3A_670 = arith.constant 0 : i32
      %dma_wait3A_671 = arith.constant 0 : i32
      %dma_wait3A_672 = tpu.memref_slice %arg2[%dma_wait3A_670, %dma_wait3A_671] : memref<10000x48xf32, #tpu.memory_space<hbm>> -> memref<10000x48xf32, #tpu.memory_space<hbm>>
      tpu.wait_indirect_dma semaphore(%arg14 : memref<!tpu.dma_semaphore, #tpu.memory_space<semaphore_mem>>) src(%dma_wait3A_672 : memref<10000x48xf32, #tpu.memory_space<hbm>>) dst(%arg11 : memref<512x48xf32, #tpu.memory_space<vmem>>)
      %dma_wait3A_673 = arith.constant 14336 : i32
      %dma_wait3A_674 = tpu.memref_slice %arg8[%dma_wait3A_673] : memref<20480xi32, #tpu.memory_space<vmem>> -> memref<512xi32, #tpu.memory_space<vmem>>
      %dma_wait3A_675 = arith.constant 0 : i32
      %dma_wait3A_676 = arith.constant 0 : i32
      %dma_wait3A_677 = tpu.memref_slice %arg3[%dma_wait3A_675, %dma_wait3A_676] : memref<10000x16xf32, #tpu.memory_space<hbm>> -> memref<10000x16xf32, #tpu.memory_space<hbm>>
      tpu.wait_indirect_dma semaphore(%arg14 : memref<!tpu.dma_semaphore, #tpu.memory_space<semaphore_mem>>) src(%dma_wait3A_677 : memref<10000x16xf32, #tpu.memory_space<hbm>>) dst(%arg12 : memref<512x16xf32, #tpu.memory_space<vmem>>)
      %scan3A_678 = arith.constant 0 : i32
      %scan3A_679 = arith.constant 0 : i32
      %scan3A_680 = arith.constant 512 : i32
      %scan3A_681 = arith.addi %scan3A_679, %scan3A_680 : i32
      %scan3A_682 = arith.constant 1 : i32
      scf.for %scan3A_984 = %scan3A_679 to %scan3A_681 step %scan3A_682  : i32 {
        %get3A = arith.index_cast %scan3A_984 : i32 to index
        %get3A_985 = arith.constant 32 : index
        %get3A_986 = tpu.vector_load %arg11[%get3A, %get3A_985] {strides = array<i32>} : memref<512x48xf32, #tpu.memory_space<vmem>>, vector<1x16xf32>,
        %get3A_987 = vector.shape_cast %get3A_986 : vector<1x16xf32> to vector<16xf32>
        %get3A_988 = arith.index_cast %scan3A_984 : i32 to index
        %get3A_989 = arith.constant 0 : index
        %get3A_990 = tpu.vector_load %arg12[%get3A_988, %get3A_989] {strides = array<i32>} : memref<512x16xf32, #tpu.memory_space<vmem>>, vector<1x16xf32>,
        %get3A_991 = vector.shape_cast %get3A_990 : vector<1x16xf32> to vector<16xf32>
        %sub3A = arith.subf %get3A_987, %get3A_991 : vector<16xf32>
        %swap3A = arith.index_cast %scan3A_984 : i32 to index
        %swap3A_992 = arith.constant 32 : index
        %swap3A_993 = tpu.vector_load %arg11[%swap3A, %swap3A_992] {strides = array<i32>} : memref<512x48xf32, #tpu.memory_space<vmem>>, vector<1x16xf32>,
        %swap3A_994 = vector.shape_cast %swap3A_993 : vector<1x16xf32> to vector<16xf32>
        %swap3A_995 = vector.shape_cast %sub3A : vector<16xf32> to vector<1x16xf32>
        tpu.vector_store %arg11[%swap3A, %swap3A_992], %swap3A_995 {strides = array<i32>} : memref<512x48xf32, #tpu.memory_space<vmem>>, vector<1x16xf32>,
      }
      %scan3A_683 = arith.constant 512 : i32
      %add3A_684 = arith.constant 14336 : i32
      %add3A_685 = arith.addi %mul3A_0, %add3A_684 : i32
      "tpu.region"() ({
        %run_scoped3A = tpu.sem_alloc : memref<!tpu.dma_semaphore, #tpu.memory_space<semaphore_mem>>
        %dma_start3A_984 = arith.constant 0 : i32
        %dma_start3A_985 = tpu.memref_slice %arg6[%add3A_685, %dma_start3A_984] : memref<327680x48xf32, #tpu.memory_space<hbm>> -> memref<512x48xf32, #tpu.memory_space<hbm>>
        %dma_start3A_986 = arith.constant 0 : i32
        %dma_start3A_987 = tpu.memref_slice %arg6[%add3A_685, %dma_start3A_986] : memref<327680x48xf32, #tpu.memory_space<hbm>> -> memref<512x48xf32, #tpu.memory_space<hbm>>
        tpu.enqueue_dma source(%arg11 : memref<512x48xf32, #tpu.memory_space<vmem>>) target(%dma_start3A_987 : memref<512x48xf32, #tpu.memory_space<hbm>>) target_semaphore(%run_scoped3A : memref<!tpu.dma_semaphore, #tpu.memory_space<semaphore_mem>>)
        %dma_wait3A_988 = arith.constant 0 : i32
        %dma_wait3A_989 = tpu.memref_slice %arg6[%add3A_685, %dma_wait3A_988] : memref<327680x48xf32, #tpu.memory_space<hbm>> -> memref<512x48xf32, #tpu.memory_space<hbm>>
        %dma_wait3A_990 = arith.constant 0 : i32
        %dma_wait3A_991 = tpu.memref_slice %arg6[%add3A_685, %dma_wait3A_990] : memref<327680x48xf32, #tpu.memory_space<hbm>> -> memref<512x48xf32, #tpu.memory_space<hbm>>
        tpu.wait_dma2 semaphore(%run_scoped3A : memref<!tpu.dma_semaphore, #tpu.memory_space<semaphore_mem>>) src(%arg11 : memref<512x48xf32, #tpu.memory_space<vmem>>) dst(%dma_wait3A_991 : memref<512x48xf32, #tpu.memory_space<hbm>>)
        tpu.yield
      }) : () -> ()
      %dma_start3A_686 = arith.constant 15360 : i32
      %dma_start3A_687 = tpu.memref_slice %arg7[%dma_start3A_686] : memref<20480xi32, #tpu.memory_space<vmem>> -> memref<512xi32, #tpu.memory_space<vmem>>
      %dma_start3A_688 = arith.constant 0 : i32
      %dma_start3A_689 = arith.constant 0 : i32
      %dma_start3A_690 = tpu.memref_slice %arg2[%dma_start3A_688, %dma_start3A_689] : memref<10000x48xf32, #tpu.memory_space<hbm>> -> memref<10000x48xf32, #tpu.memory_space<hbm>>
      tpu.enqueue_indirect_dma source(%dma_start3A_690 : memref<10000x48xf32, #tpu.memory_space<hbm>>) target(%arg11 : memref<512x48xf32, #tpu.memory_space<vmem>>) offsets(%dma_start3A_687 : memref<512xi32, #tpu.memory_space<vmem>>) semaphore(%arg14 : memref<!tpu.dma_semaphore, #tpu.memory_space<semaphore_mem>>)
      %dma_start3A_691 = arith.constant 15360 : i32
      %dma_start3A_692 = tpu.memref_slice %arg8[%dma_start3A_691] : memref<20480xi32, #tpu.memory_space<vmem>> -> memref<512xi32, #tpu.memory_space<vmem>>
      %dma_start3A_693 = arith.constant 0 : i32
      %dma_start3A_694 = arith.constant 0 : i32
      %dma_start3A_695 = tpu.memref_slice %arg3[%dma_start3A_693, %dma_start3A_694] : memref<10000x16xf32, #tpu.memory_space<hbm>> -> memref<10000x16xf32, #tpu.memory_space<hbm>>
      tpu.enqueue_indirect_dma source(%dma_start3A_695 : memref<10000x16xf32, #tpu.memory_space<hbm>>) target(%arg12 : memref<512x16xf32, #tpu.memory_space<vmem>>) offsets(%dma_start3A_692 : memref<512xi32, #tpu.memory_space<vmem>>) semaphore(%arg14 : memref<!tpu.dma_semaphore, #tpu.memory_space<semaphore_mem>>)
      %dma_wait3A_696 = arith.constant 14848 : i32
      %dma_wait3A_697 = tpu.memref_slice %arg7[%dma_wait3A_696] : memref<20480xi32, #tpu.memory_space<vmem>> -> memref<512xi32, #tpu.memory_space<vmem>>
      %dma_wait3A_698 = arith.constant 0 : i32
      %dma_wait3A_699 = arith.constant 0 : i32
      %dma_wait3A_700 = tpu.memref_slice %arg2[%dma_wait3A_698, %dma_wait3A_699] : memref<10000x48xf32, #tpu.memory_space<hbm>> -> memref<10000x48xf32, #tpu.memory_space<hbm>>
      tpu.wait_indirect_dma semaphore(%arg13 : memref<!tpu.dma_semaphore, #tpu.memory_space<semaphore_mem>>) src(%dma_wait3A_700 : memref<10000x48xf32, #tpu.memory_space<hbm>>) dst(%arg9 : memref<512x48xf32, #tpu.memory_space<vmem>>)
      %dma_wait3A_701 = arith.constant 14848 : i32
      %dma_wait3A_702 = tpu.memref_slice %arg8[%dma_wait3A_701] : memref<20480xi32, #tpu.memory_space<vmem>> -> memref<512xi32, #tpu.memory_space<vmem>>
      %dma_wait3A_703 = arith.constant 0 : i32
      %dma_wait3A_704 = arith.constant 0 : i32
      %dma_wait3A_705 = tpu.memref_slice %arg3[%dma_wait3A_703, %dma_wait3A_704] : memref<10000x16xf32, #tpu.memory_space<hbm>> -> memref<10000x16xf32, #tpu.memory_space<hbm>>
      tpu.wait_indirect_dma semaphore(%arg13 : memref<!tpu.dma_semaphore, #tpu.memory_space<semaphore_mem>>) src(%dma_wait3A_705 : memref<10000x16xf32, #tpu.memory_space<hbm>>) dst(%arg10 : memref<512x16xf32, #tpu.memory_space<vmem>>)
      %scan3A_706 = arith.constant 0 : i32
      %scan3A_707 = arith.constant 0 : i32
      %scan3A_708 = arith.constant 512 : i32
      %scan3A_709 = arith.addi %scan3A_707, %scan3A_708 : i32
      %scan3A_710 = arith.constant 1 : i32
      scf.for %scan3A_984 = %scan3A_707 to %scan3A_709 step %scan3A_710  : i32 {
        %get3A = arith.index_cast %scan3A_984 : i32 to index
        %get3A_985 = arith.constant 32 : index
        %get3A_986 = tpu.vector_load %arg9[%get3A, %get3A_985] {strides = array<i32>} : memref<512x48xf32, #tpu.memory_space<vmem>>, vector<1x16xf32>,
        %get3A_987 = vector.shape_cast %get3A_986 : vector<1x16xf32> to vector<16xf32>
        %get3A_988 = arith.index_cast %scan3A_984 : i32 to index
        %get3A_989 = arith.constant 0 : index
        %get3A_990 = tpu.vector_load %arg10[%get3A_988, %get3A_989] {strides = array<i32>} : memref<512x16xf32, #tpu.memory_space<vmem>>, vector<1x16xf32>,
        %get3A_991 = vector.shape_cast %get3A_990 : vector<1x16xf32> to vector<16xf32>
        %sub3A = arith.subf %get3A_987, %get3A_991 : vector<16xf32>
        %swap3A = arith.index_cast %scan3A_984 : i32 to index
        %swap3A_992 = arith.constant 32 : index
        %swap3A_993 = tpu.vector_load %arg9[%swap3A, %swap3A_992] {strides = array<i32>} : memref<512x48xf32, #tpu.memory_space<vmem>>, vector<1x16xf32>,
        %swap3A_994 = vector.shape_cast %swap3A_993 : vector<1x16xf32> to vector<16xf32>
        %swap3A_995 = vector.shape_cast %sub3A : vector<16xf32> to vector<1x16xf32>
        tpu.vector_store %arg9[%swap3A, %swap3A_992], %swap3A_995 {strides = array<i32>} : memref<512x48xf32, #tpu.memory_space<vmem>>, vector<1x16xf32>,
      }
      %scan3A_711 = arith.constant 512 : i32
      %add3A_712 = arith.constant 14848 : i32
      %add3A_713 = arith.addi %mul3A_0, %add3A_712 : i32
      "tpu.region"() ({
        %run_scoped3A = tpu.sem_alloc : memref<!tpu.dma_semaphore, #tpu.memory_space<semaphore_mem>>
        %dma_start3A_984 = arith.constant 0 : i32
        %dma_start3A_985 = tpu.memref_slice %arg6[%add3A_713, %dma_start3A_984] : memref<327680x48xf32, #tpu.memory_space<hbm>> -> memref<512x48xf32, #tpu.memory_space<hbm>>
        %dma_start3A_986 = arith.constant 0 : i32
        %dma_start3A_987 = tpu.memref_slice %arg6[%add3A_713, %dma_start3A_986] : memref<327680x48xf32, #tpu.memory_space<hbm>> -> memref<512x48xf32, #tpu.memory_space<hbm>>
        tpu.enqueue_dma source(%arg9 : memref<512x48xf32, #tpu.memory_space<vmem>>) target(%dma_start3A_987 : memref<512x48xf32, #tpu.memory_space<hbm>>) target_semaphore(%run_scoped3A : memref<!tpu.dma_semaphore, #tpu.memory_space<semaphore_mem>>)
        %dma_wait3A_988 = arith.constant 0 : i32
        %dma_wait3A_989 = tpu.memref_slice %arg6[%add3A_713, %dma_wait3A_988] : memref<327680x48xf32, #tpu.memory_space<hbm>> -> memref<512x48xf32, #tpu.memory_space<hbm>>
        %dma_wait3A_990 = arith.constant 0 : i32
        %dma_wait3A_991 = tpu.memref_slice %arg6[%add3A_713, %dma_wait3A_990] : memref<327680x48xf32, #tpu.memory_space<hbm>> -> memref<512x48xf32, #tpu.memory_space<hbm>>
        tpu.wait_dma2 semaphore(%run_scoped3A : memref<!tpu.dma_semaphore, #tpu.memory_space<semaphore_mem>>) src(%arg9 : memref<512x48xf32, #tpu.memory_space<vmem>>) dst(%dma_wait3A_991 : memref<512x48xf32, #tpu.memory_space<hbm>>)
        tpu.yield
      }) : () -> ()
      %dma_start3A_714 = arith.constant 15872 : i32
      %dma_start3A_715 = tpu.memref_slice %arg7[%dma_start3A_714] : memref<20480xi32, #tpu.memory_space<vmem>> -> memref<512xi32, #tpu.memory_space<vmem>>
      %dma_start3A_716 = arith.constant 0 : i32
      %dma_start3A_717 = arith.constant 0 : i32
      %dma_start3A_718 = tpu.memref_slice %arg2[%dma_start3A_716, %dma_start3A_717] : memref<10000x48xf32, #tpu.memory_space<hbm>> -> memref<10000x48xf32, #tpu.memory_space<hbm>>
      tpu.enqueue_indirect_dma source(%dma_start3A_718 : memref<10000x48xf32, #tpu.memory_space<hbm>>) target(%arg9 : memref<512x48xf32, #tpu.memory_space<vmem>>) offsets(%dma_start3A_715 : memref<512xi32, #tpu.memory_space<vmem>>) semaphore(%arg13 : memref<!tpu.dma_semaphore, #tpu.memory_space<semaphore_mem>>)
      %dma_start3A_719 = arith.constant 15872 : i32
      %dma_start3A_720 = tpu.memref_slice %arg8[%dma_start3A_719] : memref<20480xi32, #tpu.memory_space<vmem>> -> memref<512xi32, #tpu.memory_space<vmem>>
      %dma_start3A_721 = arith.constant 0 : i32
      %dma_start3A_722 = arith.constant 0 : i32
      %dma_start3A_723 = tpu.memref_slice %arg3[%dma_start3A_721, %dma_start3A_722] : memref<10000x16xf32, #tpu.memory_space<hbm>> -> memref<10000x16xf32, #tpu.memory_space<hbm>>
      tpu.enqueue_indirect_dma source(%dma_start3A_723 : memref<10000x16xf32, #tpu.memory_space<hbm>>) target(%arg10 : memref<512x16xf32, #tpu.memory_space<vmem>>) offsets(%dma_start3A_720 : memref<512xi32, #tpu.memory_space<vmem>>) semaphore(%arg13 : memref<!tpu.dma_semaphore, #tpu.memory_space<semaphore_mem>>)
      %dma_wait3A_724 = arith.constant 15360 : i32
      %dma_wait3A_725 = tpu.memref_slice %arg7[%dma_wait3A_724] : memref<20480xi32, #tpu.memory_space<vmem>> -> memref<512xi32, #tpu.memory_space<vmem>>
      %dma_wait3A_726 = arith.constant 0 : i32
      %dma_wait3A_727 = arith.constant 0 : i32
      %dma_wait3A_728 = tpu.memref_slice %arg2[%dma_wait3A_726, %dma_wait3A_727] : memref<10000x48xf32, #tpu.memory_space<hbm>> -> memref<10000x48xf32, #tpu.memory_space<hbm>>
      tpu.wait_indirect_dma semaphore(%arg14 : memref<!tpu.dma_semaphore, #tpu.memory_space<semaphore_mem>>) src(%dma_wait3A_728 : memref<10000x48xf32, #tpu.memory_space<hbm>>) dst(%arg11 : memref<512x48xf32, #tpu.memory_space<vmem>>)
      %dma_wait3A_729 = arith.constant 15360 : i32
      %dma_wait3A_730 = tpu.memref_slice %arg8[%dma_wait3A_729] : memref<20480xi32, #tpu.memory_space<vmem>> -> memref<512xi32, #tpu.memory_space<vmem>>
      %dma_wait3A_731 = arith.constant 0 : i32
      %dma_wait3A_732 = arith.constant 0 : i32
      %dma_wait3A_733 = tpu.memref_slice %arg3[%dma_wait3A_731, %dma_wait3A_732] : memref<10000x16xf32, #tpu.memory_space<hbm>> -> memref<10000x16xf32, #tpu.memory_space<hbm>>
      tpu.wait_indirect_dma semaphore(%arg14 : memref<!tpu.dma_semaphore, #tpu.memory_space<semaphore_mem>>) src(%dma_wait3A_733 : memref<10000x16xf32, #tpu.memory_space<hbm>>) dst(%arg12 : memref<512x16xf32, #tpu.memory_space<vmem>>)
      %scan3A_734 = arith.constant 0 : i32
      %scan3A_735 = arith.constant 0 : i32
      %scan3A_736 = arith.constant 512 : i32
      %scan3A_737 = arith.addi %scan3A_735, %scan3A_736 : i32
      %scan3A_738 = arith.constant 1 : i32
      scf.for %scan3A_984 = %scan3A_735 to %scan3A_737 step %scan3A_738  : i32 {
        %get3A = arith.index_cast %scan3A_984 : i32 to index
        %get3A_985 = arith.constant 32 : index
        %get3A_986 = tpu.vector_load %arg11[%get3A, %get3A_985] {strides = array<i32>} : memref<512x48xf32, #tpu.memory_space<vmem>>, vector<1x16xf32>,
        %get3A_987 = vector.shape_cast %get3A_986 : vector<1x16xf32> to vector<16xf32>
        %get3A_988 = arith.index_cast %scan3A_984 : i32 to index
        %get3A_989 = arith.constant 0 : index
        %get3A_990 = tpu.vector_load %arg12[%get3A_988, %get3A_989] {strides = array<i32>} : memref<512x16xf32, #tpu.memory_space<vmem>>, vector<1x16xf32>,
        %get3A_991 = vector.shape_cast %get3A_990 : vector<1x16xf32> to vector<16xf32>
        %sub3A = arith.subf %get3A_987, %get3A_991 : vector<16xf32>
        %swap3A = arith.index_cast %scan3A_984 : i32 to index
        %swap3A_992 = arith.constant 32 : index
        %swap3A_993 = tpu.vector_load %arg11[%swap3A, %swap3A_992] {strides = array<i32>} : memref<512x48xf32, #tpu.memory_space<vmem>>, vector<1x16xf32>,
        %swap3A_994 = vector.shape_cast %swap3A_993 : vector<1x16xf32> to vector<16xf32>
        %swap3A_995 = vector.shape_cast %sub3A : vector<16xf32> to vector<1x16xf32>
        tpu.vector_store %arg11[%swap3A, %swap3A_992], %swap3A_995 {strides = array<i32>} : memref<512x48xf32, #tpu.memory_space<vmem>>, vector<1x16xf32>,
      }
      %scan3A_739 = arith.constant 512 : i32
      %add3A_740 = arith.constant 15360 : i32
      %add3A_741 = arith.addi %mul3A_0, %add3A_740 : i32
      "tpu.region"() ({
        %run_scoped3A = tpu.sem_alloc : memref<!tpu.dma_semaphore, #tpu.memory_space<semaphore_mem>>
        %dma_start3A_984 = arith.constant 0 : i32
        %dma_start3A_985 = tpu.memref_slice %arg6[%add3A_741, %dma_start3A_984] : memref<327680x48xf32, #tpu.memory_space<hbm>> -> memref<512x48xf32, #tpu.memory_space<hbm>>
        %dma_start3A_986 = arith.constant 0 : i32
        %dma_start3A_987 = tpu.memref_slice %arg6[%add3A_741, %dma_start3A_986] : memref<327680x48xf32, #tpu.memory_space<hbm>> -> memref<512x48xf32, #tpu.memory_space<hbm>>
        tpu.enqueue_dma source(%arg11 : memref<512x48xf32, #tpu.memory_space<vmem>>) target(%dma_start3A_987 : memref<512x48xf32, #tpu.memory_space<hbm>>) target_semaphore(%run_scoped3A : memref<!tpu.dma_semaphore, #tpu.memory_space<semaphore_mem>>)
        %dma_wait3A_988 = arith.constant 0 : i32
        %dma_wait3A_989 = tpu.memref_slice %arg6[%add3A_741, %dma_wait3A_988] : memref<327680x48xf32, #tpu.memory_space<hbm>> -> memref<512x48xf32, #tpu.memory_space<hbm>>
        %dma_wait3A_990 = arith.constant 0 : i32
        %dma_wait3A_991 = tpu.memref_slice %arg6[%add3A_741, %dma_wait3A_990] : memref<327680x48xf32, #tpu.memory_space<hbm>> -> memref<512x48xf32, #tpu.memory_space<hbm>>
        tpu.wait_dma2 semaphore(%run_scoped3A : memref<!tpu.dma_semaphore, #tpu.memory_space<semaphore_mem>>) src(%arg11 : memref<512x48xf32, #tpu.memory_space<vmem>>) dst(%dma_wait3A_991 : memref<512x48xf32, #tpu.memory_space<hbm>>)
        tpu.yield
      }) : () -> ()
      %dma_start3A_742 = arith.constant 16384 : i32
      %dma_start3A_743 = tpu.memref_slice %arg7[%dma_start3A_742] : memref<20480xi32, #tpu.memory_space<vmem>> -> memref<512xi32, #tpu.memory_space<vmem>>
      %dma_start3A_744 = arith.constant 0 : i32
      %dma_start3A_745 = arith.constant 0 : i32
      %dma_start3A_746 = tpu.memref_slice %arg2[%dma_start3A_744, %dma_start3A_745] : memref<10000x48xf32, #tpu.memory_space<hbm>> -> memref<10000x48xf32, #tpu.memory_space<hbm>>
      tpu.enqueue_indirect_dma source(%dma_start3A_746 : memref<10000x48xf32, #tpu.memory_space<hbm>>) target(%arg11 : memref<512x48xf32, #tpu.memory_space<vmem>>) offsets(%dma_start3A_743 : memref<512xi32, #tpu.memory_space<vmem>>) semaphore(%arg14 : memref<!tpu.dma_semaphore, #tpu.memory_space<semaphore_mem>>)
      %dma_start3A_747 = arith.constant 16384 : i32
      %dma_start3A_748 = tpu.memref_slice %arg8[%dma_start3A_747] : memref<20480xi32, #tpu.memory_space<vmem>> -> memref<512xi32, #tpu.memory_space<vmem>>
      %dma_start3A_749 = arith.constant 0 : i32
      %dma_start3A_750 = arith.constant 0 : i32
      %dma_start3A_751 = tpu.memref_slice %arg3[%dma_start3A_749, %dma_start3A_750] : memref<10000x16xf32, #tpu.memory_space<hbm>> -> memref<10000x16xf32, #tpu.memory_space<hbm>>
      tpu.enqueue_indirect_dma source(%dma_start3A_751 : memref<10000x16xf32, #tpu.memory_space<hbm>>) target(%arg12 : memref<512x16xf32, #tpu.memory_space<vmem>>) offsets(%dma_start3A_748 : memref<512xi32, #tpu.memory_space<vmem>>) semaphore(%arg14 : memref<!tpu.dma_semaphore, #tpu.memory_space<semaphore_mem>>)
      %dma_wait3A_752 = arith.constant 15872 : i32
      %dma_wait3A_753 = tpu.memref_slice %arg7[%dma_wait3A_752] : memref<20480xi32, #tpu.memory_space<vmem>> -> memref<512xi32, #tpu.memory_space<vmem>>
      %dma_wait3A_754 = arith.constant 0 : i32
      %dma_wait3A_755 = arith.constant 0 : i32
      %dma_wait3A_756 = tpu.memref_slice %arg2[%dma_wait3A_754, %dma_wait3A_755] : memref<10000x48xf32, #tpu.memory_space<hbm>> -> memref<10000x48xf32, #tpu.memory_space<hbm>>
      tpu.wait_indirect_dma semaphore(%arg13 : memref<!tpu.dma_semaphore, #tpu.memory_space<semaphore_mem>>) src(%dma_wait3A_756 : memref<10000x48xf32, #tpu.memory_space<hbm>>) dst(%arg9 : memref<512x48xf32, #tpu.memory_space<vmem>>)
      %dma_wait3A_757 = arith.constant 15872 : i32
      %dma_wait3A_758 = tpu.memref_slice %arg8[%dma_wait3A_757] : memref<20480xi32, #tpu.memory_space<vmem>> -> memref<512xi32, #tpu.memory_space<vmem>>
      %dma_wait3A_759 = arith.constant 0 : i32
      %dma_wait3A_760 = arith.constant 0 : i32
      %dma_wait3A_761 = tpu.memref_slice %arg3[%dma_wait3A_759, %dma_wait3A_760] : memref<10000x16xf32, #tpu.memory_space<hbm>> -> memref<10000x16xf32, #tpu.memory_space<hbm>>
      tpu.wait_indirect_dma semaphore(%arg13 : memref<!tpu.dma_semaphore, #tpu.memory_space<semaphore_mem>>) src(%dma_wait3A_761 : memref<10000x16xf32, #tpu.memory_space<hbm>>) dst(%arg10 : memref<512x16xf32, #tpu.memory_space<vmem>>)
      %scan3A_762 = arith.constant 0 : i32
      %scan3A_763 = arith.constant 0 : i32
      %scan3A_764 = arith.constant 512 : i32
      %scan3A_765 = arith.addi %scan3A_763, %scan3A_764 : i32
      %scan3A_766 = arith.constant 1 : i32
      scf.for %scan3A_984 = %scan3A_763 to %scan3A_765 step %scan3A_766  : i32 {
        %get3A = arith.index_cast %scan3A_984 : i32 to index
        %get3A_985 = arith.constant 32 : index
        %get3A_986 = tpu.vector_load %arg9[%get3A, %get3A_985] {strides = array<i32>} : memref<512x48xf32, #tpu.memory_space<vmem>>, vector<1x16xf32>,
        %get3A_987 = vector.shape_cast %get3A_986 : vector<1x16xf32> to vector<16xf32>
        %get3A_988 = arith.index_cast %scan3A_984 : i32 to index
        %get3A_989 = arith.constant 0 : index
        %get3A_990 = tpu.vector_load %arg10[%get3A_988, %get3A_989] {strides = array<i32>} : memref<512x16xf32, #tpu.memory_space<vmem>>, vector<1x16xf32>,
        %get3A_991 = vector.shape_cast %get3A_990 : vector<1x16xf32> to vector<16xf32>
        %sub3A = arith.subf %get3A_987, %get3A_991 : vector<16xf32>
        %swap3A = arith.index_cast %scan3A_984 : i32 to index
        %swap3A_992 = arith.constant 32 : index
        %swap3A_993 = tpu.vector_load %arg9[%swap3A, %swap3A_992] {strides = array<i32>} : memref<512x48xf32, #tpu.memory_space<vmem>>, vector<1x16xf32>,
        %swap3A_994 = vector.shape_cast %swap3A_993 : vector<1x16xf32> to vector<16xf32>
        %swap3A_995 = vector.shape_cast %sub3A : vector<16xf32> to vector<1x16xf32>
        tpu.vector_store %arg9[%swap3A, %swap3A_992], %swap3A_995 {strides = array<i32>} : memref<512x48xf32, #tpu.memory_space<vmem>>, vector<1x16xf32>,
      }
      %scan3A_767 = arith.constant 512 : i32
      %add3A_768 = arith.constant 15872 : i32
      %add3A_769 = arith.addi %mul3A_0, %add3A_768 : i32
      "tpu.region"() ({
        %run_scoped3A = tpu.sem_alloc : memref<!tpu.dma_semaphore, #tpu.memory_space<semaphore_mem>>
        %dma_start3A_984 = arith.constant 0 : i32
        %dma_start3A_985 = tpu.memref_slice %arg6[%add3A_769, %dma_start3A_984] : memref<327680x48xf32, #tpu.memory_space<hbm>> -> memref<512x48xf32, #tpu.memory_space<hbm>>
        %dma_start3A_986 = arith.constant 0 : i32
        %dma_start3A_987 = tpu.memref_slice %arg6[%add3A_769, %dma_start3A_986] : memref<327680x48xf32, #tpu.memory_space<hbm>> -> memref<512x48xf32, #tpu.memory_space<hbm>>
        tpu.enqueue_dma source(%arg9 : memref<512x48xf32, #tpu.memory_space<vmem>>) target(%dma_start3A_987 : memref<512x48xf32, #tpu.memory_space<hbm>>) target_semaphore(%run_scoped3A : memref<!tpu.dma_semaphore, #tpu.memory_space<semaphore_mem>>)
        %dma_wait3A_988 = arith.constant 0 : i32
        %dma_wait3A_989 = tpu.memref_slice %arg6[%add3A_769, %dma_wait3A_988] : memref<327680x48xf32, #tpu.memory_space<hbm>> -> memref<512x48xf32, #tpu.memory_space<hbm>>
        %dma_wait3A_990 = arith.constant 0 : i32
        %dma_wait3A_991 = tpu.memref_slice %arg6[%add3A_769, %dma_wait3A_990] : memref<327680x48xf32, #tpu.memory_space<hbm>> -> memref<512x48xf32, #tpu.memory_space<hbm>>
        tpu.wait_dma2 semaphore(%run_scoped3A : memref<!tpu.dma_semaphore, #tpu.memory_space<semaphore_mem>>) src(%arg9 : memref<512x48xf32, #tpu.memory_space<vmem>>) dst(%dma_wait3A_991 : memref<512x48xf32, #tpu.memory_space<hbm>>)
        tpu.yield
      }) : () -> ()
      %dma_start3A_770 = arith.constant 16896 : i32
      %dma_start3A_771 = tpu.memref_slice %arg7[%dma_start3A_770] : memref<20480xi32, #tpu.memory_space<vmem>> -> memref<512xi32, #tpu.memory_space<vmem>>
      %dma_start3A_772 = arith.constant 0 : i32
      %dma_start3A_773 = arith.constant 0 : i32
      %dma_start3A_774 = tpu.memref_slice %arg2[%dma_start3A_772, %dma_start3A_773] : memref<10000x48xf32, #tpu.memory_space<hbm>> -> memref<10000x48xf32, #tpu.memory_space<hbm>>
      tpu.enqueue_indirect_dma source(%dma_start3A_774 : memref<10000x48xf32, #tpu.memory_space<hbm>>) target(%arg9 : memref<512x48xf32, #tpu.memory_space<vmem>>) offsets(%dma_start3A_771 : memref<512xi32, #tpu.memory_space<vmem>>) semaphore(%arg13 : memref<!tpu.dma_semaphore, #tpu.memory_space<semaphore_mem>>)
      %dma_start3A_775 = arith.constant 16896 : i32
      %dma_start3A_776 = tpu.memref_slice %arg8[%dma_start3A_775] : memref<20480xi32, #tpu.memory_space<vmem>> -> memref<512xi32, #tpu.memory_space<vmem>>
      %dma_start3A_777 = arith.constant 0 : i32
      %dma_start3A_778 = arith.constant 0 : i32
      %dma_start3A_779 = tpu.memref_slice %arg3[%dma_start3A_777, %dma_start3A_778] : memref<10000x16xf32, #tpu.memory_space<hbm>> -> memref<10000x16xf32, #tpu.memory_space<hbm>>
      tpu.enqueue_indirect_dma source(%dma_start3A_779 : memref<10000x16xf32, #tpu.memory_space<hbm>>) target(%arg10 : memref<512x16xf32, #tpu.memory_space<vmem>>) offsets(%dma_start3A_776 : memref<512xi32, #tpu.memory_space<vmem>>) semaphore(%arg13 : memref<!tpu.dma_semaphore, #tpu.memory_space<semaphore_mem>>)
      %dma_wait3A_780 = arith.constant 16384 : i32
      %dma_wait3A_781 = tpu.memref_slice %arg7[%dma_wait3A_780] : memref<20480xi32, #tpu.memory_space<vmem>> -> memref<512xi32, #tpu.memory_space<vmem>>
      %dma_wait3A_782 = arith.constant 0 : i32
      %dma_wait3A_783 = arith.constant 0 : i32
      %dma_wait3A_784 = tpu.memref_slice %arg2[%dma_wait3A_782, %dma_wait3A_783] : memref<10000x48xf32, #tpu.memory_space<hbm>> -> memref<10000x48xf32, #tpu.memory_space<hbm>>
      tpu.wait_indirect_dma semaphore(%arg14 : memref<!tpu.dma_semaphore, #tpu.memory_space<semaphore_mem>>) src(%dma_wait3A_784 : memref<10000x48xf32, #tpu.memory_space<hbm>>) dst(%arg11 : memref<512x48xf32, #tpu.memory_space<vmem>>)
      %dma_wait3A_785 = arith.constant 16384 : i32
      %dma_wait3A_786 = tpu.memref_slice %arg8[%dma_wait3A_785] : memref<20480xi32, #tpu.memory_space<vmem>> -> memref<512xi32, #tpu.memory_space<vmem>>
      %dma_wait3A_787 = arith.constant 0 : i32
      %dma_wait3A_788 = arith.constant 0 : i32
      %dma_wait3A_789 = tpu.memref_slice %arg3[%dma_wait3A_787, %dma_wait3A_788] : memref<10000x16xf32, #tpu.memory_space<hbm>> -> memref<10000x16xf32, #tpu.memory_space<hbm>>
      tpu.wait_indirect_dma semaphore(%arg14 : memref<!tpu.dma_semaphore, #tpu.memory_space<semaphore_mem>>) src(%dma_wait3A_789 : memref<10000x16xf32, #tpu.memory_space<hbm>>) dst(%arg12 : memref<512x16xf32, #tpu.memory_space<vmem>>)
      %scan3A_790 = arith.constant 0 : i32
      %scan3A_791 = arith.constant 0 : i32
      %scan3A_792 = arith.constant 512 : i32
      %scan3A_793 = arith.addi %scan3A_791, %scan3A_792 : i32
      %scan3A_794 = arith.constant 1 : i32
      scf.for %scan3A_984 = %scan3A_791 to %scan3A_793 step %scan3A_794  : i32 {
        %get3A = arith.index_cast %scan3A_984 : i32 to index
        %get3A_985 = arith.constant 32 : index
        %get3A_986 = tpu.vector_load %arg11[%get3A, %get3A_985] {strides = array<i32>} : memref<512x48xf32, #tpu.memory_space<vmem>>, vector<1x16xf32>,
        %get3A_987 = vector.shape_cast %get3A_986 : vector<1x16xf32> to vector<16xf32>
        %get3A_988 = arith.index_cast %scan3A_984 : i32 to index
        %get3A_989 = arith.constant 0 : index
        %get3A_990 = tpu.vector_load %arg12[%get3A_988, %get3A_989] {strides = array<i32>} : memref<512x16xf32, #tpu.memory_space<vmem>>, vector<1x16xf32>,
        %get3A_991 = vector.shape_cast %get3A_990 : vector<1x16xf32> to vector<16xf32>
        %sub3A = arith.subf %get3A_987, %get3A_991 : vector<16xf32>
        %swap3A = arith.index_cast %scan3A_984 : i32 to index
        %swap3A_992 = arith.constant 32 : index
        %swap3A_993 = tpu.vector_load %arg11[%swap3A, %swap3A_992] {strides = array<i32>} : memref<512x48xf32, #tpu.memory_space<vmem>>, vector<1x16xf32>,
        %swap3A_994 = vector.shape_cast %swap3A_993 : vector<1x16xf32> to vector<16xf32>
        %swap3A_995 = vector.shape_cast %sub3A : vector<16xf32> to vector<1x16xf32>
        tpu.vector_store %arg11[%swap3A, %swap3A_992], %swap3A_995 {strides = array<i32>} : memref<512x48xf32, #tpu.memory_space<vmem>>, vector<1x16xf32>,
      }
      %scan3A_795 = arith.constant 512 : i32
      %add3A_796 = arith.constant 16384 : i32
      %add3A_797 = arith.addi %mul3A_0, %add3A_796 : i32
      "tpu.region"() ({
        %run_scoped3A = tpu.sem_alloc : memref<!tpu.dma_semaphore, #tpu.memory_space<semaphore_mem>>
        %dma_start3A_984 = arith.constant 0 : i32
        %dma_start3A_985 = tpu.memref_slice %arg6[%add3A_797, %dma_start3A_984] : memref<327680x48xf32, #tpu.memory_space<hbm>> -> memref<512x48xf32, #tpu.memory_space<hbm>>
        %dma_start3A_986 = arith.constant 0 : i32
        %dma_start3A_987 = tpu.memref_slice %arg6[%add3A_797, %dma_start3A_986] : memref<327680x48xf32, #tpu.memory_space<hbm>> -> memref<512x48xf32, #tpu.memory_space<hbm>>
        tpu.enqueue_dma source(%arg11 : memref<512x48xf32, #tpu.memory_space<vmem>>) target(%dma_start3A_987 : memref<512x48xf32, #tpu.memory_space<hbm>>) target_semaphore(%run_scoped3A : memref<!tpu.dma_semaphore, #tpu.memory_space<semaphore_mem>>)
        %dma_wait3A_988 = arith.constant 0 : i32
        %dma_wait3A_989 = tpu.memref_slice %arg6[%add3A_797, %dma_wait3A_988] : memref<327680x48xf32, #tpu.memory_space<hbm>> -> memref<512x48xf32, #tpu.memory_space<hbm>>
        %dma_wait3A_990 = arith.constant 0 : i32
        %dma_wait3A_991 = tpu.memref_slice %arg6[%add3A_797, %dma_wait3A_990] : memref<327680x48xf32, #tpu.memory_space<hbm>> -> memref<512x48xf32, #tpu.memory_space<hbm>>
        tpu.wait_dma2 semaphore(%run_scoped3A : memref<!tpu.dma_semaphore, #tpu.memory_space<semaphore_mem>>) src(%arg11 : memref<512x48xf32, #tpu.memory_space<vmem>>) dst(%dma_wait3A_991 : memref<512x48xf32, #tpu.memory_space<hbm>>)
        tpu.yield
      }) : () -> ()
      %dma_start3A_798 = arith.constant 17408 : i32
      %dma_start3A_799 = tpu.memref_slice %arg7[%dma_start3A_798] : memref<20480xi32, #tpu.memory_space<vmem>> -> memref<512xi32, #tpu.memory_space<vmem>>
      %dma_start3A_800 = arith.constant 0 : i32
      %dma_start3A_801 = arith.constant 0 : i32
      %dma_start3A_802 = tpu.memref_slice %arg2[%dma_start3A_800, %dma_start3A_801] : memref<10000x48xf32, #tpu.memory_space<hbm>> -> memref<10000x48xf32, #tpu.memory_space<hbm>>
      tpu.enqueue_indirect_dma source(%dma_start3A_802 : memref<10000x48xf32, #tpu.memory_space<hbm>>) target(%arg11 : memref<512x48xf32, #tpu.memory_space<vmem>>) offsets(%dma_start3A_799 : memref<512xi32, #tpu.memory_space<vmem>>) semaphore(%arg14 : memref<!tpu.dma_semaphore, #tpu.memory_space<semaphore_mem>>)
      %dma_start3A_803 = arith.constant 17408 : i32
      %dma_start3A_804 = tpu.memref_slice %arg8[%dma_start3A_803] : memref<20480xi32, #tpu.memory_space<vmem>> -> memref<512xi32, #tpu.memory_space<vmem>>
      %dma_start3A_805 = arith.constant 0 : i32
      %dma_start3A_806 = arith.constant 0 : i32
      %dma_start3A_807 = tpu.memref_slice %arg3[%dma_start3A_805, %dma_start3A_806] : memref<10000x16xf32, #tpu.memory_space<hbm>> -> memref<10000x16xf32, #tpu.memory_space<hbm>>
      tpu.enqueue_indirect_dma source(%dma_start3A_807 : memref<10000x16xf32, #tpu.memory_space<hbm>>) target(%arg12 : memref<512x16xf32, #tpu.memory_space<vmem>>) offsets(%dma_start3A_804 : memref<512xi32, #tpu.memory_space<vmem>>) semaphore(%arg14 : memref<!tpu.dma_semaphore, #tpu.memory_space<semaphore_mem>>)
      %dma_wait3A_808 = arith.constant 16896 : i32
      %dma_wait3A_809 = tpu.memref_slice %arg7[%dma_wait3A_808] : memref<20480xi32, #tpu.memory_space<vmem>> -> memref<512xi32, #tpu.memory_space<vmem>>
      %dma_wait3A_810 = arith.constant 0 : i32
      %dma_wait3A_811 = arith.constant 0 : i32
      %dma_wait3A_812 = tpu.memref_slice %arg2[%dma_wait3A_810, %dma_wait3A_811] : memref<10000x48xf32, #tpu.memory_space<hbm>> -> memref<10000x48xf32, #tpu.memory_space<hbm>>
      tpu.wait_indirect_dma semaphore(%arg13 : memref<!tpu.dma_semaphore, #tpu.memory_space<semaphore_mem>>) src(%dma_wait3A_812 : memref<10000x48xf32, #tpu.memory_space<hbm>>) dst(%arg9 : memref<512x48xf32, #tpu.memory_space<vmem>>)
      %dma_wait3A_813 = arith.constant 16896 : i32
      %dma_wait3A_814 = tpu.memref_slice %arg8[%dma_wait3A_813] : memref<20480xi32, #tpu.memory_space<vmem>> -> memref<512xi32, #tpu.memory_space<vmem>>
      %dma_wait3A_815 = arith.constant 0 : i32
      %dma_wait3A_816 = arith.constant 0 : i32
      %dma_wait3A_817 = tpu.memref_slice %arg3[%dma_wait3A_815, %dma_wait3A_816] : memref<10000x16xf32, #tpu.memory_space<hbm>> -> memref<10000x16xf32, #tpu.memory_space<hbm>>
      tpu.wait_indirect_dma semaphore(%arg13 : memref<!tpu.dma_semaphore, #tpu.memory_space<semaphore_mem>>) src(%dma_wait3A_817 : memref<10000x16xf32, #tpu.memory_space<hbm>>) dst(%arg10 : memref<512x16xf32, #tpu.memory_space<vmem>>)
      %scan3A_818 = arith.constant 0 : i32
      %scan3A_819 = arith.constant 0 : i32
      %scan3A_820 = arith.constant 512 : i32
      %scan3A_821 = arith.addi %scan3A_819, %scan3A_820 : i32
      %scan3A_822 = arith.constant 1 : i32
      scf.for %scan3A_984 = %scan3A_819 to %scan3A_821 step %scan3A_822  : i32 {
        %get3A = arith.index_cast %scan3A_984 : i32 to index
        %get3A_985 = arith.constant 32 : index
        %get3A_986 = tpu.vector_load %arg9[%get3A, %get3A_985] {strides = array<i32>} : memref<512x48xf32, #tpu.memory_space<vmem>>, vector<1x16xf32>,
        %get3A_987 = vector.shape_cast %get3A_986 : vector<1x16xf32> to vector<16xf32>
        %get3A_988 = arith.index_cast %scan3A_984 : i32 to index
        %get3A_989 = arith.constant 0 : index
        %get3A_990 = tpu.vector_load %arg10[%get3A_988, %get3A_989] {strides = array<i32>} : memref<512x16xf32, #tpu.memory_space<vmem>>, vector<1x16xf32>,
        %get3A_991 = vector.shape_cast %get3A_990 : vector<1x16xf32> to vector<16xf32>
        %sub3A = arith.subf %get3A_987, %get3A_991 : vector<16xf32>
        %swap3A = arith.index_cast %scan3A_984 : i32 to index
        %swap3A_992 = arith.constant 32 : index
        %swap3A_993 = tpu.vector_load %arg9[%swap3A, %swap3A_992] {strides = array<i32>} : memref<512x48xf32, #tpu.memory_space<vmem>>, vector<1x16xf32>,
        %swap3A_994 = vector.shape_cast %swap3A_993 : vector<1x16xf32> to vector<16xf32>
        %swap3A_995 = vector.shape_cast %sub3A : vector<16xf32> to vector<1x16xf32>
        tpu.vector_store %arg9[%swap3A, %swap3A_992], %swap3A_995 {strides = array<i32>} : memref<512x48xf32, #tpu.memory_space<vmem>>, vector<1x16xf32>,
      }
      %scan3A_823 = arith.constant 512 : i32
      %add3A_824 = arith.constant 16896 : i32
      %add3A_825 = arith.addi %mul3A_0, %add3A_824 : i32
      "tpu.region"() ({
        %run_scoped3A = tpu.sem_alloc : memref<!tpu.dma_semaphore, #tpu.memory_space<semaphore_mem>>
        %dma_start3A_984 = arith.constant 0 : i32
        %dma_start3A_985 = tpu.memref_slice %arg6[%add3A_825, %dma_start3A_984] : memref<327680x48xf32, #tpu.memory_space<hbm>> -> memref<512x48xf32, #tpu.memory_space<hbm>>
        %dma_start3A_986 = arith.constant 0 : i32
        %dma_start3A_987 = tpu.memref_slice %arg6[%add3A_825, %dma_start3A_986] : memref<327680x48xf32, #tpu.memory_space<hbm>> -> memref<512x48xf32, #tpu.memory_space<hbm>>
        tpu.enqueue_dma source(%arg9 : memref<512x48xf32, #tpu.memory_space<vmem>>) target(%dma_start3A_987 : memref<512x48xf32, #tpu.memory_space<hbm>>) target_semaphore(%run_scoped3A : memref<!tpu.dma_semaphore, #tpu.memory_space<semaphore_mem>>)
        %dma_wait3A_988 = arith.constant 0 : i32
        %dma_wait3A_989 = tpu.memref_slice %arg6[%add3A_825, %dma_wait3A_988] : memref<327680x48xf32, #tpu.memory_space<hbm>> -> memref<512x48xf32, #tpu.memory_space<hbm>>
        %dma_wait3A_990 = arith.constant 0 : i32
        %dma_wait3A_991 = tpu.memref_slice %arg6[%add3A_825, %dma_wait3A_990] : memref<327680x48xf32, #tpu.memory_space<hbm>> -> memref<512x48xf32, #tpu.memory_space<hbm>>
        tpu.wait_dma2 semaphore(%run_scoped3A : memref<!tpu.dma_semaphore, #tpu.memory_space<semaphore_mem>>) src(%arg9 : memref<512x48xf32, #tpu.memory_space<vmem>>) dst(%dma_wait3A_991 : memref<512x48xf32, #tpu.memory_space<hbm>>)
        tpu.yield
      }) : () -> ()
      %dma_start3A_826 = arith.constant 17920 : i32
      %dma_start3A_827 = tpu.memref_slice %arg7[%dma_start3A_826] : memref<20480xi32, #tpu.memory_space<vmem>> -> memref<512xi32, #tpu.memory_space<vmem>>
      %dma_start3A_828 = arith.constant 0 : i32
      %dma_start3A_829 = arith.constant 0 : i32
      %dma_start3A_830 = tpu.memref_slice %arg2[%dma_start3A_828, %dma_start3A_829] : memref<10000x48xf32, #tpu.memory_space<hbm>> -> memref<10000x48xf32, #tpu.memory_space<hbm>>
      tpu.enqueue_indirect_dma source(%dma_start3A_830 : memref<10000x48xf32, #tpu.memory_space<hbm>>) target(%arg9 : memref<512x48xf32, #tpu.memory_space<vmem>>) offsets(%dma_start3A_827 : memref<512xi32, #tpu.memory_space<vmem>>) semaphore(%arg13 : memref<!tpu.dma_semaphore, #tpu.memory_space<semaphore_mem>>)
      %dma_start3A_831 = arith.constant 17920 : i32
      %dma_start3A_832 = tpu.memref_slice %arg8[%dma_start3A_831] : memref<20480xi32, #tpu.memory_space<vmem>> -> memref<512xi32, #tpu.memory_space<vmem>>
      %dma_start3A_833 = arith.constant 0 : i32
      %dma_start3A_834 = arith.constant 0 : i32
      %dma_start3A_835 = tpu.memref_slice %arg3[%dma_start3A_833, %dma_start3A_834] : memref<10000x16xf32, #tpu.memory_space<hbm>> -> memref<10000x16xf32, #tpu.memory_space<hbm>>
      tpu.enqueue_indirect_dma source(%dma_start3A_835 : memref<10000x16xf32, #tpu.memory_space<hbm>>) target(%arg10 : memref<512x16xf32, #tpu.memory_space<vmem>>) offsets(%dma_start3A_832 : memref<512xi32, #tpu.memory_space<vmem>>) semaphore(%arg13 : memref<!tpu.dma_semaphore, #tpu.memory_space<semaphore_mem>>)
      %dma_wait3A_836 = arith.constant 17408 : i32
      %dma_wait3A_837 = tpu.memref_slice %arg7[%dma_wait3A_836] : memref<20480xi32, #tpu.memory_space<vmem>> -> memref<512xi32, #tpu.memory_space<vmem>>
      %dma_wait3A_838 = arith.constant 0 : i32
      %dma_wait3A_839 = arith.constant 0 : i32
      %dma_wait3A_840 = tpu.memref_slice %arg2[%dma_wait3A_838, %dma_wait3A_839] : memref<10000x48xf32, #tpu.memory_space<hbm>> -> memref<10000x48xf32, #tpu.memory_space<hbm>>
      tpu.wait_indirect_dma semaphore(%arg14 : memref<!tpu.dma_semaphore, #tpu.memory_space<semaphore_mem>>) src(%dma_wait3A_840 : memref<10000x48xf32, #tpu.memory_space<hbm>>) dst(%arg11 : memref<512x48xf32, #tpu.memory_space<vmem>>)
      %dma_wait3A_841 = arith.constant 17408 : i32
      %dma_wait3A_842 = tpu.memref_slice %arg8[%dma_wait3A_841] : memref<20480xi32, #tpu.memory_space<vmem>> -> memref<512xi32, #tpu.memory_space<vmem>>
      %dma_wait3A_843 = arith.constant 0 : i32
      %dma_wait3A_844 = arith.constant 0 : i32
      %dma_wait3A_845 = tpu.memref_slice %arg3[%dma_wait3A_843, %dma_wait3A_844] : memref<10000x16xf32, #tpu.memory_space<hbm>> -> memref<10000x16xf32, #tpu.memory_space<hbm>>
      tpu.wait_indirect_dma semaphore(%arg14 : memref<!tpu.dma_semaphore, #tpu.memory_space<semaphore_mem>>) src(%dma_wait3A_845 : memref<10000x16xf32, #tpu.memory_space<hbm>>) dst(%arg12 : memref<512x16xf32, #tpu.memory_space<vmem>>)
      %scan3A_846 = arith.constant 0 : i32
      %scan3A_847 = arith.constant 0 : i32
      %scan3A_848 = arith.constant 512 : i32
      %scan3A_849 = arith.addi %scan3A_847, %scan3A_848 : i32
      %scan3A_850 = arith.constant 1 : i32
      scf.for %scan3A_984 = %scan3A_847 to %scan3A_849 step %scan3A_850  : i32 {
        %get3A = arith.index_cast %scan3A_984 : i32 to index
        %get3A_985 = arith.constant 32 : index
        %get3A_986 = tpu.vector_load %arg11[%get3A, %get3A_985] {strides = array<i32>} : memref<512x48xf32, #tpu.memory_space<vmem>>, vector<1x16xf32>,
        %get3A_987 = vector.shape_cast %get3A_986 : vector<1x16xf32> to vector<16xf32>
        %get3A_988 = arith.index_cast %scan3A_984 : i32 to index
        %get3A_989 = arith.constant 0 : index
        %get3A_990 = tpu.vector_load %arg12[%get3A_988, %get3A_989] {strides = array<i32>} : memref<512x16xf32, #tpu.memory_space<vmem>>, vector<1x16xf32>,
        %get3A_991 = vector.shape_cast %get3A_990 : vector<1x16xf32> to vector<16xf32>
        %sub3A = arith.subf %get3A_987, %get3A_991 : vector<16xf32>
        %swap3A = arith.index_cast %scan3A_984 : i32 to index
        %swap3A_992 = arith.constant 32 : index
        %swap3A_993 = tpu.vector_load %arg11[%swap3A, %swap3A_992] {strides = array<i32>} : memref<512x48xf32, #tpu.memory_space<vmem>>, vector<1x16xf32>,
        %swap3A_994 = vector.shape_cast %swap3A_993 : vector<1x16xf32> to vector<16xf32>
        %swap3A_995 = vector.shape_cast %sub3A : vector<16xf32> to vector<1x16xf32>
        tpu.vector_store %arg11[%swap3A, %swap3A_992], %swap3A_995 {strides = array<i32>} : memref<512x48xf32, #tpu.memory_space<vmem>>, vector<1x16xf32>,
      }
      %scan3A_851 = arith.constant 512 : i32
      %add3A_852 = arith.constant 17408 : i32
      %add3A_853 = arith.addi %mul3A_0, %add3A_852 : i32
      "tpu.region"() ({
        %run_scoped3A = tpu.sem_alloc : memref<!tpu.dma_semaphore, #tpu.memory_space<semaphore_mem>>
        %dma_start3A_984 = arith.constant 0 : i32
        %dma_start3A_985 = tpu.memref_slice %arg6[%add3A_853, %dma_start3A_984] : memref<327680x48xf32, #tpu.memory_space<hbm>> -> memref<512x48xf32, #tpu.memory_space<hbm>>
        %dma_start3A_986 = arith.constant 0 : i32
        %dma_start3A_987 = tpu.memref_slice %arg6[%add3A_853, %dma_start3A_986] : memref<327680x48xf32, #tpu.memory_space<hbm>> -> memref<512x48xf32, #tpu.memory_space<hbm>>
        tpu.enqueue_dma source(%arg11 : memref<512x48xf32, #tpu.memory_space<vmem>>) target(%dma_start3A_987 : memref<512x48xf32, #tpu.memory_space<hbm>>) target_semaphore(%run_scoped3A : memref<!tpu.dma_semaphore, #tpu.memory_space<semaphore_mem>>)
        %dma_wait3A_988 = arith.constant 0 : i32
        %dma_wait3A_989 = tpu.memref_slice %arg6[%add3A_853, %dma_wait3A_988] : memref<327680x48xf32, #tpu.memory_space<hbm>> -> memref<512x48xf32, #tpu.memory_space<hbm>>
        %dma_wait3A_990 = arith.constant 0 : i32
        %dma_wait3A_991 = tpu.memref_slice %arg6[%add3A_853, %dma_wait3A_990] : memref<327680x48xf32, #tpu.memory_space<hbm>> -> memref<512x48xf32, #tpu.memory_space<hbm>>
        tpu.wait_dma2 semaphore(%run_scoped3A : memref<!tpu.dma_semaphore, #tpu.memory_space<semaphore_mem>>) src(%arg11 : memref<512x48xf32, #tpu.memory_space<vmem>>) dst(%dma_wait3A_991 : memref<512x48xf32, #tpu.memory_space<hbm>>)
        tpu.yield
      }) : () -> ()
      %dma_start3A_854 = arith.constant 18432 : i32
      %dma_start3A_855 = tpu.memref_slice %arg7[%dma_start3A_854] : memref<20480xi32, #tpu.memory_space<vmem>> -> memref<512xi32, #tpu.memory_space<vmem>>
      %dma_start3A_856 = arith.constant 0 : i32
      %dma_start3A_857 = arith.constant 0 : i32
      %dma_start3A_858 = tpu.memref_slice %arg2[%dma_start3A_856, %dma_start3A_857] : memref<10000x48xf32, #tpu.memory_space<hbm>> -> memref<10000x48xf32, #tpu.memory_space<hbm>>
      tpu.enqueue_indirect_dma source(%dma_start3A_858 : memref<10000x48xf32, #tpu.memory_space<hbm>>) target(%arg11 : memref<512x48xf32, #tpu.memory_space<vmem>>) offsets(%dma_start3A_855 : memref<512xi32, #tpu.memory_space<vmem>>) semaphore(%arg14 : memref<!tpu.dma_semaphore, #tpu.memory_space<semaphore_mem>>)
      %dma_start3A_859 = arith.constant 18432 : i32
      %dma_start3A_860 = tpu.memref_slice %arg8[%dma_start3A_859] : memref<20480xi32, #tpu.memory_space<vmem>> -> memref<512xi32, #tpu.memory_space<vmem>>
      %dma_start3A_861 = arith.constant 0 : i32
      %dma_start3A_862 = arith.constant 0 : i32
      %dma_start3A_863 = tpu.memref_slice %arg3[%dma_start3A_861, %dma_start3A_862] : memref<10000x16xf32, #tpu.memory_space<hbm>> -> memref<10000x16xf32, #tpu.memory_space<hbm>>
      tpu.enqueue_indirect_dma source(%dma_start3A_863 : memref<10000x16xf32, #tpu.memory_space<hbm>>) target(%arg12 : memref<512x16xf32, #tpu.memory_space<vmem>>) offsets(%dma_start3A_860 : memref<512xi32, #tpu.memory_space<vmem>>) semaphore(%arg14 : memref<!tpu.dma_semaphore, #tpu.memory_space<semaphore_mem>>)
      %dma_wait3A_864 = arith.constant 17920 : i32
      %dma_wait3A_865 = tpu.memref_slice %arg7[%dma_wait3A_864] : memref<20480xi32, #tpu.memory_space<vmem>> -> memref<512xi32, #tpu.memory_space<vmem>>
      %dma_wait3A_866 = arith.constant 0 : i32
      %dma_wait3A_867 = arith.constant 0 : i32
      %dma_wait3A_868 = tpu.memref_slice %arg2[%dma_wait3A_866, %dma_wait3A_867] : memref<10000x48xf32, #tpu.memory_space<hbm>> -> memref<10000x48xf32, #tpu.memory_space<hbm>>
      tpu.wait_indirect_dma semaphore(%arg13 : memref<!tpu.dma_semaphore, #tpu.memory_space<semaphore_mem>>) src(%dma_wait3A_868 : memref<10000x48xf32, #tpu.memory_space<hbm>>) dst(%arg9 : memref<512x48xf32, #tpu.memory_space<vmem>>)
      %dma_wait3A_869 = arith.constant 17920 : i32
      %dma_wait3A_870 = tpu.memref_slice %arg8[%dma_wait3A_869] : memref<20480xi32, #tpu.memory_space<vmem>> -> memref<512xi32, #tpu.memory_space<vmem>>
      %dma_wait3A_871 = arith.constant 0 : i32
      %dma_wait3A_872 = arith.constant 0 : i32
      %dma_wait3A_873 = tpu.memref_slice %arg3[%dma_wait3A_871, %dma_wait3A_872] : memref<10000x16xf32, #tpu.memory_space<hbm>> -> memref<10000x16xf32, #tpu.memory_space<hbm>>
      tpu.wait_indirect_dma semaphore(%arg13 : memref<!tpu.dma_semaphore, #tpu.memory_space<semaphore_mem>>) src(%dma_wait3A_873 : memref<10000x16xf32, #tpu.memory_space<hbm>>) dst(%arg10 : memref<512x16xf32, #tpu.memory_space<vmem>>)
      %scan3A_874 = arith.constant 0 : i32
      %scan3A_875 = arith.constant 0 : i32
      %scan3A_876 = arith.constant 512 : i32
      %scan3A_877 = arith.addi %scan3A_875, %scan3A_876 : i32
      %scan3A_878 = arith.constant 1 : i32
      scf.for %scan3A_984 = %scan3A_875 to %scan3A_877 step %scan3A_878  : i32 {
        %get3A = arith.index_cast %scan3A_984 : i32 to index
        %get3A_985 = arith.constant 32 : index
        %get3A_986 = tpu.vector_load %arg9[%get3A, %get3A_985] {strides = array<i32>} : memref<512x48xf32, #tpu.memory_space<vmem>>, vector<1x16xf32>,
        %get3A_987 = vector.shape_cast %get3A_986 : vector<1x16xf32> to vector<16xf32>
        %get3A_988 = arith.index_cast %scan3A_984 : i32 to index
        %get3A_989 = arith.constant 0 : index
        %get3A_990 = tpu.vector_load %arg10[%get3A_988, %get3A_989] {strides = array<i32>} : memref<512x16xf32, #tpu.memory_space<vmem>>, vector<1x16xf32>,
        %get3A_991 = vector.shape_cast %get3A_990 : vector<1x16xf32> to vector<16xf32>
        %sub3A = arith.subf %get3A_987, %get3A_991 : vector<16xf32>
        %swap3A = arith.index_cast %scan3A_984 : i32 to index
        %swap3A_992 = arith.constant 32 : index
        %swap3A_993 = tpu.vector_load %arg9[%swap3A, %swap3A_992] {strides = array<i32>} : memref<512x48xf32, #tpu.memory_space<vmem>>, vector<1x16xf32>,
        %swap3A_994 = vector.shape_cast %swap3A_993 : vector<1x16xf32> to vector<16xf32>
        %swap3A_995 = vector.shape_cast %sub3A : vector<16xf32> to vector<1x16xf32>
        tpu.vector_store %arg9[%swap3A, %swap3A_992], %swap3A_995 {strides = array<i32>} : memref<512x48xf32, #tpu.memory_space<vmem>>, vector<1x16xf32>,
      }
      %scan3A_879 = arith.constant 512 : i32
      %add3A_880 = arith.constant 17920 : i32
      %add3A_881 = arith.addi %mul3A_0, %add3A_880 : i32
      "tpu.region"() ({
        %run_scoped3A = tpu.sem_alloc : memref<!tpu.dma_semaphore, #tpu.memory_space<semaphore_mem>>
        %dma_start3A_984 = arith.constant 0 : i32
        %dma_start3A_985 = tpu.memref_slice %arg6[%add3A_881, %dma_start3A_984] : memref<327680x48xf32, #tpu.memory_space<hbm>> -> memref<512x48xf32, #tpu.memory_space<hbm>>
        %dma_start3A_986 = arith.constant 0 : i32
        %dma_start3A_987 = tpu.memref_slice %arg6[%add3A_881, %dma_start3A_986] : memref<327680x48xf32, #tpu.memory_space<hbm>> -> memref<512x48xf32, #tpu.memory_space<hbm>>
        tpu.enqueue_dma source(%arg9 : memref<512x48xf32, #tpu.memory_space<vmem>>) target(%dma_start3A_987 : memref<512x48xf32, #tpu.memory_space<hbm>>) target_semaphore(%run_scoped3A : memref<!tpu.dma_semaphore, #tpu.memory_space<semaphore_mem>>)
        %dma_wait3A_988 = arith.constant 0 : i32
        %dma_wait3A_989 = tpu.memref_slice %arg6[%add3A_881, %dma_wait3A_988] : memref<327680x48xf32, #tpu.memory_space<hbm>> -> memref<512x48xf32, #tpu.memory_space<hbm>>
        %dma_wait3A_990 = arith.constant 0 : i32
        %dma_wait3A_991 = tpu.memref_slice %arg6[%add3A_881, %dma_wait3A_990] : memref<327680x48xf32, #tpu.memory_space<hbm>> -> memref<512x48xf32, #tpu.memory_space<hbm>>
        tpu.wait_dma2 semaphore(%run_scoped3A : memref<!tpu.dma_semaphore, #tpu.memory_space<semaphore_mem>>) src(%arg9 : memref<512x48xf32, #tpu.memory_space<vmem>>) dst(%dma_wait3A_991 : memref<512x48xf32, #tpu.memory_space<hbm>>)
        tpu.yield
      }) : () -> ()
      %dma_start3A_882 = arith.constant 18944 : i32
      %dma_start3A_883 = tpu.memref_slice %arg7[%dma_start3A_882] : memref<20480xi32, #tpu.memory_space<vmem>> -> memref<512xi32, #tpu.memory_space<vmem>>
      %dma_start3A_884 = arith.constant 0 : i32
      %dma_start3A_885 = arith.constant 0 : i32
      %dma_start3A_886 = tpu.memref_slice %arg2[%dma_start3A_884, %dma_start3A_885] : memref<10000x48xf32, #tpu.memory_space<hbm>> -> memref<10000x48xf32, #tpu.memory_space<hbm>>
      tpu.enqueue_indirect_dma source(%dma_start3A_886 : memref<10000x48xf32, #tpu.memory_space<hbm>>) target(%arg9 : memref<512x48xf32, #tpu.memory_space<vmem>>) offsets(%dma_start3A_883 : memref<512xi32, #tpu.memory_space<vmem>>) semaphore(%arg13 : memref<!tpu.dma_semaphore, #tpu.memory_space<semaphore_mem>>)
      %dma_start3A_887 = arith.constant 18944 : i32
      %dma_start3A_888 = tpu.memref_slice %arg8[%dma_start3A_887] : memref<20480xi32, #tpu.memory_space<vmem>> -> memref<512xi32, #tpu.memory_space<vmem>>
      %dma_start3A_889 = arith.constant 0 : i32
      %dma_start3A_890 = arith.constant 0 : i32
      %dma_start3A_891 = tpu.memref_slice %arg3[%dma_start3A_889, %dma_start3A_890] : memref<10000x16xf32, #tpu.memory_space<hbm>> -> memref<10000x16xf32, #tpu.memory_space<hbm>>
      tpu.enqueue_indirect_dma source(%dma_start3A_891 : memref<10000x16xf32, #tpu.memory_space<hbm>>) target(%arg10 : memref<512x16xf32, #tpu.memory_space<vmem>>) offsets(%dma_start3A_888 : memref<512xi32, #tpu.memory_space<vmem>>) semaphore(%arg13 : memref<!tpu.dma_semaphore, #tpu.memory_space<semaphore_mem>>)
      %dma_wait3A_892 = arith.constant 18432 : i32
      %dma_wait3A_893 = tpu.memref_slice %arg7[%dma_wait3A_892] : memref<20480xi32, #tpu.memory_space<vmem>> -> memref<512xi32, #tpu.memory_space<vmem>>
      %dma_wait3A_894 = arith.constant 0 : i32
      %dma_wait3A_895 = arith.constant 0 : i32
      %dma_wait3A_896 = tpu.memref_slice %arg2[%dma_wait3A_894, %dma_wait3A_895] : memref<10000x48xf32, #tpu.memory_space<hbm>> -> memref<10000x48xf32, #tpu.memory_space<hbm>>
      tpu.wait_indirect_dma semaphore(%arg14 : memref<!tpu.dma_semaphore, #tpu.memory_space<semaphore_mem>>) src(%dma_wait3A_896 : memref<10000x48xf32, #tpu.memory_space<hbm>>) dst(%arg11 : memref<512x48xf32, #tpu.memory_space<vmem>>)
      %dma_wait3A_897 = arith.constant 18432 : i32
      %dma_wait3A_898 = tpu.memref_slice %arg8[%dma_wait3A_897] : memref<20480xi32, #tpu.memory_space<vmem>> -> memref<512xi32, #tpu.memory_space<vmem>>
      %dma_wait3A_899 = arith.constant 0 : i32
      %dma_wait3A_900 = arith.constant 0 : i32
      %dma_wait3A_901 = tpu.memref_slice %arg3[%dma_wait3A_899, %dma_wait3A_900] : memref<10000x16xf32, #tpu.memory_space<hbm>> -> memref<10000x16xf32, #tpu.memory_space<hbm>>
      tpu.wait_indirect_dma semaphore(%arg14 : memref<!tpu.dma_semaphore, #tpu.memory_space<semaphore_mem>>) src(%dma_wait3A_901 : memref<10000x16xf32, #tpu.memory_space<hbm>>) dst(%arg12 : memref<512x16xf32, #tpu.memory_space<vmem>>)
      %scan3A_902 = arith.constant 0 : i32
      %scan3A_903 = arith.constant 0 : i32
      %scan3A_904 = arith.constant 512 : i32
      %scan3A_905 = arith.addi %scan3A_903, %scan3A_904 : i32
      %scan3A_906 = arith.constant 1 : i32
      scf.for %scan3A_984 = %scan3A_903 to %scan3A_905 step %scan3A_906  : i32 {
        %get3A = arith.index_cast %scan3A_984 : i32 to index
        %get3A_985 = arith.constant 32 : index
        %get3A_986 = tpu.vector_load %arg11[%get3A, %get3A_985] {strides = array<i32>} : memref<512x48xf32, #tpu.memory_space<vmem>>, vector<1x16xf32>,
        %get3A_987 = vector.shape_cast %get3A_986 : vector<1x16xf32> to vector<16xf32>
        %get3A_988 = arith.index_cast %scan3A_984 : i32 to index
        %get3A_989 = arith.constant 0 : index
        %get3A_990 = tpu.vector_load %arg12[%get3A_988, %get3A_989] {strides = array<i32>} : memref<512x16xf32, #tpu.memory_space<vmem>>, vector<1x16xf32>,
        %get3A_991 = vector.shape_cast %get3A_990 : vector<1x16xf32> to vector<16xf32>
        %sub3A = arith.subf %get3A_987, %get3A_991 : vector<16xf32>
        %swap3A = arith.index_cast %scan3A_984 : i32 to index
        %swap3A_992 = arith.constant 32 : index
        %swap3A_993 = tpu.vector_load %arg11[%swap3A, %swap3A_992] {strides = array<i32>} : memref<512x48xf32, #tpu.memory_space<vmem>>, vector<1x16xf32>,
        %swap3A_994 = vector.shape_cast %swap3A_993 : vector<1x16xf32> to vector<16xf32>
        %swap3A_995 = vector.shape_cast %sub3A : vector<16xf32> to vector<1x16xf32>
        tpu.vector_store %arg11[%swap3A, %swap3A_992], %swap3A_995 {strides = array<i32>} : memref<512x48xf32, #tpu.memory_space<vmem>>, vector<1x16xf32>,
      }
      %scan3A_907 = arith.constant 512 : i32
      %add3A_908 = arith.constant 18432 : i32
      %add3A_909 = arith.addi %mul3A_0, %add3A_908 : i32
      "tpu.region"() ({
        %run_scoped3A = tpu.sem_alloc : memref<!tpu.dma_semaphore, #tpu.memory_space<semaphore_mem>>
        %dma_start3A_984 = arith.constant 0 : i32
        %dma_start3A_985 = tpu.memref_slice %arg6[%add3A_909, %dma_start3A_984] : memref<327680x48xf32, #tpu.memory_space<hbm>> -> memref<512x48xf32, #tpu.memory_space<hbm>>
        %dma_start3A_986 = arith.constant 0 : i32
        %dma_start3A_987 = tpu.memref_slice %arg6[%add3A_909, %dma_start3A_986] : memref<327680x48xf32, #tpu.memory_space<hbm>> -> memref<512x48xf32, #tpu.memory_space<hbm>>
        tpu.enqueue_dma source(%arg11 : memref<512x48xf32, #tpu.memory_space<vmem>>) target(%dma_start3A_987 : memref<512x48xf32, #tpu.memory_space<hbm>>) target_semaphore(%run_scoped3A : memref<!tpu.dma_semaphore, #tpu.memory_space<semaphore_mem>>)
        %dma_wait3A_988 = arith.constant 0 : i32
        %dma_wait3A_989 = tpu.memref_slice %arg6[%add3A_909, %dma_wait3A_988] : memref<327680x48xf32, #tpu.memory_space<hbm>> -> memref<512x48xf32, #tpu.memory_space<hbm>>
        %dma_wait3A_990 = arith.constant 0 : i32
        %dma_wait3A_991 = tpu.memref_slice %arg6[%add3A_909, %dma_wait3A_990] : memref<327680x48xf32, #tpu.memory_space<hbm>> -> memref<512x48xf32, #tpu.memory_space<hbm>>
        tpu.wait_dma2 semaphore(%run_scoped3A : memref<!tpu.dma_semaphore, #tpu.memory_space<semaphore_mem>>) src(%arg11 : memref<512x48xf32, #tpu.memory_space<vmem>>) dst(%dma_wait3A_991 : memref<512x48xf32, #tpu.memory_space<hbm>>)
        tpu.yield
      }) : () -> ()
      %dma_start3A_910 = arith.constant 19456 : i32
      %dma_start3A_911 = tpu.memref_slice %arg7[%dma_start3A_910] : memref<20480xi32, #tpu.memory_space<vmem>> -> memref<512xi32, #tpu.memory_space<vmem>>
      %dma_start3A_912 = arith.constant 0 : i32
      %dma_start3A_913 = arith.constant 0 : i32
      %dma_start3A_914 = tpu.memref_slice %arg2[%dma_start3A_912, %dma_start3A_913] : memref<10000x48xf32, #tpu.memory_space<hbm>> -> memref<10000x48xf32, #tpu.memory_space<hbm>>
      tpu.enqueue_indirect_dma source(%dma_start3A_914 : memref<10000x48xf32, #tpu.memory_space<hbm>>) target(%arg11 : memref<512x48xf32, #tpu.memory_space<vmem>>) offsets(%dma_start3A_911 : memref<512xi32, #tpu.memory_space<vmem>>) semaphore(%arg14 : memref<!tpu.dma_semaphore, #tpu.memory_space<semaphore_mem>>)
      %dma_start3A_915 = arith.constant 19456 : i32
      %dma_start3A_916 = tpu.memref_slice %arg8[%dma_start3A_915] : memref<20480xi32, #tpu.memory_space<vmem>> -> memref<512xi32, #tpu.memory_space<vmem>>
      %dma_start3A_917 = arith.constant 0 : i32
      %dma_start3A_918 = arith.constant 0 : i32
      %dma_start3A_919 = tpu.memref_slice %arg3[%dma_start3A_917, %dma_start3A_918] : memref<10000x16xf32, #tpu.memory_space<hbm>> -> memref<10000x16xf32, #tpu.memory_space<hbm>>
      tpu.enqueue_indirect_dma source(%dma_start3A_919 : memref<10000x16xf32, #tpu.memory_space<hbm>>) target(%arg12 : memref<512x16xf32, #tpu.memory_space<vmem>>) offsets(%dma_start3A_916 : memref<512xi32, #tpu.memory_space<vmem>>) semaphore(%arg14 : memref<!tpu.dma_semaphore, #tpu.memory_space<semaphore_mem>>)
      %dma_wait3A_920 = arith.constant 18944 : i32
      %dma_wait3A_921 = tpu.memref_slice %arg7[%dma_wait3A_920] : memref<20480xi32, #tpu.memory_space<vmem>> -> memref<512xi32, #tpu.memory_space<vmem>>
      %dma_wait3A_922 = arith.constant 0 : i32
      %dma_wait3A_923 = arith.constant 0 : i32
      %dma_wait3A_924 = tpu.memref_slice %arg2[%dma_wait3A_922, %dma_wait3A_923] : memref<10000x48xf32, #tpu.memory_space<hbm>> -> memref<10000x48xf32, #tpu.memory_space<hbm>>
      tpu.wait_indirect_dma semaphore(%arg13 : memref<!tpu.dma_semaphore, #tpu.memory_space<semaphore_mem>>) src(%dma_wait3A_924 : memref<10000x48xf32, #tpu.memory_space<hbm>>) dst(%arg9 : memref<512x48xf32, #tpu.memory_space<vmem>>)
      %dma_wait3A_925 = arith.constant 18944 : i32
      %dma_wait3A_926 = tpu.memref_slice %arg8[%dma_wait3A_925] : memref<20480xi32, #tpu.memory_space<vmem>> -> memref<512xi32, #tpu.memory_space<vmem>>
      %dma_wait3A_927 = arith.constant 0 : i32
      %dma_wait3A_928 = arith.constant 0 : i32
      %dma_wait3A_929 = tpu.memref_slice %arg3[%dma_wait3A_927, %dma_wait3A_928] : memref<10000x16xf32, #tpu.memory_space<hbm>> -> memref<10000x16xf32, #tpu.memory_space<hbm>>
      tpu.wait_indirect_dma semaphore(%arg13 : memref<!tpu.dma_semaphore, #tpu.memory_space<semaphore_mem>>) src(%dma_wait3A_929 : memref<10000x16xf32, #tpu.memory_space<hbm>>) dst(%arg10 : memref<512x16xf32, #tpu.memory_space<vmem>>)
      %scan3A_930 = arith.constant 0 : i32
      %scan3A_931 = arith.constant 0 : i32
      %scan3A_932 = arith.constant 512 : i32
      %scan3A_933 = arith.addi %scan3A_931, %scan3A_932 : i32
      %scan3A_934 = arith.constant 1 : i32
      scf.for %scan3A_984 = %scan3A_931 to %scan3A_933 step %scan3A_934  : i32 {
        %get3A = arith.index_cast %scan3A_984 : i32 to index
        %get3A_985 = arith.constant 32 : index
        %get3A_986 = tpu.vector_load %arg9[%get3A, %get3A_985] {strides = array<i32>} : memref<512x48xf32, #tpu.memory_space<vmem>>, vector<1x16xf32>,
        %get3A_987 = vector.shape_cast %get3A_986 : vector<1x16xf32> to vector<16xf32>
        %get3A_988 = arith.index_cast %scan3A_984 : i32 to index
        %get3A_989 = arith.constant 0 : index
        %get3A_990 = tpu.vector_load %arg10[%get3A_988, %get3A_989] {strides = array<i32>} : memref<512x16xf32, #tpu.memory_space<vmem>>, vector<1x16xf32>,
        %get3A_991 = vector.shape_cast %get3A_990 : vector<1x16xf32> to vector<16xf32>
        %sub3A = arith.subf %get3A_987, %get3A_991 : vector<16xf32>
        %swap3A = arith.index_cast %scan3A_984 : i32 to index
        %swap3A_992 = arith.constant 32 : index
        %swap3A_993 = tpu.vector_load %arg9[%swap3A, %swap3A_992] {strides = array<i32>} : memref<512x48xf32, #tpu.memory_space<vmem>>, vector<1x16xf32>,
        %swap3A_994 = vector.shape_cast %swap3A_993 : vector<1x16xf32> to vector<16xf32>
        %swap3A_995 = vector.shape_cast %sub3A : vector<16xf32> to vector<1x16xf32>
        tpu.vector_store %arg9[%swap3A, %swap3A_992], %swap3A_995 {strides = array<i32>} : memref<512x48xf32, #tpu.memory_space<vmem>>, vector<1x16xf32>,
      }
      %scan3A_935 = arith.constant 512 : i32
      %add3A_936 = arith.constant 18944 : i32
      %add3A_937 = arith.addi %mul3A_0, %add3A_936 : i32
      "tpu.region"() ({
        %run_scoped3A = tpu.sem_alloc : memref<!tpu.dma_semaphore, #tpu.memory_space<semaphore_mem>>
        %dma_start3A_984 = arith.constant 0 : i32
        %dma_start3A_985 = tpu.memref_slice %arg6[%add3A_937, %dma_start3A_984] : memref<327680x48xf32, #tpu.memory_space<hbm>> -> memref<512x48xf32, #tpu.memory_space<hbm>>
        %dma_start3A_986 = arith.constant 0 : i32
        %dma_start3A_987 = tpu.memref_slice %arg6[%add3A_937, %dma_start3A_986] : memref<327680x48xf32, #tpu.memory_space<hbm>> -> memref<512x48xf32, #tpu.memory_space<hbm>>
        tpu.enqueue_dma source(%arg9 : memref<512x48xf32, #tpu.memory_space<vmem>>) target(%dma_start3A_987 : memref<512x48xf32, #tpu.memory_space<hbm>>) target_semaphore(%run_scoped3A : memref<!tpu.dma_semaphore, #tpu.memory_space<semaphore_mem>>)
        %dma_wait3A_988 = arith.constant 0 : i32
        %dma_wait3A_989 = tpu.memref_slice %arg6[%add3A_937, %dma_wait3A_988] : memref<327680x48xf32, #tpu.memory_space<hbm>> -> memref<512x48xf32, #tpu.memory_space<hbm>>
        %dma_wait3A_990 = arith.constant 0 : i32
        %dma_wait3A_991 = tpu.memref_slice %arg6[%add3A_937, %dma_wait3A_990] : memref<327680x48xf32, #tpu.memory_space<hbm>> -> memref<512x48xf32, #tpu.memory_space<hbm>>
        tpu.wait_dma2 semaphore(%run_scoped3A : memref<!tpu.dma_semaphore, #tpu.memory_space<semaphore_mem>>) src(%arg9 : memref<512x48xf32, #tpu.memory_space<vmem>>) dst(%dma_wait3A_991 : memref<512x48xf32, #tpu.memory_space<hbm>>)
        tpu.yield
      }) : () -> ()
      %dma_start3A_938 = arith.constant 19968 : i32
      %dma_start3A_939 = tpu.memref_slice %arg7[%dma_start3A_938] : memref<20480xi32, #tpu.memory_space<vmem>> -> memref<512xi32, #tpu.memory_space<vmem>>
      %dma_start3A_940 = arith.constant 0 : i32
      %dma_start3A_941 = arith.constant 0 : i32
      %dma_start3A_942 = tpu.memref_slice %arg2[%dma_start3A_940, %dma_start3A_941] : memref<10000x48xf32, #tpu.memory_space<hbm>> -> memref<10000x48xf32, #tpu.memory_space<hbm>>
      tpu.enqueue_indirect_dma source(%dma_start3A_942 : memref<10000x48xf32, #tpu.memory_space<hbm>>) target(%arg9 : memref<512x48xf32, #tpu.memory_space<vmem>>) offsets(%dma_start3A_939 : memref<512xi32, #tpu.memory_space<vmem>>) semaphore(%arg13 : memref<!tpu.dma_semaphore, #tpu.memory_space<semaphore_mem>>)
      %dma_start3A_943 = arith.constant 19968 : i32
      %dma_start3A_944 = tpu.memref_slice %arg8[%dma_start3A_943] : memref<20480xi32, #tpu.memory_space<vmem>> -> memref<512xi32, #tpu.memory_space<vmem>>
      %dma_start3A_945 = arith.constant 0 : i32
      %dma_start3A_946 = arith.constant 0 : i32
      %dma_start3A_947 = tpu.memref_slice %arg3[%dma_start3A_945, %dma_start3A_946] : memref<10000x16xf32, #tpu.memory_space<hbm>> -> memref<10000x16xf32, #tpu.memory_space<hbm>>
      tpu.enqueue_indirect_dma source(%dma_start3A_947 : memref<10000x16xf32, #tpu.memory_space<hbm>>) target(%arg10 : memref<512x16xf32, #tpu.memory_space<vmem>>) offsets(%dma_start3A_944 : memref<512xi32, #tpu.memory_space<vmem>>) semaphore(%arg13 : memref<!tpu.dma_semaphore, #tpu.memory_space<semaphore_mem>>)
      %dma_wait3A_948 = arith.constant 19456 : i32
      %dma_wait3A_949 = tpu.memref_slice %arg7[%dma_wait3A_948] : memref<20480xi32, #tpu.memory_space<vmem>> -> memref<512xi32, #tpu.memory_space<vmem>>
      %dma_wait3A_950 = arith.constant 0 : i32
      %dma_wait3A_951 = arith.constant 0 : i32
      %dma_wait3A_952 = tpu.memref_slice %arg2[%dma_wait3A_950, %dma_wait3A_951] : memref<10000x48xf32, #tpu.memory_space<hbm>> -> memref<10000x48xf32, #tpu.memory_space<hbm>>
      tpu.wait_indirect_dma semaphore(%arg14 : memref<!tpu.dma_semaphore, #tpu.memory_space<semaphore_mem>>) src(%dma_wait3A_952 : memref<10000x48xf32, #tpu.memory_space<hbm>>) dst(%arg11 : memref<512x48xf32, #tpu.memory_space<vmem>>)
      %dma_wait3A_953 = arith.constant 19456 : i32
      %dma_wait3A_954 = tpu.memref_slice %arg8[%dma_wait3A_953] : memref<20480xi32, #tpu.memory_space<vmem>> -> memref<512xi32, #tpu.memory_space<vmem>>
      %dma_wait3A_955 = arith.constant 0 : i32
      %dma_wait3A_956 = arith.constant 0 : i32
      %dma_wait3A_957 = tpu.memref_slice %arg3[%dma_wait3A_955, %dma_wait3A_956] : memref<10000x16xf32, #tpu.memory_space<hbm>> -> memref<10000x16xf32, #tpu.memory_space<hbm>>
      tpu.wait_indirect_dma semaphore(%arg14 : memref<!tpu.dma_semaphore, #tpu.memory_space<semaphore_mem>>) src(%dma_wait3A_957 : memref<10000x16xf32, #tpu.memory_space<hbm>>) dst(%arg12 : memref<512x16xf32, #tpu.memory_space<vmem>>)
      %scan3A_958 = arith.constant 0 : i32
      %scan3A_959 = arith.constant 0 : i32
      %scan3A_960 = arith.constant 512 : i32
      %scan3A_961 = arith.addi %scan3A_959, %scan3A_960 : i32
      %scan3A_962 = arith.constant 1 : i32
      scf.for %scan3A_984 = %scan3A_959 to %scan3A_961 step %scan3A_962  : i32 {
        %get3A = arith.index_cast %scan3A_984 : i32 to index
        %get3A_985 = arith.constant 32 : index
        %get3A_986 = tpu.vector_load %arg11[%get3A, %get3A_985] {strides = array<i32>} : memref<512x48xf32, #tpu.memory_space<vmem>>, vector<1x16xf32>,
        %get3A_987 = vector.shape_cast %get3A_986 : vector<1x16xf32> to vector<16xf32>
        %get3A_988 = arith.index_cast %scan3A_984 : i32 to index
        %get3A_989 = arith.constant 0 : index
        %get3A_990 = tpu.vector_load %arg12[%get3A_988, %get3A_989] {strides = array<i32>} : memref<512x16xf32, #tpu.memory_space<vmem>>, vector<1x16xf32>,
        %get3A_991 = vector.shape_cast %get3A_990 : vector<1x16xf32> to vector<16xf32>
        %sub3A = arith.subf %get3A_987, %get3A_991 : vector<16xf32>
        %swap3A = arith.index_cast %scan3A_984 : i32 to index
        %swap3A_992 = arith.constant 32 : index
        %swap3A_993 = tpu.vector_load %arg11[%swap3A, %swap3A_992] {strides = array<i32>} : memref<512x48xf32, #tpu.memory_space<vmem>>, vector<1x16xf32>,
        %swap3A_994 = vector.shape_cast %swap3A_993 : vector<1x16xf32> to vector<16xf32>
        %swap3A_995 = vector.shape_cast %sub3A : vector<16xf32> to vector<1x16xf32>
        tpu.vector_store %arg11[%swap3A, %swap3A_992], %swap3A_995 {strides = array<i32>} : memref<512x48xf32, #tpu.memory_space<vmem>>, vector<1x16xf32>,
      }
      %scan3A_963 = arith.constant 512 : i32
      %add3A_964 = arith.constant 19456 : i32
      %add3A_965 = arith.addi %mul3A_0, %add3A_964 : i32
      "tpu.region"() ({
        %run_scoped3A = tpu.sem_alloc : memref<!tpu.dma_semaphore, #tpu.memory_space<semaphore_mem>>
        %dma_start3A_984 = arith.constant 0 : i32
        %dma_start3A_985 = tpu.memref_slice %arg6[%add3A_965, %dma_start3A_984] : memref<327680x48xf32, #tpu.memory_space<hbm>> -> memref<512x48xf32, #tpu.memory_space<hbm>>
        %dma_start3A_986 = arith.constant 0 : i32
        %dma_start3A_987 = tpu.memref_slice %arg6[%add3A_965, %dma_start3A_986] : memref<327680x48xf32, #tpu.memory_space<hbm>> -> memref<512x48xf32, #tpu.memory_space<hbm>>
        tpu.enqueue_dma source(%arg11 : memref<512x48xf32, #tpu.memory_space<vmem>>) target(%dma_start3A_987 : memref<512x48xf32, #tpu.memory_space<hbm>>) target_semaphore(%run_scoped3A : memref<!tpu.dma_semaphore, #tpu.memory_space<semaphore_mem>>)
        %dma_wait3A_988 = arith.constant 0 : i32
        %dma_wait3A_989 = tpu.memref_slice %arg6[%add3A_965, %dma_wait3A_988] : memref<327680x48xf32, #tpu.memory_space<hbm>> -> memref<512x48xf32, #tpu.memory_space<hbm>>
        %dma_wait3A_990 = arith.constant 0 : i32
        %dma_wait3A_991 = tpu.memref_slice %arg6[%add3A_965, %dma_wait3A_990] : memref<327680x48xf32, #tpu.memory_space<hbm>> -> memref<512x48xf32, #tpu.memory_space<hbm>>
        tpu.wait_dma2 semaphore(%run_scoped3A : memref<!tpu.dma_semaphore, #tpu.memory_space<semaphore_mem>>) src(%arg11 : memref<512x48xf32, #tpu.memory_space<vmem>>) dst(%dma_wait3A_991 : memref<512x48xf32, #tpu.memory_space<hbm>>)
        tpu.yield
      }) : () -> ()
      %dma_wait3A_966 = arith.constant 19968 : i32
      %dma_wait3A_967 = tpu.memref_slice %arg7[%dma_wait3A_966] : memref<20480xi32, #tpu.memory_space<vmem>> -> memref<512xi32, #tpu.memory_space<vmem>>
      %dma_wait3A_968 = arith.constant 0 : i32
      %dma_wait3A_969 = arith.constant 0 : i32
      %dma_wait3A_970 = tpu.memref_slice %arg2[%dma_wait3A_968, %dma_wait3A_969] : memref<10000x48xf32, #tpu.memory_space<hbm>> -> memref<10000x48xf32, #tpu.memory_space<hbm>>
      tpu.wait_indirect_dma semaphore(%arg13 : memref<!tpu.dma_semaphore, #tpu.memory_space<semaphore_mem>>) src(%dma_wait3A_970 : memref<10000x48xf32, #tpu.memory_space<hbm>>) dst(%arg9 : memref<512x48xf32, #tpu.memory_space<vmem>>)
      %dma_wait3A_971 = arith.constant 19968 : i32
      %dma_wait3A_972 = tpu.memref_slice %arg8[%dma_wait3A_971] : memref<20480xi32, #tpu.memory_space<vmem>> -> memref<512xi32, #tpu.memory_space<vmem>>
      %dma_wait3A_973 = arith.constant 0 : i32
      %dma_wait3A_974 = arith.constant 0 : i32
      %dma_wait3A_975 = tpu.memref_slice %arg3[%dma_wait3A_973, %dma_wait3A_974] : memref<10000x16xf32, #tpu.memory_space<hbm>> -> memref<10000x16xf32, #tpu.memory_space<hbm>>
      tpu.wait_indirect_dma semaphore(%arg13 : memref<!tpu.dma_semaphore, #tpu.memory_space<semaphore_mem>>) src(%dma_wait3A_975 : memref<10000x16xf32, #tpu.memory_space<hbm>>) dst(%arg10 : memref<512x16xf32, #tpu.memory_space<vmem>>)
      %scan3A_976 = arith.constant 0 : i32
      %scan3A_977 = arith.constant 0 : i32
      %scan3A_978 = arith.constant 512 : i32
      %scan3A_979 = arith.addi %scan3A_977, %scan3A_978 : i32
      %scan3A_980 = arith.constant 1 : i32
      scf.for %scan3A_984 = %scan3A_977 to %scan3A_979 step %scan3A_980  : i32 {
        %get3A = arith.index_cast %scan3A_984 : i32 to index
        %get3A_985 = arith.constant 32 : index
        %get3A_986 = tpu.vector_load %arg9[%get3A, %get3A_985] {strides = array<i32>} : memref<512x48xf32, #tpu.memory_space<vmem>>, vector<1x16xf32>,
        %get3A_987 = vector.shape_cast %get3A_986 : vector<1x16xf32> to vector<16xf32>
        %get3A_988 = arith.index_cast %scan3A_984 : i32 to index
        %get3A_989 = arith.constant 0 : index
        %get3A_990 = tpu.vector_load %arg10[%get3A_988, %get3A_989] {strides = array<i32>} : memref<512x16xf32, #tpu.memory_space<vmem>>, vector<1x16xf32>,
        %get3A_991 = vector.shape_cast %get3A_990 : vector<1x16xf32> to vector<16xf32>
        %sub3A = arith.subf %get3A_987, %get3A_991 : vector<16xf32>
        %swap3A = arith.index_cast %scan3A_984 : i32 to index
        %swap3A_992 = arith.constant 32 : index
        %swap3A_993 = tpu.vector_load %arg9[%swap3A, %swap3A_992] {strides = array<i32>} : memref<512x48xf32, #tpu.memory_space<vmem>>, vector<1x16xf32>,
        %swap3A_994 = vector.shape_cast %swap3A_993 : vector<1x16xf32> to vector<16xf32>
        %swap3A_995 = vector.shape_cast %sub3A : vector<16xf32> to vector<1x16xf32>
        tpu.vector_store %arg9[%swap3A, %swap3A_992], %swap3A_995 {strides = array<i32>} : memref<512x48xf32, #tpu.memory_space<vmem>>, vector<1x16xf32>,
      }
      %scan3A_981 = arith.constant 512 : i32
      %add3A_982 = arith.constant 19968 : i32
      %add3A_983 = arith.addi %mul3A_0, %add3A_982 : i32
      "tpu.region"() ({
        %run_scoped3A = tpu.sem_alloc : memref<!tpu.dma_semaphore, #tpu.memory_space<semaphore_mem>>
        %dma_start3A_984 = arith.constant 0 : i32
        %dma_start3A_985 = tpu.memref_slice %arg6[%add3A_983, %dma_start3A_984] : memref<327680x48xf32, #tpu.memory_space<hbm>> -> memref<512x48xf32, #tpu.memory_space<hbm>>
        %dma_start3A_986 = arith.constant 0 : i32
        %dma_start3A_987 = tpu.memref_slice %arg6[%add3A_983, %dma_start3A_986] : memref<327680x48xf32, #tpu.memory_space<hbm>> -> memref<512x48xf32, #tpu.memory_space<hbm>>
        tpu.enqueue_dma source(%arg9 : memref<512x48xf32, #tpu.memory_space<vmem>>) target(%dma_start3A_987 : memref<512x48xf32, #tpu.memory_space<hbm>>) target_semaphore(%run_scoped3A : memref<!tpu.dma_semaphore, #tpu.memory_space<semaphore_mem>>)
        %dma_wait3A_988 = arith.constant 0 : i32
        %dma_wait3A_989 = tpu.memref_slice %arg6[%add3A_983, %dma_wait3A_988] : memref<327680x48xf32, #tpu.memory_space<hbm>> -> memref<512x48xf32, #tpu.memory_space<hbm>>
        %dma_wait3A_990 = arith.constant 0 : i32
        %dma_wait3A_991 = tpu.memref_slice %arg6[%add3A_983, %dma_wait3A_990] : memref<327680x48xf32, #tpu.memory_space<hbm>> -> memref<512x48xf32, #tpu.memory_space<hbm>>
        tpu.wait_dma2 semaphore(%run_scoped3A : memref<!tpu.dma_semaphore, #tpu.memory_space<semaphore_mem>>) src(%arg9 : memref<512x48xf32, #tpu.memory_space<vmem>>) dst(%dma_wait3A_991 : memref<512x48xf32, #tpu.memory_space<hbm>>)
        tpu.yield
      }) : () -> ()
    } else {
    }
    return
  }
}

#map = affine_map<(d0, d1) -> (0, 0)>
#map1 = affine_map<(d0, d1) -> (0, 0, 0)>
module attributes {stable_mosaic.version = 14 : i64} {
  func.func @_scatter_body(%arg0: i32, %arg1: i32, %arg2: memref<327680x16xf32, #tpu.memory_space<hbm>>, %arg3: memref<32x10x1024xi32, #tpu.memory_space<hbm>>, %arg4: memref<625x16xf32, #tpu.memory_space<hbm>>, %arg5: memref<2x10000x16xf32, #tpu.memory_space<hbm>>, %arg6: memref<10x1024xi32, #tpu.memory_space<vmem>>, %arg7: memref<1024x16xf32, #tpu.memory_space<vmem>>, %arg8: memref<10000x16xf32, #tpu.memory_space<vmem_shared>>) attributes {dimension_semantics = [#tpu.dimension_semantics<core_parallel>, #tpu.dimension_semantics<subcore_parallel>], iteration_bounds = array<i64: 2, 16>, scalar_prefetch = 0 : i64, scratch_operands = 3 : i64, tpu.core_type = #tpu.core_type<sc_vector_subcore>, window_params = [{transform_indices = #map}, {transform_indices = #map1}, {transform_indices = #map}, {transform_indices = #map1}]} {
    %mul3A = arith.constant 2 : i32
    %mul3A_0 = arith.muli %arg1, %mul3A : i32
    %add3A = arith.addi %mul3A_0, %arg0 : i32
    "tpu.region"() ({
      %run_scoped3A_39 = tpu.sem_alloc : memref<!tpu.dma_semaphore, #tpu.memory_space<semaphore_mem>>
      %dma_start3A = arith.constant 0 : i32
      %dma_start3A_40 = arith.constant 0 : i32
      %dma_start3A_41 = tpu.memref_slice %arg3[%add3A, %dma_start3A, %dma_start3A_40] : memref<32x10x1024xi32, #tpu.memory_space<hbm>> -> memref<1x10x1024xi32, #tpu.memory_space<hbm>>
      %dma_start3A_42 = tpu.memref_squeeze %dma_start3A_41 : memref<1x10x1024xi32, #tpu.memory_space<hbm>> -> memref<10x1024xi32, #tpu.memory_space<hbm>>
      %dma_start3A_43 = arith.constant 0 : i32
      %dma_start3A_44 = arith.constant 0 : i32
      %dma_start3A_45 = tpu.memref_slice %arg3[%add3A, %dma_start3A_43, %dma_start3A_44] : memref<32x10x1024xi32, #tpu.memory_space<hbm>> -> memref<1x10x1024xi32, #tpu.memory_space<hbm>>
      %dma_start3A_46 = tpu.memref_squeeze %dma_start3A_45 : memref<1x10x1024xi32, #tpu.memory_space<hbm>> -> memref<10x1024xi32, #tpu.memory_space<hbm>>
      tpu.enqueue_dma source(%dma_start3A_46 : memref<10x1024xi32, #tpu.memory_space<hbm>>) target(%arg6 : memref<10x1024xi32, #tpu.memory_space<vmem>>) target_semaphore(%run_scoped3A_39 : memref<!tpu.dma_semaphore, #tpu.memory_space<semaphore_mem>>)
      %dma_wait3A = arith.constant 0 : i32
      %dma_wait3A_47 = arith.constant 0 : i32
      %dma_wait3A_48 = tpu.memref_slice %arg3[%add3A, %dma_wait3A, %dma_wait3A_47] : memref<32x10x1024xi32, #tpu.memory_space<hbm>> -> memref<1x10x1024xi32, #tpu.memory_space<hbm>>
      %dma_wait3A_49 = tpu.memref_squeeze %dma_wait3A_48 : memref<1x10x1024xi32, #tpu.memory_space<hbm>> -> memref<10x1024xi32, #tpu.memory_space<hbm>>
      %dma_wait3A_50 = arith.constant 0 : i32
      %dma_wait3A_51 = arith.constant 0 : i32
      %dma_wait3A_52 = tpu.memref_slice %arg3[%add3A, %dma_wait3A_50, %dma_wait3A_51] : memref<32x10x1024xi32, #tpu.memory_space<hbm>> -> memref<1x10x1024xi32, #tpu.memory_space<hbm>>
      %dma_wait3A_53 = tpu.memref_squeeze %dma_wait3A_52 : memref<1x10x1024xi32, #tpu.memory_space<hbm>> -> memref<10x1024xi32, #tpu.memory_space<hbm>>
      tpu.wait_dma2 semaphore(%run_scoped3A_39 : memref<!tpu.dma_semaphore, #tpu.memory_space<semaphore_mem>>) src(%dma_wait3A_53 : memref<10x1024xi32, #tpu.memory_space<hbm>>) dst(%arg6 : memref<10x1024xi32, #tpu.memory_space<vmem>>)
      tpu.yield
    }) : () -> ()
    %mul3A_1 = arith.constant 625 : i32
    %mul3A_2 = arith.muli %arg1, %mul3A_1 : i32
    "tpu.region"() ({
      %run_scoped3A_39 = tpu.sem_alloc : memref<!tpu.dma_semaphore, #tpu.memory_space<semaphore_mem>>
      %dma_start3A = arith.constant 0 : i32
      %dma_start3A_40 = tpu.memref_slice %arg8[%mul3A_2, %dma_start3A] : memref<10000x16xf32, #tpu.memory_space<vmem_shared>> -> memref<625x16xf32, #tpu.memory_space<vmem_shared>>
      tpu.enqueue_dma source(%arg4 : memref<625x16xf32, #tpu.memory_space<hbm>>) target(%dma_start3A_40 : memref<625x16xf32, #tpu.memory_space<vmem_shared>>) target_semaphore(%run_scoped3A_39 : memref<!tpu.dma_semaphore, #tpu.memory_space<semaphore_mem>>)
      %dma_wait3A = arith.constant 0 : i32
      %dma_wait3A_41 = tpu.memref_slice %arg8[%mul3A_2, %dma_wait3A] : memref<10000x16xf32, #tpu.memory_space<vmem_shared>> -> memref<625x16xf32, #tpu.memory_space<vmem_shared>>
      tpu.wait_dma2 semaphore(%run_scoped3A_39 : memref<!tpu.dma_semaphore, #tpu.memory_space<semaphore_mem>>) src(%arg4 : memref<625x16xf32, #tpu.memory_space<hbm>>) dst(%dma_wait3A_41 : memref<625x16xf32, #tpu.memory_space<vmem_shared>>)
      tpu.yield
    }) : () -> ()
    %barrier3A = arith.constant 0 : index
    tpu.barrier barrier_id(%barrier3A)
    %mul3A_3 = arith.constant 10240 : i32
    %mul3A_4 = arith.muli %add3A, %mul3A_3 : i32
    %add3A_5 = arith.constant 0 : i32
    %add3A_6 = arith.addi %mul3A_4, %add3A_5 : i32
    "tpu.region"() ({
      %run_scoped3A_39 = tpu.sem_alloc : memref<!tpu.dma_semaphore, #tpu.memory_space<semaphore_mem>>
      %dma_start3A = arith.constant 0 : i32
      %dma_start3A_40 = tpu.memref_slice %arg2[%add3A_6, %dma_start3A] : memref<327680x16xf32, #tpu.memory_space<hbm>> -> memref<1024x16xf32, #tpu.memory_space<hbm>>
      %dma_start3A_41 = arith.constant 0 : i32
      %dma_start3A_42 = tpu.memref_slice %arg2[%add3A_6, %dma_start3A_41] : memref<327680x16xf32, #tpu.memory_space<hbm>> -> memref<1024x16xf32, #tpu.memory_space<hbm>>
      tpu.enqueue_dma source(%dma_start3A_42 : memref<1024x16xf32, #tpu.memory_space<hbm>>) target(%arg7 : memref<1024x16xf32, #tpu.memory_space<vmem>>) target_semaphore(%run_scoped3A_39 : memref<!tpu.dma_semaphore, #tpu.memory_space<semaphore_mem>>)
      %dma_wait3A = arith.constant 0 : i32
      %dma_wait3A_43 = tpu.memref_slice %arg2[%add3A_6, %dma_wait3A] : memref<327680x16xf32, #tpu.memory_space<hbm>> -> memref<1024x16xf32, #tpu.memory_space<hbm>>
      %dma_wait3A_44 = arith.constant 0 : i32
      %dma_wait3A_45 = tpu.memref_slice %arg2[%add3A_6, %dma_wait3A_44] : memref<327680x16xf32, #tpu.memory_space<hbm>> -> memref<1024x16xf32, #tpu.memory_space<hbm>>
      tpu.wait_dma2 semaphore(%run_scoped3A_39 : memref<!tpu.dma_semaphore, #tpu.memory_space<semaphore_mem>>) src(%dma_wait3A_45 : memref<1024x16xf32, #tpu.memory_space<hbm>>) dst(%arg7 : memref<1024x16xf32, #tpu.memory_space<vmem>>)
      tpu.yield
    }) : () -> ()
    %run_scoped3A = arith.constant 0 : i32
    "tpu.region"() ({
      %run_scoped3A_39 = tpu.sem_alloc : memref<!tpu.dma_semaphore, #tpu.memory_space<semaphore_mem>>
      %dma_start3A = arith.constant 0 : i32
      %dma_start3A_40 = tpu.memref_slice %arg6[%run_scoped3A, %dma_start3A] : memref<10x1024xi32, #tpu.memory_space<vmem>> -> memref<1x1024xi32, #tpu.memory_space<vmem>>
      %dma_start3A_41 = tpu.memref_squeeze %dma_start3A_40 : memref<1x1024xi32, #tpu.memory_space<vmem>> -> memref<1024xi32, #tpu.memory_space<vmem>>
      %dma_start3A_42 = arith.constant 0 : i32
      %dma_start3A_43 = arith.constant 0 : i32
      %dma_start3A_44 = tpu.memref_slice %arg8[%dma_start3A_42, %dma_start3A_43] : memref<10000x16xf32, #tpu.memory_space<vmem_shared>> -> memref<10000x16xf32, #tpu.memory_space<vmem_shared>>
      tpu.enqueue_indirect_dma source(%arg7 : memref<1024x16xf32, #tpu.memory_space<vmem>>) target(%dma_start3A_44 : memref<10000x16xf32, #tpu.memory_space<vmem_shared>>) offsets(%dma_start3A_41 : memref<1024xi32, #tpu.memory_space<vmem>>) semaphore(%run_scoped3A_39 : memref<!tpu.dma_semaphore, #tpu.memory_space<semaphore_mem>>) {add = true}
      %dma_wait3A = arith.constant 0 : i32
      %dma_wait3A_45 = tpu.memref_slice %arg6[%run_scoped3A, %dma_wait3A] : memref<10x1024xi32, #tpu.memory_space<vmem>> -> memref<1x1024xi32, #tpu.memory_space<vmem>>
      %dma_wait3A_46 = tpu.memref_squeeze %dma_wait3A_45 : memref<1x1024xi32, #tpu.memory_space<vmem>> -> memref<1024xi32, #tpu.memory_space<vmem>>
      %dma_wait3A_47 = arith.constant 0 : i32
      %dma_wait3A_48 = arith.constant 0 : i32
      %dma_wait3A_49 = tpu.memref_slice %arg8[%dma_wait3A_47, %dma_wait3A_48] : memref<10000x16xf32, #tpu.memory_space<vmem_shared>> -> memref<10000x16xf32, #tpu.memory_space<vmem_shared>>
      tpu.wait_indirect_dma semaphore(%run_scoped3A_39 : memref<!tpu.dma_semaphore, #tpu.memory_space<semaphore_mem>>) src(%arg7 : memref<1024x16xf32, #tpu.memory_space<vmem>>) dst(%dma_wait3A_49 : memref<10000x16xf32, #tpu.memory_space<vmem_shared>>)
      tpu.yield
    }) : () -> ()
    %add3A_7 = arith.constant 1024 : i32
    %add3A_8 = arith.addi %mul3A_4, %add3A_7 : i32
    "tpu.region"() ({
      %run_scoped3A_39 = tpu.sem_alloc : memref<!tpu.dma_semaphore, #tpu.memory_space<semaphore_mem>>
      %dma_start3A = arith.constant 0 : i32
      %dma_start3A_40 = tpu.memref_slice %arg2[%add3A_8, %dma_start3A] : memref<327680x16xf32, #tpu.memory_space<hbm>> -> memref<1024x16xf32, #tpu.memory_space<hbm>>
      %dma_start3A_41 = arith.constant 0 : i32
      %dma_start3A_42 = tpu.memref_slice %arg2[%add3A_8, %dma_start3A_41] : memref<327680x16xf32, #tpu.memory_space<hbm>> -> memref<1024x16xf32, #tpu.memory_space<hbm>>
      tpu.enqueue_dma source(%dma_start3A_42 : memref<1024x16xf32, #tpu.memory_space<hbm>>) target(%arg7 : memref<1024x16xf32, #tpu.memory_space<vmem>>) target_semaphore(%run_scoped3A_39 : memref<!tpu.dma_semaphore, #tpu.memory_space<semaphore_mem>>)
      %dma_wait3A = arith.constant 0 : i32
      %dma_wait3A_43 = tpu.memref_slice %arg2[%add3A_8, %dma_wait3A] : memref<327680x16xf32, #tpu.memory_space<hbm>> -> memref<1024x16xf32, #tpu.memory_space<hbm>>
      %dma_wait3A_44 = arith.constant 0 : i32
      %dma_wait3A_45 = tpu.memref_slice %arg2[%add3A_8, %dma_wait3A_44] : memref<327680x16xf32, #tpu.memory_space<hbm>> -> memref<1024x16xf32, #tpu.memory_space<hbm>>
      tpu.wait_dma2 semaphore(%run_scoped3A_39 : memref<!tpu.dma_semaphore, #tpu.memory_space<semaphore_mem>>) src(%dma_wait3A_45 : memref<1024x16xf32, #tpu.memory_space<hbm>>) dst(%arg7 : memref<1024x16xf32, #tpu.memory_space<vmem>>)
      tpu.yield
    }) : () -> ()
    %run_scoped3A_9 = arith.constant 1 : i32
    "tpu.region"() ({
      %run_scoped3A_39 = tpu.sem_alloc : memref<!tpu.dma_semaphore, #tpu.memory_space<semaphore_mem>>
      %dma_start3A = arith.constant 0 : i32
      %dma_start3A_40 = tpu.memref_slice %arg6[%run_scoped3A_9, %dma_start3A] : memref<10x1024xi32, #tpu.memory_space<vmem>> -> memref<1x1024xi32, #tpu.memory_space<vmem>>
      %dma_start3A_41 = tpu.memref_squeeze %dma_start3A_40 : memref<1x1024xi32, #tpu.memory_space<vmem>> -> memref<1024xi32, #tpu.memory_space<vmem>>
      %dma_start3A_42 = arith.constant 0 : i32
      %dma_start3A_43 = arith.constant 0 : i32
      %dma_start3A_44 = tpu.memref_slice %arg8[%dma_start3A_42, %dma_start3A_43] : memref<10000x16xf32, #tpu.memory_space<vmem_shared>> -> memref<10000x16xf32, #tpu.memory_space<vmem_shared>>
      tpu.enqueue_indirect_dma source(%arg7 : memref<1024x16xf32, #tpu.memory_space<vmem>>) target(%dma_start3A_44 : memref<10000x16xf32, #tpu.memory_space<vmem_shared>>) offsets(%dma_start3A_41 : memref<1024xi32, #tpu.memory_space<vmem>>) semaphore(%run_scoped3A_39 : memref<!tpu.dma_semaphore, #tpu.memory_space<semaphore_mem>>) {add = true}
      %dma_wait3A = arith.constant 0 : i32
      %dma_wait3A_45 = tpu.memref_slice %arg6[%run_scoped3A_9, %dma_wait3A] : memref<10x1024xi32, #tpu.memory_space<vmem>> -> memref<1x1024xi32, #tpu.memory_space<vmem>>
      %dma_wait3A_46 = tpu.memref_squeeze %dma_wait3A_45 : memref<1x1024xi32, #tpu.memory_space<vmem>> -> memref<1024xi32, #tpu.memory_space<vmem>>
      %dma_wait3A_47 = arith.constant 0 : i32
      %dma_wait3A_48 = arith.constant 0 : i32
      %dma_wait3A_49 = tpu.memref_slice %arg8[%dma_wait3A_47, %dma_wait3A_48] : memref<10000x16xf32, #tpu.memory_space<vmem_shared>> -> memref<10000x16xf32, #tpu.memory_space<vmem_shared>>
      tpu.wait_indirect_dma semaphore(%run_scoped3A_39 : memref<!tpu.dma_semaphore, #tpu.memory_space<semaphore_mem>>) src(%arg7 : memref<1024x16xf32, #tpu.memory_space<vmem>>) dst(%dma_wait3A_49 : memref<10000x16xf32, #tpu.memory_space<vmem_shared>>)
      tpu.yield
    }) : () -> ()
    %add3A_10 = arith.constant 2048 : i32
    %add3A_11 = arith.addi %mul3A_4, %add3A_10 : i32
    "tpu.region"() ({
      %run_scoped3A_39 = tpu.sem_alloc : memref<!tpu.dma_semaphore, #tpu.memory_space<semaphore_mem>>
      %dma_start3A = arith.constant 0 : i32
      %dma_start3A_40 = tpu.memref_slice %arg2[%add3A_11, %dma_start3A] : memref<327680x16xf32, #tpu.memory_space<hbm>> -> memref<1024x16xf32, #tpu.memory_space<hbm>>
      %dma_start3A_41 = arith.constant 0 : i32
      %dma_start3A_42 = tpu.memref_slice %arg2[%add3A_11, %dma_start3A_41] : memref<327680x16xf32, #tpu.memory_space<hbm>> -> memref<1024x16xf32, #tpu.memory_space<hbm>>
      tpu.enqueue_dma source(%dma_start3A_42 : memref<1024x16xf32, #tpu.memory_space<hbm>>) target(%arg7 : memref<1024x16xf32, #tpu.memory_space<vmem>>) target_semaphore(%run_scoped3A_39 : memref<!tpu.dma_semaphore, #tpu.memory_space<semaphore_mem>>)
      %dma_wait3A = arith.constant 0 : i32
      %dma_wait3A_43 = tpu.memref_slice %arg2[%add3A_11, %dma_wait3A] : memref<327680x16xf32, #tpu.memory_space<hbm>> -> memref<1024x16xf32, #tpu.memory_space<hbm>>
      %dma_wait3A_44 = arith.constant 0 : i32
      %dma_wait3A_45 = tpu.memref_slice %arg2[%add3A_11, %dma_wait3A_44] : memref<327680x16xf32, #tpu.memory_space<hbm>> -> memref<1024x16xf32, #tpu.memory_space<hbm>>
      tpu.wait_dma2 semaphore(%run_scoped3A_39 : memref<!tpu.dma_semaphore, #tpu.memory_space<semaphore_mem>>) src(%dma_wait3A_45 : memref<1024x16xf32, #tpu.memory_space<hbm>>) dst(%arg7 : memref<1024x16xf32, #tpu.memory_space<vmem>>)
      tpu.yield
    }) : () -> ()
    %run_scoped3A_12 = arith.constant 2 : i32
    "tpu.region"() ({
      %run_scoped3A_39 = tpu.sem_alloc : memref<!tpu.dma_semaphore, #tpu.memory_space<semaphore_mem>>
      %dma_start3A = arith.constant 0 : i32
      %dma_start3A_40 = tpu.memref_slice %arg6[%run_scoped3A_12, %dma_start3A] : memref<10x1024xi32, #tpu.memory_space<vmem>> -> memref<1x1024xi32, #tpu.memory_space<vmem>>
      %dma_start3A_41 = tpu.memref_squeeze %dma_start3A_40 : memref<1x1024xi32, #tpu.memory_space<vmem>> -> memref<1024xi32, #tpu.memory_space<vmem>>
      %dma_start3A_42 = arith.constant 0 : i32
      %dma_start3A_43 = arith.constant 0 : i32
      %dma_start3A_44 = tpu.memref_slice %arg8[%dma_start3A_42, %dma_start3A_43] : memref<10000x16xf32, #tpu.memory_space<vmem_shared>> -> memref<10000x16xf32, #tpu.memory_space<vmem_shared>>
      tpu.enqueue_indirect_dma source(%arg7 : memref<1024x16xf32, #tpu.memory_space<vmem>>) target(%dma_start3A_44 : memref<10000x16xf32, #tpu.memory_space<vmem_shared>>) offsets(%dma_start3A_41 : memref<1024xi32, #tpu.memory_space<vmem>>) semaphore(%run_scoped3A_39 : memref<!tpu.dma_semaphore, #tpu.memory_space<semaphore_mem>>) {add = true}
      %dma_wait3A = arith.constant 0 : i32
      %dma_wait3A_45 = tpu.memref_slice %arg6[%run_scoped3A_12, %dma_wait3A] : memref<10x1024xi32, #tpu.memory_space<vmem>> -> memref<1x1024xi32, #tpu.memory_space<vmem>>
      %dma_wait3A_46 = tpu.memref_squeeze %dma_wait3A_45 : memref<1x1024xi32, #tpu.memory_space<vmem>> -> memref<1024xi32, #tpu.memory_space<vmem>>
      %dma_wait3A_47 = arith.constant 0 : i32
      %dma_wait3A_48 = arith.constant 0 : i32
      %dma_wait3A_49 = tpu.memref_slice %arg8[%dma_wait3A_47, %dma_wait3A_48] : memref<10000x16xf32, #tpu.memory_space<vmem_shared>> -> memref<10000x16xf32, #tpu.memory_space<vmem_shared>>
      tpu.wait_indirect_dma semaphore(%run_scoped3A_39 : memref<!tpu.dma_semaphore, #tpu.memory_space<semaphore_mem>>) src(%arg7 : memref<1024x16xf32, #tpu.memory_space<vmem>>) dst(%dma_wait3A_49 : memref<10000x16xf32, #tpu.memory_space<vmem_shared>>)
      tpu.yield
    }) : () -> ()
    %add3A_13 = arith.constant 3072 : i32
    %add3A_14 = arith.addi %mul3A_4, %add3A_13 : i32
    "tpu.region"() ({
      %run_scoped3A_39 = tpu.sem_alloc : memref<!tpu.dma_semaphore, #tpu.memory_space<semaphore_mem>>
      %dma_start3A = arith.constant 0 : i32
      %dma_start3A_40 = tpu.memref_slice %arg2[%add3A_14, %dma_start3A] : memref<327680x16xf32, #tpu.memory_space<hbm>> -> memref<1024x16xf32, #tpu.memory_space<hbm>>
      %dma_start3A_41 = arith.constant 0 : i32
      %dma_start3A_42 = tpu.memref_slice %arg2[%add3A_14, %dma_start3A_41] : memref<327680x16xf32, #tpu.memory_space<hbm>> -> memref<1024x16xf32, #tpu.memory_space<hbm>>
      tpu.enqueue_dma source(%dma_start3A_42 : memref<1024x16xf32, #tpu.memory_space<hbm>>) target(%arg7 : memref<1024x16xf32, #tpu.memory_space<vmem>>) target_semaphore(%run_scoped3A_39 : memref<!tpu.dma_semaphore, #tpu.memory_space<semaphore_mem>>)
      %dma_wait3A = arith.constant 0 : i32
      %dma_wait3A_43 = tpu.memref_slice %arg2[%add3A_14, %dma_wait3A] : memref<327680x16xf32, #tpu.memory_space<hbm>> -> memref<1024x16xf32, #tpu.memory_space<hbm>>
      %dma_wait3A_44 = arith.constant 0 : i32
      %dma_wait3A_45 = tpu.memref_slice %arg2[%add3A_14, %dma_wait3A_44] : memref<327680x16xf32, #tpu.memory_space<hbm>> -> memref<1024x16xf32, #tpu.memory_space<hbm>>
      tpu.wait_dma2 semaphore(%run_scoped3A_39 : memref<!tpu.dma_semaphore, #tpu.memory_space<semaphore_mem>>) src(%dma_wait3A_45 : memref<1024x16xf32, #tpu.memory_space<hbm>>) dst(%arg7 : memref<1024x16xf32, #tpu.memory_space<vmem>>)
      tpu.yield
    }) : () -> ()
    %run_scoped3A_15 = arith.constant 3 : i32
    "tpu.region"() ({
      %run_scoped3A_39 = tpu.sem_alloc : memref<!tpu.dma_semaphore, #tpu.memory_space<semaphore_mem>>
      %dma_start3A = arith.constant 0 : i32
      %dma_start3A_40 = tpu.memref_slice %arg6[%run_scoped3A_15, %dma_start3A] : memref<10x1024xi32, #tpu.memory_space<vmem>> -> memref<1x1024xi32, #tpu.memory_space<vmem>>
      %dma_start3A_41 = tpu.memref_squeeze %dma_start3A_40 : memref<1x1024xi32, #tpu.memory_space<vmem>> -> memref<1024xi32, #tpu.memory_space<vmem>>
      %dma_start3A_42 = arith.constant 0 : i32
      %dma_start3A_43 = arith.constant 0 : i32
      %dma_start3A_44 = tpu.memref_slice %arg8[%dma_start3A_42, %dma_start3A_43] : memref<10000x16xf32, #tpu.memory_space<vmem_shared>> -> memref<10000x16xf32, #tpu.memory_space<vmem_shared>>
      tpu.enqueue_indirect_dma source(%arg7 : memref<1024x16xf32, #tpu.memory_space<vmem>>) target(%dma_start3A_44 : memref<10000x16xf32, #tpu.memory_space<vmem_shared>>) offsets(%dma_start3A_41 : memref<1024xi32, #tpu.memory_space<vmem>>) semaphore(%run_scoped3A_39 : memref<!tpu.dma_semaphore, #tpu.memory_space<semaphore_mem>>) {add = true}
      %dma_wait3A = arith.constant 0 : i32
      %dma_wait3A_45 = tpu.memref_slice %arg6[%run_scoped3A_15, %dma_wait3A] : memref<10x1024xi32, #tpu.memory_space<vmem>> -> memref<1x1024xi32, #tpu.memory_space<vmem>>
      %dma_wait3A_46 = tpu.memref_squeeze %dma_wait3A_45 : memref<1x1024xi32, #tpu.memory_space<vmem>> -> memref<1024xi32, #tpu.memory_space<vmem>>
      %dma_wait3A_47 = arith.constant 0 : i32
      %dma_wait3A_48 = arith.constant 0 : i32
      %dma_wait3A_49 = tpu.memref_slice %arg8[%dma_wait3A_47, %dma_wait3A_48] : memref<10000x16xf32, #tpu.memory_space<vmem_shared>> -> memref<10000x16xf32, #tpu.memory_space<vmem_shared>>
      tpu.wait_indirect_dma semaphore(%run_scoped3A_39 : memref<!tpu.dma_semaphore, #tpu.memory_space<semaphore_mem>>) src(%arg7 : memref<1024x16xf32, #tpu.memory_space<vmem>>) dst(%dma_wait3A_49 : memref<10000x16xf32, #tpu.memory_space<vmem_shared>>)
      tpu.yield
    }) : () -> ()
    %add3A_16 = arith.constant 4096 : i32
    %add3A_17 = arith.addi %mul3A_4, %add3A_16 : i32
    "tpu.region"() ({
      %run_scoped3A_39 = tpu.sem_alloc : memref<!tpu.dma_semaphore, #tpu.memory_space<semaphore_mem>>
      %dma_start3A = arith.constant 0 : i32
      %dma_start3A_40 = tpu.memref_slice %arg2[%add3A_17, %dma_start3A] : memref<327680x16xf32, #tpu.memory_space<hbm>> -> memref<1024x16xf32, #tpu.memory_space<hbm>>
      %dma_start3A_41 = arith.constant 0 : i32
      %dma_start3A_42 = tpu.memref_slice %arg2[%add3A_17, %dma_start3A_41] : memref<327680x16xf32, #tpu.memory_space<hbm>> -> memref<1024x16xf32, #tpu.memory_space<hbm>>
      tpu.enqueue_dma source(%dma_start3A_42 : memref<1024x16xf32, #tpu.memory_space<hbm>>) target(%arg7 : memref<1024x16xf32, #tpu.memory_space<vmem>>) target_semaphore(%run_scoped3A_39 : memref<!tpu.dma_semaphore, #tpu.memory_space<semaphore_mem>>)
      %dma_wait3A = arith.constant 0 : i32
      %dma_wait3A_43 = tpu.memref_slice %arg2[%add3A_17, %dma_wait3A] : memref<327680x16xf32, #tpu.memory_space<hbm>> -> memref<1024x16xf32, #tpu.memory_space<hbm>>
      %dma_wait3A_44 = arith.constant 0 : i32
      %dma_wait3A_45 = tpu.memref_slice %arg2[%add3A_17, %dma_wait3A_44] : memref<327680x16xf32, #tpu.memory_space<hbm>> -> memref<1024x16xf32, #tpu.memory_space<hbm>>
      tpu.wait_dma2 semaphore(%run_scoped3A_39 : memref<!tpu.dma_semaphore, #tpu.memory_space<semaphore_mem>>) src(%dma_wait3A_45 : memref<1024x16xf32, #tpu.memory_space<hbm>>) dst(%arg7 : memref<1024x16xf32, #tpu.memory_space<vmem>>)
      tpu.yield
    }) : () -> ()
    %run_scoped3A_18 = arith.constant 4 : i32
    "tpu.region"() ({
      %run_scoped3A_39 = tpu.sem_alloc : memref<!tpu.dma_semaphore, #tpu.memory_space<semaphore_mem>>
      %dma_start3A = arith.constant 0 : i32
      %dma_start3A_40 = tpu.memref_slice %arg6[%run_scoped3A_18, %dma_start3A] : memref<10x1024xi32, #tpu.memory_space<vmem>> -> memref<1x1024xi32, #tpu.memory_space<vmem>>
      %dma_start3A_41 = tpu.memref_squeeze %dma_start3A_40 : memref<1x1024xi32, #tpu.memory_space<vmem>> -> memref<1024xi32, #tpu.memory_space<vmem>>
      %dma_start3A_42 = arith.constant 0 : i32
      %dma_start3A_43 = arith.constant 0 : i32
      %dma_start3A_44 = tpu.memref_slice %arg8[%dma_start3A_42, %dma_start3A_43] : memref<10000x16xf32, #tpu.memory_space<vmem_shared>> -> memref<10000x16xf32, #tpu.memory_space<vmem_shared>>
      tpu.enqueue_indirect_dma source(%arg7 : memref<1024x16xf32, #tpu.memory_space<vmem>>) target(%dma_start3A_44 : memref<10000x16xf32, #tpu.memory_space<vmem_shared>>) offsets(%dma_start3A_41 : memref<1024xi32, #tpu.memory_space<vmem>>) semaphore(%run_scoped3A_39 : memref<!tpu.dma_semaphore, #tpu.memory_space<semaphore_mem>>) {add = true}
      %dma_wait3A = arith.constant 0 : i32
      %dma_wait3A_45 = tpu.memref_slice %arg6[%run_scoped3A_18, %dma_wait3A] : memref<10x1024xi32, #tpu.memory_space<vmem>> -> memref<1x1024xi32, #tpu.memory_space<vmem>>
      %dma_wait3A_46 = tpu.memref_squeeze %dma_wait3A_45 : memref<1x1024xi32, #tpu.memory_space<vmem>> -> memref<1024xi32, #tpu.memory_space<vmem>>
      %dma_wait3A_47 = arith.constant 0 : i32
      %dma_wait3A_48 = arith.constant 0 : i32
      %dma_wait3A_49 = tpu.memref_slice %arg8[%dma_wait3A_47, %dma_wait3A_48] : memref<10000x16xf32, #tpu.memory_space<vmem_shared>> -> memref<10000x16xf32, #tpu.memory_space<vmem_shared>>
      tpu.wait_indirect_dma semaphore(%run_scoped3A_39 : memref<!tpu.dma_semaphore, #tpu.memory_space<semaphore_mem>>) src(%arg7 : memref<1024x16xf32, #tpu.memory_space<vmem>>) dst(%dma_wait3A_49 : memref<10000x16xf32, #tpu.memory_space<vmem_shared>>)
      tpu.yield
    }) : () -> ()
    %add3A_19 = arith.constant 5120 : i32
    %add3A_20 = arith.addi %mul3A_4, %add3A_19 : i32
    "tpu.region"() ({
      %run_scoped3A_39 = tpu.sem_alloc : memref<!tpu.dma_semaphore, #tpu.memory_space<semaphore_mem>>
      %dma_start3A = arith.constant 0 : i32
      %dma_start3A_40 = tpu.memref_slice %arg2[%add3A_20, %dma_start3A] : memref<327680x16xf32, #tpu.memory_space<hbm>> -> memref<1024x16xf32, #tpu.memory_space<hbm>>
      %dma_start3A_41 = arith.constant 0 : i32
      %dma_start3A_42 = tpu.memref_slice %arg2[%add3A_20, %dma_start3A_41] : memref<327680x16xf32, #tpu.memory_space<hbm>> -> memref<1024x16xf32, #tpu.memory_space<hbm>>
      tpu.enqueue_dma source(%dma_start3A_42 : memref<1024x16xf32, #tpu.memory_space<hbm>>) target(%arg7 : memref<1024x16xf32, #tpu.memory_space<vmem>>) target_semaphore(%run_scoped3A_39 : memref<!tpu.dma_semaphore, #tpu.memory_space<semaphore_mem>>)
      %dma_wait3A = arith.constant 0 : i32
      %dma_wait3A_43 = tpu.memref_slice %arg2[%add3A_20, %dma_wait3A] : memref<327680x16xf32, #tpu.memory_space<hbm>> -> memref<1024x16xf32, #tpu.memory_space<hbm>>
      %dma_wait3A_44 = arith.constant 0 : i32
      %dma_wait3A_45 = tpu.memref_slice %arg2[%add3A_20, %dma_wait3A_44] : memref<327680x16xf32, #tpu.memory_space<hbm>> -> memref<1024x16xf32, #tpu.memory_space<hbm>>
      tpu.wait_dma2 semaphore(%run_scoped3A_39 : memref<!tpu.dma_semaphore, #tpu.memory_space<semaphore_mem>>) src(%dma_wait3A_45 : memref<1024x16xf32, #tpu.memory_space<hbm>>) dst(%arg7 : memref<1024x16xf32, #tpu.memory_space<vmem>>)
      tpu.yield
    }) : () -> ()
    %run_scoped3A_21 = arith.constant 5 : i32
    "tpu.region"() ({
      %run_scoped3A_39 = tpu.sem_alloc : memref<!tpu.dma_semaphore, #tpu.memory_space<semaphore_mem>>
      %dma_start3A = arith.constant 0 : i32
      %dma_start3A_40 = tpu.memref_slice %arg6[%run_scoped3A_21, %dma_start3A] : memref<10x1024xi32, #tpu.memory_space<vmem>> -> memref<1x1024xi32, #tpu.memory_space<vmem>>
      %dma_start3A_41 = tpu.memref_squeeze %dma_start3A_40 : memref<1x1024xi32, #tpu.memory_space<vmem>> -> memref<1024xi32, #tpu.memory_space<vmem>>
      %dma_start3A_42 = arith.constant 0 : i32
      %dma_start3A_43 = arith.constant 0 : i32
      %dma_start3A_44 = tpu.memref_slice %arg8[%dma_start3A_42, %dma_start3A_43] : memref<10000x16xf32, #tpu.memory_space<vmem_shared>> -> memref<10000x16xf32, #tpu.memory_space<vmem_shared>>
      tpu.enqueue_indirect_dma source(%arg7 : memref<1024x16xf32, #tpu.memory_space<vmem>>) target(%dma_start3A_44 : memref<10000x16xf32, #tpu.memory_space<vmem_shared>>) offsets(%dma_start3A_41 : memref<1024xi32, #tpu.memory_space<vmem>>) semaphore(%run_scoped3A_39 : memref<!tpu.dma_semaphore, #tpu.memory_space<semaphore_mem>>) {add = true}
      %dma_wait3A = arith.constant 0 : i32
      %dma_wait3A_45 = tpu.memref_slice %arg6[%run_scoped3A_21, %dma_wait3A] : memref<10x1024xi32, #tpu.memory_space<vmem>> -> memref<1x1024xi32, #tpu.memory_space<vmem>>
      %dma_wait3A_46 = tpu.memref_squeeze %dma_wait3A_45 : memref<1x1024xi32, #tpu.memory_space<vmem>> -> memref<1024xi32, #tpu.memory_space<vmem>>
      %dma_wait3A_47 = arith.constant 0 : i32
      %dma_wait3A_48 = arith.constant 0 : i32
      %dma_wait3A_49 = tpu.memref_slice %arg8[%dma_wait3A_47, %dma_wait3A_48] : memref<10000x16xf32, #tpu.memory_space<vmem_shared>> -> memref<10000x16xf32, #tpu.memory_space<vmem_shared>>
      tpu.wait_indirect_dma semaphore(%run_scoped3A_39 : memref<!tpu.dma_semaphore, #tpu.memory_space<semaphore_mem>>) src(%arg7 : memref<1024x16xf32, #tpu.memory_space<vmem>>) dst(%dma_wait3A_49 : memref<10000x16xf32, #tpu.memory_space<vmem_shared>>)
      tpu.yield
    }) : () -> ()
    %add3A_22 = arith.constant 6144 : i32
    %add3A_23 = arith.addi %mul3A_4, %add3A_22 : i32
    "tpu.region"() ({
      %run_scoped3A_39 = tpu.sem_alloc : memref<!tpu.dma_semaphore, #tpu.memory_space<semaphore_mem>>
      %dma_start3A = arith.constant 0 : i32
      %dma_start3A_40 = tpu.memref_slice %arg2[%add3A_23, %dma_start3A] : memref<327680x16xf32, #tpu.memory_space<hbm>> -> memref<1024x16xf32, #tpu.memory_space<hbm>>
      %dma_start3A_41 = arith.constant 0 : i32
      %dma_start3A_42 = tpu.memref_slice %arg2[%add3A_23, %dma_start3A_41] : memref<327680x16xf32, #tpu.memory_space<hbm>> -> memref<1024x16xf32, #tpu.memory_space<hbm>>
      tpu.enqueue_dma source(%dma_start3A_42 : memref<1024x16xf32, #tpu.memory_space<hbm>>) target(%arg7 : memref<1024x16xf32, #tpu.memory_space<vmem>>) target_semaphore(%run_scoped3A_39 : memref<!tpu.dma_semaphore, #tpu.memory_space<semaphore_mem>>)
      %dma_wait3A = arith.constant 0 : i32
      %dma_wait3A_43 = tpu.memref_slice %arg2[%add3A_23, %dma_wait3A] : memref<327680x16xf32, #tpu.memory_space<hbm>> -> memref<1024x16xf32, #tpu.memory_space<hbm>>
      %dma_wait3A_44 = arith.constant 0 : i32
      %dma_wait3A_45 = tpu.memref_slice %arg2[%add3A_23, %dma_wait3A_44] : memref<327680x16xf32, #tpu.memory_space<hbm>> -> memref<1024x16xf32, #tpu.memory_space<hbm>>
      tpu.wait_dma2 semaphore(%run_scoped3A_39 : memref<!tpu.dma_semaphore, #tpu.memory_space<semaphore_mem>>) src(%dma_wait3A_45 : memref<1024x16xf32, #tpu.memory_space<hbm>>) dst(%arg7 : memref<1024x16xf32, #tpu.memory_space<vmem>>)
      tpu.yield
    }) : () -> ()
    %run_scoped3A_24 = arith.constant 6 : i32
    "tpu.region"() ({
      %run_scoped3A_39 = tpu.sem_alloc : memref<!tpu.dma_semaphore, #tpu.memory_space<semaphore_mem>>
      %dma_start3A = arith.constant 0 : i32
      %dma_start3A_40 = tpu.memref_slice %arg6[%run_scoped3A_24, %dma_start3A] : memref<10x1024xi32, #tpu.memory_space<vmem>> -> memref<1x1024xi32, #tpu.memory_space<vmem>>
      %dma_start3A_41 = tpu.memref_squeeze %dma_start3A_40 : memref<1x1024xi32, #tpu.memory_space<vmem>> -> memref<1024xi32, #tpu.memory_space<vmem>>
      %dma_start3A_42 = arith.constant 0 : i32
      %dma_start3A_43 = arith.constant 0 : i32
      %dma_start3A_44 = tpu.memref_slice %arg8[%dma_start3A_42, %dma_start3A_43] : memref<10000x16xf32, #tpu.memory_space<vmem_shared>> -> memref<10000x16xf32, #tpu.memory_space<vmem_shared>>
      tpu.enqueue_indirect_dma source(%arg7 : memref<1024x16xf32, #tpu.memory_space<vmem>>) target(%dma_start3A_44 : memref<10000x16xf32, #tpu.memory_space<vmem_shared>>) offsets(%dma_start3A_41 : memref<1024xi32, #tpu.memory_space<vmem>>) semaphore(%run_scoped3A_39 : memref<!tpu.dma_semaphore, #tpu.memory_space<semaphore_mem>>) {add = true}
      %dma_wait3A = arith.constant 0 : i32
      %dma_wait3A_45 = tpu.memref_slice %arg6[%run_scoped3A_24, %dma_wait3A] : memref<10x1024xi32, #tpu.memory_space<vmem>> -> memref<1x1024xi32, #tpu.memory_space<vmem>>
      %dma_wait3A_46 = tpu.memref_squeeze %dma_wait3A_45 : memref<1x1024xi32, #tpu.memory_space<vmem>> -> memref<1024xi32, #tpu.memory_space<vmem>>
      %dma_wait3A_47 = arith.constant 0 : i32
      %dma_wait3A_48 = arith.constant 0 : i32
      %dma_wait3A_49 = tpu.memref_slice %arg8[%dma_wait3A_47, %dma_wait3A_48] : memref<10000x16xf32, #tpu.memory_space<vmem_shared>> -> memref<10000x16xf32, #tpu.memory_space<vmem_shared>>
      tpu.wait_indirect_dma semaphore(%run_scoped3A_39 : memref<!tpu.dma_semaphore, #tpu.memory_space<semaphore_mem>>) src(%arg7 : memref<1024x16xf32, #tpu.memory_space<vmem>>) dst(%dma_wait3A_49 : memref<10000x16xf32, #tpu.memory_space<vmem_shared>>)
      tpu.yield
    }) : () -> ()
    %add3A_25 = arith.constant 7168 : i32
    %add3A_26 = arith.addi %mul3A_4, %add3A_25 : i32
    "tpu.region"() ({
      %run_scoped3A_39 = tpu.sem_alloc : memref<!tpu.dma_semaphore, #tpu.memory_space<semaphore_mem>>
      %dma_start3A = arith.constant 0 : i32
      %dma_start3A_40 = tpu.memref_slice %arg2[%add3A_26, %dma_start3A] : memref<327680x16xf32, #tpu.memory_space<hbm>> -> memref<1024x16xf32, #tpu.memory_space<hbm>>
      %dma_start3A_41 = arith.constant 0 : i32
      %dma_start3A_42 = tpu.memref_slice %arg2[%add3A_26, %dma_start3A_41] : memref<327680x16xf32, #tpu.memory_space<hbm>> -> memref<1024x16xf32, #tpu.memory_space<hbm>>
      tpu.enqueue_dma source(%dma_start3A_42 : memref<1024x16xf32, #tpu.memory_space<hbm>>) target(%arg7 : memref<1024x16xf32, #tpu.memory_space<vmem>>) target_semaphore(%run_scoped3A_39 : memref<!tpu.dma_semaphore, #tpu.memory_space<semaphore_mem>>)
      %dma_wait3A = arith.constant 0 : i32
      %dma_wait3A_43 = tpu.memref_slice %arg2[%add3A_26, %dma_wait3A] : memref<327680x16xf32, #tpu.memory_space<hbm>> -> memref<1024x16xf32, #tpu.memory_space<hbm>>
      %dma_wait3A_44 = arith.constant 0 : i32
      %dma_wait3A_45 = tpu.memref_slice %arg2[%add3A_26, %dma_wait3A_44] : memref<327680x16xf32, #tpu.memory_space<hbm>> -> memref<1024x16xf32, #tpu.memory_space<hbm>>
      tpu.wait_dma2 semaphore(%run_scoped3A_39 : memref<!tpu.dma_semaphore, #tpu.memory_space<semaphore_mem>>) src(%dma_wait3A_45 : memref<1024x16xf32, #tpu.memory_space<hbm>>) dst(%arg7 : memref<1024x16xf32, #tpu.memory_space<vmem>>)
      tpu.yield
    }) : () -> ()
    %run_scoped3A_27 = arith.constant 7 : i32
    "tpu.region"() ({
      %run_scoped3A_39 = tpu.sem_alloc : memref<!tpu.dma_semaphore, #tpu.memory_space<semaphore_mem>>
      %dma_start3A = arith.constant 0 : i32
      %dma_start3A_40 = tpu.memref_slice %arg6[%run_scoped3A_27, %dma_start3A] : memref<10x1024xi32, #tpu.memory_space<vmem>> -> memref<1x1024xi32, #tpu.memory_space<vmem>>
      %dma_start3A_41 = tpu.memref_squeeze %dma_start3A_40 : memref<1x1024xi32, #tpu.memory_space<vmem>> -> memref<1024xi32, #tpu.memory_space<vmem>>
      %dma_start3A_42 = arith.constant 0 : i32
      %dma_start3A_43 = arith.constant 0 : i32
      %dma_start3A_44 = tpu.memref_slice %arg8[%dma_start3A_42, %dma_start3A_43] : memref<10000x16xf32, #tpu.memory_space<vmem_shared>> -> memref<10000x16xf32, #tpu.memory_space<vmem_shared>>
      tpu.enqueue_indirect_dma source(%arg7 : memref<1024x16xf32, #tpu.memory_space<vmem>>) target(%dma_start3A_44 : memref<10000x16xf32, #tpu.memory_space<vmem_shared>>) offsets(%dma_start3A_41 : memref<1024xi32, #tpu.memory_space<vmem>>) semaphore(%run_scoped3A_39 : memref<!tpu.dma_semaphore, #tpu.memory_space<semaphore_mem>>) {add = true}
      %dma_wait3A = arith.constant 0 : i32
      %dma_wait3A_45 = tpu.memref_slice %arg6[%run_scoped3A_27, %dma_wait3A] : memref<10x1024xi32, #tpu.memory_space<vmem>> -> memref<1x1024xi32, #tpu.memory_space<vmem>>
      %dma_wait3A_46 = tpu.memref_squeeze %dma_wait3A_45 : memref<1x1024xi32, #tpu.memory_space<vmem>> -> memref<1024xi32, #tpu.memory_space<vmem>>
      %dma_wait3A_47 = arith.constant 0 : i32
      %dma_wait3A_48 = arith.constant 0 : i32
      %dma_wait3A_49 = tpu.memref_slice %arg8[%dma_wait3A_47, %dma_wait3A_48] : memref<10000x16xf32, #tpu.memory_space<vmem_shared>> -> memref<10000x16xf32, #tpu.memory_space<vmem_shared>>
      tpu.wait_indirect_dma semaphore(%run_scoped3A_39 : memref<!tpu.dma_semaphore, #tpu.memory_space<semaphore_mem>>) src(%arg7 : memref<1024x16xf32, #tpu.memory_space<vmem>>) dst(%dma_wait3A_49 : memref<10000x16xf32, #tpu.memory_space<vmem_shared>>)
      tpu.yield
    }) : () -> ()
    %add3A_28 = arith.constant 8192 : i32
    %add3A_29 = arith.addi %mul3A_4, %add3A_28 : i32
    "tpu.region"() ({
      %run_scoped3A_39 = tpu.sem_alloc : memref<!tpu.dma_semaphore, #tpu.memory_space<semaphore_mem>>
      %dma_start3A = arith.constant 0 : i32
      %dma_start3A_40 = tpu.memref_slice %arg2[%add3A_29, %dma_start3A] : memref<327680x16xf32, #tpu.memory_space<hbm>> -> memref<1024x16xf32, #tpu.memory_space<hbm>>
      %dma_start3A_41 = arith.constant 0 : i32
      %dma_start3A_42 = tpu.memref_slice %arg2[%add3A_29, %dma_start3A_41] : memref<327680x16xf32, #tpu.memory_space<hbm>> -> memref<1024x16xf32, #tpu.memory_space<hbm>>
      tpu.enqueue_dma source(%dma_start3A_42 : memref<1024x16xf32, #tpu.memory_space<hbm>>) target(%arg7 : memref<1024x16xf32, #tpu.memory_space<vmem>>) target_semaphore(%run_scoped3A_39 : memref<!tpu.dma_semaphore, #tpu.memory_space<semaphore_mem>>)
      %dma_wait3A = arith.constant 0 : i32
      %dma_wait3A_43 = tpu.memref_slice %arg2[%add3A_29, %dma_wait3A] : memref<327680x16xf32, #tpu.memory_space<hbm>> -> memref<1024x16xf32, #tpu.memory_space<hbm>>
      %dma_wait3A_44 = arith.constant 0 : i32
      %dma_wait3A_45 = tpu.memref_slice %arg2[%add3A_29, %dma_wait3A_44] : memref<327680x16xf32, #tpu.memory_space<hbm>> -> memref<1024x16xf32, #tpu.memory_space<hbm>>
      tpu.wait_dma2 semaphore(%run_scoped3A_39 : memref<!tpu.dma_semaphore, #tpu.memory_space<semaphore_mem>>) src(%dma_wait3A_45 : memref<1024x16xf32, #tpu.memory_space<hbm>>) dst(%arg7 : memref<1024x16xf32, #tpu.memory_space<vmem>>)
      tpu.yield
    }) : () -> ()
    %run_scoped3A_30 = arith.constant 8 : i32
    "tpu.region"() ({
      %run_scoped3A_39 = tpu.sem_alloc : memref<!tpu.dma_semaphore, #tpu.memory_space<semaphore_mem>>
      %dma_start3A = arith.constant 0 : i32
      %dma_start3A_40 = tpu.memref_slice %arg6[%run_scoped3A_30, %dma_start3A] : memref<10x1024xi32, #tpu.memory_space<vmem>> -> memref<1x1024xi32, #tpu.memory_space<vmem>>
      %dma_start3A_41 = tpu.memref_squeeze %dma_start3A_40 : memref<1x1024xi32, #tpu.memory_space<vmem>> -> memref<1024xi32, #tpu.memory_space<vmem>>
      %dma_start3A_42 = arith.constant 0 : i32
      %dma_start3A_43 = arith.constant 0 : i32
      %dma_start3A_44 = tpu.memref_slice %arg8[%dma_start3A_42, %dma_start3A_43] : memref<10000x16xf32, #tpu.memory_space<vmem_shared>> -> memref<10000x16xf32, #tpu.memory_space<vmem_shared>>
      tpu.enqueue_indirect_dma source(%arg7 : memref<1024x16xf32, #tpu.memory_space<vmem>>) target(%dma_start3A_44 : memref<10000x16xf32, #tpu.memory_space<vmem_shared>>) offsets(%dma_start3A_41 : memref<1024xi32, #tpu.memory_space<vmem>>) semaphore(%run_scoped3A_39 : memref<!tpu.dma_semaphore, #tpu.memory_space<semaphore_mem>>) {add = true}
      %dma_wait3A = arith.constant 0 : i32
      %dma_wait3A_45 = tpu.memref_slice %arg6[%run_scoped3A_30, %dma_wait3A] : memref<10x1024xi32, #tpu.memory_space<vmem>> -> memref<1x1024xi32, #tpu.memory_space<vmem>>
      %dma_wait3A_46 = tpu.memref_squeeze %dma_wait3A_45 : memref<1x1024xi32, #tpu.memory_space<vmem>> -> memref<1024xi32, #tpu.memory_space<vmem>>
      %dma_wait3A_47 = arith.constant 0 : i32
      %dma_wait3A_48 = arith.constant 0 : i32
      %dma_wait3A_49 = tpu.memref_slice %arg8[%dma_wait3A_47, %dma_wait3A_48] : memref<10000x16xf32, #tpu.memory_space<vmem_shared>> -> memref<10000x16xf32, #tpu.memory_space<vmem_shared>>
      tpu.wait_indirect_dma semaphore(%run_scoped3A_39 : memref<!tpu.dma_semaphore, #tpu.memory_space<semaphore_mem>>) src(%arg7 : memref<1024x16xf32, #tpu.memory_space<vmem>>) dst(%dma_wait3A_49 : memref<10000x16xf32, #tpu.memory_space<vmem_shared>>)
      tpu.yield
    }) : () -> ()
    %add3A_31 = arith.constant 9216 : i32
    %add3A_32 = arith.addi %mul3A_4, %add3A_31 : i32
    "tpu.region"() ({
      %run_scoped3A_39 = tpu.sem_alloc : memref<!tpu.dma_semaphore, #tpu.memory_space<semaphore_mem>>
      %dma_start3A = arith.constant 0 : i32
      %dma_start3A_40 = tpu.memref_slice %arg2[%add3A_32, %dma_start3A] : memref<327680x16xf32, #tpu.memory_space<hbm>> -> memref<1024x16xf32, #tpu.memory_space<hbm>>
      %dma_start3A_41 = arith.constant 0 : i32
      %dma_start3A_42 = tpu.memref_slice %arg2[%add3A_32, %dma_start3A_41] : memref<327680x16xf32, #tpu.memory_space<hbm>> -> memref<1024x16xf32, #tpu.memory_space<hbm>>
      tpu.enqueue_dma source(%dma_start3A_42 : memref<1024x16xf32, #tpu.memory_space<hbm>>) target(%arg7 : memref<1024x16xf32, #tpu.memory_space<vmem>>) target_semaphore(%run_scoped3A_39 : memref<!tpu.dma_semaphore, #tpu.memory_space<semaphore_mem>>)
      %dma_wait3A = arith.constant 0 : i32
      %dma_wait3A_43 = tpu.memref_slice %arg2[%add3A_32, %dma_wait3A] : memref<327680x16xf32, #tpu.memory_space<hbm>> -> memref<1024x16xf32, #tpu.memory_space<hbm>>
      %dma_wait3A_44 = arith.constant 0 : i32
      %dma_wait3A_45 = tpu.memref_slice %arg2[%add3A_32, %dma_wait3A_44] : memref<327680x16xf32, #tpu.memory_space<hbm>> -> memref<1024x16xf32, #tpu.memory_space<hbm>>
      tpu.wait_dma2 semaphore(%run_scoped3A_39 : memref<!tpu.dma_semaphore, #tpu.memory_space<semaphore_mem>>) src(%dma_wait3A_45 : memref<1024x16xf32, #tpu.memory_space<hbm>>) dst(%arg7 : memref<1024x16xf32, #tpu.memory_space<vmem>>)
      tpu.yield
    }) : () -> ()
    %run_scoped3A_33 = arith.constant 9 : i32
    "tpu.region"() ({
      %run_scoped3A_39 = tpu.sem_alloc : memref<!tpu.dma_semaphore, #tpu.memory_space<semaphore_mem>>
      %dma_start3A = arith.constant 0 : i32
      %dma_start3A_40 = tpu.memref_slice %arg6[%run_scoped3A_33, %dma_start3A] : memref<10x1024xi32, #tpu.memory_space<vmem>> -> memref<1x1024xi32, #tpu.memory_space<vmem>>
      %dma_start3A_41 = tpu.memref_squeeze %dma_start3A_40 : memref<1x1024xi32, #tpu.memory_space<vmem>> -> memref<1024xi32, #tpu.memory_space<vmem>>
      %dma_start3A_42 = arith.constant 0 : i32
      %dma_start3A_43 = arith.constant 0 : i32
      %dma_start3A_44 = tpu.memref_slice %arg8[%dma_start3A_42, %dma_start3A_43] : memref<10000x16xf32, #tpu.memory_space<vmem_shared>> -> memref<10000x16xf32, #tpu.memory_space<vmem_shared>>
      tpu.enqueue_indirect_dma source(%arg7 : memref<1024x16xf32, #tpu.memory_space<vmem>>) target(%dma_start3A_44 : memref<10000x16xf32, #tpu.memory_space<vmem_shared>>) offsets(%dma_start3A_41 : memref<1024xi32, #tpu.memory_space<vmem>>) semaphore(%run_scoped3A_39 : memref<!tpu.dma_semaphore, #tpu.memory_space<semaphore_mem>>) {add = true}
      %dma_wait3A = arith.constant 0 : i32
      %dma_wait3A_45 = tpu.memref_slice %arg6[%run_scoped3A_33, %dma_wait3A] : memref<10x1024xi32, #tpu.memory_space<vmem>> -> memref<1x1024xi32, #tpu.memory_space<vmem>>
      %dma_wait3A_46 = tpu.memref_squeeze %dma_wait3A_45 : memref<1x1024xi32, #tpu.memory_space<vmem>> -> memref<1024xi32, #tpu.memory_space<vmem>>
      %dma_wait3A_47 = arith.constant 0 : i32
      %dma_wait3A_48 = arith.constant 0 : i32
      %dma_wait3A_49 = tpu.memref_slice %arg8[%dma_wait3A_47, %dma_wait3A_48] : memref<10000x16xf32, #tpu.memory_space<vmem_shared>> -> memref<10000x16xf32, #tpu.memory_space<vmem_shared>>
      tpu.wait_indirect_dma semaphore(%run_scoped3A_39 : memref<!tpu.dma_semaphore, #tpu.memory_space<semaphore_mem>>) src(%arg7 : memref<1024x16xf32, #tpu.memory_space<vmem>>) dst(%dma_wait3A_49 : memref<10000x16xf32, #tpu.memory_space<vmem_shared>>)
      tpu.yield
    }) : () -> ()
    %barrier3A_34 = arith.constant 0 : index
    tpu.barrier barrier_id(%barrier3A_34)
    %mul3A_35 = arith.constant 625 : i32
    %mul3A_36 = arith.muli %arg1, %mul3A_35 : i32
    %mul3A_37 = arith.constant 625 : i32
    %mul3A_38 = arith.muli %arg1, %mul3A_37 : i32
    "tpu.region"() ({
      %run_scoped3A_39 = tpu.sem_alloc : memref<!tpu.dma_semaphore, #tpu.memory_space<semaphore_mem>>
      %dma_start3A = arith.constant 0 : i32
      %dma_start3A_40 = tpu.memref_slice %arg5[%arg0, %mul3A_38, %dma_start3A] : memref<2x10000x16xf32, #tpu.memory_space<hbm>> -> memref<1x625x16xf32, #tpu.memory_space<hbm>>
      %dma_start3A_41 = tpu.memref_squeeze %dma_start3A_40 : memref<1x625x16xf32, #tpu.memory_space<hbm>> -> memref<625x16xf32, #tpu.memory_space<hbm>>
      %dma_start3A_42 = arith.constant 0 : i32
      %dma_start3A_43 = tpu.memref_slice %arg8[%mul3A_36, %dma_start3A_42] : memref<10000x16xf32, #tpu.memory_space<vmem_shared>> -> memref<625x16xf32, #tpu.memory_space<vmem_shared>>
      tpu.enqueue_dma source(%dma_start3A_43 : memref<625x16xf32, #tpu.memory_space<vmem_shared>>) target(%dma_start3A_41 : memref<625x16xf32, #tpu.memory_space<hbm>>) target_semaphore(%run_scoped3A_39 : memref<!tpu.dma_semaphore, #tpu.memory_space<semaphore_mem>>)
      %dma_wait3A = arith.constant 0 : i32
      %dma_wait3A_44 = tpu.memref_slice %arg5[%arg0, %mul3A_38, %dma_wait3A] : memref<2x10000x16xf32, #tpu.memory_space<hbm>> -> memref<1x625x16xf32, #tpu.memory_space<hbm>>
      %dma_wait3A_45 = tpu.memref_squeeze %dma_wait3A_44 : memref<1x625x16xf32, #tpu.memory_space<hbm>> -> memref<625x16xf32, #tpu.memory_space<hbm>>
      %dma_wait3A_46 = arith.constant 0 : i32
      %dma_wait3A_47 = tpu.memref_slice %arg8[%mul3A_36, %dma_wait3A_46] : memref<10000x16xf32, #tpu.memory_space<vmem_shared>> -> memref<625x16xf32, #tpu.memory_space<vmem_shared>>
      tpu.wait_dma2 semaphore(%run_scoped3A_39 : memref<!tpu.dma_semaphore, #tpu.memory_space<semaphore_mem>>) src(%dma_wait3A_47 : memref<625x16xf32, #tpu.memory_space<vmem_shared>>) dst(%dma_wait3A_45 : memref<625x16xf32, #tpu.memory_space<hbm>>)
      tpu.yield
    }) : () -> ()
    return
  }
}

module attributes {stable_mosaic.version = 14 : i64} {
  func.func @_prep_body(%arg0: i32, %arg1: memref<1000x162xf32, #tpu.memory_space<vmem>>, %arg2: memref<1000x3xf32, #tpu.memory_space<vmem>>, %arg3: memref<162x40xf32, #tpu.memory_space<vmem>>, %arg4: memref<1000x48xf32, #tpu.memory_space<vmem>>) attributes {dimension_semantics = [#tpu.dimension_semantics<arbitrary>], iteration_bounds = array<i64: 10>, scalar_prefetch = 0 : i64, scratch_operands = 0 : i64, tpu.core_type = #tpu.core_type<tc>, window_params = [{transform_indices = @transform_0, window_bounds = array<i64: 1000, 162>}, {transform_indices = @transform_1, window_bounds = array<i64: 1000, 3>}, {pipeline_mode = #tpu.pipeline_mode<synchronous>, transform_indices = @transform_2, window_bounds = array<i64: 162, 40>}, {transform_indices = @transform_3, window_bounds = array<i64: 1000, 48>}]} {
    %get3A = arith.constant 0 : index
    %get3A_0 = arith.constant 0 : index
    %get3A_1 = vector.load %arg1[%get3A, %get3A_0] : memref<1000x162xf32, #tpu.memory_space<vmem>>, vector<1000x162xf32>
    %get3A_2 = arith.constant 0 : index
    %get3A_3 = arith.constant 0 : index
    %get3A_4 = vector.load %arg3[%get3A_2, %get3A_3] : memref<162x40xf32, #tpu.memory_space<vmem>>, vector<162x40xf32>
    %dot_general3A = arith.constant dense<0.000000e+00> : vector<1000x40xf32>
    %dot_general3A_5 = tpu.matmul %get3A_1, %get3A_4, %dot_general3A {dimension_numbers = #tpu.dot_dimension_numbers<[1], [0], [0], [1], [0, 0, 1, 1], [], []>, transpose_lhs_hint = false} : vector<1000x162xf32>, vector<162x40xf32>, vector<1000x40xf32> -> vector<1000x40xf32>
    %get3A_6 = arith.constant 0 : index
    %get3A_7 = arith.constant 0 : index
    %get3A_8 = vector.load %arg2[%get3A_6, %get3A_7] : memref<1000x3xf32, #tpu.memory_space<vmem>>, vector<1000x3xf32>
    %broadcast_in_dim3A = arith.constant 0.000000e+00 : f32
    %broadcast_in_dim3A_9 = vector.broadcast %broadcast_in_dim3A : f32 to vector<1000x5xf32>
    %concatenate3A = tpu.concatenate %dot_general3A_5, %get3A_8, %broadcast_in_dim3A_9 in 1 : vector<1000x40xf32>, vector<1000x3xf32>, vector<1000x5xf32> -> vector<1000x48xf32>
    %swap3A = arith.constant 0 : index
    %swap3A_10 = arith.constant 0 : index
    %swap3A_11 = vector.load %arg4[%swap3A, %swap3A_10] : memref<1000x48xf32, #tpu.memory_space<vmem>>, vector<1000x48xf32>
    tpu.vector_store %arg4[%swap3A, %swap3A_10], %concatenate3A {strides = array<i32>} : memref<1000x48xf32, #tpu.memory_space<vmem>>, vector<1000x48xf32>,
    return
  }
  func.func @transform_0(%arg0: i32) -> (i32, i32) {
    %c0_i32 = arith.constant 0 : i32
    %c0_i32_0 = arith.constant 0 : i32
    return %arg0, %c0_i32 : i32, i32
  }
  func.func @transform_1(%arg0: i32) -> (i32, i32) {
    %c0_i32 = arith.constant 0 : i32
    %c0_i32_0 = arith.constant 0 : i32
    return %arg0, %c0_i32 : i32, i32
  }
  func.func @transform_2(%arg0: i32) -> (i32, i32) {
    %c0_i32 = arith.constant 0 : i32
    %c0_i32_0 = arith.constant 0 : i32
    %c0_i32_1 = arith.constant 0 : i32
    return %c0_i32, %c0_i32_0 : i32, i32
  }
  func.func @transform_3(%arg0: i32) -> (i32, i32) {
    %c0_i32 = arith.constant 0 : i32
    %c0_i32_0 = arith.constant 0 : i32
    return %arg0, %c0_i32 : i32, i32
  }
}

module attributes {stable_mosaic.version = 14 : i64} {
  func.func @_edge_body(%arg0: i32, %arg1: memref<1x16xf32, #tpu.memory_space<vmem>>, %arg2: memref<4096x48xf32, #tpu.memory_space<vmem>>, %arg3: memref<64x10xf32, #tpu.memory_space<vmem>>, %arg4: memref<4x64xf32, #tpu.memory_space<vmem>>, %arg5: memref<64x10xf32, #tpu.memory_space<vmem>>, %arg6: memref<12x64xf32, #tpu.memory_space<vmem>>, %arg7: memref<64x10xf32, #tpu.memory_space<vmem>>, %arg8: memref<20x64xf32, #tpu.memory_space<vmem>>, %arg9: memref<4096x16xf32, #tpu.memory_space<vmem>>) attributes {dimension_semantics = [#tpu.dimension_semantics<arbitrary>], iteration_bounds = array<i64: 80>, scalar_prefetch = 0 : i64, scratch_operands = 0 : i64, tpu.core_type = #tpu.core_type<tc>, window_params = [{pipeline_mode = #tpu.pipeline_mode<synchronous>, transform_indices = @transform_0, window_bounds = array<i64: 1, 16>}, {transform_indices = @transform_1, window_bounds = array<i64: 4096, 48>}, {pipeline_mode = #tpu.pipeline_mode<synchronous>, transform_indices = @transform_2, window_bounds = array<i64: 64, 10>}, {pipeline_mode = #tpu.pipeline_mode<synchronous>, transform_indices = @transform_3, window_bounds = array<i64: 4, 64>}, {pipeline_mode = #tpu.pipeline_mode<synchronous>, transform_indices = @transform_4, window_bounds = array<i64: 64, 10>}, {pipeline_mode = #tpu.pipeline_mode<synchronous>, transform_indices = @transform_5, window_bounds = array<i64: 12, 64>}, {pipeline_mode = #tpu.pipeline_mode<synchronous>, transform_indices = @transform_6, window_bounds = array<i64: 64, 10>}, {pipeline_mode = #tpu.pipeline_mode<synchronous>, transform_indices = @transform_7, window_bounds = array<i64: 20, 64>}, {transform_indices = @transform_8, window_bounds = array<i64: 4096, 16>}]} {
    %get3A = arith.constant 0 : index
    %get3A_0 = arith.constant 0 : index
    %get3A_1 = vector.load %arg2[%get3A, %get3A_0] : memref<4096x48xf32, #tpu.memory_space<vmem>>, vector<4096x48xf32>
    %transpose3A = tpu.transpose %get3A_1, [1, 0] : vector<4096x48xf32> -> vector<48x4096xf32>
    %slice3A = vector.extract_strided_slice %transpose3A {offsets = [40, 0], sizes = [1, 4096], strides = [1, 1]} : vector<48x4096xf32> to vector<1x4096xf32>
    %slice3A_2 = vector.extract_strided_slice %transpose3A {offsets = [41, 0], sizes = [1, 4096], strides = [1, 1]} : vector<48x4096xf32> to vector<1x4096xf32>
    %slice3A_3 = vector.extract_strided_slice %transpose3A {offsets = [42, 0], sizes = [1, 4096], strides = [1, 1]} : vector<48x4096xf32> to vector<1x4096xf32>
    %mul3A = arith.mulf %slice3A, %slice3A : vector<1x4096xf32>
    %mul3A_4 = arith.mulf %slice3A_2, %slice3A_2 : vector<1x4096xf32>
    %add3A = arith.addf %mul3A, %mul3A_4 : vector<1x4096xf32>
    %mul3A_5 = arith.mulf %slice3A_3, %slice3A_3 : vector<1x4096xf32>
    %add3A_6 = arith.addf %add3A, %mul3A_5 : vector<1x4096xf32>
    %add3A_7 = arith.constant 9.99999996E-13 : f32
    %add3A_8 = vector.broadcast %add3A_7 : f32 to vector<1x4096xf32>
    %add3A_9 = arith.addf %add3A_6, %add3A_8 : vector<1x4096xf32>
    %sqrt3A = math.sqrt %add3A_9 : vector<1x4096xf32>
    %div3A = arith.constant 1.000000e+00 : f32
    %div3A_10 = vector.broadcast %div3A : f32 to vector<1x4096xf32>
    %div3A_11 = arith.divf %div3A_10, %sqrt3A : vector<1x4096xf32>
    %mul3A_12 = arith.mulf %slice3A, %div3A_11 : vector<1x4096xf32>
    %mul3A_13 = arith.mulf %slice3A_2, %div3A_11 : vector<1x4096xf32>
    %mul3A_14 = arith.mulf %slice3A_3, %div3A_11 : vector<1x4096xf32>
    %mul3A_15 = arith.constant 1.73205078 : f32
    %mul3A_16 = vector.broadcast %mul3A_15 : f32 to vector<1x4096xf32>
    %mul3A_17 = arith.mulf %mul3A_16, %mul3A_12 : vector<1x4096xf32>
    %mul3A_18 = arith.constant 1.73205078 : f32
    %mul3A_19 = vector.broadcast %mul3A_18 : f32 to vector<1x4096xf32>
    %mul3A_20 = arith.mulf %mul3A_19, %mul3A_13 : vector<1x4096xf32>
    %mul3A_21 = arith.constant 1.73205078 : f32
    %mul3A_22 = vector.broadcast %mul3A_21 : f32 to vector<1x4096xf32>
    %mul3A_23 = arith.mulf %mul3A_22, %mul3A_14 : vector<1x4096xf32>
    %mul3A_24 = arith.constant 3.87298346 : f32
    %mul3A_25 = vector.broadcast %mul3A_24 : f32 to vector<1x4096xf32>
    %mul3A_26 = arith.mulf %mul3A_25, %mul3A_12 : vector<1x4096xf32>
    %mul3A_27 = arith.mulf %mul3A_26, %mul3A_13 : vector<1x4096xf32>
    %mul3A_28 = arith.constant 3.87298346 : f32
    %mul3A_29 = vector.broadcast %mul3A_28 : f32 to vector<1x4096xf32>
    %mul3A_30 = arith.mulf %mul3A_29, %mul3A_13 : vector<1x4096xf32>
    %mul3A_31 = arith.mulf %mul3A_30, %mul3A_14 : vector<1x4096xf32>
    %mul3A_32 = arith.constant 3.000000e+00 : f32
    %mul3A_33 = vector.broadcast %mul3A_32 : f32 to vector<1x4096xf32>
    %mul3A_34 = arith.mulf %mul3A_33, %mul3A_14 : vector<1x4096xf32>
    %mul3A_35 = arith.mulf %mul3A_34, %mul3A_14 : vector<1x4096xf32>
    %sub3A = arith.constant 1.000000e+00 : f32
    %sub3A_36 = vector.broadcast %sub3A : f32 to vector<1x4096xf32>
    %sub3A_37 = arith.subf %mul3A_35, %sub3A_36 : vector<1x4096xf32>
    %mul3A_38 = arith.constant 1.11803401 : f32
    %mul3A_39 = vector.broadcast %mul3A_38 : f32 to vector<1x4096xf32>
    %mul3A_40 = arith.mulf %mul3A_39, %sub3A_37 : vector<1x4096xf32>
    %mul3A_41 = arith.constant 3.87298346 : f32
    %mul3A_42 = vector.broadcast %mul3A_41 : f32 to vector<1x4096xf32>
    %mul3A_43 = arith.mulf %mul3A_42, %mul3A_12 : vector<1x4096xf32>
    %mul3A_44 = arith.mulf %mul3A_43, %mul3A_14 : vector<1x4096xf32>
    %mul3A_45 = arith.mulf %mul3A_12, %mul3A_12 : vector<1x4096xf32>
    %mul3A_46 = arith.mulf %mul3A_13, %mul3A_13 : vector<1x4096xf32>
    %sub3A_47 = arith.subf %mul3A_45, %mul3A_46 : vector<1x4096xf32>
    %mul3A_48 = arith.constant 1.93649173 : f32
    %mul3A_49 = vector.broadcast %mul3A_48 : f32 to vector<1x4096xf32>
    %mul3A_50 = arith.mulf %mul3A_49, %sub3A_47 : vector<1x4096xf32>
    %get3A_51 = arith.constant 0 : index
    %get3A_52 = arith.constant 0 : index
    %get3A_53 = vector.load %arg1[%get3A_51, %get3A_52] : memref<1x16xf32, #tpu.memory_space<vmem>>, vector<1x10xf32>
    %transpose3A_54 = tpu.transpose %get3A_53, [1, 0] : vector<1x10xf32> -> vector<10x1xf32>
    %sub3A_55 = vector.broadcast %sqrt3A : vector<1x4096xf32> to vector<10x4096xf32>
    %sub3A_56 = vector.broadcast %transpose3A_54 : vector<10x1xf32> to vector<10x4096xf32>
    %sub3A_57 = arith.subf %sub3A_55, %sub3A_56 : vector<10x4096xf32>
    %get3A_58 = arith.constant 0 : index
    %get3A_59 = arith.constant 10 : index
    %get3A_60 = vector.load %arg1[%get3A_58, %get3A_59] : memref<1x16xf32, #tpu.memory_space<vmem>>, vector<1x1xf32>
    %mul3A_61 = vector.broadcast %get3A_60 : vector<1x1xf32> to vector<10x4096xf32>
    %mul3A_62 = arith.mulf %sub3A_57, %mul3A_61 : vector<10x4096xf32>
    %add3A_63 = arith.constant 1.000000e+00 : f32
    %add3A_64 = vector.broadcast %add3A_63 : f32 to vector<10x4096xf32>
    %add3A_65 = arith.addf %mul3A_62, %add3A_64 : vector<10x4096xf32>
    %sub3A_66 = arith.constant 1.000000e+00 : f32
    %sub3A_67 = vector.broadcast %sub3A_66 : f32 to vector<10x4096xf32>
    %sub3A_68 = arith.subf %sub3A_67, %mul3A_62 : vector<10x4096xf32>
    %gt3A = arith.constant 0.000000e+00 : f32
    %gt3A_69 = vector.broadcast %gt3A : f32 to vector<10x4096xf32>
    %gt3A_70 = arith.cmpf ogt, %add3A_65, %gt3A_69 : vector<10x4096xf32>
    %gt3A_71 = arith.constant 0.000000e+00 : f32
    %gt3A_72 = vector.broadcast %gt3A_71 : f32 to vector<10x4096xf32>
    %gt3A_73 = arith.cmpf ogt, %add3A_65, %gt3A_72 : vector<10x4096xf32>
    %jit3A = arith.constant 1.000000e+00 : f32
    %broadcast_in_dim3A = vector.broadcast %jit3A : f32 to vector<10x4096xf32>
    %select_n3A = arith.select %gt3A_73, %add3A_65, %broadcast_in_dim3A : vector<10x4096xi1>, vector<10x4096xf32>
    %div3A_74 = arith.constant -1.000000e+00 : f32
    %div3A_75 = vector.broadcast %div3A_74 : f32 to vector<10x4096xf32>
    %div3A_76 = arith.divf %div3A_75, %select_n3A : vector<10x4096xf32>
    %exp3A = math.exp %div3A_76 : vector<10x4096xf32>
    %jit3A_77 = arith.constant 0.000000e+00 : f32
    %broadcast_in_dim3A_78 = vector.broadcast %jit3A_77 : f32 to vector<10x4096xf32>
    %select_n3A_79 = arith.select %gt3A_70, %exp3A, %broadcast_in_dim3A_78 : vector<10x4096xi1>, vector<10x4096xf32>
    %gt3A_80 = arith.constant 0.000000e+00 : f32
    %gt3A_81 = vector.broadcast %gt3A_80 : f32 to vector<10x4096xf32>
    %gt3A_82 = arith.cmpf ogt, %sub3A_68, %gt3A_81 : vector<10x4096xf32>
    %gt3A_83 = arith.constant 0.000000e+00 : f32
    %gt3A_84 = vector.broadcast %gt3A_83 : f32 to vector<10x4096xf32>
    %gt3A_85 = arith.cmpf ogt, %sub3A_68, %gt3A_84 : vector<10x4096xf32>
    %jit3A_86 = arith.constant 1.000000e+00 : f32
    %broadcast_in_dim3A_87 = vector.broadcast %jit3A_86 : f32 to vector<10x4096xf32>
    %select_n3A_88 = arith.select %gt3A_85, %sub3A_68, %broadcast_in_dim3A_87 : vector<10x4096xi1>, vector<10x4096xf32>
    %div3A_89 = arith.constant -1.000000e+00 : f32
    %div3A_90 = vector.broadcast %div3A_89 : f32 to vector<10x4096xf32>
    %div3A_91 = arith.divf %div3A_90, %select_n3A_88 : vector<10x4096xf32>
    %exp3A_92 = math.exp %div3A_91 : vector<10x4096xf32>
    %jit3A_93 = arith.constant 0.000000e+00 : f32
    %broadcast_in_dim3A_94 = vector.broadcast %jit3A_93 : f32 to vector<10x4096xf32>
    %select_n3A_95 = arith.select %gt3A_82, %exp3A_92, %broadcast_in_dim3A_94 : vector<10x4096xi1>, vector<10x4096xf32>
    %mul3A_96 = arith.constant 2.666930e+01 : f32
    %mul3A_97 = vector.broadcast %mul3A_96 : f32 to vector<10x4096xf32>
    %mul3A_98 = arith.mulf %mul3A_97, %select_n3A_79 : vector<10x4096xf32>
    %mul3A_99 = arith.mulf %mul3A_98, %select_n3A_95 : vector<10x4096xf32>
    %get3A_100 = arith.constant 0 : index
    %get3A_101 = arith.constant 0 : index
    %get3A_102 = vector.load %arg3[%get3A_100, %get3A_101] : memref<64x10xf32, #tpu.memory_space<vmem>>, vector<64x10xf32>
    %dot_general3A = arith.constant dense<0.000000e+00> : vector<64x4096xf32>
    %dot_general3A_103 = tpu.matmul %get3A_102, %mul3A_99, %dot_general3A {dimension_numbers = #tpu.dot_dimension_numbers<[1], [0], [0], [1], [0, 0, 1, 1], [], []>, transpose_lhs_hint = false} : vector<64x10xf32>, vector<10x4096xf32>, vector<64x4096xf32> -> vector<64x4096xf32>
    %mul3A_104 = arith.constant 0.316227764 : f32
    %mul3A_105 = vector.broadcast %mul3A_104 : f32 to vector<64x4096xf32>
    %mul3A_106 = arith.mulf %dot_general3A_103, %mul3A_105 : vector<64x4096xf32>
    %max3A = arith.constant 0.000000e+00 : f32
    %max3A_107 = vector.broadcast %max3A : f32 to vector<64x4096xf32>
    %max3A_108 = arith.maximumf %mul3A_106, %max3A_107 : vector<64x4096xf32>
    %mul3A_109 = arith.constant 1.41421354 : f32
    %mul3A_110 = vector.broadcast %mul3A_109 : f32 to vector<64x4096xf32>
    %mul3A_111 = arith.mulf %mul3A_110, %max3A_108 : vector<64x4096xf32>
    %get3A_112 = arith.constant 0 : index
    %get3A_113 = arith.constant 0 : index
    %get3A_114 = vector.load %arg4[%get3A_112, %get3A_113] : memref<4x64xf32, #tpu.memory_space<vmem>>, vector<4x64xf32>
    %dot_general3A_115 = arith.constant dense<0.000000e+00> : vector<4x4096xf32>
    %dot_general3A_116 = tpu.matmul %get3A_114, %mul3A_111, %dot_general3A_115 {dimension_numbers = #tpu.dot_dimension_numbers<[1], [0], [0], [1], [0, 0, 1, 1], [], []>, transpose_lhs_hint = false} : vector<4x64xf32>, vector<64x4096xf32>, vector<4x4096xf32> -> vector<4x4096xf32>
    %mul3A_117 = arith.constant 0.0220970865 : f32
    %mul3A_118 = vector.broadcast %mul3A_117 : f32 to vector<4x4096xf32>
    %mul3A_119 = arith.mulf %dot_general3A_116, %mul3A_118 : vector<4x4096xf32>
    %get3A_120 = arith.constant 0 : index
    %get3A_121 = arith.constant 0 : index
    %get3A_122 = vector.load %arg5[%get3A_120, %get3A_121] : memref<64x10xf32, #tpu.memory_space<vmem>>, vector<64x10xf32>
    %dot_general3A_123 = arith.constant dense<0.000000e+00> : vector<64x4096xf32>
    %dot_general3A_124 = tpu.matmul %get3A_122, %mul3A_99, %dot_general3A_123 {dimension_numbers = #tpu.dot_dimension_numbers<[1], [0], [0], [1], [0, 0, 1, 1], [], []>, transpose_lhs_hint = false} : vector<64x10xf32>, vector<10x4096xf32>, vector<64x4096xf32> -> vector<64x4096xf32>
    %mul3A_125 = arith.constant 0.316227764 : f32
    %mul3A_126 = vector.broadcast %mul3A_125 : f32 to vector<64x4096xf32>
    %mul3A_127 = arith.mulf %dot_general3A_124, %mul3A_126 : vector<64x4096xf32>
    %max3A_128 = arith.constant 0.000000e+00 : f32
    %max3A_129 = vector.broadcast %max3A_128 : f32 to vector<64x4096xf32>
    %max3A_130 = arith.maximumf %mul3A_127, %max3A_129 : vector<64x4096xf32>
    %mul3A_131 = arith.constant 1.41421354 : f32
    %mul3A_132 = vector.broadcast %mul3A_131 : f32 to vector<64x4096xf32>
    %mul3A_133 = arith.mulf %mul3A_132, %max3A_130 : vector<64x4096xf32>
    %get3A_134 = arith.constant 0 : index
    %get3A_135 = arith.constant 0 : index
    %get3A_136 = vector.load %arg6[%get3A_134, %get3A_135] : memref<12x64xf32, #tpu.memory_space<vmem>>, vector<12x64xf32>
    %dot_general3A_137 = arith.constant dense<0.000000e+00> : vector<12x4096xf32>
    %dot_general3A_138 = tpu.matmul %get3A_136, %mul3A_133, %dot_general3A_137 {dimension_numbers = #tpu.dot_dimension_numbers<[1], [0], [0], [1], [0, 0, 1, 1], [], []>, transpose_lhs_hint = false} : vector<12x64xf32>, vector<64x4096xf32>, vector<12x4096xf32> -> vector<12x4096xf32>
    %mul3A_139 = arith.constant 0.00736569567 : f32
    %mul3A_140 = vector.broadcast %mul3A_139 : f32 to vector<12x4096xf32>
    %mul3A_141 = arith.mulf %dot_general3A_138, %mul3A_140 : vector<12x4096xf32>
    %get3A_142 = arith.constant 0 : index
    %get3A_143 = arith.constant 0 : index
    %get3A_144 = vector.load %arg7[%get3A_142, %get3A_143] : memref<64x10xf32, #tpu.memory_space<vmem>>, vector<64x10xf32>
    %dot_general3A_145 = arith.constant dense<0.000000e+00> : vector<64x4096xf32>
    %dot_general3A_146 = tpu.matmul %get3A_144, %mul3A_99, %dot_general3A_145 {dimension_numbers = #tpu.dot_dimension_numbers<[1], [0], [0], [1], [0, 0, 1, 1], [], []>, transpose_lhs_hint = false} : vector<64x10xf32>, vector<10x4096xf32>, vector<64x4096xf32> -> vector<64x4096xf32>
    %mul3A_147 = arith.constant 0.316227764 : f32
    %mul3A_148 = vector.broadcast %mul3A_147 : f32 to vector<64x4096xf32>
    %mul3A_149 = arith.mulf %dot_general3A_146, %mul3A_148 : vector<64x4096xf32>
    %max3A_150 = arith.constant 0.000000e+00 : f32
    %max3A_151 = vector.broadcast %max3A_150 : f32 to vector<64x4096xf32>
    %max3A_152 = arith.maximumf %mul3A_149, %max3A_151 : vector<64x4096xf32>
    %mul3A_153 = arith.constant 1.41421354 : f32
    %mul3A_154 = vector.broadcast %mul3A_153 : f32 to vector<64x4096xf32>
    %mul3A_155 = arith.mulf %mul3A_154, %max3A_152 : vector<64x4096xf32>
    %get3A_156 = arith.constant 0 : index
    %get3A_157 = arith.constant 0 : index
    %get3A_158 = vector.load %arg8[%get3A_156, %get3A_157] : memref<20x64xf32, #tpu.memory_space<vmem>>, vector<20x64xf32>
    %dot_general3A_159 = arith.constant dense<0.000000e+00> : vector<20x4096xf32>
    %dot_general3A_160 = tpu.matmul %get3A_158, %mul3A_155, %dot_general3A_159 {dimension_numbers = #tpu.dot_dimension_numbers<[1], [0], [0], [1], [0, 0, 1, 1], [], []>, transpose_lhs_hint = false} : vector<20x64xf32>, vector<64x4096xf32>, vector<20x4096xf32> -> vector<20x4096xf32>
    %mul3A_161 = arith.constant 0.00441941759 : f32
    %mul3A_162 = vector.broadcast %mul3A_161 : f32 to vector<20x4096xf32>
    %mul3A_163 = arith.mulf %dot_general3A_160, %mul3A_162 : vector<20x4096xf32>
    %slice3A_164 = vector.extract_strided_slice %transpose3A {offsets = [1, 0], sizes = [1, 4096], strides = [1, 1]} : vector<48x4096xf32> to vector<1x4096xf32>
    %mul3A_165 = arith.mulf %slice3A_164, %mul3A_17 : vector<1x4096xf32>
    %slice3A_166 = vector.extract_strided_slice %transpose3A {offsets = [2, 0], sizes = [1, 4096], strides = [1, 1]} : vector<48x4096xf32> to vector<1x4096xf32>
    %mul3A_167 = arith.mulf %slice3A_166, %mul3A_20 : vector<1x4096xf32>
    %add3A_168 = arith.addf %mul3A_165, %mul3A_167 : vector<1x4096xf32>
    %slice3A_169 = vector.extract_strided_slice %transpose3A {offsets = [3, 0], sizes = [1, 4096], strides = [1, 1]} : vector<48x4096xf32> to vector<1x4096xf32>
    %mul3A_170 = arith.mulf %slice3A_169, %mul3A_23 : vector<1x4096xf32>
    %add3A_171 = arith.addf %add3A_168, %mul3A_170 : vector<1x4096xf32>
    %slice3A_172 = vector.extract_strided_slice %transpose3A {offsets = [4, 0], sizes = [1, 4096], strides = [1, 1]} : vector<48x4096xf32> to vector<1x4096xf32>
    %mul3A_173 = arith.mulf %slice3A_172, %mul3A_17 : vector<1x4096xf32>
    %slice3A_174 = vector.extract_strided_slice %transpose3A {offsets = [5, 0], sizes = [1, 4096], strides = [1, 1]} : vector<48x4096xf32> to vector<1x4096xf32>
    %mul3A_175 = arith.mulf %slice3A_174, %mul3A_20 : vector<1x4096xf32>
    %add3A_176 = arith.addf %mul3A_173, %mul3A_175 : vector<1x4096xf32>
    %slice3A_177 = vector.extract_strided_slice %transpose3A {offsets = [6, 0], sizes = [1, 4096], strides = [1, 1]} : vector<48x4096xf32> to vector<1x4096xf32>
    %mul3A_178 = arith.mulf %slice3A_177, %mul3A_23 : vector<1x4096xf32>
    %add3A_179 = arith.addf %add3A_176, %mul3A_178 : vector<1x4096xf32>
    %slice3A_180 = vector.extract_strided_slice %transpose3A {offsets = [7, 0], sizes = [1, 4096], strides = [1, 1]} : vector<48x4096xf32> to vector<1x4096xf32>
    %mul3A_181 = arith.mulf %slice3A_180, %mul3A_17 : vector<1x4096xf32>
    %slice3A_182 = vector.extract_strided_slice %transpose3A {offsets = [8, 0], sizes = [1, 4096], strides = [1, 1]} : vector<48x4096xf32> to vector<1x4096xf32>
    %mul3A_183 = arith.mulf %slice3A_182, %mul3A_20 : vector<1x4096xf32>
    %add3A_184 = arith.addf %mul3A_181, %mul3A_183 : vector<1x4096xf32>
    %slice3A_185 = vector.extract_strided_slice %transpose3A {offsets = [9, 0], sizes = [1, 4096], strides = [1, 1]} : vector<48x4096xf32> to vector<1x4096xf32>
    %mul3A_186 = arith.mulf %slice3A_185, %mul3A_23 : vector<1x4096xf32>
    %add3A_187 = arith.addf %add3A_184, %mul3A_186 : vector<1x4096xf32>
    %slice3A_188 = vector.extract_strided_slice %transpose3A {offsets = [10, 0], sizes = [1, 4096], strides = [1, 1]} : vector<48x4096xf32> to vector<1x4096xf32>
    %mul3A_189 = arith.mulf %slice3A_188, %mul3A_27 : vector<1x4096xf32>
    %slice3A_190 = vector.extract_strided_slice %transpose3A {offsets = [11, 0], sizes = [1, 4096], strides = [1, 1]} : vector<48x4096xf32> to vector<1x4096xf32>
    %mul3A_191 = arith.mulf %slice3A_190, %mul3A_31 : vector<1x4096xf32>
    %add3A_192 = arith.addf %mul3A_189, %mul3A_191 : vector<1x4096xf32>
    %slice3A_193 = vector.extract_strided_slice %transpose3A {offsets = [12, 0], sizes = [1, 4096], strides = [1, 1]} : vector<48x4096xf32> to vector<1x4096xf32>
    %mul3A_194 = arith.mulf %slice3A_193, %mul3A_40 : vector<1x4096xf32>
    %add3A_195 = arith.addf %add3A_192, %mul3A_194 : vector<1x4096xf32>
    %slice3A_196 = vector.extract_strided_slice %transpose3A {offsets = [13, 0], sizes = [1, 4096], strides = [1, 1]} : vector<48x4096xf32> to vector<1x4096xf32>
    %mul3A_197 = arith.mulf %slice3A_196, %mul3A_44 : vector<1x4096xf32>
    %add3A_198 = arith.addf %add3A_195, %mul3A_197 : vector<1x4096xf32>
    %slice3A_199 = vector.extract_strided_slice %transpose3A {offsets = [14, 0], sizes = [1, 4096], strides = [1, 1]} : vector<48x4096xf32> to vector<1x4096xf32>
    %mul3A_200 = arith.mulf %slice3A_199, %mul3A_50 : vector<1x4096xf32>
    %add3A_201 = arith.addf %add3A_198, %mul3A_200 : vector<1x4096xf32>
    %slice3A_202 = vector.extract_strided_slice %transpose3A {offsets = [15, 0], sizes = [1, 4096], strides = [1, 1]} : vector<48x4096xf32> to vector<1x4096xf32>
    %mul3A_203 = arith.mulf %slice3A_202, %mul3A_27 : vector<1x4096xf32>
    %slice3A_204 = vector.extract_strided_slice %transpose3A {offsets = [16, 0], sizes = [1, 4096], strides = [1, 1]} : vector<48x4096xf32> to vector<1x4096xf32>
    %mul3A_205 = arith.mulf %slice3A_204, %mul3A_31 : vector<1x4096xf32>
    %add3A_206 = arith.addf %mul3A_203, %mul3A_205 : vector<1x4096xf32>
    %slice3A_207 = vector.extract_strided_slice %transpose3A {offsets = [17, 0], sizes = [1, 4096], strides = [1, 1]} : vector<48x4096xf32> to vector<1x4096xf32>
    %mul3A_208 = arith.mulf %slice3A_207, %mul3A_40 : vector<1x4096xf32>
    %add3A_209 = arith.addf %add3A_206, %mul3A_208 : vector<1x4096xf32>
    %slice3A_210 = vector.extract_strided_slice %transpose3A {offsets = [18, 0], sizes = [1, 4096], strides = [1, 1]} : vector<48x4096xf32> to vector<1x4096xf32>
    %mul3A_211 = arith.mulf %slice3A_210, %mul3A_44 : vector<1x4096xf32>
    %add3A_212 = arith.addf %add3A_209, %mul3A_211 : vector<1x4096xf32>
    %slice3A_213 = vector.extract_strided_slice %transpose3A {offsets = [19, 0], sizes = [1, 4096], strides = [1, 1]} : vector<48x4096xf32> to vector<1x4096xf32>
    %mul3A_214 = arith.mulf %slice3A_213, %mul3A_50 : vector<1x4096xf32>
    %add3A_215 = arith.addf %add3A_212, %mul3A_214 : vector<1x4096xf32>
    %slice3A_216 = vector.extract_strided_slice %transpose3A {offsets = [20, 0], sizes = [1, 4096], strides = [1, 1]} : vector<48x4096xf32> to vector<1x4096xf32>
    %mul3A_217 = arith.mulf %slice3A_216, %mul3A_27 : vector<1x4096xf32>
    %slice3A_218 = vector.extract_strided_slice %transpose3A {offsets = [21, 0], sizes = [1, 4096], strides = [1, 1]} : vector<48x4096xf32> to vector<1x4096xf32>
    %mul3A_219 = arith.mulf %slice3A_218, %mul3A_31 : vector<1x4096xf32>
    %add3A_220 = arith.addf %mul3A_217, %mul3A_219 : vector<1x4096xf32>
    %slice3A_221 = vector.extract_strided_slice %transpose3A {offsets = [22, 0], sizes = [1, 4096], strides = [1, 1]} : vector<48x4096xf32> to vector<1x4096xf32>
    %mul3A_222 = arith.mulf %slice3A_221, %mul3A_40 : vector<1x4096xf32>
    %add3A_223 = arith.addf %add3A_220, %mul3A_222 : vector<1x4096xf32>
    %slice3A_224 = vector.extract_strided_slice %transpose3A {offsets = [23, 0], sizes = [1, 4096], strides = [1, 1]} : vector<48x4096xf32> to vector<1x4096xf32>
    %mul3A_225 = arith.mulf %slice3A_224, %mul3A_44 : vector<1x4096xf32>
    %add3A_226 = arith.addf %add3A_223, %mul3A_225 : vector<1x4096xf32>
    %slice3A_227 = vector.extract_strided_slice %transpose3A {offsets = [24, 0], sizes = [1, 4096], strides = [1, 1]} : vector<48x4096xf32> to vector<1x4096xf32>
    %mul3A_228 = arith.mulf %slice3A_227, %mul3A_50 : vector<1x4096xf32>
    %add3A_229 = arith.addf %add3A_226, %mul3A_228 : vector<1x4096xf32>
    %slice3A_230 = vector.extract_strided_slice %transpose3A {offsets = [25, 0], sizes = [1, 4096], strides = [1, 1]} : vector<48x4096xf32> to vector<1x4096xf32>
    %mul3A_231 = arith.mulf %slice3A_230, %mul3A_27 : vector<1x4096xf32>
    %slice3A_232 = vector.extract_strided_slice %transpose3A {offsets = [26, 0], sizes = [1, 4096], strides = [1, 1]} : vector<48x4096xf32> to vector<1x4096xf32>
    %mul3A_233 = arith.mulf %slice3A_232, %mul3A_31 : vector<1x4096xf32>
    %add3A_234 = arith.addf %mul3A_231, %mul3A_233 : vector<1x4096xf32>
    %slice3A_235 = vector.extract_strided_slice %transpose3A {offsets = [27, 0], sizes = [1, 4096], strides = [1, 1]} : vector<48x4096xf32> to vector<1x4096xf32>
    %mul3A_236 = arith.mulf %slice3A_235, %mul3A_40 : vector<1x4096xf32>
    %add3A_237 = arith.addf %add3A_234, %mul3A_236 : vector<1x4096xf32>
    %slice3A_238 = vector.extract_strided_slice %transpose3A {offsets = [28, 0], sizes = [1, 4096], strides = [1, 1]} : vector<48x4096xf32> to vector<1x4096xf32>
    %mul3A_239 = arith.mulf %slice3A_238, %mul3A_44 : vector<1x4096xf32>
    %add3A_240 = arith.addf %add3A_237, %mul3A_239 : vector<1x4096xf32>
    %slice3A_241 = vector.extract_strided_slice %transpose3A {offsets = [29, 0], sizes = [1, 4096], strides = [1, 1]} : vector<48x4096xf32> to vector<1x4096xf32>
    %mul3A_242 = arith.mulf %slice3A_241, %mul3A_50 : vector<1x4096xf32>
    %add3A_243 = arith.addf %add3A_240, %mul3A_242 : vector<1x4096xf32>
    %slice3A_244 = vector.extract_strided_slice %transpose3A {offsets = [30, 0], sizes = [1, 4096], strides = [1, 1]} : vector<48x4096xf32> to vector<1x4096xf32>
    %mul3A_245 = arith.mulf %slice3A_244, %mul3A_27 : vector<1x4096xf32>
    %slice3A_246 = vector.extract_strided_slice %transpose3A {offsets = [31, 0], sizes = [1, 4096], strides = [1, 1]} : vector<48x4096xf32> to vector<1x4096xf32>
    %mul3A_247 = arith.mulf %slice3A_246, %mul3A_31 : vector<1x4096xf32>
    %add3A_248 = arith.addf %mul3A_245, %mul3A_247 : vector<1x4096xf32>
    %slice3A_249 = vector.extract_strided_slice %transpose3A {offsets = [32, 0], sizes = [1, 4096], strides = [1, 1]} : vector<48x4096xf32> to vector<1x4096xf32>
    %mul3A_250 = arith.mulf %slice3A_249, %mul3A_40 : vector<1x4096xf32>
    %add3A_251 = arith.addf %add3A_248, %mul3A_250 : vector<1x4096xf32>
    %slice3A_252 = vector.extract_strided_slice %transpose3A {offsets = [33, 0], sizes = [1, 4096], strides = [1, 1]} : vector<48x4096xf32> to vector<1x4096xf32>
    %mul3A_253 = arith.mulf %slice3A_252, %mul3A_44 : vector<1x4096xf32>
    %add3A_254 = arith.addf %add3A_251, %mul3A_253 : vector<1x4096xf32>
    %slice3A_255 = vector.extract_strided_slice %transpose3A {offsets = [34, 0], sizes = [1, 4096], strides = [1, 1]} : vector<48x4096xf32> to vector<1x4096xf32>
    %mul3A_256 = arith.mulf %slice3A_255, %mul3A_50 : vector<1x4096xf32>
    %add3A_257 = arith.addf %add3A_254, %mul3A_256 : vector<1x4096xf32>
    %slice3A_258 = vector.extract_strided_slice %transpose3A {offsets = [0, 0], sizes = [1, 4096], strides = [1, 1]} : vector<48x4096xf32> to vector<1x4096xf32>
    %mul3A_259 = vector.broadcast %slice3A_258 : vector<1x4096xf32> to vector<4x4096xf32>
    %mul3A_260 = arith.mulf %mul3A_259, %mul3A_119 : vector<4x4096xf32>
    %slice3A_261 = vector.extract_strided_slice %mul3A_141 {offsets = [0, 0], sizes = [4, 4096], strides = [1, 1]} : vector<12x4096xf32> to vector<4x4096xf32>
    %mul3A_262 = vector.broadcast %add3A_171 : vector<1x4096xf32> to vector<4x4096xf32>
    %mul3A_263 = arith.mulf %mul3A_262, %slice3A_261 : vector<4x4096xf32>
    %slice3A_264 = vector.extract_strided_slice %mul3A_141 {offsets = [4, 0], sizes = [4, 4096], strides = [1, 1]} : vector<12x4096xf32> to vector<4x4096xf32>
    %mul3A_265 = vector.broadcast %add3A_179 : vector<1x4096xf32> to vector<4x4096xf32>
    %mul3A_266 = arith.mulf %mul3A_265, %slice3A_264 : vector<4x4096xf32>
    %add3A_267 = arith.addf %mul3A_263, %mul3A_266 : vector<4x4096xf32>
    %slice3A_268 = vector.extract_strided_slice %mul3A_141 {offsets = [8, 0], sizes = [4, 4096], strides = [1, 1]} : vector<12x4096xf32> to vector<4x4096xf32>
    %mul3A_269 = vector.broadcast %add3A_187 : vector<1x4096xf32> to vector<4x4096xf32>
    %mul3A_270 = arith.mulf %mul3A_269, %slice3A_268 : vector<4x4096xf32>
    %add3A_271 = arith.addf %add3A_267, %mul3A_270 : vector<4x4096xf32>
    %slice3A_272 = vector.extract_strided_slice %mul3A_163 {offsets = [0, 0], sizes = [4, 4096], strides = [1, 1]} : vector<20x4096xf32> to vector<4x4096xf32>
    %mul3A_273 = vector.broadcast %add3A_201 : vector<1x4096xf32> to vector<4x4096xf32>
    %mul3A_274 = arith.mulf %mul3A_273, %slice3A_272 : vector<4x4096xf32>
    %slice3A_275 = vector.extract_strided_slice %mul3A_163 {offsets = [4, 0], sizes = [4, 4096], strides = [1, 1]} : vector<20x4096xf32> to vector<4x4096xf32>
    %mul3A_276 = vector.broadcast %add3A_215 : vector<1x4096xf32> to vector<4x4096xf32>
    %mul3A_277 = arith.mulf %mul3A_276, %slice3A_275 : vector<4x4096xf32>
    %add3A_278 = arith.addf %mul3A_274, %mul3A_277 : vector<4x4096xf32>
    %slice3A_279 = vector.extract_strided_slice %mul3A_163 {offsets = [8, 0], sizes = [4, 4096], strides = [1, 1]} : vector<20x4096xf32> to vector<4x4096xf32>
    %mul3A_280 = vector.broadcast %add3A_229 : vector<1x4096xf32> to vector<4x4096xf32>
    %mul3A_281 = arith.mulf %mul3A_280, %slice3A_279 : vector<4x4096xf32>
    %add3A_282 = arith.addf %add3A_278, %mul3A_281 : vector<4x4096xf32>
    %slice3A_283 = vector.extract_strided_slice %mul3A_163 {offsets = [12, 0], sizes = [4, 4096], strides = [1, 1]} : vector<20x4096xf32> to vector<4x4096xf32>
    %mul3A_284 = vector.broadcast %add3A_243 : vector<1x4096xf32> to vector<4x4096xf32>
    %mul3A_285 = arith.mulf %mul3A_284, %slice3A_283 : vector<4x4096xf32>
    %add3A_286 = arith.addf %add3A_282, %mul3A_285 : vector<4x4096xf32>
    %slice3A_287 = vector.extract_strided_slice %mul3A_163 {offsets = [16, 0], sizes = [4, 4096], strides = [1, 1]} : vector<20x4096xf32> to vector<4x4096xf32>
    %mul3A_288 = vector.broadcast %add3A_257 : vector<1x4096xf32> to vector<4x4096xf32>
    %mul3A_289 = arith.mulf %mul3A_288, %slice3A_287 : vector<4x4096xf32>
    %add3A_290 = arith.addf %add3A_286, %mul3A_289 : vector<4x4096xf32>
    %broadcast_in_dim3A_291 = arith.constant 0.000000e+00 : f32
    %broadcast_in_dim3A_292 = vector.broadcast %broadcast_in_dim3A_291 : f32 to vector<4x4096xf32>
    %concatenate3A = tpu.concatenate %mul3A_260, %add3A_271, %add3A_290, %broadcast_in_dim3A_292 in 0 : vector<4x4096xf32>, vector<4x4096xf32>, vector<4x4096xf32>, vector<4x4096xf32> -> vector<16x4096xf32>
    %transpose3A_293 = tpu.transpose %concatenate3A, [1, 0] : vector<16x4096xf32> -> vector<4096x16xf32>
    %swap3A = arith.constant 0 : index
    %swap3A_294 = arith.constant 0 : index
    %swap3A_295 = vector.load %arg9[%swap3A, %swap3A_294] : memref<4096x16xf32, #tpu.memory_space<vmem>>, vector<4096x16xf32>
    tpu.vector_store %arg9[%swap3A, %swap3A_294], %transpose3A_293 {strides = array<i32>} : memref<4096x16xf32, #tpu.memory_space<vmem>>, vector<4096x16xf32>,
    return
  }
  func.func @transform_0(%arg0: i32) -> (i32, i32) {
    %c0_i32 = arith.constant 0 : i32
    %c0_i32_0 = arith.constant 0 : i32
    %c0_i32_1 = arith.constant 0 : i32
    return %c0_i32, %c0_i32_0 : i32, i32
  }
  func.func @transform_1(%arg0: i32) -> (i32, i32) {
    %c0_i32 = arith.constant 0 : i32
    %c0_i32_0 = arith.constant 0 : i32
    return %arg0, %c0_i32 : i32, i32
  }
  func.func @transform_2(%arg0: i32) -> (i32, i32) {
    %c0_i32 = arith.constant 0 : i32
    %c0_i32_0 = arith.constant 0 : i32
    %c0_i32_1 = arith.constant 0 : i32
    return %c0_i32, %c0_i32_0 : i32, i32
  }
  func.func @transform_3(%arg0: i32) -> (i32, i32) {
    %c0_i32 = arith.constant 0 : i32
    %c0_i32_0 = arith.constant 0 : i32
    %c0_i32_1 = arith.constant 0 : i32
    return %c0_i32, %c0_i32_0 : i32, i32
  }
  func.func @transform_4(%arg0: i32) -> (i32, i32) {
    %c0_i32 = arith.constant 0 : i32
    %c0_i32_0 = arith.constant 0 : i32
    %c0_i32_1 = arith.constant 0 : i32
    return %c0_i32, %c0_i32_0 : i32, i32
  }
  func.func @transform_5(%arg0: i32) -> (i32, i32) {
    %c0_i32 = arith.constant 0 : i32
    %c0_i32_0 = arith.constant 0 : i32
    %c0_i32_1 = arith.constant 0 : i32
    return %c0_i32, %c0_i32_0 : i32, i32
  }
  func.func @transform_6(%arg0: i32) -> (i32, i32) {
    %c0_i32 = arith.constant 0 : i32
    %c0_i32_0 = arith.constant 0 : i32
    %c0_i32_1 = arith.constant 0 : i32
    return %c0_i32, %c0_i32_0 : i32, i32
  }
  func.func @transform_7(%arg0: i32) -> (i32, i32) {
    %c0_i32 = arith.constant 0 : i32
    %c0_i32_0 = arith.constant 0 : i32
    %c0_i32_1 = arith.constant 0 : i32
    return %c0_i32, %c0_i32_0 : i32, i32
  }
  func.func @transform_8(%arg0: i32) -> (i32, i32) {
    %c0_i32 = arith.constant 0 : i32
    %c0_i32_0 = arith.constant 0 : i32
    return %arg0, %c0_i32 : i32, i32
  }
}

module attributes {stable_mosaic.version = 14 : i64} {
  func.func @_combine_body(%arg0: i32, %arg1: memref<2x1000x16xf32, #tpu.memory_space<vmem>>, %arg2: memref<1000x12xf32, #tpu.memory_space<vmem>>) attributes {dimension_semantics = [#tpu.dimension_semantics<arbitrary>], iteration_bounds = array<i64: 10>, scalar_prefetch = 0 : i64, scratch_operands = 0 : i64, tpu.core_type = #tpu.core_type<tc>, window_params = [{transform_indices = @transform_0, window_bounds = array<i64: 2, 1000, 16>}, {transform_indices = @transform_1, window_bounds = array<i64: 1000, 12>}]} {
    %get3A = arith.constant 0 : index
    %get3A_0 = arith.constant 0 : index
    %get3A_1 = arith.constant 0 : index
    %get3A_2 = vector.load %arg1[%get3A, %get3A_0, %get3A_1] : memref<2x1000x16xf32, #tpu.memory_space<vmem>>, vector<1x1000x16xf32>
    %get3A_3 = vector.shape_cast %get3A_2 : vector<1x1000x16xf32> to vector<1000x16xf32>
    %get3A_4 = arith.constant 1 : index
    %get3A_5 = arith.constant 0 : index
    %get3A_6 = arith.constant 0 : index
    %get3A_7 = vector.load %arg1[%get3A_4, %get3A_5, %get3A_6] : memref<2x1000x16xf32, #tpu.memory_space<vmem>>, vector<1x1000x16xf32>
    %get3A_8 = vector.shape_cast %get3A_7 : vector<1x1000x16xf32> to vector<1000x16xf32>
    %add3A = arith.addf %get3A_3, %get3A_8 : vector<1000x16xf32>
    %slice3A = vector.extract_strided_slice %add3A {offsets = [0, 0], sizes = [1000, 12], strides = [1, 1]} : vector<1000x16xf32> to vector<1000x12xf32>
    %swap3A = arith.constant 0 : index
    %swap3A_9 = arith.constant 0 : index
    %swap3A_10 = vector.load %arg2[%swap3A, %swap3A_9] : memref<1000x12xf32, #tpu.memory_space<vmem>>, vector<1000x12xf32>
    tpu.vector_store %arg2[%swap3A, %swap3A_9], %slice3A {strides = array<i32>} : memref<1000x12xf32, #tpu.memory_space<vmem>>, vector<1000x12xf32>,
    return
  }
  func.func @transform_0(%arg0: i32) -> (i32, i32, i32) {
    %c0_i32 = arith.constant 0 : i32
    %c0_i32_0 = arith.constant 0 : i32
    %c0_i32_1 = arith.constant 0 : i32
    return %c0_i32, %arg0, %c0_i32_0 : i32, i32, i32
  }
  func.func @transform_1(%arg0: i32) -> (i32, i32) {
    %c0_i32 = arith.constant 0 : i32
    %c0_i32_0 = arith.constant 0 : i32
    return %arg0, %c0_i32 : i32, i32
  }
}

</mosaic_0001>

<sc_bundles>
// kernel: kernel.10.cloned.1.call-start
scs
__scs_entry_jumppad:
0x0: {  	(pc) =	sbr.rel $0x88, $3  }
0x1: {  	(tag) =	ssettag $0x0;
	lr =	simm.s32 $0x1  }
0x2: {  	[smem:$0x3F97] =	sst lr;
	_ =	strace $0xD0000000  }
0x3: {  	_ = 	snop  }
0x4: {  	_ = 	snop  }
0x5: {  	_ = 	snop  }
0x6: {  	_ = 	snop  }
0x7: {  	_ = 	snop  }
__scs_overlays_trampoline_lowered:
0x8: {  	[smem:$0x3FA6] =	sst s0  }
0x9: {  	[smem:$0x3FA7] =	sst s1  }
0xa: {  	[smem:$0x3FA8] =	sst s2  }
0xb: {  	[smem:$0x3FA9] =	sst s3  }
0xc: {  	[smem:$0x3FAA] =	sst s4  }
0xd: {  	[smem:$0x3FAB] =	sst s5  }
0xe: {  	[smem:$0x3FAC] =	sst s6  }
0xf: {  	[smem:$0x3FAD] =	sst s7  }
0x10: {  	[smem:$0x3FAE] =	sst s8  }
0x11: {  	[smem:$0x3FAF] =	sst s9;
	s0 =	simm.s32 @!p0 $0x0  }
0x12: {  	s1 =	sld [smem:$0x3F95];
	s0 =	simm.s32 @p0 $0x1  }
0x13: {  	[smem:$0x3FB0] =	sst s0;
	s0 =	simm.s32 @!p1 $0x0  }
0x14: {  	s2 =	sld [smem:$0x3F94];
	s0 =	simm.s32 @p1 $0x1  }
0x15: {  	[smem:$0x3FB1] =	sst s0;
	s0 =	simm.s32 @!p2 $0x0  }
0x16: {  	s3 =	sld [smem:$0x3FDB];
	s0 =	simm.s32 @p2 $0x1  }
0x17: {  	s4 =	simm.s32 $0x1BF5;
	[smem:$0x3FB3] =	sst s0  }
0x18: {  	s0 =	sld [smem:$0x3F96];
	_ =	swait.ge [sflag:s4], $0x0  }
0x19: {  	s7 =	sld [smem:$0x3F97]  }
0x1a: {  	s8 =	sadd.s32 $0xFFFFE003, lr  }
0x1b: {  	s9 =	sadd.s32 $0xFFFFFEF7, lr;
	s5 =	simm.s32 $0xFFFFFFFF;
	p2 =	slt.u32 s8, $0xFFFFF086  }
0x1c: {  	p1 =	slt.u32 s9, $0xF7A;
	s5 =	simm.s32 @!p2 $0x0  }
0x1d: {  	s5 =	simm.s32 @p1 $0x1;
	p0 =	seq.s32 s7, s2  }
0x1e: {  	s7 =	smul.u32 @!p0 $0xF7A, s2;
	p2 =	seq.s32 @!p0 s5, $0x0  }
0x1f: {  	s9 =	smul.u32 $0xF7A, s1;
	s8 =	simm.s32 @!p0 $0x1BF5;
	p2 =	por !p2, p0  }
0x20: {  	[sflag:s8] =	ssyncset.s32 @!p0 $0xFFFFF086;
	s6 =	sadd.s32 @!p0 s3, s7;
	s7 =	simm.s32 @!p0 $0x108  }
0x21: {  	s3 =	sadd.s32 s3, s9;
	s6 =	sadd.s32 @!p0 $0x88, s6;
	s7 =	simm.s32 @p2 $0x1082  }
0x22: {  	[simem:s7], [sflag:s8] =	dma.local @!p0 [hbm:s6], $0xF7A  }
0x23: {  	s9 =	sor.u32 $0xD0000000, s2;
	s6 =	simm.s32 $0x108;
	_ =	swait.ge @!p0 [sflag:s8], $0x0  }
0x24: {  	s3 =	sadd.s32 $0x88, s3;
	s6 =	simm.s32 @!p1 $0x1082;
	[sflag:s4] =	ssyncset.s32 $0xFFFFF086  }
0x25: {  	[simem:s6], [sflag:s4] =	dma.local [hbm:s3], $0xF7A  }
0x26: {  	[smem:$0x3F97] =	sst s1;
	(tag) =	ssettag s2;
	_ =	strace s9  }
0x27: {  	s1 =	sld [smem:$0x3FA7]  }
0x28: {  	s2 =	sld [smem:$0x3FA8]  }
0x29: {  	s4 =	sld [smem:$0x3FAA]  }
0x2a: {  	p0 =	seq.s32 s5, $0x0;
	s5 =	sld [smem:$0x3FAB]  }
0x2b: {  	s6 =	sld [smem:$0x3FAC]  }
0x2c: {  	s7 =	sld [smem:$0x3FAD]  }
0x2d: {  	s3 =	simm.s32 $0x108;
	s8 =	sld [smem:$0x3FAE]  }
0x2e: {  	s3 =	simm.s32 @!p0 $0x1082;
	s9 =	sld [smem:$0x3FAF]  }
0x2f: {  	lr =	sadd.s32 s0, s3;
	s0 =	sld [smem:$0x3FA6]  }
0x30: {  	s3 =	sld [smem:$0x3FA9]  }
0x31: {  	[smem:$0x3FB2] =	sst s10  }
0x32: {  	s10 =	sld [smem:$0x3FB0];
	_ =	sdelay $0x3  }
0x33: {  	p0 =	seq.s32 s10, $0x1;
	s10 =	sld [smem:$0x3FB2];
	_ =	sdelay $0x3  }
0x34: {  	[smem:$0x3FB2] =	sst s10  }
0x35: {  	s10 =	sld [smem:$0x3FB1];
	_ =	sdelay $0x3  }
0x36: {  	p1 =	seq.s32 s10, $0x1;
	s10 =	sld [smem:$0x3FB2];
	_ =	sdelay $0x3  }
0x37: {  	[smem:$0x3FB2] =	sst s10  }
0x38: {  	s10 =	sld [smem:$0x3FB3]  }
0x39: {  	_ = 	snop;
	(pc) =	sbr.ind lr, $3  }
0x3a: {  	_ = 	snop  }
0x3b: {  	_ = 	snop  }
0x3c: {  	p2 =	seq.s32 s10, $0x1;
	s10 =	sld [smem:$0x3FB2]  }
0x3d: {  	_ =	shalt  }
0x3e: {  	_ =	shalt  }
0x3f: {  	_ =	shalt  }
0x40: {  	_ =	shalt  }
0x41: {  	_ =	shalt  }
0x42: {  	_ =	shalt  }
0x43: {  	_ =	shalt  }
0x44: {  	_ =	shalt  }
0x45: {  	_ =	shalt  }
0x46: {  	_ =	shalt  }
0x47: {  	_ =	shalt  }
0x48: {  	_ =	shalt  }
0x49: {  	_ =	shalt  }
0x4a: {  	_ =	shalt  }
0x4b: {  	_ =	shalt  }
0x4c: {  	_ =	shalt  }
0x4d: {  	_ =	shalt  }
0x4e: {  	_ =	shalt  }
0x4f: {  	_ =	shalt  }
0x50: {  	_ =	shalt  }
0x51: {  	_ =	shalt  }
0x52: {  	_ =	shalt  }
0x53: {  	_ =	shalt  }
0x54: {  	_ =	shalt  }
0x55: {  	_ =	shalt  }
0x56: {  	_ =	shalt  }
0x57: {  	_ =	shalt  }
0x58: {  	_ =	shalt  }
0x59: {  	_ =	shalt  }
0x5a: {  	_ =	shalt  }
0x5b: {  	_ =	shalt  }
0x5c: {  	_ =	shalt  }
0x5d: {  	_ =	shalt  }
0x5e: {  	_ =	shalt  }
0x5f: {  	_ =	shalt  }
0x60: {  	_ =	shalt  }
0x61: {  	_ =	shalt  }
0x62: {  	_ =	shalt  }
0x63: {  	_ =	shalt  }
0x64: {  	_ =	shalt  }
0x65: {  	_ =	shalt  }
0x66: {  	_ =	shalt  }
0x67: {  	_ =	shalt  }
0x68: {  	_ =	shalt  }
0x69: {  	_ =	shalt  }
0x6a: {  	_ =	shalt  }
0x6b: {  	_ =	shalt  }
0x6c: {  	_ =	shalt  }
0x6d: {  	_ =	shalt  }
0x6e: {  	_ =	shalt  }
0x6f: {  	_ =	shalt  }
0x70: {  	_ =	shalt  }
0x71: {  	_ =	shalt  }
0x72: {  	_ =	shalt  }
0x73: {  	_ =	shalt  }
0x74: {  	_ =	shalt  }
0x75: {  	_ =	shalt  }
0x76: {  	_ =	shalt  }
0x77: {  	_ =	shalt  }
0x78: {  	_ =	shalt  }
0x79: {  	_ =	shalt  }
0x7a: {  	_ =	shalt  }
0x7b: {  	_ =	shalt  }
0x7c: {  	_ =	shalt  }
0x7d: {  	_ =	shalt  }
0x7e: {  	_ =	shalt  }
0x7f: {  	_ =	shalt  }
0x80: {  	_ =	shalt  }
0x81: {  	_ =	shalt  }
0x82: {  	_ =	shalt  }
0x83: {  	_ =	shalt  }
0x84: {  	_ =	shalt  }
0x85: {  	_ =	shalt  }
0x86: {  	_ =	shalt  }
0x87: {  	_ =	shalt  }
.Lfunc_end0:
.L_simem_size_0:
called_computation.1_lowered:
.L_overlay_start_0:
0x88: {  	s2 =	sld [smem:$0x3FD9]  }
0x89: {  	s3 =	sld [smem:$0x3FFE];
	_ =	sdelay $0x1  }
0x8a: {  	s1 =	srdreg.scid  }
0x8b: {  	s0 =	sand.u32 $0x1, s1  }
0x8c: {  	s17 =	sshll.u32 s0, $0xA;
	s2 =	sadd.s32 s3, s2  }
0x8d: {  	s2 =	sadd.s32 s2, s17  }
0x8e: {  	[smem:$0x3FBE] =	sst s2  }
0x8f: {  	_ = 	snop  }
0x90: {  	s2 =	sld [smem:$0x3FD0];
	(tm) =	ssettm $0x1  }
0x91: {  	s18 =	sld [smem:$0x3FFB];
	_ =	sdelay $0x3  }
0x92: {  	_ =	strace s18  }
0x93: {  	s3 =	sld [smem:$0x3FFC];
	_ =	sdelay $0x3  }
0x94: {  	_ =	strace s3  }
0x95: {  	s3 =	sld [smem:$0x3FFD];
	_ =	sdelay $0x3  }
0x96: {  	_ =	strace s3  }
0x97: {  	_ =	strace $0x8FFFFFFF  }
0x98: {  	s19 =	sld [smem:$0x3FDB];
	_ =	sdelay $0x1  }
0x99: {  	s4 =	simm.s32 $_scs_section_size  }
0x9a: {  	s5 =	simm.s32 $_size__tile_overlayer_lowered;
	s6 =	simm.s32 $_tile_overlayer_lowered  }
0x9b: {  	s22 =	simm.s32 $0x1BFF;
	s21 =	sshll.u32 s6, $0x1;
	s3 =	sadd.s32 s4, s19  }
0x9c: {  	s7 =	simm.s32 $0x0;
	s20 =	sshll.u32 s5, $0x1;
	s5 =	sadd.s32 s21, s3  }
0x9d: {  	[timem:s7], [sflag:s22] =	dma.local [hbm:s5], s20  }
0x9e: {  	_ =	swait.ge [sflag:s22], s20  }
0x9f: {  	s4 =	ssub.s32 $0x0, s20;
	[sflag:s22] =	ssyncset.done $0x0  }
0xa0: {  	[sflag:s22] =	ssyncadd.s32 s4;
	_ =	sdelay $0x1  }
0xa1: {  	s23 =	simm.s32 $0x1B8B  }
0xa2: {  	_ =	swait.ge [sflag:s23], $0x1  }
0xa3: {  	[sflag:s23] =	ssyncset.done $0x0  }
0xa4: {  	s25 =	simm.s32 $0x1B8E;
	s24 =	sld [smem:$0x3FFE];
	[sflag:s23] =	ssyncadd.s32 $0xFFFFFFFF  }
0xa5: {  	s26 =	simm.s32 $execute0_lowered;
	[smem:$0x3FD2] =	sst s25  }
0xa6: {  	s5 =	sshll.u32 s26, $0x1;
	_ =	strace $0x80000049;
	[dreg:$0x1] =	wrdreg $0xFFFFFFFF  }
0xa7: {  	s28 =	simm.s32 $_size_execute0_lowered;
	s3 =	sadd.s32 s3, s5;
	[dreg:$0x0] =	wrdreg $0x0  }
0xa8: {  	s5 =	sshll.u32 s28, $0x1;
	[dreg:$0x2] =	wrdreg s3  }
0xa9: {  	[dreg:$0x3] =	wrdreg s5  }
0xaa: {  	[dreg:$0x4] =	wrdreg $0xC0  }
0xab: {  	_ =	task [dreg:s7], $0x5FFFF  }
0xac: {  	[dreg:$0x1] =	wrdreg $0xFFFFFFFF  }
0xad: {  	[dreg:$0x0] =	wrdreg $0x60  }
0xae: {  	[dreg:$0x2] =	wrdreg s24  }
0xaf: {  	[dreg:$0x3] =	wrdreg s2  }
0xb0: {  	[dreg:$0x4] =	wrdreg $0x68000  }
0xb1: {  	[dreg:$0x5] =	wrdreg $0x9  }
0xb2: {  	_ =	task.clear_ibuf [dreg:s7], $0x6FFFF;
	_ =	strace $0x90000049  }
0xb3: {  	s29 =	simm.s32 $0x9;
	_ =	strace $0x8000004B  }
0xb4: {  	_ =	swait.ge [sflag:s29], $0x1  }
0xb5: {  	[sflag:s29] =	ssyncadd.s32 $0xFFFFFFFF  }
0xb6: {  	_ =	strace $0x9000004B  }
0xb7: {  	_ =	sfence  }
0xb8: {  	s30 =	sld [smem:$0x0];
	_ =	sdelay $0x2  }
0xb9: {  	s31 =	sshll.u32 s1, $0xD;
	s1 =	sshrl.u32 s1, $0x2  }
0xba: {  	s3 =	sand.u32 $0x4000, s31;
	s1 =	sadd.s32 s1, s30  }
0xbb: {  	s0 =	sor.u32 s3, s0;
	s1 =	sshll.u32 s1, $0x11  }
0xbc: {  	s0 =	sor.u32 s1, s0  }
0xbd: {  	s0 =	sadd.s32 $0x8F2B, s0  }
0xbe: {  	[sflag:s0] =	ssyncadd.remote.s32 $0x1  }
0xbf: {  	_ =	sfence.sel $0xFFFF  }
0xc0: {  	[dreg:$0x0] =	wrdreg $0xFFFFFFFF;
	(pc) =	sbr.abs _section_cstart, $3  }
0xc1: {  	[dreg:$0x1] =	wrdreg $0xFFFFFFFF  }
0xc2: {  	_ =	task.clear_ibuf [dreg:s7], $0x2FFFF;
	_ =	strace $0x9FFFFFFF  }
0xc3: {  	(tm) =	ssettm $0x7FFFFFFF  }
tec
execute0_lowered:
.L_overlay_start_1:
0x0: {  	(tag) =	ssettag $0x1  }
0x1: {  	s1 =	srdreg.scid;
	s0 =	stileid.u32  }
0x2: {  	s31 =	sand.u32 $0x1, s1;
	s26 =	sshll.u32 s0, $0x1  }
0x3: {  	s30 =	rddreg [dreg:$0x0];
	s13 =	sor.u32 s31, s26  }
0x4: {  	s2 =	rddreg [dreg:$0x1];
	s4 =	simm.s32 $0x0;
	s1 =	smul.u32 $0x500, s13  }
0x5: {  	[smem:$0x7FF] =	sst s4  }
0x6: {  	s3 =	rddreg [dreg:$0x2];
	_ =	strace $0x8000004A;
	s5 =	sadd.s32 s1, s30  }
0x7: {  	s1 =	smul.u32 $0x2710, s0;
	s6 =	sadd.s32 $0xFC00, s5;
	s5 =	simm.s32 $0x1  }
0x8: {  	[tilespmem:s4], [sflag:$0x1] =	stream.linear.gather [hbm4b:s6+s4], $0x2800, $0x38;
	[tilespmem:$0x8F10] =	vst v63  }
0x9: {  	_ =	swait.ge [sflag:s5], $0x2800  }
0xa: {  	s7 =	sshll.u32 s0, $0x6;
	s8 =	sadd.s32 s1, s3;
	[sflag:s5] =	ssyncset.done $0x0  }
0xb: {  	s7 =	sor.u32 $0x1C01, s7;
	s8 =	sshrl.u32 s8, $0x3;
	[sflag:s5] =	ssyncadd.s32 $0xFFFFD800  }
0xc: {  	[spmem:s8], [sflag:s7] =	dma.local [hbm:s2], $0x4E2  }
0xd: {  	_ =	swait.ge [sflag:s5], $0x4E2  }
0xe: {  	s9 =	smul.u32 $0x5000, s13;
	[sflag:s5] =	ssyncset.done $0x0  }
0xf: {  	s14 =	sadd.s32 $0x19C00, s30;
	[sflag:s5] =	ssyncadd.s32 $0xFFFFFB1E  }
0x10: {  	s10 =	simm.s32 $0x2800;
	s9 =	sadd.s32 s14, s9;
	[bflag:$0x0] =	sbarrier.arrive $0xFFFF  }
0x11: {  	[tilespmem:s10], [sflag:$0x1] =	stream.linear.gather [hbm4b:s9+s4], $0x4000, $0x38;
	[tilespmem:$0x8F10] =	vst v63  }
0x12: {  	_ =	swait.ge [sflag:s5], $0x4000  }
0x13: {  	[sflag:s5] =	ssyncset.done $0x0  }
0x14: {  	s11 =	simm.s32 $0x400;
	[sflag:s5] =	ssyncadd.s32 $0xFFFFC000  }
0x15: {  	[spmem:s3] =	stream.indirect.scatter.add.f32 [tilespmem:s10], [sflag:$0x1], $0x10, s4, s11, $0xb8;
	[tilespmem:$0x8F10] =	vst v63  }
0x16: {  	_ =	swait.ge [sflag:s5], $0x4000  }
0x17: {  	[sflag:s5] =	ssyncset.done $0x0  }
0x18: {  	s12 =	sadd.s32 $0x800, s9;
	[sflag:s5] =	ssyncadd.s32 $0xFFFFC000  }
0x19: {  	[tilespmem:s10], [sflag:$0x1] =	stream.linear.gather [hbm4b:s12+s4], $0x4000, $0x38;
	[tilespmem:$0x8F10] =	vst v63  }
0x1a: {  	_ =	swait.ge [sflag:s5], $0x4000  }
0x1b: {  	[sflag:s5] =	ssyncset.done $0x0  }
0x1c: {  	s13 =	smul.u32 $0x28000, s13;
	[sflag:s5] =	ssyncadd.s32 $0xFFFFC000  }
0x1d: {  	[spmem:s3] =	stream.indirect.scatter.add.f32 [tilespmem:s10], [sflag:$0x1], $0x10, s11, s11, $0xb8;
	[tilespmem:$0x8F10] =	vst v63  }
0x1e: {  	s13 =	sshrl.u32 s13, $0x3;
	_ =	swait.ge [sflag:s5], $0x4000  }
0x1f: {  	s28 =	sadd.s32 s14, s13;
	[sflag:s5] =	ssyncset.done $0x0  }
0x20: {  	s13 =	sadd.s32 $0x1000, s28;
	[sflag:s5] =	ssyncadd.s32 $0xFFFFC000  }
0x21: {  	[tilespmem:s10], [sflag:$0x1] =	stream.linear.gather [hbm4b:s13+s4], $0x4000, $0x38;
	[tilespmem:$0x8F10] =	vst v63  }
0x22: {  	_ =	swait.ge [sflag:s5], $0x4000  }
0x23: {  	[sflag:s5] =	ssyncset.done $0x0  }
0x24: {  	s14 =	simm.s32 $0x800;
	[sflag:s5] =	ssyncadd.s32 $0xFFFFC000  }
0x25: {  	[spmem:s3] =	stream.indirect.scatter.add.f32 [tilespmem:s10], [sflag:$0x1], $0x10, s14, s11, $0xb8;
	[tilespmem:$0x8F10] =	vst v63  }
0x26: {  	_ =	swait.ge [sflag:s5], $0x4000  }
0x27: {  	[sflag:s5] =	ssyncset.done $0x0  }
0x28: {  	s15 =	sadd.s32 $0x1800, s28;
	[sflag:s5] =	ssyncadd.s32 $0xFFFFC000  }
0x29: {  	[tilespmem:s10], [sflag:$0x1] =	stream.linear.gather [hbm4b:s15+s4], $0x4000, $0x38;
	[tilespmem:$0x8F10] =	vst v63  }
0x2a: {  	_ =	swait.ge [sflag:s5], $0x4000  }
0x2b: {  	[sflag:s5] =	ssyncset.done $0x0  }
0x2c: {  	s16 =	simm.s32 $0xC00;
	[sflag:s5] =	ssyncadd.s32 $0xFFFFC000  }
0x2d: {  	[spmem:s3] =	stream.indirect.scatter.add.f32 [tilespmem:s10], [sflag:$0x1], $0x10, s16, s11, $0xb8;
	[tilespmem:$0x8F10] =	vst v63  }
0x2e: {  	_ =	swait.ge [sflag:s5], $0x4000  }
0x2f: {  	[sflag:s5] =	ssyncset.done $0x0  }
0x30: {  	s17 =	sadd.s32 $0x2000, s28;
	[sflag:s5] =	ssyncadd.s32 $0xFFFFC000  }
0x31: {  	[tilespmem:s10], [sflag:$0x1] =	stream.linear.gather [hbm4b:s17+s4], $0x4000, $0x38;
	[tilespmem:$0x8F10] =	vst v63  }
0x32: {  	_ =	swait.ge [sflag:s5], $0x4000  }
0x33: {  	[sflag:s5] =	ssyncset.done $0x0  }
0x34: {  	s18 =	simm.s32 $0x1000;
	[sflag:s5] =	ssyncadd.s32 $0xFFFFC000  }
0x35: {  	[spmem:s3] =	stream.indirect.scatter.add.f32 [tilespmem:s10], [sflag:$0x1], $0x10, s18, s11, $0xb8;
	[tilespmem:$0x8F10] =	vst v63  }
0x36: {  	_ =	swait.ge [sflag:s5], $0x4000  }
0x37: {  	[sflag:s5] =	ssyncset.done $0x0  }
0x38: {  	s19 =	sadd.s32 $0x2800, s28;
	[sflag:s5] =	ssyncadd.s32 $0xFFFFC000  }
0x39: {  	[tilespmem:s10], [sflag:$0x1] =	stream.linear.gather [hbm4b:s19+s4], $0x4000, $0x38;
	[tilespmem:$0x8F10] =	vst v63  }
0x3a: {  	_ =	swait.ge [sflag:s5], $0x4000  }
0x3b: {  	[sflag:s5] =	ssyncset.done $0x0  }
0x3c: {  	s20 =	simm.s32 $0x1400;
	[sflag:s5] =	ssyncadd.s32 $0xFFFFC000  }
0x3d: {  	[spmem:s3] =	stream.indirect.scatter.add.f32 [tilespmem:s10], [sflag:$0x1], $0x10, s20, s11, $0xb8;
	[tilespmem:$0x8F10] =	vst v63  }
0x3e: {  	_ =	swait.ge [sflag:s5], $0x4000  }
0x3f: {  	[sflag:s5] =	ssyncset.done $0x0  }
0x40: {  	s21 =	sadd.s32 $0x3000, s28;
	[sflag:s5] =	ssyncadd.s32 $0xFFFFC000  }
0x41: {  	[tilespmem:s10], [sflag:$0x1] =	stream.linear.gather [hbm4b:s21+s4], $0x4000, $0x38;
	[tilespmem:$0x8F10] =	vst v63  }
0x42: {  	_ =	swait.ge [sflag:s5], $0x4000  }
0x43: {  	[sflag:s5] =	ssyncset.done $0x0  }
0x44: {  	s22 =	simm.s32 $0x1800;
	[sflag:s5] =	ssyncadd.s32 $0xFFFFC000  }
0x45: {  	[spmem:s3] =	stream.indirect.scatter.add.f32 [tilespmem:s10], [sflag:$0x1], $0x10, s22, s11, $0xb8;
	[tilespmem:$0x8F10] =	vst v63  }
0x46: {  	_ =	swait.ge [sflag:s5], $0x4000  }
0x47: {  	[sflag:s5] =	ssyncset.done $0x0  }
0x48: {  	s23 =	sadd.s32 $0x3800, s28;
	[sflag:s5] =	ssyncadd.s32 $0xFFFFC000  }
0x49: {  	[tilespmem:s10], [sflag:$0x1] =	stream.linear.gather [hbm4b:s23+s4], $0x4000, $0x38;
	[tilespmem:$0x8F10] =	vst v63  }
0x4a: {  	_ =	swait.ge [sflag:s5], $0x4000  }
0x4b: {  	[sflag:s5] =	ssyncset.done $0x0  }
0x4c: {  	s24 =	simm.s32 $0x1C00;
	[sflag:s5] =	ssyncadd.s32 $0xFFFFC000  }
0x4d: {  	[spmem:s3] =	stream.indirect.scatter.add.f32 [tilespmem:s10], [sflag:$0x1], $0x10, s24, s11, $0xb8;
	[tilespmem:$0x8F10] =	vst v63  }
0x4e: {  	_ =	swait.ge [sflag:s5], $0x4000  }
0x4f: {  	[sflag:s5] =	ssyncset.done $0x0  }
0x50: {  	s25 =	sadd.s32 $0x4000, s28;
	[sflag:s5] =	ssyncadd.s32 $0xFFFFC000  }
0x51: {  	[tilespmem:s10], [sflag:$0x1] =	stream.linear.gather [hbm4b:s25+s4], $0x4000, $0x38;
	[tilespmem:$0x8F10] =	vst v63  }
0x52: {  	_ =	swait.ge [sflag:s5], $0x4000  }
0x53: {  	[sflag:s5] =	ssyncset.done $0x0  }
0x54: {  	s26 =	simm.s32 $0x2000;
	[sflag:s5] =	ssyncadd.s32 $0xFFFFC000  }
0x55: {  	[spmem:s3] =	stream.indirect.scatter.add.f32 [tilespmem:s10], [sflag:$0x1], $0x10, s26, s11, $0xb8;
	[tilespmem:$0x8F10] =	vst v63  }
0x56: {  	_ =	swait.ge [sflag:s5], $0x4000  }
0x57: {  	[sflag:s5] =	ssyncset.done $0x0  }
0x58: {  	s0 =	smul.u32 $0x27100, s31;
	s28 =	sadd.s32 $0x4800, s28;
	[sflag:s5] =	ssyncadd.s32 $0xFFFFC000  }
0x59: {  	[tilespmem:s10], [sflag:$0x1] =	stream.linear.gather [hbm4b:s28+s4], $0x4000, $0x38;
	[tilespmem:$0x8F10] =	vst v63  }
0x5a: {  	s0 =	sadd.s32 s1, s0;
	s1 =	ssub.s32 $0x2, s31;
	_ =	swait.ge [sflag:s5], $0x4000  }
0x5b: {  	s31 =	sshrl.u32 s1, $0x1;
	[sflag:s5] =	ssyncset.done $0x0  }
0x5c: {  	s29 =	simm.s32 $0x2400;
	s1 =	ssub.s32 s1, s31;
	[sflag:s5] =	ssyncadd.s32 $0xFFFFC000  }
0x5d: {  	[spmem:s3] =	stream.indirect.scatter.add.f32 [tilespmem:s10], [sflag:$0x1], $0x10, s29, s11, $0xb8;
	[tilespmem:$0x8F10] =	vst v63  }
0x5e: {  	s1 =	smax.u32 s1, $0x1;
	_ =	swait.ge [sflag:s5], $0x4000  }
0x5f: {  	s0 =	sshrl.u32 s0, $0x3;
	p0 =	sne.s32 s1, $0x1;
	[sflag:s5] =	ssyncset.done $0x0  }
.Ltmp0:
0x60: {  	s0 =	sadd.s32 s0, s30;
	[sflag:s5] =	ssyncadd.s32 $0xFFFFC000;
	(pc) =	sbr.rel @!p0 .LBB2_2-.Ltmp0, $4  }
0x61: {  	s30 =	sadd.s32 $0x1000, s0;
	[bflag:$0x0] =	sbarrier.arrive $0xFFFF  }
0x62: {  	[hbm:s30], [sflag:s7] =	dma.local [spmem:s8], $0x4E2  }
0x63: {  	_ =	swait.ge [sflag:s5], $0x4E2  }
0x64: {  	s31 =	sadd.s32 $0xFFFFFFFF, s1;
	[sflag:s5] =	ssyncset.done $0x0  }
.LBB2_1:
0x65: {  	p0 =	sne.s32 s31, $0x1;
	s31 =	sadd.s32 $0xFFFFFFFF, s31;
	[sflag:s5] =	ssyncadd.s32 $0xFFFFFB1E  }
0x66: {  	[tilespmem:s4], [sflag:$0x1] =	stream.linear.gather [hbm4b:s6+s4], $0x2800, $0x38;
	[tilespmem:$0x8F10] =	vst v63  }
0x67: {  	_ =	swait.ge [sflag:s5], $0x2800  }
0x68: {  	[sflag:s5] =	ssyncset.done $0x0  }
0x69: {  	[sflag:s5] =	ssyncadd.s32 $0xFFFFD800  }
0x6a: {  	[spmem:s8], [sflag:s7] =	dma.local [hbm:s2], $0x4E2  }
0x6b: {  	_ =	swait.ge [sflag:s5], $0x4E2  }
0x6c: {  	[sflag:s5] =	ssyncset.done $0x0  }
0x6d: {  	[sflag:s5] =	ssyncadd.s32 $0xFFFFFB1E  }
0x6e: {  	[bflag:$0x0] =	sbarrier.arrive $0xFFFF  }
0x6f: {  	[tilespmem:s10], [sflag:$0x1] =	stream.linear.gather [hbm4b:s9+s4], $0x4000, $0x38;
	[tilespmem:$0x8F10] =	vst v63  }
0x70: {  	_ =	swait.ge [sflag:s5], $0x4000  }
0x71: {  	[sflag:s5] =	ssyncset.done $0x0  }
0x72: {  	[sflag:s5] =	ssyncadd.s32 $0xFFFFC000  }
0x73: {  	[spmem:s3] =	stream.indirect.scatter.add.f32 [tilespmem:s10], [sflag:$0x1], $0x10, s4, s11, $0xb8;
	[tilespmem:$0x8F10] =	vst v63  }
0x74: {  	_ =	swait.ge [sflag:s5], $0x4000  }
0x75: {  	[sflag:s5] =	ssyncset.done $0x0  }
0x76: {  	[sflag:s5] =	ssyncadd.s32 $0xFFFFC000  }
0x77: {  	[tilespmem:s10], [sflag:$0x1] =	stream.linear.gather [hbm4b:s12+s4], $0x4000, $0x38;
	[tilespmem:$0x8F10] =	vst v63  }
0x78: {  	_ =	swait.ge [sflag:s5], $0x4000  }
0x79: {  	[sflag:s5] =	ssyncset.done $0x0  }
0x7a: {  	[sflag:s5] =	ssyncadd.s32 $0xFFFFC000  }
0x7b: {  	[spmem:s3] =	stream.indirect.scatter.add.f32 [tilespmem:s10], [sflag:$0x1], $0x10, s11, s11, $0xb8;
	[tilespmem:$0x8F10] =	vst v63  }
0x7c: {  	_ =	swait.ge [sflag:s5], $0x4000  }
0x7d: {  	[sflag:s5] =	ssyncset.done $0x0  }
0x7e: {  	[sflag:s5] =	ssyncadd.s32 $0xFFFFC000  }
0x7f: {  	[tilespmem:s10], [sflag:$0x1] =	stream.linear.gather [hbm4b:s13+s4], $0x4000, $0x38;
	[tilespmem:$0x8F10] =	vst v63  }
0x80: {  	_ =	swait.ge [sflag:s5], $0x4000  }
0x81: {  	[sflag:s5] =	ssyncset.done $0x0  }
0x82: {  	[sflag:s5] =	ssyncadd.s32 $0xFFFFC000  }
0x83: {  	[spmem:s3] =	stream.indirect.scatter.add.f32 [tilespmem:s10], [sflag:$0x1], $0x10, s14, s11, $0xb8;
	[tilespmem:$0x8F10] =	vst v63  }
0x84: {  	_ =	swait.ge [sflag:s5], $0x4000  }
0x85: {  	[sflag:s5] =	ssyncset.done $0x0  }
0x86: {  	[sflag:s5] =	ssyncadd.s32 $0xFFFFC000  }
0x87: {  	[tilespmem:s10], [sflag:$0x1] =	stream.linear.gather [hbm4b:s15+s4], $0x4000, $0x38;
	[tilespmem:$0x8F10] =	vst v63  }
0x88: {  	_ =	swait.ge [sflag:s5], $0x4000  }
0x89: {  	[sflag:s5] =	ssyncset.done $0x0  }
0x8a: {  	[sflag:s5] =	ssyncadd.s32 $0xFFFFC000  }
0x8b: {  	[spmem:s3] =	stream.indirect.scatter.add.f32 [tilespmem:s10], [sflag:$0x1], $0x10, s16, s11, $0xb8;
	[tilespmem:$0x8F10] =	vst v63  }
0x8c: {  	_ =	swait.ge [sflag:s5], $0x4000  }
0x8d: {  	[sflag:s5] =	ssyncset.done $0x0  }
0x8e: {  	[sflag:s5] =	ssyncadd.s32 $0xFFFFC000  }
0x8f: {  	[tilespmem:s10], [sflag:$0x1] =	stream.linear.gather [hbm4b:s17+s4], $0x4000, $0x38;
	[tilespmem:$0x8F10] =	vst v63  }
0x90: {  	_ =	swait.ge [sflag:s5], $0x4000  }
0x91: {  	[sflag:s5] =	ssyncset.done $0x0  }
0x92: {  	[sflag:s5] =	ssyncadd.s32 $0xFFFFC000  }
0x93: {  	[spmem:s3] =	stream.indirect.scatter.add.f32 [tilespmem:s10], [sflag:$0x1], $0x10, s18, s11, $0xb8;
	[tilespmem:$0x8F10] =	vst v63  }
0x94: {  	_ =	swait.ge [sflag:s5], $0x4000  }
0x95: {  	[sflag:s5] =	ssyncset.done $0x0  }
0x96: {  	[sflag:s5] =	ssyncadd.s32 $0xFFFFC000  }
0x97: {  	[tilespmem:s10], [sflag:$0x1] =	stream.linear.gather [hbm4b:s19+s4], $0x4000, $0x38;
	[tilespmem:$0x8F10] =	vst v63  }
0x98: {  	_ =	swait.ge [sflag:s5], $0x4000  }
0x99: {  	[sflag:s5] =	ssyncset.done $0x0  }
0x9a: {  	[sflag:s5] =	ssyncadd.s32 $0xFFFFC000  }
0x9b: {  	[spmem:s3] =	stream.indirect.scatter.add.f32 [tilespmem:s10], [sflag:$0x1], $0x10, s20, s11, $0xb8;
	[tilespmem:$0x8F10] =	vst v63  }
0x9c: {  	_ =	swait.ge [sflag:s5], $0x4000  }
0x9d: {  	[sflag:s5] =	ssyncset.done $0x0  }
0x9e: {  	[sflag:s5] =	ssyncadd.s32 $0xFFFFC000  }
0x9f: {  	[tilespmem:s10], [sflag:$0x1] =	stream.linear.gather [hbm4b:s21+s4], $0x4000, $0x38;
	[tilespmem:$0x8F10] =	vst v63  }
0xa0: {  	_ =	swait.ge [sflag:s5], $0x4000  }
0xa1: {  	[sflag:s5] =	ssyncset.done $0x0  }
0xa2: {  	[sflag:s5] =	ssyncadd.s32 $0xFFFFC000  }
0xa3: {  	[spmem:s3] =	stream.indirect.scatter.add.f32 [tilespmem:s10], [sflag:$0x1], $0x10, s22, s11, $0xb8;
	[tilespmem:$0x8F10] =	vst v63  }
0xa4: {  	_ =	swait.ge [sflag:s5], $0x4000  }
0xa5: {  	[sflag:s5] =	ssyncset.done $0x0  }
0xa6: {  	[sflag:s5] =	ssyncadd.s32 $0xFFFFC000  }
0xa7: {  	[tilespmem:s10], [sflag:$0x1] =	stream.linear.gather [hbm4b:s23+s4], $0x4000, $0x38;
	[tilespmem:$0x8F10] =	vst v63  }
0xa8: {  	_ =	swait.ge [sflag:s5], $0x4000  }
0xa9: {  	[sflag:s5] =	ssyncset.done $0x0  }
0xaa: {  	[sflag:s5] =	ssyncadd.s32 $0xFFFFC000  }
0xab: {  	[spmem:s3] =	stream.indirect.scatter.add.f32 [tilespmem:s10], [sflag:$0x1], $0x10, s24, s11, $0xb8;
	[tilespmem:$0x8F10] =	vst v63  }
0xac: {  	_ =	swait.ge [sflag:s5], $0x4000  }
0xad: {  	[sflag:s5] =	ssyncset.done $0x0  }
0xae: {  	[sflag:s5] =	ssyncadd.s32 $0xFFFFC000  }
0xaf: {  	[tilespmem:s10], [sflag:$0x1] =	stream.linear.gather [hbm4b:s25+s4], $0x4000, $0x38;
	[tilespmem:$0x8F10] =	vst v63  }
0xb0: {  	_ =	swait.ge [sflag:s5], $0x4000  }
0xb1: {  	[sflag:s5] =	ssyncset.done $0x0  }
0xb2: {  	[sflag:s5] =	ssyncadd.s32 $0xFFFFC000  }
0xb3: {  	[spmem:s3] =	stream.indirect.scatter.add.f32 [tilespmem:s10], [sflag:$0x1], $0x10, s26, s11, $0xb8;
	[tilespmem:$0x8F10] =	vst v63  }
0xb4: {  	_ =	swait.ge [sflag:s5], $0x4000  }
0xb5: {  	[sflag:s5] =	ssyncset.done $0x0  }
0xb6: {  	[sflag:s5] =	ssyncadd.s32 $0xFFFFC000  }
0xb7: {  	[tilespmem:s10], [sflag:$0x1] =	stream.linear.gather [hbm4b:s28+s4], $0x4000, $0x38;
	[tilespmem:$0x8F10] =	vst v63  }
0xb8: {  	_ =	swait.ge [sflag:s5], $0x4000  }
0xb9: {  	[sflag:s5] =	ssyncset.done $0x0  }
0xba: {  	[sflag:s5] =	ssyncadd.s32 $0xFFFFC000  }
0xbb: {  	[spmem:s3] =	stream.indirect.scatter.add.f32 [tilespmem:s10], [sflag:$0x1], $0x10, s29, s11, $0xb8;
	[tilespmem:$0x8F10] =	vst v63  }
0xbc: {  	_ =	swait.ge [sflag:s5], $0x4000  }
0xbd: {  	[sflag:s5] =	ssyncset.done $0x0  }
.Ltmp1:
0xbe: {  	[sflag:s5] =	ssyncadd.s32 $0xFFFFC000;
	(pc) =	sbr.rel @p0 .LBB2_1-.Ltmp1, $4  }
0xbf: {  	[bflag:$0x0] =	sbarrier.arrive $0xFFFF  }
0xc0: {  	[hbm:s30], [sflag:s7] =	dma.local [spmem:s8], $0x4E2  }
0xc1: {  	_ =	swait.ge [sflag:s5], $0x4E2  }
0xc2: {  	[sflag:s5] =	ssyncset.done $0x0  }
.LBB2_2:
0xc3: {  	[sflag:s5] =	ssyncadd.s32 $0xFFFFFB1E  }
0xc4: {  	_ =	sfence.sel $0x180000  }
0xc5: {  	[bflag:$0x0] =	sbarrier.arrive $0xFFFF  }
0xc6: {  	_ =	strace $0x9000004A  }
0xc7: {  	s0 =	stileid.u32;
	[bflag:$0x2] =	sbarrier.arrive $0xFFFF  }
0xc8: {  	p0 =	sne.s32 s0, $0x0;
	s0 =	rddreg [dreg:$0x3]  }
0xc9: {  	s0 =	sadd.s32 @!p0 $0x100000, s0  }
0xca: {  	[sflag:s0] =	ssyncadd.tile.s32 @!p0 $0x1;
	_ =	shalt  }
.Lfunc_end2:
_tile_overlayer_lowered:
.L_overlay_start_2:
0xcb: {  	(tag) =	ssettag $0x2  }
0xcc: {  	s0 =	rddreg [dreg:$0x0];
	s2 =	stileid.u32  }
0xcd: {  	s1 =	rddreg [dreg:$0x1];
	p0 =	sne.s32 s2, $0x0  }
0xce: {  	s3 =	rddreg [dreg:$0x2];
	[bflag:$0x3] =	sbarrier.arrive $0xFFFF;
	s2 =	simm.s32 @!p0 $0x1C01  }
0xcf: {  	[timem:s3], [sflag:s2] =	dma.local @!p0 [hbm:s0], s1  }
0xd0: {  	s0 =	simm.s32 @!p0 $0x1  }
0xd1: {  	_ =	swait.ge @!p0 [sflag:s0], s1  }
0xd2: {  	s1 =	ssub.s32 @!p0 $0x0, s1;
	[sflag:s0] =	ssyncset.done @!p0 $0x0  }
0xd3: {  	[sflag:s0] =	ssyncadd.s32 @!p0 s1  }
0xd4: {  	[bflag:$0x3] =	sbarrier.arrive $0xFFFF  }
0xd5: {  	_ =	shalt  }

// kernel: kernel.7.cloned.1.call-start
scs
__scs_entry_jumppad:
0x0: {  	(pc) =	sbr.rel $0x88, $3  }
0x1: {  	(tag) =	ssettag $0x0;
	lr =	simm.s32 $0x1  }
0x2: {  	[smem:$0x3F97] =	sst lr;
	_ =	strace $0xD0000000  }
0x3: {  	_ = 	snop  }
0x4: {  	_ = 	snop  }
0x5: {  	_ = 	snop  }
0x6: {  	_ = 	snop  }
0x7: {  	_ = 	snop  }
__scs_overlays_trampoline_lowered:
0x8: {  	[smem:$0x3FA6] =	sst s0  }
0x9: {  	[smem:$0x3FA7] =	sst s1  }
0xa: {  	[smem:$0x3FA8] =	sst s2  }
0xb: {  	[smem:$0x3FA9] =	sst s3  }
0xc: {  	[smem:$0x3FAA] =	sst s4  }
0xd: {  	[smem:$0x3FAB] =	sst s5  }
0xe: {  	[smem:$0x3FAC] =	sst s6  }
0xf: {  	[smem:$0x3FAD] =	sst s7  }
0x10: {  	[smem:$0x3FAE] =	sst s8  }
0x11: {  	[smem:$0x3FAF] =	sst s9;
	s0 =	simm.s32 @!p0 $0x0  }
0x12: {  	s1 =	sld [smem:$0x3F95];
	s0 =	simm.s32 @p0 $0x1  }
0x13: {  	[smem:$0x3FB0] =	sst s0;
	s0 =	simm.s32 @!p1 $0x0  }
0x14: {  	s2 =	sld [smem:$0x3F94];
	s0 =	simm.s32 @p1 $0x1  }
0x15: {  	[smem:$0x3FB1] =	sst s0;
	s0 =	simm.s32 @!p2 $0x0  }
0x16: {  	s3 =	sld [smem:$0x3FDB];
	s0 =	simm.s32 @p2 $0x1  }
0x17: {  	s4 =	simm.s32 $0x1BF5;
	[smem:$0x3FB3] =	sst s0  }
0x18: {  	s0 =	sld [smem:$0x3F96];
	_ =	swait.ge [sflag:s4], $0x0  }
0x19: {  	s7 =	sld [smem:$0x3F97]  }
0x1a: {  	s8 =	sadd.s32 $0xFFFFE003, lr  }
0x1b: {  	s9 =	sadd.s32 $0xFFFFFEF7, lr;
	s5 =	simm.s32 $0xFFFFFFFF;
	p2 =	slt.u32 s8, $0xFFFFF086  }
0x1c: {  	p1 =	slt.u32 s9, $0xF7A;
	s5 =	simm.s32 @!p2 $0x0  }
0x1d: {  	s5 =	simm.s32 @p1 $0x1;
	p0 =	seq.s32 s7, s2  }
0x1e: {  	s7 =	smul.u32 @!p0 $0xF7A, s2;
	p2 =	seq.s32 @!p0 s5, $0x0  }
0x1f: {  	s9 =	smul.u32 $0xF7A, s1;
	s8 =	simm.s32 @!p0 $0x1BF5;
	p2 =	por !p2, p0  }
0x20: {  	[sflag:s8] =	ssyncset.s32 @!p0 $0xFFFFF086;
	s6 =	sadd.s32 @!p0 s3, s7;
	s7 =	simm.s32 @!p0 $0x108  }
0x21: {  	s3 =	sadd.s32 s3, s9;
	s6 =	sadd.s32 @!p0 $0x88, s6;
	s7 =	simm.s32 @p2 $0x1082  }
0x22: {  	[simem:s7], [sflag:s8] =	dma.local @!p0 [hbm:s6], $0xF7A  }
0x23: {  	s9 =	sor.u32 $0xD0000000, s2;
	s6 =	simm.s32 $0x108;
	_ =	swait.ge @!p0 [sflag:s8], $0x0  }
0x24: {  	s3 =	sadd.s32 $0x88, s3;
	s6 =	simm.s32 @!p1 $0x1082;
	[sflag:s4] =	ssyncset.s32 $0xFFFFF086  }
0x25: {  	[simem:s6], [sflag:s4] =	dma.local [hbm:s3], $0xF7A  }
0x26: {  	[smem:$0x3F97] =	sst s1;
	(tag) =	ssettag s2;
	_ =	strace s9  }
0x27: {  	s1 =	sld [smem:$0x3FA7]  }
0x28: {  	s2 =	sld [smem:$0x3FA8]  }
0x29: {  	s4 =	sld [smem:$0x3FAA]  }
0x2a: {  	p0 =	seq.s32 s5, $0x0;
	s5 =	sld [smem:$0x3FAB]  }
0x2b: {  	s6 =	sld [smem:$0x3FAC]  }
0x2c: {  	s7 =	sld [smem:$0x3FAD]  }
0x2d: {  	s3 =	simm.s32 $0x108;
	s8 =	sld [smem:$0x3FAE]  }
0x2e: {  	s3 =	simm.s32 @!p0 $0x1082;
	s9 =	sld [smem:$0x3FAF]  }
0x2f: {  	lr =	sadd.s32 s0, s3;
	s0 =	sld [smem:$0x3FA6]  }
0x30: {  	s3 =	sld [smem:$0x3FA9]  }
0x31: {  	[smem:$0x3FB2] =	sst s10  }
0x32: {  	s10 =	sld [smem:$0x3FB0];
	_ =	sdelay $0x3  }
0x33: {  	p0 =	seq.s32 s10, $0x1;
	s10 =	sld [smem:$0x3FB2];
	_ =	sdelay $0x3  }
0x34: {  	[smem:$0x3FB2] =	sst s10  }
0x35: {  	s10 =	sld [smem:$0x3FB1];
	_ =	sdelay $0x3  }
0x36: {  	p1 =	seq.s32 s10, $0x1;
	s10 =	sld [smem:$0x3FB2];
	_ =	sdelay $0x3  }
0x37: {  	[smem:$0x3FB2] =	sst s10  }
0x38: {  	s10 =	sld [smem:$0x3FB3]  }
0x39: {  	_ = 	snop;
	(pc) =	sbr.ind lr, $3  }
0x3a: {  	_ = 	snop  }
0x3b: {  	_ = 	snop  }
0x3c: {  	p2 =	seq.s32 s10, $0x1;
	s10 =	sld [smem:$0x3FB2]  }
0x3d: {  	_ =	shalt  }
0x3e: {  	_ =	shalt  }
0x3f: {  	_ =	shalt  }
0x40: {  	_ =	shalt  }
0x41: {  	_ =	shalt  }
0x42: {  	_ =	shalt  }
0x43: {  	_ =	shalt  }
0x44: {  	_ =	shalt  }
0x45: {  	_ =	shalt  }
0x46: {  	_ =	shalt  }
0x47: {  	_ =	shalt  }
0x48: {  	_ =	shalt  }
0x49: {  	_ =	shalt  }
0x4a: {  	_ =	shalt  }
0x4b: {  	_ =	shalt  }
0x4c: {  	_ =	shalt  }
0x4d: {  	_ =	shalt  }
0x4e: {  	_ =	shalt  }
0x4f: {  	_ =	shalt  }
0x50: {  	_ =	shalt  }
0x51: {  	_ =	shalt  }
0x52: {  	_ =	shalt  }
0x53: {  	_ =	shalt  }
0x54: {  	_ =	shalt  }
0x55: {  	_ =	shalt  }
0x56: {  	_ =	shalt  }
0x57: {  	_ =	shalt  }
0x58: {  	_ =	shalt  }
0x59: {  	_ =	shalt  }
0x5a: {  	_ =	shalt  }
0x5b: {  	_ =	shalt  }
0x5c: {  	_ =	shalt  }
0x5d: {  	_ =	shalt  }
0x5e: {  	_ =	shalt  }
0x5f: {  	_ =	shalt  }
0x60: {  	_ =	shalt  }
0x61: {  	_ =	shalt  }
0x62: {  	_ =	shalt  }
0x63: {  	_ =	shalt  }
0x64: {  	_ =	shalt  }
0x65: {  	_ =	shalt  }
0x66: {  	_ =	shalt  }
0x67: {  	_ =	shalt  }
0x68: {  	_ =	shalt  }
0x69: {  	_ =	shalt  }
0x6a: {  	_ =	shalt  }
0x6b: {  	_ =	shalt  }
0x6c: {  	_ =	shalt  }
0x6d: {  	_ =	shalt  }
0x6e: {  	_ =	shalt  }
0x6f: {  	_ =	shalt  }
0x70: {  	_ =	shalt  }
0x71: {  	_ =	shalt  }
0x72: {  	_ =	shalt  }
0x73: {  	_ =	shalt  }
0x74: {  	_ =	shalt  }
0x75: {  	_ =	shalt  }
0x76: {  	_ =	shalt  }
0x77: {  	_ =	shalt  }
0x78: {  	_ =	shalt  }
0x79: {  	_ =	shalt  }
0x7a: {  	_ =	shalt  }
0x7b: {  	_ =	shalt  }
0x7c: {  	_ =	shalt  }
0x7d: {  	_ =	shalt  }
0x7e: {  	_ =	shalt  }
0x7f: {  	_ =	shalt  }
0x80: {  	_ =	shalt  }
0x81: {  	_ =	shalt  }
0x82: {  	_ =	shalt  }
0x83: {  	_ =	shalt  }
0x84: {  	_ =	shalt  }
0x85: {  	_ =	shalt  }
0x86: {  	_ =	shalt  }
0x87: {  	_ =	shalt  }
.Lfunc_end0:
.L_simem_size_0:
called_computation_lowered:
.L_overlay_start_0:
0x88: {  	s2 =	sld [smem:$0x3FD9]  }
0x89: {  	s3 =	sld [smem:$0x3FFE];
	_ =	sdelay $0x1  }
0x8a: {  	s1 =	srdreg.scid  }
0x8b: {  	s0 =	sand.u32 $0x1, s1  }
0x8c: {  	s17 =	sshll.u32 s0, $0xA;
	s2 =	sadd.s32 s3, s2  }
0x8d: {  	s2 =	sadd.s32 s2, s17  }
0x8e: {  	[smem:$0x3FBE] =	sst s2  }
0x8f: {  	_ = 	snop  }
0x90: {  	s2 =	sld [smem:$0x3FD0];
	(tm) =	ssettm $0x1  }
0x91: {  	s18 =	sld [smem:$0x3FFB];
	_ =	sdelay $0x3  }
0x92: {  	_ =	strace s18  }
0x93: {  	s3 =	sld [smem:$0x3FFC];
	_ =	sdelay $0x3  }
0x94: {  	_ =	strace s3  }
0x95: {  	s3 =	sld [smem:$0x3FFD];
	_ =	sdelay $0x3  }
0x96: {  	_ =	strace s3  }
0x97: {  	_ =	strace $0x8FFFFFFF  }
0x98: {  	s19 =	sld [smem:$0x3FDB];
	_ =	sdelay $0x1  }
0x99: {  	s4 =	simm.s32 $_scs_section_size  }
0x9a: {  	s5 =	simm.s32 $_size__tile_overlayer_lowered;
	s6 =	simm.s32 $_tile_overlayer_lowered  }
0x9b: {  	s22 =	simm.s32 $0x1BFF;
	s21 =	sshll.u32 s6, $0x1;
	s3 =	sadd.s32 s4, s19  }
0x9c: {  	s7 =	simm.s32 $0x0;
	s20 =	sshll.u32 s5, $0x1;
	s5 =	sadd.s32 s21, s3  }
0x9d: {  	[timem:s7], [sflag:s22] =	dma.local [hbm:s5], s20  }
0x9e: {  	_ =	swait.ge [sflag:s22], s20  }
0x9f: {  	s4 =	ssub.s32 $0x0, s20;
	[sflag:s22] =	ssyncset.done $0x0  }
0xa0: {  	[sflag:s22] =	ssyncadd.s32 s4;
	_ =	sdelay $0x1  }
0xa1: {  	s23 =	simm.s32 $0x1B8B  }
0xa2: {  	_ =	swait.ge [sflag:s23], $0x1  }
0xa3: {  	[sflag:s23] =	ssyncset.done $0x0  }
0xa4: {  	s25 =	simm.s32 $0x1B8E;
	s24 =	sld [smem:$0x3FFE];
	[sflag:s23] =	ssyncadd.s32 $0xFFFFFFFF  }
0xa5: {  	s26 =	simm.s32 $execute0_lowered;
	[smem:$0x3FD2] =	sst s25  }
0xa6: {  	s5 =	sshll.u32 s26, $0x1;
	_ =	strace $0x80000046;
	[dreg:$0x1] =	wrdreg $0xFFFFFFFF  }
0xa7: {  	s28 =	simm.s32 $_size_execute0_lowered;
	s3 =	sadd.s32 s3, s5;
	[dreg:$0x0] =	wrdreg $0x0  }
0xa8: {  	s5 =	sshll.u32 s28, $0x1;
	[dreg:$0x2] =	wrdreg s3  }
0xa9: {  	[dreg:$0x3] =	wrdreg s5  }
0xaa: {  	[dreg:$0x4] =	wrdreg $0xC0  }
0xab: {  	_ =	task [dreg:s7], $0x5FFFF  }
0xac: {  	[dreg:$0x1] =	wrdreg $0xFFFFFFFF  }
0xad: {  	[dreg:$0x0] =	wrdreg $0x60  }
0xae: {  	[dreg:$0x2] =	wrdreg s24  }
0xaf: {  	[dreg:$0x3] =	wrdreg s2  }
0xb0: {  	[dreg:$0x4] =	wrdreg $0x9  }
0xb1: {  	_ =	task.clear_ibuf [dreg:s7], $0x5FFFF;
	_ =	strace $0x90000046  }
0xb2: {  	s29 =	simm.s32 $0x9;
	_ =	strace $0x80000048  }
0xb3: {  	_ =	swait.ge [sflag:s29], $0x1  }
0xb4: {  	[sflag:s29] =	ssyncadd.s32 $0xFFFFFFFF  }
0xb5: {  	_ =	strace $0x90000048  }
0xb6: {  	_ =	sfence  }
0xb7: {  	s30 =	sld [smem:$0x0];
	_ =	sdelay $0x2  }
0xb8: {  	s31 =	sshll.u32 s1, $0xD;
	s1 =	sshrl.u32 s1, $0x2  }
0xb9: {  	s3 =	sand.u32 $0x4000, s31;
	s1 =	sadd.s32 s1, s30  }
0xba: {  	s0 =	sor.u32 s3, s0;
	s1 =	sshll.u32 s1, $0x11  }
0xbb: {  	s0 =	sor.u32 s1, s0  }
0xbc: {  	s0 =	sadd.s32 $0x8F2B, s0  }
0xbd: {  	[sflag:s0] =	ssyncadd.remote.s32 $0x1  }
0xbe: {  	_ =	sfence.sel $0xFFFF  }
0xbf: {  	[dreg:$0x0] =	wrdreg $0xFFFFFFFF;
	(pc) =	sbr.abs _section_cstart, $3  }
0xc0: {  	[dreg:$0x1] =	wrdreg $0xFFFFFFFF  }
0xc1: {  	_ =	task.clear_ibuf [dreg:s7], $0x2FFFF;
	_ =	strace $0x9FFFFFFF  }
0xc2: {  	(tm) =	ssettm $0x7FFFFFFF  }
0xc3: {  	_ =	shalt  }
tec
execute0_lowered:
.L_overlay_start_1:
0x0: {  	(tag) =	ssettag $0x1  }
0x1: {  	s8 =	stileid.u32  }
0x2: {  	s5 =	smul.u32 $0xA00, s8  }
0x3: {  	s9 =	smul.u32 $0xF0000, s8  }
0x4: {  	s0 =	rddreg [dreg:$0x0]  }
0x5: {  	s7 =	sadd.s32 s5, s0;
	s5 =	sadd.s32 $0x23C00, s0;
	s10 =	sshrl.u32 s9, $0x3  }
0x6: {  	s2 =	rddreg [dreg:$0x1];
	s3 =	simm.s32 $0x0;
	s10 =	sadd.s32 s5, s10  }
0x7: {  	[smem:$0x7FF] =	sst s3;
	s14 =	sadd.s32 $0x2400, s10  }
0x8: {  	_ =	strace $0x80000047;
	s15 =	sadd.s32 $0x3C00, s10;
	[dreg:$0x3] =	wrdreg s14  }
0x9: {  	s16 =	sadd.s32 $0x4800, s10;
	[dreg:$0x4] =	wrdreg s15  }
0xa: {  	s17 =	sadd.s32 $0x5400, s10;
	[dreg:$0x5] =	wrdreg s16  }
0xb: {  	s18 =	sadd.s32 $0x6000, s10;
	[dreg:$0x6] =	wrdreg s17  }
0xc: {  	s19 =	sadd.s32 $0x6C00, s10;
	[dreg:$0x7] =	wrdreg s18  }
0xd: {  	s20 =	sadd.s32 $0x7800, s10;
	[dreg:$0x8] =	wrdreg s19  }
0xe: {  	s21 =	sadd.s32 $0x8400, s10;
	[dreg:$0x9] =	wrdreg s20  }
0xf: {  	s22 =	sadd.s32 $0x9000, s10;
	[dreg:$0xa] =	wrdreg s21  }
0x10: {  	s23 =	sadd.s32 $0x9C00, s10;
	[dreg:$0xb] =	wrdreg s22  }
0x11: {  	s1 =	srdreg.scid;
	s24 =	sadd.s32 $0xA800, s10;
	[dreg:$0xc] =	wrdreg s23  }
0x12: {  	s1 =	sand.u32 $0x1, s1;
	s25 =	sadd.s32 $0xB400, s10;
	[dreg:$0xd] =	wrdreg s24  }
0x13: {  	s4 =	sadd.s32 $0x1000, s0;
	s26 =	sadd.s32 $0xC000, s10;
	[dreg:$0xe] =	wrdreg s25  }
0x14: {  	s6 =	ssub.s32 $0x2, s1;
	s11 =	sadd.s32 $0xCC00, s10;
	[dreg:$0xf] =	wrdreg s26  }
0x15: {  	s13 =	sshrl.u32 s6, $0x1;
	s12 =	sadd.s32 $0xD800, s10;
	[dreg:$0x10] =	wrdreg s11  }
0x16: {  	s0 =	ssub.s32 s6, s13;
	s13 =	sadd.s32 $0xE400, s10;
	[dreg:$0x11] =	wrdreg s12  }
0x17: {  	[dreg:$0x12] =	wrdreg s13;
	s14 =	sadd.s32 $0xF000, s10  }
0x18: {  	s15 =	sadd.s32 $0xFC00, s10;
	[dreg:$0x13] =	wrdreg s14  }
0x19: {  	s16 =	sadd.s32 $0x10800, s10;
	[dreg:$0x14] =	wrdreg s15  }
0x1a: {  	s28 =	simm.s32 $0x200;
	s17 =	sadd.s32 $0x11400, s10;
	[dreg:$0x15] =	wrdreg s16  }
0x1b: {  	s29 =	simm.s32 $0xA000;
	s18 =	sadd.s32 $0x12000, s10;
	[dreg:$0x16] =	wrdreg s17  }
0x1c: {  	s30 =	simm.s32 $0x10000;
	s19 =	sadd.s32 $0x12C00, s10;
	[dreg:$0x17] =	wrdreg s18  }
0x1d: {  	s31 =	simm.s32 $0x12000;
	s20 =	sadd.s32 $0x13800, s10;
	[dreg:$0x18] =	wrdreg s19  }
0x1e: {  	s8 =	smul.u32 $0x1E000, s8;
	s21 =	sadd.s32 $0x14400, s10;
	[dreg:$0x19] =	wrdreg s20  }
0x1f: {  	p0 =	seq.s32 s1, $0x1;
	s22 =	sadd.s32 $0x15000, s10;
	[dreg:$0x1a] =	wrdreg s21  }
0x20: {  	s1 =	simm.s32 $0x1;
	s23 =	sadd.s32 $0x15C00, s10;
	[dreg:$0x1b] =	wrdreg s22  }
0x21: {  	s6 =	sadd.s32 $0x19C00, s7;
	s24 =	sadd.s32 $0x16800, s10;
	[dreg:$0x1c] =	wrdreg s23  }
0x22: {  	s7 =	sadd.s32 $0xFC00, s7;
	s25 =	sadd.s32 $0x17400, s10;
	[dreg:$0x1d] =	wrdreg s24  }
0x23: {  	s8 =	sadd.s32 s5, s8;
	s26 =	sadd.s32 $0x18000, s10;
	[dreg:$0x1e] =	wrdreg s25  }
0x24: {  	[dreg:$0x1f] =	wrdreg s26;
	s14 =	sadd.s32 $0x18C00, s10;
	s15 =	sadd.s32 $0x19800, s10  }
.Ltmp0:
0x25: {  	s16 =	sadd.s32 $0x1A400, s10;
	s17 =	sadd.s32 $0x1B000, s10;
	(pc) =	sbr.rel .LBB2_1-.Ltmp0, $4  }
0x26: {  	s18 =	sadd.s32 $0x1BC00, s10;
	s19 =	sadd.s32 $0x1C800, s10;
	s20 =	sadd.s32 $0x18000, s9  }
0x27: {  	s21 =	sadd.s32 $0xEA000, s9;
	s22 =	smax.u32 s0, $0x1;
	s23 =	sadd.s32 $0xC00, s8  }
0x28: {  	s24 =	sadd.s32 $0x1800, s8;
	s25 =	simm.s32 $0x3;
	s26 =	simm.s32 $0x5000  }
0x29: {  	s0 =	simm.s32 $0x18000;
	s9 =	simm.s32 $0x2;
	s10 =	simm.s32 $0x0  }
.LBB2_83:
0x2a: {  	v1 =	vld [tilespmem:s11+$0x0];
	_ =	sdelay $0x4  }
0x2b: {  	v0 =	vsub.f32 v1, v0;
	_ =	sdelay $0x1  }
0x2c: {  	[tilespmem:s11+$0x0] =	vst v0;
	s11 =	smov.u32 s21  }
.LBB2_84:
0x2d: {  	s10 =	sadd.s32 $0x1, s10  }
0x2e: {  	s11 =	sshrl.u32 s11, $0x3;
	p1 =	sne.s32 s10, s22  }
.Ltmp1:
0x2f: {  	s11 =	sadd.s32 s5, s11;
	(pc) =	sbr.rel @!p1 .LBB2_85-.Ltmp1, $4  }
0x30: {  	[hbm4b:s11+s3] =	stream.linear.scatter [tilespmem:s29], [sflag:$0x3], $0x6000, $0x38;
	[tilespmem:$0x1A000] =	vst v63  }
0x31: {  	_ =	swait.ge [sflag:s25], $0x6000  }
0x32: {  	[sflag:s25] =	ssyncset.done $0x0  }
0x33: {  	[sflag:s25] =	ssyncadd.s32 $0xFFFFA000  }
.LBB2_1:
0x34: {  	[tilespmem:s3], [sflag:$0x3] =	stream.linear.gather [hbm4b:s6+s3], $0x5000, $0x38;
	[tilespmem:$0x1A000] =	vst v63  }
0x35: {  	_ =	swait.ge [sflag:s25], $0x5000  }
0x36: {  	[sflag:s25] =	ssyncset.done $0x0  }
.Ltmp2:
0x37: {  	[sflag:s25] =	ssyncadd.s32 $0xFFFFB000;
	(pc) =	sbr.rel @!p0 .LBB2_2-.Ltmp2, $4  }
0x38: {  	[tilespmem:s26], [sflag:$0x3] =	stream.linear.gather [hbm4b:s7+s3], $0x5000, $0x38;
	[tilespmem:$0x1A000] =	vst v63  }
0x39: {  	_ =	swait.ge [sflag:s25], $0x5000  }
0x3a: {  	[sflag:s25] =	ssyncset.done $0x0  }
0x3b: {  	[sflag:s25] =	ssyncadd.s32 $0xFFFFB000  }
0x3c: {  	s11 =	simm.s32 $0xA00  }
0x3d: {  	[tilespmem:s29], [sflag:$0x1] =	stream.indirect.gather [hbm4b:s4+s28], $0x30, s11, s28, $0xb8;
	[tilespmem:$0x1A000] =	vst v63  }
0x3e: {  	s13 =	simm.s32 $0x5A00  }
0x3f: {  	[tilespmem:s30], [sflag:$0x1] =	stream.indirect.gather [hbm4b:s2+s28], $0x10, s13, s28, $0xb8;
	[tilespmem:$0x1A000] =	vst v63  }
0x40: {  	s12 =	simm.s32 $0xC00  }
0x41: {  	[tilespmem:s31], [sflag:$0x2] =	stream.indirect.gather [hbm4b:s4+s28], $0x30, s12, s28, $0xb8;
	[tilespmem:$0x1A000] =	vst v63  }
0x42: {  	s13 =	simm.s32 $0x5C00  }
0x43: {  	[tilespmem:s0], [sflag:$0x2] =	stream.indirect.gather [hbm4b:s2+s28], $0x10, s13, s28, $0xb8;
	[tilespmem:$0x1A000] =	vst v63  }
0x44: {  	_ =	swait.ge [sflag:s1], $0x6000  }
0x45: {  	[sflag:s1] =	ssyncset.done $0x0  }
0x46: {  	[sflag:s1] =	ssyncadd.s32 $0xFFFFA000  }
0x47: {  	_ =	swait.ge [sflag:s1], $0x2000  }
0x48: {  	[sflag:s1] =	ssyncset.done $0x0  }
0x49: {  	s12 =	simm.s32 $0x0;
	[sflag:s1] =	ssyncadd.s32 $0xFFFFE000  }
0x4a: {  	s11 =	simm.s32 $0xA020;
	v0 =	vld [tilespmem:s12+$0x10000];
	s12 =	simm.s32 $0x40  }
.LBB2_14:
0x4b: {  	p1 =	sne.s32 s12, $0x7FC0;
	v1 =	vld [tilespmem:s11+$0x0];
	_ =	sdelay $0x3  }
.Ltmp3:
0x4c: {  	(pc) =	sbr.rel @p1 .LBB2_14-.Ltmp3, $3  }
0x4d: {  	v0 =	vsub.f32 v1, v0;
	_ =	sdelay $0x1  }
0x4e: {  	s13 =	sshra.s32 s12, $0x2;
	[tilespmem:s11+$0x0] =	vst v0  }
0x4f: {  	s12 =	sadd.s32 $0x40, s12;
	s11 =	sadd.s32 $0x30, s11;
	v0 =	vld [tilespmem:s13+$0x10000]  }
0x50: {  	v1 =	vld [tilespmem:s11+$0x0];
	_ =	sdelay $0x4  }
0x51: {  	v0 =	vsub.f32 v1, v0;
	_ =	sdelay $0x1  }
0x52: {  	s13 =	simm.s32 $0x0;
	s12 =	rddreg [dreg:$0x4];
	[tilespmem:s11+$0x0] =	vst v0  }
0x53: {  	[hbm4b:s12+s13] =	stream.linear.scatter [tilespmem:s29], [sflag:$0x3], $0x6000, $0x38;
	[tilespmem:$0x1A000] =	vst v63  }
0x54: {  	_ =	swait.ge [sflag:s25], $0x6000  }
0x55: {  	[sflag:s25] =	ssyncset.done $0x0  }
0x56: {  	s13 =	simm.s32 $0xE00;
	[sflag:s25] =	ssyncadd.s32 $0xFFFFA000  }
0x57: {  	[tilespmem:s29], [sflag:$0x1] =	stream.indirect.gather [hbm4b:s4+s28], $0x30, s13, s28, $0xb8;
	[tilespmem:$0x1A000] =	vst v63  }
0x58: {  	s12 =	simm.s32 $0x5E00  }
0x59: {  	[tilespmem:s30], [sflag:$0x1] =	stream.indirect.gather [hbm4b:s2+s28], $0x10, s12, s28, $0xb8;
	[tilespmem:$0x1A000] =	vst v63  }
0x5a: {  	_ =	swait.ge [sflag:s9], $0x6000  }
0x5b: {  	[sflag:s9] =	ssyncset.done $0x0  }
0x5c: {  	[sflag:s9] =	ssyncadd.s32 $0xFFFFA000  }
0x5d: {  	_ =	swait.ge [sflag:s9], $0x2000  }
0x5e: {  	[sflag:s9] =	ssyncset.done $0x0  }
0x5f: {  	s13 =	simm.s32 $0x0;
	[sflag:s9] =	ssyncadd.s32 $0xFFFFE000  }
0x60: {  	s11 =	simm.s32 $0x12020;
	s12 =	simm.s32 $0x40;
	v0 =	vld [tilespmem:s13+$0x18000]  }
.LBB2_16:
0x61: {  	p1 =	sne.s32 s12, $0x7FC0;
	v1 =	vld [tilespmem:s11+$0x0];
	_ =	sdelay $0x3  }
.Ltmp4:
0x62: {  	(pc) =	sbr.rel @p1 .LBB2_16-.Ltmp4, $3  }
0x63: {  	v0 =	vsub.f32 v1, v0;
	_ =	sdelay $0x1  }
0x64: {  	s13 =	sshra.s32 s12, $0x2;
	[tilespmem:s11+$0x0] =	vst v0  }
0x65: {  	s12 =	sadd.s32 $0x40, s12;
	s11 =	sadd.s32 $0x30, s11;
	v0 =	vld [tilespmem:s13+$0x18000]  }
0x66: {  	v1 =	vld [tilespmem:s11+$0x0];
	_ =	sdelay $0x4  }
0x67: {  	v0 =	vsub.f32 v1, v0;
	_ =	sdelay $0x1  }
0x68: {  	s13 =	simm.s32 $0x0;
	s12 =	rddreg [dreg:$0x5];
	[tilespmem:s11+$0x0] =	vst v0  }
0x69: {  	[hbm4b:s12+s13] =	stream.linear.scatter [tilespmem:s31], [sflag:$0x3], $0x6000, $0x38;
	[tilespmem:$0x1A000] =	vst v63  }
0x6a: {  	_ =	swait.ge [sflag:s25], $0x6000  }
0x6b: {  	[sflag:s25] =	ssyncset.done $0x0  }
0x6c: {  	s13 =	simm.s32 $0x1000;
	[sflag:s25] =	ssyncadd.s32 $0xFFFFA000  }
0x6d: {  	[tilespmem:s31], [sflag:$0x2] =	stream.indirect.gather [hbm4b:s4+s28], $0x30, s13, s28, $0xb8;
	[tilespmem:$0x1A000] =	vst v63  }
0x6e: {  	s12 =	simm.s32 $0x6000  }
0x6f: {  	[tilespmem:s0], [sflag:$0x2] =	stream.indirect.gather [hbm4b:s2+s28], $0x10, s12, s28, $0xb8;
	[tilespmem:$0x1A000] =	vst v63  }
0x70: {  	_ =	swait.ge [sflag:s1], $0x6000  }
0x71: {  	[sflag:s1] =	ssyncset.done $0x0  }
0x72: {  	[sflag:s1] =	ssyncadd.s32 $0xFFFFA000  }
0x73: {  	_ =	swait.ge [sflag:s1], $0x2000  }
0x74: {  	[sflag:s1] =	ssyncset.done $0x0  }
0x75: {  	s13 =	simm.s32 $0x0;
	[sflag:s1] =	ssyncadd.s32 $0xFFFFE000  }
0x76: {  	s11 =	simm.s32 $0xA020;
	s12 =	simm.s32 $0x40;
	v0 =	vld [tilespmem:s13+$0x10000]  }
.LBB2_18:
0x77: {  	p1 =	sne.s32 s12, $0x7FC0;
	v1 =	vld [tilespmem:s11+$0x0];
	_ =	sdelay $0x3  }
.Ltmp5:
0x78: {  	(pc) =	sbr.rel @p1 .LBB2_18-.Ltmp5, $3  }
0x79: {  	v0 =	vsub.f32 v1, v0;
	_ =	sdelay $0x1  }
0x7a: {  	s13 =	sshra.s32 s12, $0x2;
	[tilespmem:s11+$0x0] =	vst v0  }
0x7b: {  	s12 =	sadd.s32 $0x40, s12;
	s11 =	sadd.s32 $0x30, s11;
	v0 =	vld [tilespmem:s13+$0x10000]  }
0x7c: {  	v1 =	vld [tilespmem:s11+$0x0];
	_ =	sdelay $0x4  }
0x7d: {  	v0 =	vsub.f32 v1, v0;
	_ =	sdelay $0x1  }
0x7e: {  	s13 =	simm.s32 $0x0;
	s12 =	rddreg [dreg:$0x6];
	[tilespmem:s11+$0x0] =	vst v0  }
0x7f: {  	[hbm4b:s12+s13] =	stream.linear.scatter [tilespmem:s29], [sflag:$0x3], $0x6000, $0x38;
	[tilespmem:$0x1A000] =	vst v63  }
0x80: {  	_ =	swait.ge [sflag:s25], $0x6000  }
0x81: {  	[sflag:s25] =	ssyncset.done $0x0  }
0x82: {  	s13 =	simm.s32 $0x1200;
	[sflag:s25] =	ssyncadd.s32 $0xFFFFA000  }
0x83: {  	[tilespmem:s29], [sflag:$0x1] =	stream.indirect.gather [hbm4b:s4+s28], $0x30, s13, s28, $0xb8;
	[tilespmem:$0x1A000] =	vst v63  }
0x84: {  	s12 =	simm.s32 $0x6200  }
0x85: {  	[tilespmem:s30], [sflag:$0x1] =	stream.indirect.gather [hbm4b:s2+s28], $0x10, s12, s28, $0xb8;
	[tilespmem:$0x1A000] =	vst v63  }
0x86: {  	_ =	swait.ge [sflag:s9], $0x6000  }
0x87: {  	[sflag:s9] =	ssyncset.done $0x0  }
0x88: {  	[sflag:s9] =	ssyncadd.s32 $0xFFFFA000  }
0x89: {  	_ =	swait.ge [sflag:s9], $0x2000  }
0x8a: {  	[sflag:s9] =	ssyncset.done $0x0  }
0x8b: {  	s13 =	simm.s32 $0x0;
	[sflag:s9] =	ssyncadd.s32 $0xFFFFE000  }
0x8c: {  	s11 =	simm.s32 $0x12020;
	s12 =	simm.s32 $0x40;
	v0 =	vld [tilespmem:s13+$0x18000]  }
.LBB2_20:
0x8d: {  	p1 =	sne.s32 s12, $0x7FC0;
	v1 =	vld [tilespmem:s11+$0x0];
	_ =	sdelay $0x3  }
.Ltmp6:
0x8e: {  	(pc) =	sbr.rel @p1 .LBB2_20-.Ltmp6, $3  }
0x8f: {  	v0 =	vsub.f32 v1, v0;
	_ =	sdelay $0x1  }
0x90: {  	s13 =	sshra.s32 s12, $0x2;
	[tilespmem:s11+$0x0] =	vst v0  }
0x91: {  	s12 =	sadd.s32 $0x40, s12;
	s11 =	sadd.s32 $0x30, s11;
	v0 =	vld [tilespmem:s13+$0x18000]  }
0x92: {  	v1 =	vld [tilespmem:s11+$0x0];
	_ =	sdelay $0x4  }
0x93: {  	v0 =	vsub.f32 v1, v0;
	_ =	sdelay $0x1  }
0x94: {  	s13 =	simm.s32 $0x0;
	s12 =	rddreg [dreg:$0x7];
	[tilespmem:s11+$0x0] =	vst v0  }
0x95: {  	[hbm4b:s12+s13] =	stream.linear.scatter [tilespmem:s31], [sflag:$0x3], $0x6000, $0x38;
	[tilespmem:$0x1A000] =	vst v63  }
0x96: {  	_ =	swait.ge [sflag:s25], $0x6000  }
0x97: {  	[sflag:s25] =	ssyncset.done $0x0  }
0x98: {  	s13 =	simm.s32 $0x1400;
	[sflag:s25] =	ssyncadd.s32 $0xFFFFA000  }
0x99: {  	[tilespmem:s31], [sflag:$0x2] =	stream.indirect.gather [hbm4b:s4+s28], $0x30, s13, s28, $0xb8;
	[tilespmem:$0x1A000] =	vst v63  }
0x9a: {  	s12 =	simm.s32 $0x6400  }
0x9b: {  	[tilespmem:s0], [sflag:$0x2] =	stream.indirect.gather [hbm4b:s2+s28], $0x10, s12, s28, $0xb8;
	[tilespmem:$0x1A000] =	vst v63  }
0x9c: {  	_ =	swait.ge [sflag:s1], $0x6000  }
0x9d: {  	[sflag:s1] =	ssyncset.done $0x0  }
0x9e: {  	[sflag:s1] =	ssyncadd.s32 $0xFFFFA000  }
0x9f: {  	_ =	swait.ge [sflag:s1], $0x2000  }
0xa0: {  	[sflag:s1] =	ssyncset.done $0x0  }
0xa1: {  	s13 =	simm.s32 $0x0;
	[sflag:s1] =	ssyncadd.s32 $0xFFFFE000  }
0xa2: {  	s11 =	simm.s32 $0xA020;
	s12 =	simm.s32 $0x40;
	v0 =	vld [tilespmem:s13+$0x10000]  }
.LBB2_22:
0xa3: {  	p1 =	sne.s32 s12, $0x7FC0;
	v1 =	vld [tilespmem:s11+$0x0];
	_ =	sdelay $0x3  }
.Ltmp7:
0xa4: {  	(pc) =	sbr.rel @p1 .LBB2_22-.Ltmp7, $3  }
0xa5: {  	v0 =	vsub.f32 v1, v0;
	_ =	sdelay $0x1  }
0xa6: {  	s13 =	sshra.s32 s12, $0x2;
	[tilespmem:s11+$0x0] =	vst v0  }
0xa7: {  	s12 =	sadd.s32 $0x40, s12;
	s11 =	sadd.s32 $0x30, s11;
	v0 =	vld [tilespmem:s13+$0x10000]  }
0xa8: {  	v1 =	vld [tilespmem:s11+$0x0];
	_ =	sdelay $0x4  }
0xa9: {  	v0 =	vsub.f32 v1, v0;
	_ =	sdelay $0x1  }
0xaa: {  	s13 =	simm.s32 $0x0;
	s12 =	rddreg [dreg:$0x8];
	[tilespmem:s11+$0x0] =	vst v0  }
0xab: {  	[hbm4b:s12+s13] =	stream.linear.scatter [tilespmem:s29], [sflag:$0x3], $0x6000, $0x38;
	[tilespmem:$0x1A000] =	vst v63  }
0xac: {  	_ =	swait.ge [sflag:s25], $0x6000  }
0xad: {  	[sflag:s25] =	ssyncset.done $0x0  }
0xae: {  	s13 =	simm.s32 $0x1600;
	[sflag:s25] =	ssyncadd.s32 $0xFFFFA000  }
0xaf: {  	[tilespmem:s29], [sflag:$0x1] =	stream.indirect.gather [hbm4b:s4+s28], $0x30, s13, s28, $0xb8;
	[tilespmem:$0x1A000] =	vst v63  }
0xb0: {  	s12 =	simm.s32 $0x6600  }
0xb1: {  	[tilespmem:s30], [sflag:$0x1] =	stream.indirect.gather [hbm4b:s2+s28], $0x10, s12, s28, $0xb8;
	[tilespmem:$0x1A000] =	vst v63  }
0xb2: {  	_ =	swait.ge [sflag:s9], $0x6000  }
0xb3: {  	[sflag:s9] =	ssyncset.done $0x0  }
0xb4: {  	[sflag:s9] =	ssyncadd.s32 $0xFFFFA000  }
0xb5: {  	_ =	swait.ge [sflag:s9], $0x2000  }
0xb6: {  	[sflag:s9] =	ssyncset.done $0x0  }
0xb7: {  	s13 =	simm.s32 $0x0;
	[sflag:s9] =	ssyncadd.s32 $0xFFFFE000  }
0xb8: {  	s11 =	simm.s32 $0x12020;
	s12 =	simm.s32 $0x40;
	v0 =	vld [tilespmem:s13+$0x18000]  }
.LBB2_24:
0xb9: {  	p1 =	sne.s32 s12, $0x7FC0;
	v1 =	vld [tilespmem:s11+$0x0];
	_ =	sdelay $0x3  }
.Ltmp8:
0xba: {  	(pc) =	sbr.rel @p1 .LBB2_24-.Ltmp8, $3  }
0xbb: {  	v0 =	vsub.f32 v1, v0;
	_ =	sdelay $0x1  }
0xbc: {  	s13 =	sshra.s32 s12, $0x2;
	[tilespmem:s11+$0x0] =	vst v0  }
0xbd: {  	s12 =	sadd.s32 $0x40, s12;
	s11 =	sadd.s32 $0x30, s11;
	v0 =	vld [tilespmem:s13+$0x18000]  }
0xbe: {  	v1 =	vld [tilespmem:s11+$0x0];
	_ =	sdelay $0x4  }
0xbf: {  	v0 =	vsub.f32 v1, v0;
	_ =	sdelay $0x1  }
0xc0: {  	s13 =	simm.s32 $0x0;
	s12 =	rddreg [dreg:$0x9];
	[tilespmem:s11+$0x0] =	vst v0  }
0xc1: {  	[hbm4b:s12+s13] =	stream.linear.scatter [tilespmem:s31], [sflag:$0x3], $0x6000, $0x38;
	[tilespmem:$0x1A000] =	vst v63  }
0xc2: {  	_ =	swait.ge [sflag:s25], $0x6000  }
0xc3: {  	[sflag:s25] =	ssyncset.done $0x0  }
0xc4: {  	s13 =	simm.s32 $0x1800;
	[sflag:s25] =	ssyncadd.s32 $0xFFFFA000  }
0xc5: {  	[tilespmem:s31], [sflag:$0x2] =	stream.indirect.gather [hbm4b:s4+s28], $0x30, s13, s28, $0xb8;
	[tilespmem:$0x1A000] =	vst v63  }
0xc6: {  	s12 =	simm.s32 $0x6800  }
0xc7: {  	[tilespmem:s0], [sflag:$0x2] =	stream.indirect.gather [hbm4b:s2+s28], $0x10, s12, s28, $0xb8;
	[tilespmem:$0x1A000] =	vst v63  }
0xc8: {  	_ =	swait.ge [sflag:s1], $0x6000  }
0xc9: {  	[sflag:s1] =	ssyncset.done $0x0  }
0xca: {  	[sflag:s1] =	ssyncadd.s32 $0xFFFFA000  }
0xcb: {  	_ =	swait.ge [sflag:s1], $0x2000  }
0xcc: {  	[sflag:s1] =	ssyncset.done $0x0  }
0xcd: {  	s13 =	simm.s32 $0x0;
	[sflag:s1] =	ssyncadd.s32 $0xFFFFE000  }
0xce: {  	s11 =	simm.s32 $0xA020;
	s12 =	simm.s32 $0x40;
	v0 =	vld [tilespmem:s13+$0x10000]  }
.LBB2_26:
0xcf: {  	p1 =	sne.s32 s12, $0x7FC0;
	v1 =	vld [tilespmem:s11+$0x0];
	_ =	sdelay $0x3  }
.Ltmp9:
0xd0: {  	(pc) =	sbr.rel @p1 .LBB2_26-.Ltmp9, $3  }
0xd1: {  	v0 =	vsub.f32 v1, v0;
	_ =	sdelay $0x1  }
0xd2: {  	s13 =	sshra.s32 s12, $0x2;
	[tilespmem:s11+$0x0] =	vst v0  }
0xd3: {  	s12 =	sadd.s32 $0x40, s12;
	s11 =	sadd.s32 $0x30, s11;
	v0 =	vld [tilespmem:s13+$0x10000]  }
0xd4: {  	v1 =	vld [tilespmem:s11+$0x0];
	_ =	sdelay $0x4  }
0xd5: {  	v0 =	vsub.f32 v1, v0;
	_ =	sdelay $0x1  }
0xd6: {  	s13 =	simm.s32 $0x0;
	s12 =	rddreg [dreg:$0xa];
	[tilespmem:s11+$0x0] =	vst v0  }
0xd7: {  	[hbm4b:s12+s13] =	stream.linear.scatter [tilespmem:s29], [sflag:$0x3], $0x6000, $0x38;
	[tilespmem:$0x1A000] =	vst v63  }
0xd8: {  	_ =	swait.ge [sflag:s25], $0x6000  }
0xd9: {  	[sflag:s25] =	ssyncset.done $0x0  }
0xda: {  	s13 =	simm.s32 $0x1A00;
	[sflag:s25] =	ssyncadd.s32 $0xFFFFA000  }
0xdb: {  	[tilespmem:s29], [sflag:$0x1] =	stream.indirect.gather [hbm4b:s4+s28], $0x30, s13, s28, $0xb8;
	[tilespmem:$0x1A000] =	vst v63  }
0xdc: {  	s12 =	simm.s32 $0x6A00  }
0xdd: {  	[tilespmem:s30], [sflag:$0x1] =	stream.indirect.gather [hbm4b:s2+s28], $0x10, s12, s28, $0xb8;
	[tilespmem:$0x1A000] =	vst v63  }
0xde: {  	_ =	swait.ge [sflag:s9], $0x6000  }
0xdf: {  	[sflag:s9] =	ssyncset.done $0x0  }
0xe0: {  	[sflag:s9] =	ssyncadd.s32 $0xFFFFA000  }
0xe1: {  	_ =	swait.ge [sflag:s9], $0x2000  }
0xe2: {  	[sflag:s9] =	ssyncset.done $0x0  }
0xe3: {  	s13 =	simm.s32 $0x0;
	[sflag:s9] =	ssyncadd.s32 $0xFFFFE000  }
0xe4: {  	s11 =	simm.s32 $0x12020;
	s12 =	simm.s32 $0x40;
	v0 =	vld [tilespmem:s13+$0x18000]  }
.LBB2_28:
0xe5: {  	p1 =	sne.s32 s12, $0x7FC0;
	v1 =	vld [tilespmem:s11+$0x0];
	_ =	sdelay $0x3  }
.Ltmp10:
0xe6: {  	(pc) =	sbr.rel @p1 .LBB2_28-.Ltmp10, $3  }
0xe7: {  	v0 =	vsub.f32 v1, v0;
	_ =	sdelay $0x1  }
0xe8: {  	s13 =	sshra.s32 s12, $0x2;
	[tilespmem:s11+$0x0] =	vst v0  }
0xe9: {  	s12 =	sadd.s32 $0x40, s12;
	s11 =	sadd.s32 $0x30, s11;
	v0 =	vld [tilespmem:s13+$0x18000]  }
0xea: {  	v1 =	vld [tilespmem:s11+$0x0];
	_ =	sdelay $0x4  }
0xeb: {  	v0 =	vsub.f32 v1, v0;
	_ =	sdelay $0x1  }
0xec: {  	s13 =	simm.s32 $0x0;
	s12 =	rddreg [dreg:$0xb];
	[tilespmem:s11+$0x0] =	vst v0  }
0xed: {  	[hbm4b:s12+s13] =	stream.linear.scatter [tilespmem:s31], [sflag:$0x3], $0x6000, $0x38;
	[tilespmem:$0x1A000] =	vst v63  }
0xee: {  	_ =	swait.ge [sflag:s25], $0x6000  }
0xef: {  	[sflag:s25] =	ssyncset.done $0x0  }
0xf0: {  	s13 =	simm.s32 $0x1C00;
	[sflag:s25] =	ssyncadd.s32 $0xFFFFA000  }
0xf1: {  	[tilespmem:s31], [sflag:$0x2] =	stream.indirect.gather [hbm4b:s4+s28], $0x30, s13, s28, $0xb8;
	[tilespmem:$0x1A000] =	vst v63  }
0xf2: {  	s12 =	simm.s32 $0x6C00  }
0xf3: {  	[tilespmem:s0], [sflag:$0x2] =	stream.indirect.gather [hbm4b:s2+s28], $0x10, s12, s28, $0xb8;
	[tilespmem:$0x1A000] =	vst v63  }
0xf4: {  	_ =	swait.ge [sflag:s1], $0x6000  }
0xf5: {  	[sflag:s1] =	ssyncset.done $0x0  }
0xf6: {  	[sflag:s1] =	ssyncadd.s32 $0xFFFFA000  }
0xf7: {  	_ =	swait.ge [sflag:s1], $0x2000  }
0xf8: {  	[sflag:s1] =	ssyncset.done $0x0  }
0xf9: {  	s13 =	simm.s32 $0x0;
	[sflag:s1] =	ssyncadd.s32 $0xFFFFE000  }
0xfa: {  	s11 =	simm.s32 $0xA020;
	s12 =	simm.s32 $0x40;
	v0 =	vld [tilespmem:s13+$0x10000]  }
.LBB2_30:
0xfb: {  	p1 =	sne.s32 s12, $0x7FC0;
	v1 =	vld [tilespmem:s11+$0x0];
	_ =	sdelay $0x3  }
.Ltmp11:
0xfc: {  	(pc) =	sbr.rel @p1 .LBB2_30-.Ltmp11, $3  }
0xfd: {  	v0 =	vsub.f32 v1, v0;
	_ =	sdelay $0x1  }
0xfe: {  	s13 =	sshra.s32 s12, $0x2;
	[tilespmem:s11+$0x0] =	vst v0  }
0xff: {  	s12 =	sadd.s32 $0x40, s12;
	s11 =	sadd.s32 $0x30, s11;
	v0 =	vld [tilespmem:s13+$0x10000]  }
0x100: {  	v1 =	vld [tilespmem:s11+$0x0];
	_ =	sdelay $0x4  }
0x101: {  	v0 =	vsub.f32 v1, v0;
	_ =	sdelay $0x1  }
0x102: {  	s13 =	simm.s32 $0x0;
	s12 =	rddreg [dreg:$0xc];
	[tilespmem:s11+$0x0] =	vst v0  }
0x103: {  	[hbm4b:s12+s13] =	stream.linear.scatter [tilespmem:s29], [sflag:$0x3], $0x6000, $0x38;
	[tilespmem:$0x1A000] =	vst v63  }
0x104: {  	_ =	swait.ge [sflag:s25], $0x6000  }
0x105: {  	[sflag:s25] =	ssyncset.done $0x0  }
0x106: {  	s13 =	simm.s32 $0x1E00;
	[sflag:s25] =	ssyncadd.s32 $0xFFFFA000  }
0x107: {  	[tilespmem:s29], [sflag:$0x1] =	stream.indirect.gather [hbm4b:s4+s28], $0x30, s13, s28, $0xb8;
	[tilespmem:$0x1A000] =	vst v63  }
0x108: {  	s12 =	simm.s32 $0x6E00  }
0x109: {  	[tilespmem:s30], [sflag:$0x1] =	stream.indirect.gather [hbm4b:s2+s28], $0x10, s12, s28, $0xb8;
	[tilespmem:$0x1A000] =	vst v63  }
0x10a: {  	_ =	swait.ge [sflag:s9], $0x6000  }
0x10b: {  	[sflag:s9] =	ssyncset.done $0x0  }
0x10c: {  	[sflag:s9] =	ssyncadd.s32 $0xFFFFA000  }
0x10d: {  	_ =	swait.ge [sflag:s9], $0x2000  }
0x10e: {  	[sflag:s9] =	ssyncset.done $0x0  }
0x10f: {  	s13 =	simm.s32 $0x0;
	[sflag:s9] =	ssyncadd.s32 $0xFFFFE000  }
0x110: {  	s11 =	simm.s32 $0x12020;
	s12 =	simm.s32 $0x40;
	v0 =	vld [tilespmem:s13+$0x18000]  }
.LBB2_32:
0x111: {  	p1 =	sne.s32 s12, $0x7FC0;
	v1 =	vld [tilespmem:s11+$0x0];
	_ =	sdelay $0x3  }
.Ltmp12:
0x112: {  	(pc) =	sbr.rel @p1 .LBB2_32-.Ltmp12, $3  }
0x113: {  	v0 =	vsub.f32 v1, v0;
	_ =	sdelay $0x1  }
0x114: {  	s13 =	sshra.s32 s12, $0x2;
	[tilespmem:s11+$0x0] =	vst v0  }
0x115: {  	s12 =	sadd.s32 $0x40, s12;
	s11 =	sadd.s32 $0x30, s11;
	v0 =	vld [tilespmem:s13+$0x18000]  }
0x116: {  	v1 =	vld [tilespmem:s11+$0x0];
	_ =	sdelay $0x4  }
0x117: {  	v0 =	vsub.f32 v1, v0;
	_ =	sdelay $0x1  }
0x118: {  	s13 =	simm.s32 $0x0;
	s12 =	rddreg [dreg:$0xd];
	[tilespmem:s11+$0x0] =	vst v0  }
0x119: {  	[hbm4b:s12+s13] =	stream.linear.scatter [tilespmem:s31], [sflag:$0x3], $0x6000, $0x38;
	[tilespmem:$0x1A000] =	vst v63  }
0x11a: {  	_ =	swait.ge [sflag:s25], $0x6000  }
0x11b: {  	[sflag:s25] =	ssyncset.done $0x0  }
0x11c: {  	s13 =	simm.s32 $0x2000;
	[sflag:s25] =	ssyncadd.s32 $0xFFFFA000  }
0x11d: {  	[tilespmem:s31], [sflag:$0x2] =	stream.indirect.gather [hbm4b:s4+s28], $0x30, s13, s28, $0xb8;
	[tilespmem:$0x1A000] =	vst v63  }
0x11e: {  	s12 =	simm.s32 $0x7000  }
0x11f: {  	[tilespmem:s0], [sflag:$0x2] =	stream.indirect.gather [hbm4b:s2+s28], $0x10, s12, s28, $0xb8;
	[tilespmem:$0x1A000] =	vst v63  }
0x120: {  	_ =	swait.ge [sflag:s1], $0x6000  }
0x121: {  	[sflag:s1] =	ssyncset.done $0x0  }
0x122: {  	[sflag:s1] =	ssyncadd.s32 $0xFFFFA000  }
0x123: {  	_ =	swait.ge [sflag:s1], $0x2000  }
0x124: {  	[sflag:s1] =	ssyncset.done $0x0  }
0x125: {  	s13 =	simm.s32 $0x0;
	[sflag:s1] =	ssyncadd.s32 $0xFFFFE000  }
0x126: {  	s11 =	simm.s32 $0xA020;
	s12 =	simm.s32 $0x40;
	v0 =	vld [tilespmem:s13+$0x10000]  }
.LBB2_34:
0x127: {  	p1 =	sne.s32 s12, $0x7FC0;
	v1 =	vld [tilespmem:s11+$0x0];
	_ =	sdelay $0x3  }
.Ltmp13:
0x128: {  	(pc) =	sbr.rel @p1 .LBB2_34-.Ltmp13, $3  }
0x129: {  	v0 =	vsub.f32 v1, v0;
	_ =	sdelay $0x1  }
0x12a: {  	s13 =	sshra.s32 s12, $0x2;
	[tilespmem:s11+$0x0] =	vst v0  }
0x12b: {  	s12 =	sadd.s32 $0x40, s12;
	s11 =	sadd.s32 $0x30, s11;
	v0 =	vld [tilespmem:s13+$0x10000]  }
0x12c: {  	v1 =	vld [tilespmem:s11+$0x0];
	_ =	sdelay $0x4  }
0x12d: {  	v0 =	vsub.f32 v1, v0;
	_ =	sdelay $0x1  }
0x12e: {  	s13 =	simm.s32 $0x0;
	s12 =	rddreg [dreg:$0xe];
	[tilespmem:s11+$0x0] =	vst v0  }
0x12f: {  	[hbm4b:s12+s13] =	stream.linear.scatter [tilespmem:s29], [sflag:$0x3], $0x6000, $0x38;
	[tilespmem:$0x1A000] =	vst v63  }
0x130: {  	_ =	swait.ge [sflag:s25], $0x6000  }
0x131: {  	[sflag:s25] =	ssyncset.done $0x0  }
0x132: {  	s13 =	simm.s32 $0x2200;
	[sflag:s25] =	ssyncadd.s32 $0xFFFFA000  }
0x133: {  	[tilespmem:s29], [sflag:$0x1] =	stream.indirect.gather [hbm4b:s4+s28], $0x30, s13, s28, $0xb8;
	[tilespmem:$0x1A000] =	vst v63  }
0x134: {  	s12 =	simm.s32 $0x7200  }
0x135: {  	[tilespmem:s30], [sflag:$0x1] =	stream.indirect.gather [hbm4b:s2+s28], $0x10, s12, s28, $0xb8;
	[tilespmem:$0x1A000] =	vst v63  }
0x136: {  	_ =	swait.ge [sflag:s9], $0x6000  }
0x137: {  	[sflag:s9] =	ssyncset.done $0x0  }
0x138: {  	[sflag:s9] =	ssyncadd.s32 $0xFFFFA000  }
0x139: {  	_ =	swait.ge [sflag:s9], $0x2000  }
0x13a: {  	[sflag:s9] =	ssyncset.done $0x0  }
0x13b: {  	s13 =	simm.s32 $0x0;
	[sflag:s9] =	ssyncadd.s32 $0xFFFFE000  }
0x13c: {  	s11 =	simm.s32 $0x12020;
	s12 =	simm.s32 $0x40;
	v0 =	vld [tilespmem:s13+$0x18000]  }
.LBB2_36:
0x13d: {  	p1 =	sne.s32 s12, $0x7FC0;
	v1 =	vld [tilespmem:s11+$0x0];
	_ =	sdelay $0x3  }
.Ltmp14:
0x13e: {  	(pc) =	sbr.rel @p1 .LBB2_36-.Ltmp14, $3  }
0x13f: {  	v0 =	vsub.f32 v1, v0;
	_ =	sdelay $0x1  }
0x140: {  	s13 =	sshra.s32 s12, $0x2;
	[tilespmem:s11+$0x0] =	vst v0  }
0x141: {  	s12 =	sadd.s32 $0x40, s12;
	s11 =	sadd.s32 $0x30, s11;
	v0 =	vld [tilespmem:s13+$0x18000]  }
0x142: {  	v1 =	vld [tilespmem:s11+$0x0];
	_ =	sdelay $0x4  }
0x143: {  	v0 =	vsub.f32 v1, v0;
	_ =	sdelay $0x1  }
0x144: {  	s13 =	simm.s32 $0x0;
	s12 =	rddreg [dreg:$0xf];
	[tilespmem:s11+$0x0] =	vst v0  }
0x145: {  	[hbm4b:s12+s13] =	stream.linear.scatter [tilespmem:s31], [sflag:$0x3], $0x6000, $0x38;
	[tilespmem:$0x1A000] =	vst v63  }
0x146: {  	_ =	swait.ge [sflag:s25], $0x6000  }
0x147: {  	[sflag:s25] =	ssyncset.done $0x0  }
0x148: {  	s13 =	simm.s32 $0x2400;
	[sflag:s25] =	ssyncadd.s32 $0xFFFFA000  }
0x149: {  	[tilespmem:s31], [sflag:$0x2] =	stream.indirect.gather [hbm4b:s4+s28], $0x30, s13, s28, $0xb8;
	[tilespmem:$0x1A000] =	vst v63  }
0x14a: {  	s12 =	simm.s32 $0x7400  }
0x14b: {  	[tilespmem:s0], [sflag:$0x2] =	stream.indirect.gather [hbm4b:s2+s28], $0x10, s12, s28, $0xb8;
	[tilespmem:$0x1A000] =	vst v63  }
0x14c: {  	_ =	swait.ge [sflag:s1], $0x6000  }
0x14d: {  	[sflag:s1] =	ssyncset.done $0x0  }
0x14e: {  	[sflag:s1] =	ssyncadd.s32 $0xFFFFA000  }
0x14f: {  	_ =	swait.ge [sflag:s1], $0x2000  }
0x150: {  	[sflag:s1] =	ssyncset.done $0x0  }
0x151: {  	s13 =	simm.s32 $0x0;
	[sflag:s1] =	ssyncadd.s32 $0xFFFFE000  }
0x152: {  	s11 =	simm.s32 $0xA020;
	s12 =	simm.s32 $0x40;
	v0 =	vld [tilespmem:s13+$0x10000]  }
.LBB2_38:
0x153: {  	p1 =	sne.s32 s12, $0x7FC0;
	v1 =	vld [tilespmem:s11+$0x0];
	_ =	sdelay $0x3  }
.Ltmp15:
0x154: {  	(pc) =	sbr.rel @p1 .LBB2_38-.Ltmp15, $3  }
0x155: {  	v0 =	vsub.f32 v1, v0;
	_ =	sdelay $0x1  }
0x156: {  	s13 =	sshra.s32 s12, $0x2;
	[tilespmem:s11+$0x0] =	vst v0  }
0x157: {  	s12 =	sadd.s32 $0x40, s12;
	s11 =	sadd.s32 $0x30, s11;
	v0 =	vld [tilespmem:s13+$0x10000]  }
0x158: {  	v1 =	vld [tilespmem:s11+$0x0];
	_ =	sdelay $0x4  }
0x159: {  	v0 =	vsub.f32 v1, v0;
	_ =	sdelay $0x1  }
0x15a: {  	s13 =	simm.s32 $0x0;
	s12 =	rddreg [dreg:$0x10];
	[tilespmem:s11+$0x0] =	vst v0  }
0x15b: {  	[hbm4b:s12+s13] =	stream.linear.scatter [tilespmem:s29], [sflag:$0x3], $0x6000, $0x38;
	[tilespmem:$0x1A000] =	vst v63  }
0x15c: {  	_ =	swait.ge [sflag:s25], $0x6000  }
0x15d: {  	[sflag:s25] =	ssyncset.done $0x0  }
0x15e: {  	s13 =	simm.s32 $0x2600;
	[sflag:s25] =	ssyncadd.s32 $0xFFFFA000  }
0x15f: {  	[tilespmem:s29], [sflag:$0x1] =	stream.indirect.gather [hbm4b:s4+s28], $0x30, s13, s28, $0xb8;
	[tilespmem:$0x1A000] =	vst v63  }
0x160: {  	s12 =	simm.s32 $0x7600  }
0x161: {  	[tilespmem:s30], [sflag:$0x1] =	stream.indirect.gather [hbm4b:s2+s28], $0x10, s12, s28, $0xb8;
	[tilespmem:$0x1A000] =	vst v63  }
0x162: {  	_ =	swait.ge [sflag:s9], $0x6000  }
0x163: {  	[sflag:s9] =	ssyncset.done $0x0  }
0x164: {  	[sflag:s9] =	ssyncadd.s32 $0xFFFFA000  }
0x165: {  	_ =	swait.ge [sflag:s9], $0x2000  }
0x166: {  	[sflag:s9] =	ssyncset.done $0x0  }
0x167: {  	s13 =	simm.s32 $0x0;
	[sflag:s9] =	ssyncadd.s32 $0xFFFFE000  }
0x168: {  	s11 =	simm.s32 $0x12020;
	s12 =	simm.s32 $0x40;
	v0 =	vld [tilespmem:s13+$0x18000]  }
.LBB2_40:
0x169: {  	p1 =	sne.s32 s12, $0x7FC0;
	v1 =	vld [tilespmem:s11+$0x0];
	_ =	sdelay $0x3  }
.Ltmp16:
0x16a: {  	(pc) =	sbr.rel @p1 .LBB2_40-.Ltmp16, $3  }
0x16b: {  	v0 =	vsub.f32 v1, v0;
	_ =	sdelay $0x1  }
0x16c: {  	s13 =	sshra.s32 s12, $0x2;
	[tilespmem:s11+$0x0] =	vst v0  }
0x16d: {  	s12 =	sadd.s32 $0x40, s12;
	s11 =	sadd.s32 $0x30, s11;
	v0 =	vld [tilespmem:s13+$0x18000]  }
0x16e: {  	v1 =	vld [tilespmem:s11+$0x0];
	_ =	sdelay $0x4  }
0x16f: {  	v0 =	vsub.f32 v1, v0;
	_ =	sdelay $0x1  }
0x170: {  	s13 =	simm.s32 $0x0;
	s12 =	rddreg [dreg:$0x11];
	[tilespmem:s11+$0x0] =	vst v0  }
0x171: {  	[hbm4b:s12+s13] =	stream.linear.scatter [tilespmem:s31], [sflag:$0x3], $0x6000, $0x38;
	[tilespmem:$0x1A000] =	vst v63  }
0x172: {  	_ =	swait.ge [sflag:s25], $0x6000  }
0x173: {  	[sflag:s25] =	ssyncset.done $0x0  }
0x174: {  	s13 =	simm.s32 $0x2800;
	[sflag:s25] =	ssyncadd.s32 $0xFFFFA000  }
0x175: {  	[tilespmem:s31], [sflag:$0x2] =	stream.indirect.gather [hbm4b:s4+s28], $0x30, s13, s28, $0xb8;
	[tilespmem:$0x1A000] =	vst v63  }
0x176: {  	s12 =	simm.s32 $0x7800  }
0x177: {  	[tilespmem:s0], [sflag:$0x2] =	stream.indirect.gather [hbm4b:s2+s28], $0x10, s12, s28, $0xb8;
	[tilespmem:$0x1A000] =	vst v63  }
0x178: {  	_ =	swait.ge [sflag:s1], $0x6000  }
0x179: {  	[sflag:s1] =	ssyncset.done $0x0  }
0x17a: {  	[sflag:s1] =	ssyncadd.s32 $0xFFFFA000  }
0x17b: {  	_ =	swait.ge [sflag:s1], $0x2000  }
0x17c: {  	[sflag:s1] =	ssyncset.done $0x0  }
0x17d: {  	s13 =	simm.s32 $0x0;
	[sflag:s1] =	ssyncadd.s32 $0xFFFFE000  }
0x17e: {  	s11 =	simm.s32 $0xA020;
	s12 =	simm.s32 $0x40;
	v0 =	vld [tilespmem:s13+$0x10000]  }
.LBB2_42:
0x17f: {  	p1 =	sne.s32 s12, $0x7FC0;
	v1 =	vld [tilespmem:s11+$0x0];
	_ =	sdelay $0x3  }
.Ltmp17:
0x180: {  	(pc) =	sbr.rel @p1 .LBB2_42-.Ltmp17, $3  }
0x181: {  	v0 =	vsub.f32 v1, v0;
	_ =	sdelay $0x1  }
0x182: {  	s13 =	sshra.s32 s12, $0x2;
	[tilespmem:s11+$0x0] =	vst v0  }
0x183: {  	s12 =	sadd.s32 $0x40, s12;
	s11 =	sadd.s32 $0x30, s11;
	v0 =	vld [tilespmem:s13+$0x10000]  }
0x184: {  	v1 =	vld [tilespmem:s11+$0x0];
	_ =	sdelay $0x4  }
0x185: {  	v0 =	vsub.f32 v1, v0;
	_ =	sdelay $0x1  }
0x186: {  	s13 =	simm.s32 $0x0;
	s12 =	rddreg [dreg:$0x12];
	[tilespmem:s11+$0x0] =	vst v0  }
0x187: {  	[hbm4b:s12+s13] =	stream.linear.scatter [tilespmem:s29], [sflag:$0x3], $0x6000, $0x38;
	[tilespmem:$0x1A000] =	vst v63  }
0x188: {  	_ =	swait.ge [sflag:s25], $0x6000  }
0x189: {  	[sflag:s25] =	ssyncset.done $0x0  }
0x18a: {  	s13 =	simm.s32 $0x2A00;
	[sflag:s25] =	ssyncadd.s32 $0xFFFFA000  }
0x18b: {  	[tilespmem:s29], [sflag:$0x1] =	stream.indirect.gather [hbm4b:s4+s28], $0x30, s13, s28, $0xb8;
	[tilespmem:$0x1A000] =	vst v63  }
0x18c: {  	s12 =	simm.s32 $0x7A00  }
0x18d: {  	[tilespmem:s30], [sflag:$0x1] =	stream.indirect.gather [hbm4b:s2+s28], $0x10, s12, s28, $0xb8;
	[tilespmem:$0x1A000] =	vst v63  }
0x18e: {  	_ =	swait.ge [sflag:s9], $0x6000  }
0x18f: {  	[sflag:s9] =	ssyncset.done $0x0  }
0x190: {  	[sflag:s9] =	ssyncadd.s32 $0xFFFFA000  }
0x191: {  	_ =	swait.ge [sflag:s9], $0x2000  }
0x192: {  	[sflag:s9] =	ssyncset.done $0x0  }
0x193: {  	s13 =	simm.s32 $0x0;
	[sflag:s9] =	ssyncadd.s32 $0xFFFFE000  }
0x194: {  	s11 =	simm.s32 $0x12020;
	s12 =	simm.s32 $0x40;
	v0 =	vld [tilespmem:s13+$0x18000]  }
.LBB2_44:
0x195: {  	p1 =	sne.s32 s12, $0x7FC0;
	v1 =	vld [tilespmem:s11+$0x0];
	_ =	sdelay $0x3  }
.Ltmp18:
0x196: {  	(pc) =	sbr.rel @p1 .LBB2_44-.Ltmp18, $3  }
0x197: {  	v0 =	vsub.f32 v1, v0;
	_ =	sdelay $0x1  }
0x198: {  	s13 =	sshra.s32 s12, $0x2;
	[tilespmem:s11+$0x0] =	vst v0  }
0x199: {  	s12 =	sadd.s32 $0x40, s12;
	s11 =	sadd.s32 $0x30, s11;
	v0 =	vld [tilespmem:s13+$0x18000]  }
0x19a: {  	v1 =	vld [tilespmem:s11+$0x0];
	_ =	sdelay $0x4  }
0x19b: {  	v0 =	vsub.f32 v1, v0;
	_ =	sdelay $0x1  }
0x19c: {  	s13 =	simm.s32 $0x0;
	s12 =	rddreg [dreg:$0x13];
	[tilespmem:s11+$0x0] =	vst v0  }
0x19d: {  	[hbm4b:s12+s13] =	stream.linear.scatter [tilespmem:s31], [sflag:$0x3], $0x6000, $0x38;
	[tilespmem:$0x1A000] =	vst v63  }
0x19e: {  	_ =	swait.ge [sflag:s25], $0x6000  }
0x19f: {  	[sflag:s25] =	ssyncset.done $0x0  }
0x1a0: {  	s13 =	simm.s32 $0x2C00;
	[sflag:s25] =	ssyncadd.s32 $0xFFFFA000  }
0x1a1: {  	[tilespmem:s31], [sflag:$0x2] =	stream.indirect.gather [hbm4b:s4+s28], $0x30, s13, s28, $0xb8;
	[tilespmem:$0x1A000] =	vst v63  }
0x1a2: {  	s12 =	simm.s32 $0x7C00  }
0x1a3: {  	[tilespmem:s0], [sflag:$0x2] =	stream.indirect.gather [hbm4b:s2+s28], $0x10, s12, s28, $0xb8;
	[tilespmem:$0x1A000] =	vst v63  }
0x1a4: {  	_ =	swait.ge [sflag:s1], $0x6000  }
0x1a5: {  	[sflag:s1] =	ssyncset.done $0x0  }
0x1a6: {  	[sflag:s1] =	ssyncadd.s32 $0xFFFFA000  }
0x1a7: {  	_ =	swait.ge [sflag:s1], $0x2000  }
0x1a8: {  	[sflag:s1] =	ssyncset.done $0x0  }
0x1a9: {  	s13 =	simm.s32 $0x0;
	[sflag:s1] =	ssyncadd.s32 $0xFFFFE000  }
0x1aa: {  	s11 =	simm.s32 $0xA020;
	s12 =	simm.s32 $0x40;
	v0 =	vld [tilespmem:s13+$0x10000]  }
.LBB2_46:
0x1ab: {  	p1 =	sne.s32 s12, $0x7FC0;
	v1 =	vld [tilespmem:s11+$0x0];
	_ =	sdelay $0x3  }
.Ltmp19:
0x1ac: {  	(pc) =	sbr.rel @p1 .LBB2_46-.Ltmp19, $3  }
0x1ad: {  	v0 =	vsub.f32 v1, v0;
	_ =	sdelay $0x1  }
0x1ae: {  	s13 =	sshra.s32 s12, $0x2;
	[tilespmem:s11+$0x0] =	vst v0  }
0x1af: {  	s12 =	sadd.s32 $0x40, s12;
	s11 =	sadd.s32 $0x30, s11;
	v0 =	vld [tilespmem:s13+$0x10000]  }
0x1b0: {  	v1 =	vld [tilespmem:s11+$0x0];
	_ =	sdelay $0x4  }
0x1b1: {  	v0 =	vsub.f32 v1, v0;
	_ =	sdelay $0x1  }
0x1b2: {  	s13 =	simm.s32 $0x0;
	s12 =	rddreg [dreg:$0x14];
	[tilespmem:s11+$0x0] =	vst v0  }
0x1b3: {  	[hbm4b:s12+s13] =	stream.linear.scatter [tilespmem:s29], [sflag:$0x3], $0x6000, $0x38;
	[tilespmem:$0x1A000] =	vst v63  }
0x1b4: {  	_ =	swait.ge [sflag:s25], $0x6000  }
0x1b5: {  	[sflag:s25] =	ssyncset.done $0x0  }
0x1b6: {  	s13 =	simm.s32 $0x2E00;
	[sflag:s25] =	ssyncadd.s32 $0xFFFFA000  }
0x1b7: {  	[tilespmem:s29], [sflag:$0x1] =	stream.indirect.gather [hbm4b:s4+s28], $0x30, s13, s28, $0xb8;
	[tilespmem:$0x1A000] =	vst v63  }
0x1b8: {  	s12 =	simm.s32 $0x7E00  }
0x1b9: {  	[tilespmem:s30], [sflag:$0x1] =	stream.indirect.gather [hbm4b:s2+s28], $0x10, s12, s28, $0xb8;
	[tilespmem:$0x1A000] =	vst v63  }
0x1ba: {  	_ =	swait.ge [sflag:s9], $0x6000  }
0x1bb: {  	[sflag:s9] =	ssyncset.done $0x0  }
0x1bc: {  	[sflag:s9] =	ssyncadd.s32 $0xFFFFA000  }
0x1bd: {  	_ =	swait.ge [sflag:s9], $0x2000  }
0x1be: {  	[sflag:s9] =	ssyncset.done $0x0  }
0x1bf: {  	s13 =	simm.s32 $0x0;
	[sflag:s9] =	ssyncadd.s32 $0xFFFFE000  }
0x1c0: {  	s11 =	simm.s32 $0x12020;
	s12 =	simm.s32 $0x40;
	v0 =	vld [tilespmem:s13+$0x18000]  }
.LBB2_48:
0x1c1: {  	p1 =	sne.s32 s12, $0x7FC0;
	v1 =	vld [tilespmem:s11+$0x0];
	_ =	sdelay $0x3  }
.Ltmp20:
0x1c2: {  	(pc) =	sbr.rel @p1 .LBB2_48-.Ltmp20, $3  }
0x1c3: {  	v0 =	vsub.f32 v1, v0;
	_ =	sdelay $0x1  }
0x1c4: {  	s13 =	sshra.s32 s12, $0x2;
	[tilespmem:s11+$0x0] =	vst v0  }
0x1c5: {  	s12 =	sadd.s32 $0x40, s12;
	s11 =	sadd.s32 $0x30, s11;
	v0 =	vld [tilespmem:s13+$0x18000]  }
0x1c6: {  	v1 =	vld [tilespmem:s11+$0x0];
	_ =	sdelay $0x4  }
0x1c7: {  	v0 =	vsub.f32 v1, v0;
	_ =	sdelay $0x1  }
0x1c8: {  	s13 =	simm.s32 $0x0;
	s12 =	rddreg [dreg:$0x15];
	[tilespmem:s11+$0x0] =	vst v0  }
0x1c9: {  	[hbm4b:s12+s13] =	stream.linear.scatter [tilespmem:s31], [sflag:$0x3], $0x6000, $0x38;
	[tilespmem:$0x1A000] =	vst v63  }
0x1ca: {  	_ =	swait.ge [sflag:s25], $0x6000  }
0x1cb: {  	[sflag:s25] =	ssyncset.done $0x0  }
0x1cc: {  	s13 =	simm.s32 $0x3000;
	[sflag:s25] =	ssyncadd.s32 $0xFFFFA000  }
0x1cd: {  	[tilespmem:s31], [sflag:$0x2] =	stream.indirect.gather [hbm4b:s4+s28], $0x30, s13, s28, $0xb8;
	[tilespmem:$0x1A000] =	vst v63  }
0x1ce: {  	s12 =	simm.s32 $0x8000  }
0x1cf: {  	[tilespmem:s0], [sflag:$0x2] =	stream.indirect.gather [hbm4b:s2+s28], $0x10, s12, s28, $0xb8;
	[tilespmem:$0x1A000] =	vst v63  }
0x1d0: {  	_ =	swait.ge [sflag:s1], $0x6000  }
0x1d1: {  	[sflag:s1] =	ssyncset.done $0x0  }
0x1d2: {  	[sflag:s1] =	ssyncadd.s32 $0xFFFFA000  }
0x1d3: {  	_ =	swait.ge [sflag:s1], $0x2000  }
0x1d4: {  	[sflag:s1] =	ssyncset.done $0x0  }
0x1d5: {  	s13 =	simm.s32 $0x0;
	[sflag:s1] =	ssyncadd.s32 $0xFFFFE000  }
0x1d6: {  	s11 =	simm.s32 $0xA020;
	s12 =	simm.s32 $0x40;
	v0 =	vld [tilespmem:s13+$0x10000]  }
.LBB2_50:
0x1d7: {  	p1 =	sne.s32 s12, $0x7FC0;
	v1 =	vld [tilespmem:s11+$0x0];
	_ =	sdelay $0x3  }
.Ltmp21:
0x1d8: {  	(pc) =	sbr.rel @p1 .LBB2_50-.Ltmp21, $3  }
0x1d9: {  	v0 =	vsub.f32 v1, v0;
	_ =	sdelay $0x1  }
0x1da: {  	s13 =	sshra.s32 s12, $0x2;
	[tilespmem:s11+$0x0] =	vst v0  }
0x1db: {  	s12 =	sadd.s32 $0x40, s12;
	s11 =	sadd.s32 $0x30, s11;
	v0 =	vld [tilespmem:s13+$0x10000]  }
0x1dc: {  	v1 =	vld [tilespmem:s11+$0x0];
	_ =	sdelay $0x4  }
0x1dd: {  	v0 =	vsub.f32 v1, v0;
	_ =	sdelay $0x1  }
0x1de: {  	s13 =	simm.s32 $0x0;
	s12 =	rddreg [dreg:$0x16];
	[tilespmem:s11+$0x0] =	vst v0  }
0x1df: {  	[hbm4b:s12+s13] =	stream.linear.scatter [tilespmem:s29], [sflag:$0x3], $0x6000, $0x38;
	[tilespmem:$0x1A000] =	vst v63  }
0x1e0: {  	_ =	swait.ge [sflag:s25], $0x6000  }
0x1e1: {  	[sflag:s25] =	ssyncset.done $0x0  }
0x1e2: {  	s13 =	simm.s32 $0x3200;
	[sflag:s25] =	ssyncadd.s32 $0xFFFFA000  }
0x1e3: {  	[tilespmem:s29], [sflag:$0x1] =	stream.indirect.gather [hbm4b:s4+s28], $0x30, s13, s28, $0xb8;
	[tilespmem:$0x1A000] =	vst v63  }
0x1e4: {  	s12 =	simm.s32 $0x8200  }
0x1e5: {  	[tilespmem:s30], [sflag:$0x1] =	stream.indirect.gather [hbm4b:s2+s28], $0x10, s12, s28, $0xb8;
	[tilespmem:$0x1A000] =	vst v63  }
0x1e6: {  	_ =	swait.ge [sflag:s9], $0x6000  }
0x1e7: {  	[sflag:s9] =	ssyncset.done $0x0  }
0x1e8: {  	[sflag:s9] =	ssyncadd.s32 $0xFFFFA000  }
0x1e9: {  	_ =	swait.ge [sflag:s9], $0x2000  }
0x1ea: {  	[sflag:s9] =	ssyncset.done $0x0  }
0x1eb: {  	s13 =	simm.s32 $0x0;
	[sflag:s9] =	ssyncadd.s32 $0xFFFFE000  }
0x1ec: {  	s11 =	simm.s32 $0x12020;
	s12 =	simm.s32 $0x40;
	v0 =	vld [tilespmem:s13+$0x18000]  }
.LBB2_52:
0x1ed: {  	p1 =	sne.s32 s12, $0x7FC0;
	v1 =	vld [tilespmem:s11+$0x0];
	_ =	sdelay $0x3  }
.Ltmp22:
0x1ee: {  	(pc) =	sbr.rel @p1 .LBB2_52-.Ltmp22, $3  }
0x1ef: {  	v0 =	vsub.f32 v1, v0;
	_ =	sdelay $0x1  }
0x1f0: {  	s13 =	sshra.s32 s12, $0x2;
	[tilespmem:s11+$0x0] =	vst v0  }
0x1f1: {  	s12 =	sadd.s32 $0x40, s12;
	s11 =	sadd.s32 $0x30, s11;
	v0 =	vld [tilespmem:s13+$0x18000]  }
0x1f2: {  	v1 =	vld [tilespmem:s11+$0x0];
	_ =	sdelay $0x4  }
0x1f3: {  	v0 =	vsub.f32 v1, v0;
	_ =	sdelay $0x1  }
0x1f4: {  	s13 =	simm.s32 $0x0;
	s12 =	rddreg [dreg:$0x17];
	[tilespmem:s11+$0x0] =	vst v0  }
0x1f5: {  	[hbm4b:s12+s13] =	stream.linear.scatter [tilespmem:s31], [sflag:$0x3], $0x6000, $0x38;
	[tilespmem:$0x1A000] =	vst v63  }
0x1f6: {  	_ =	swait.ge [sflag:s25], $0x6000  }
0x1f7: {  	[sflag:s25] =	ssyncset.done $0x0  }
0x1f8: {  	s13 =	simm.s32 $0x3400;
	[sflag:s25] =	ssyncadd.s32 $0xFFFFA000  }
0x1f9: {  	[tilespmem:s31], [sflag:$0x2] =	stream.indirect.gather [hbm4b:s4+s28], $0x30, s13, s28, $0xb8;
	[tilespmem:$0x1A000] =	vst v63  }
0x1fa: {  	s12 =	simm.s32 $0x8400  }
0x1fb: {  	[tilespmem:s0], [sflag:$0x2] =	stream.indirect.gather [hbm4b:s2+s28], $0x10, s12, s28, $0xb8;
	[tilespmem:$0x1A000] =	vst v63  }
0x1fc: {  	_ =	swait.ge [sflag:s1], $0x6000  }
0x1fd: {  	[sflag:s1] =	ssyncset.done $0x0  }
0x1fe: {  	[sflag:s1] =	ssyncadd.s32 $0xFFFFA000  }
0x1ff: {  	_ =	swait.ge [sflag:s1], $0x2000  }
0x200: {  	[sflag:s1] =	ssyncset.done $0x0  }
0x201: {  	s13 =	simm.s32 $0x0;
	[sflag:s1] =	ssyncadd.s32 $0xFFFFE000  }
0x202: {  	s11 =	simm.s32 $0xA020;
	s12 =	simm.s32 $0x40;
	v0 =	vld [tilespmem:s13+$0x10000]  }
.LBB2_54:
0x203: {  	p1 =	sne.s32 s12, $0x7FC0;
	v1 =	vld [tilespmem:s11+$0x0];
	_ =	sdelay $0x3  }
.Ltmp23:
0x204: {  	(pc) =	sbr.rel @p1 .LBB2_54-.Ltmp23, $3  }
0x205: {  	v0 =	vsub.f32 v1, v0;
	_ =	sdelay $0x1  }
0x206: {  	s13 =	sshra.s32 s12, $0x2;
	[tilespmem:s11+$0x0] =	vst v0  }
0x207: {  	s12 =	sadd.s32 $0x40, s12;
	s11 =	sadd.s32 $0x30, s11;
	v0 =	vld [tilespmem:s13+$0x10000]  }
0x208: {  	v1 =	vld [tilespmem:s11+$0x0];
	_ =	sdelay $0x4  }
0x209: {  	v0 =	vsub.f32 v1, v0;
	_ =	sdelay $0x1  }
0x20a: {  	s13 =	simm.s32 $0x0;
	s12 =	rddreg [dreg:$0x18];
	[tilespmem:s11+$0x0] =	vst v0  }
0x20b: {  	[hbm4b:s12+s13] =	stream.linear.scatter [tilespmem:s29], [sflag:$0x3], $0x6000, $0x38;
	[tilespmem:$0x1A000] =	vst v63  }
0x20c: {  	_ =	swait.ge [sflag:s25], $0x6000  }
0x20d: {  	[sflag:s25] =	ssyncset.done $0x0  }
0x20e: {  	s13 =	simm.s32 $0x3600;
	[sflag:s25] =	ssyncadd.s32 $0xFFFFA000  }
0x20f: {  	[tilespmem:s29], [sflag:$0x1] =	stream.indirect.gather [hbm4b:s4+s28], $0x30, s13, s28, $0xb8;
	[tilespmem:$0x1A000] =	vst v63  }
0x210: {  	s12 =	simm.s32 $0x8600  }
0x211: {  	[tilespmem:s30], [sflag:$0x1] =	stream.indirect.gather [hbm4b:s2+s28], $0x10, s12, s28, $0xb8;
	[tilespmem:$0x1A000] =	vst v63  }
0x212: {  	_ =	swait.ge [sflag:s9], $0x6000  }
0x213: {  	[sflag:s9] =	ssyncset.done $0x0  }
0x214: {  	[sflag:s9] =	ssyncadd.s32 $0xFFFFA000  }
0x215: {  	_ =	swait.ge [sflag:s9], $0x2000  }
0x216: {  	[sflag:s9] =	ssyncset.done $0x0  }
0x217: {  	s13 =	simm.s32 $0x0;
	[sflag:s9] =	ssyncadd.s32 $0xFFFFE000  }
0x218: {  	s11 =	simm.s32 $0x12020;
	s12 =	simm.s32 $0x40;
	v0 =	vld [tilespmem:s13+$0x18000]  }
.LBB2_56:
0x219: {  	p1 =	sne.s32 s12, $0x7FC0;
	v1 =	vld [tilespmem:s11+$0x0];
	_ =	sdelay $0x3  }
.Ltmp24:
0x21a: {  	(pc) =	sbr.rel @p1 .LBB2_56-.Ltmp24, $3  }
0x21b: {  	v0 =	vsub.f32 v1, v0;
	_ =	sdelay $0x1  }
0x21c: {  	s13 =	sshra.s32 s12, $0x2;
	[tilespmem:s11+$0x0] =	vst v0  }
0x21d: {  	s12 =	sadd.s32 $0x40, s12;
	s11 =	sadd.s32 $0x30, s11;
	v0 =	vld [tilespmem:s13+$0x18000]  }
0x21e: {  	v1 =	vld [tilespmem:s11+$0x0];
	_ =	sdelay $0x4  }
0x21f: {  	v0 =	vsub.f32 v1, v0;
	_ =	sdelay $0x1  }
0x220: {  	s13 =	simm.s32 $0x0;
	s12 =	rddreg [dreg:$0x19];
	[tilespmem:s11+$0x0] =	vst v0  }
0x221: {  	[hbm4b:s12+s13] =	stream.linear.scatter [tilespmem:s31], [sflag:$0x3], $0x6000, $0x38;
	[tilespmem:$0x1A000] =	vst v63  }
0x222: {  	_ =	swait.ge [sflag:s25], $0x6000  }
0x223: {  	[sflag:s25] =	ssyncset.done $0x0  }
0x224: {  	s13 =	simm.s32 $0x3800;
	[sflag:s25] =	ssyncadd.s32 $0xFFFFA000  }
0x225: {  	[tilespmem:s31], [sflag:$0x2] =	stream.indirect.gather [hbm4b:s4+s28], $0x30, s13, s28, $0xb8;
	[tilespmem:$0x1A000] =	vst v63  }
0x226: {  	s12 =	simm.s32 $0x8800  }
0x227: {  	[tilespmem:s0], [sflag:$0x2] =	stream.indirect.gather [hbm4b:s2+s28], $0x10, s12, s28, $0xb8;
	[tilespmem:$0x1A000] =	vst v63  }
0x228: {  	_ =	swait.ge [sflag:s1], $0x6000  }
0x229: {  	[sflag:s1] =	ssyncset.done $0x0  }
0x22a: {  	[sflag:s1] =	ssyncadd.s32 $0xFFFFA000  }
0x22b: {  	_ =	swait.ge [sflag:s1], $0x2000  }
0x22c: {  	[sflag:s1] =	ssyncset.done $0x0  }
0x22d: {  	s13 =	simm.s32 $0x0;
	[sflag:s1] =	ssyncadd.s32 $0xFFFFE000  }
0x22e: {  	s11 =	simm.s32 $0xA020;
	s12 =	simm.s32 $0x40;
	v0 =	vld [tilespmem:s13+$0x10000]  }
.LBB2_58:
0x22f: {  	p1 =	sne.s32 s12, $0x7FC0;
	v1 =	vld [tilespmem:s11+$0x0];
	_ =	sdelay $0x3  }
.Ltmp25:
0x230: {  	(pc) =	sbr.rel @p1 .LBB2_58-.Ltmp25, $3  }
0x231: {  	v0 =	vsub.f32 v1, v0;
	_ =	sdelay $0x1  }
0x232: {  	s13 =	sshra.s32 s12, $0x2;
	[tilespmem:s11+$0x0] =	vst v0  }
0x233: {  	s12 =	sadd.s32 $0x40, s12;
	s11 =	sadd.s32 $0x30, s11;
	v0 =	vld [tilespmem:s13+$0x10000]  }
0x234: {  	v1 =	vld [tilespmem:s11+$0x0];
	_ =	sdelay $0x4  }
0x235: {  	v0 =	vsub.f32 v1, v0;
	_ =	sdelay $0x1  }
0x236: {  	s13 =	simm.s32 $0x0;
	s12 =	rddreg [dreg:$0x1a];
	[tilespmem:s11+$0x0] =	vst v0  }
0x237: {  	[hbm4b:s12+s13] =	stream.linear.scatter [tilespmem:s29], [sflag:$0x3], $0x6000, $0x38;
	[tilespmem:$0x1A000] =	vst v63  }
0x238: {  	_ =	swait.ge [sflag:s25], $0x6000  }
0x239: {  	[sflag:s25] =	ssyncset.done $0x0  }
0x23a: {  	s13 =	simm.s32 $0x3A00;
	[sflag:s25] =	ssyncadd.s32 $0xFFFFA000  }
0x23b: {  	[tilespmem:s29], [sflag:$0x1] =	stream.indirect.gather [hbm4b:s4+s28], $0x30, s13, s28, $0xb8;
	[tilespmem:$0x1A000] =	vst v63  }
0x23c: {  	s12 =	simm.s32 $0x8A00  }
0x23d: {  	[tilespmem:s30], [sflag:$0x1] =	stream.indirect.gather [hbm4b:s2+s28], $0x10, s12, s28, $0xb8;
	[tilespmem:$0x1A000] =	vst v63  }
0x23e: {  	_ =	swait.ge [sflag:s9], $0x6000  }
0x23f: {  	[sflag:s9] =	ssyncset.done $0x0  }
0x240: {  	[sflag:s9] =	ssyncadd.s32 $0xFFFFA000  }
0x241: {  	_ =	swait.ge [sflag:s9], $0x2000  }
0x242: {  	[sflag:s9] =	ssyncset.done $0x0  }
0x243: {  	s13 =	simm.s32 $0x0;
	[sflag:s9] =	ssyncadd.s32 $0xFFFFE000  }
0x244: {  	s11 =	simm.s32 $0x12020;
	s12 =	simm.s32 $0x40;
	v0 =	vld [tilespmem:s13+$0x18000]  }
.LBB2_60:
0x245: {  	p1 =	sne.s32 s12, $0x7FC0;
	v1 =	vld [tilespmem:s11+$0x0];
	_ =	sdelay $0x3  }
.Ltmp26:
0x246: {  	(pc) =	sbr.rel @p1 .LBB2_60-.Ltmp26, $3  }
0x247: {  	v0 =	vsub.f32 v1, v0;
	_ =	sdelay $0x1  }
0x248: {  	s13 =	sshra.s32 s12, $0x2;
	[tilespmem:s11+$0x0] =	vst v0  }
0x249: {  	s12 =	sadd.s32 $0x40, s12;
	s11 =	sadd.s32 $0x30, s11;
	v0 =	vld [tilespmem:s13+$0x18000]  }
0x24a: {  	v1 =	vld [tilespmem:s11+$0x0];
	_ =	sdelay $0x4  }
0x24b: {  	v0 =	vsub.f32 v1, v0;
	_ =	sdelay $0x1  }
0x24c: {  	s13 =	simm.s32 $0x0;
	s12 =	rddreg [dreg:$0x1b];
	[tilespmem:s11+$0x0] =	vst v0  }
0x24d: {  	[hbm4b:s12+s13] =	stream.linear.scatter [tilespmem:s31], [sflag:$0x3], $0x6000, $0x38;
	[tilespmem:$0x1A000] =	vst v63  }
0x24e: {  	_ =	swait.ge [sflag:s25], $0x6000  }
0x24f: {  	[sflag:s25] =	ssyncset.done $0x0  }
0x250: {  	s13 =	simm.s32 $0x3C00;
	[sflag:s25] =	ssyncadd.s32 $0xFFFFA000  }
0x251: {  	[tilespmem:s31], [sflag:$0x2] =	stream.indirect.gather [hbm4b:s4+s28], $0x30, s13, s28, $0xb8;
	[tilespmem:$0x1A000] =	vst v63  }
0x252: {  	s12 =	simm.s32 $0x8C00  }
0x253: {  	[tilespmem:s0], [sflag:$0x2] =	stream.indirect.gather [hbm4b:s2+s28], $0x10, s12, s28, $0xb8;
	[tilespmem:$0x1A000] =	vst v63  }
0x254: {  	_ =	swait.ge [sflag:s1], $0x6000  }
0x255: {  	[sflag:s1] =	ssyncset.done $0x0  }
0x256: {  	[sflag:s1] =	ssyncadd.s32 $0xFFFFA000  }
0x257: {  	_ =	swait.ge [sflag:s1], $0x2000  }
0x258: {  	[sflag:s1] =	ssyncset.done $0x0  }
0x259: {  	s13 =	simm.s32 $0x0;
	[sflag:s1] =	ssyncadd.s32 $0xFFFFE000  }
0x25a: {  	s11 =	simm.s32 $0xA020;
	s12 =	simm.s32 $0x40;
	v0 =	vld [tilespmem:s13+$0x10000]  }
.LBB2_62:
0x25b: {  	p1 =	sne.s32 s12, $0x7FC0;
	v1 =	vld [tilespmem:s11+$0x0];
	_ =	sdelay $0x3  }
.Ltmp27:
0x25c: {  	(pc) =	sbr.rel @p1 .LBB2_62-.Ltmp27, $3  }
0x25d: {  	v0 =	vsub.f32 v1, v0;
	_ =	sdelay $0x1  }
0x25e: {  	s13 =	sshra.s32 s12, $0x2;
	[tilespmem:s11+$0x0] =	vst v0  }
0x25f: {  	s12 =	sadd.s32 $0x40, s12;
	s11 =	sadd.s32 $0x30, s11;
	v0 =	vld [tilespmem:s13+$0x10000]  }
0x260: {  	v1 =	vld [tilespmem:s11+$0x0];
	_ =	sdelay $0x4  }
0x261: {  	v0 =	vsub.f32 v1, v0;
	_ =	sdelay $0x1  }
0x262: {  	s13 =	simm.s32 $0x0;
	s12 =	rddreg [dreg:$0x1c];
	[tilespmem:s11+$0x0] =	vst v0  }
0x263: {  	[hbm4b:s12+s13] =	stream.linear.scatter [tilespmem:s29], [sflag:$0x3], $0x6000, $0x38;
	[tilespmem:$0x1A000] =	vst v63  }
0x264: {  	_ =	swait.ge [sflag:s25], $0x6000  }
0x265: {  	[sflag:s25] =	ssyncset.done $0x0  }
0x266: {  	s13 =	simm.s32 $0x3E00;
	[sflag:s25] =	ssyncadd.s32 $0xFFFFA000  }
0x267: {  	[tilespmem:s29], [sflag:$0x1] =	stream.indirect.gather [hbm4b:s4+s28], $0x30, s13, s28, $0xb8;
	[tilespmem:$0x1A000] =	vst v63  }
0x268: {  	s12 =	simm.s32 $0x8E00  }
0x269: {  	[tilespmem:s30], [sflag:$0x1] =	stream.indirect.gather [hbm4b:s2+s28], $0x10, s12, s28, $0xb8;
	[tilespmem:$0x1A000] =	vst v63  }
0x26a: {  	_ =	swait.ge [sflag:s9], $0x6000  }
0x26b: {  	[sflag:s9] =	ssyncset.done $0x0  }
0x26c: {  	[sflag:s9] =	ssyncadd.s32 $0xFFFFA000  }
0x26d: {  	_ =	swait.ge [sflag:s9], $0x2000  }
0x26e: {  	[sflag:s9] =	ssyncset.done $0x0  }
0x26f: {  	s13 =	simm.s32 $0x0;
	[sflag:s9] =	ssyncadd.s32 $0xFFFFE000  }
0x270: {  	s11 =	simm.s32 $0x12020;
	s12 =	simm.s32 $0x40;
	v0 =	vld [tilespmem:s13+$0x18000]  }
.LBB2_64:
0x271: {  	p1 =	sne.s32 s12, $0x7FC0;
	v1 =	vld [tilespmem:s11+$0x0];
	_ =	sdelay $0x3  }
.Ltmp28:
0x272: {  	(pc) =	sbr.rel @p1 .LBB2_64-.Ltmp28, $3  }
0x273: {  	v0 =	vsub.f32 v1, v0;
	_ =	sdelay $0x1  }
0x274: {  	s13 =	sshra.s32 s12, $0x2;
	[tilespmem:s11+$0x0] =	vst v0  }
0x275: {  	s12 =	sadd.s32 $0x40, s12;
	s11 =	sadd.s32 $0x30, s11;
	v0 =	vld [tilespmem:s13+$0x18000]  }
0x276: {  	v1 =	vld [tilespmem:s11+$0x0];
	_ =	sdelay $0x4  }
0x277: {  	v0 =	vsub.f32 v1, v0;
	_ =	sdelay $0x1  }
0x278: {  	s13 =	simm.s32 $0x0;
	s12 =	rddreg [dreg:$0x1d];
	[tilespmem:s11+$0x0] =	vst v0  }
0x279: {  	[hbm4b:s12+s13] =	stream.linear.scatter [tilespmem:s31], [sflag:$0x3], $0x6000, $0x38;
	[tilespmem:$0x1A000] =	vst v63  }
0x27a: {  	_ =	swait.ge [sflag:s25], $0x6000  }
0x27b: {  	[sflag:s25] =	ssyncset.done $0x0  }
0x27c: {  	s13 =	simm.s32 $0x4000;
	[sflag:s25] =	ssyncadd.s32 $0xFFFFA000  }
0x27d: {  	[tilespmem:s31], [sflag:$0x2] =	stream.indirect.gather [hbm4b:s4+s28], $0x30, s13, s28, $0xb8;
	[tilespmem:$0x1A000] =	vst v63  }
0x27e: {  	s12 =	simm.s32 $0x9000  }
0x27f: {  	[tilespmem:s0], [sflag:$0x2] =	stream.indirect.gather [hbm4b:s2+s28], $0x10, s12, s28, $0xb8;
	[tilespmem:$0x1A000] =	vst v63  }
0x280: {  	_ =	swait.ge [sflag:s1], $0x6000  }
0x281: {  	[sflag:s1] =	ssyncset.done $0x0  }
0x282: {  	[sflag:s1] =	ssyncadd.s32 $0xFFFFA000  }
0x283: {  	_ =	swait.ge [sflag:s1], $0x2000  }
0x284: {  	[sflag:s1] =	ssyncset.done $0x0  }
0x285: {  	s13 =	simm.s32 $0x0;
	[sflag:s1] =	ssyncadd.s32 $0xFFFFE000  }
0x286: {  	s11 =	simm.s32 $0xA020;
	s12 =	simm.s32 $0x40;
	v0 =	vld [tilespmem:s13+$0x10000]  }
.LBB2_66:
0x287: {  	p1 =	sne.s32 s12, $0x7FC0;
	v1 =	vld [tilespmem:s11+$0x0];
	_ =	sdelay $0x3  }
.Ltmp29:
0x288: {  	(pc) =	sbr.rel @p1 .LBB2_66-.Ltmp29, $3  }
0x289: {  	v0 =	vsub.f32 v1, v0;
	_ =	sdelay $0x1  }
0x28a: {  	s13 =	sshra.s32 s12, $0x2;
	[tilespmem:s11+$0x0] =	vst v0  }
0x28b: {  	s12 =	sadd.s32 $0x40, s12;
	s11 =	sadd.s32 $0x30, s11;
	v0 =	vld [tilespmem:s13+$0x10000]  }
0x28c: {  	v1 =	vld [tilespmem:s11+$0x0];
	_ =	sdelay $0x4  }
0x28d: {  	v0 =	vsub.f32 v1, v0;
	_ =	sdelay $0x1  }
0x28e: {  	s13 =	simm.s32 $0x0;
	s12 =	rddreg [dreg:$0x1e];
	[tilespmem:s11+$0x0] =	vst v0  }
0x28f: {  	[hbm4b:s12+s13] =	stream.linear.scatter [tilespmem:s29], [sflag:$0x3], $0x6000, $0x38;
	[tilespmem:$0x1A000] =	vst v63  }
0x290: {  	_ =	swait.ge [sflag:s25], $0x6000  }
0x291: {  	[sflag:s25] =	ssyncset.done $0x0  }
0x292: {  	s13 =	simm.s32 $0x4200;
	[sflag:s25] =	ssyncadd.s32 $0xFFFFA000  }
0x293: {  	[tilespmem:s29], [sflag:$0x1] =	stream.indirect.gather [hbm4b:s4+s28], $0x30, s13, s28, $0xb8;
	[tilespmem:$0x1A000] =	vst v63  }
0x294: {  	s12 =	simm.s32 $0x9200  }
0x295: {  	[tilespmem:s30], [sflag:$0x1] =	stream.indirect.gather [hbm4b:s2+s28], $0x10, s12, s28, $0xb8;
	[tilespmem:$0x1A000] =	vst v63  }
0x296: {  	_ =	swait.ge [sflag:s9], $0x6000  }
0x297: {  	[sflag:s9] =	ssyncset.done $0x0  }
0x298: {  	[sflag:s9] =	ssyncadd.s32 $0xFFFFA000  }
0x299: {  	_ =	swait.ge [sflag:s9], $0x2000  }
0x29a: {  	[sflag:s9] =	ssyncset.done $0x0  }
0x29b: {  	s13 =	simm.s32 $0x0;
	[sflag:s9] =	ssyncadd.s32 $0xFFFFE000  }
0x29c: {  	s11 =	simm.s32 $0x12020;
	s12 =	simm.s32 $0x40;
	v0 =	vld [tilespmem:s13+$0x18000]  }
.LBB2_68:
0x29d: {  	p1 =	sne.s32 s12, $0x7FC0;
	v1 =	vld [tilespmem:s11+$0x0];
	_ =	sdelay $0x3  }
.Ltmp30:
0x29e: {  	(pc) =	sbr.rel @p1 .LBB2_68-.Ltmp30, $3  }
0x29f: {  	v0 =	vsub.f32 v1, v0;
	_ =	sdelay $0x1  }
0x2a0: {  	s13 =	sshra.s32 s12, $0x2;
	[tilespmem:s11+$0x0] =	vst v0  }
0x2a1: {  	s12 =	sadd.s32 $0x40, s12;
	s11 =	sadd.s32 $0x30, s11;
	v0 =	vld [tilespmem:s13+$0x18000]  }
0x2a2: {  	v1 =	vld [tilespmem:s11+$0x0];
	_ =	sdelay $0x4  }
0x2a3: {  	v0 =	vsub.f32 v1, v0;
	_ =	sdelay $0x1  }
0x2a4: {  	s13 =	simm.s32 $0x0;
	s12 =	rddreg [dreg:$0x1f];
	[tilespmem:s11+$0x0] =	vst v0  }
0x2a5: {  	[hbm4b:s12+s13] =	stream.linear.scatter [tilespmem:s31], [sflag:$0x3], $0x6000, $0x38;
	[tilespmem:$0x1A000] =	vst v63  }
0x2a6: {  	_ =	swait.ge [sflag:s25], $0x6000  }
0x2a7: {  	[sflag:s25] =	ssyncset.done $0x0  }
0x2a8: {  	s13 =	simm.s32 $0x4400;
	[sflag:s25] =	ssyncadd.s32 $0xFFFFA000  }
0x2a9: {  	[tilespmem:s31], [sflag:$0x2] =	stream.indirect.gather [hbm4b:s4+s28], $0x30, s13, s28, $0xb8;
	[tilespmem:$0x1A000] =	vst v63  }
0x2aa: {  	s12 =	simm.s32 $0x9400  }
0x2ab: {  	[tilespmem:s0], [sflag:$0x2] =	stream.indirect.gather [hbm4b:s2+s28], $0x10, s12, s28, $0xb8;
	[tilespmem:$0x1A000] =	vst v63  }
0x2ac: {  	_ =	swait.ge [sflag:s1], $0x6000  }
0x2ad: {  	[sflag:s1] =	ssyncset.done $0x0  }
0x2ae: {  	[sflag:s1] =	ssyncadd.s32 $0xFFFFA000  }
0x2af: {  	_ =	swait.ge [sflag:s1], $0x2000  }
0x2b0: {  	[sflag:s1] =	ssyncset.done $0x0  }
0x2b1: {  	s13 =	simm.s32 $0x0;
	[sflag:s1] =	ssyncadd.s32 $0xFFFFE000  }
0x2b2: {  	s11 =	simm.s32 $0xA020;
	s12 =	simm.s32 $0x40;
	v0 =	vld [tilespmem:s13+$0x10000]  }
.LBB2_70:
0x2b3: {  	p1 =	sne.s32 s12, $0x7FC0;
	v1 =	vld [tilespmem:s11+$0x0];
	_ =	sdelay $0x3  }
.Ltmp31:
0x2b4: {  	(pc) =	sbr.rel @p1 .LBB2_70-.Ltmp31, $3  }
0x2b5: {  	v0 =	vsub.f32 v1, v0;
	_ =	sdelay $0x1  }
0x2b6: {  	s13 =	sshra.s32 s12, $0x2;
	[tilespmem:s11+$0x0] =	vst v0  }
0x2b7: {  	s12 =	sadd.s32 $0x40, s12;
	s11 =	sadd.s32 $0x30, s11;
	v0 =	vld [tilespmem:s13+$0x10000]  }
0x2b8: {  	v1 =	vld [tilespmem:s11+$0x0];
	_ =	sdelay $0x4  }
0x2b9: {  	v0 =	vsub.f32 v1, v0;
	_ =	sdelay $0x1  }
0x2ba: {  	s13 =	simm.s32 $0x0;
	[tilespmem:s11+$0x0] =	vst v0  }
0x2bb: {  	[hbm4b:s14+s13] =	stream.linear.scatter [tilespmem:s29], [sflag:$0x3], $0x6000, $0x38;
	[tilespmem:$0x1A000] =	vst v63  }
0x2bc: {  	_ =	swait.ge [sflag:s25], $0x6000  }
0x2bd: {  	[sflag:s25] =	ssyncset.done $0x0  }
0x2be: {  	s12 =	simm.s32 $0x4600;
	[sflag:s25] =	ssyncadd.s32 $0xFFFFA000  }
0x2bf: {  	[tilespmem:s29], [sflag:$0x1] =	stream.indirect.gather [hbm4b:s4+s28], $0x30, s12, s28, $0xb8;
	[tilespmem:$0x1A000] =	vst v63  }
0x2c0: {  	s13 =	simm.s32 $0x9600  }
0x2c1: {  	[tilespmem:s30], [sflag:$0x1] =	stream.indirect.gather [hbm4b:s2+s28], $0x10, s13, s28, $0xb8;
	[tilespmem:$0x1A000] =	vst v63  }
0x2c2: {  	_ =	swait.ge [sflag:s9], $0x6000  }
0x2c3: {  	[sflag:s9] =	ssyncset.done $0x0  }
0x2c4: {  	[sflag:s9] =	ssyncadd.s32 $0xFFFFA000  }
0x2c5: {  	_ =	swait.ge [sflag:s9], $0x2000  }
0x2c6: {  	[sflag:s9] =	ssyncset.done $0x0  }
0x2c7: {  	s12 =	simm.s32 $0x0;
	[sflag:s9] =	ssyncadd.s32 $0xFFFFE000  }
0x2c8: {  	s11 =	simm.s32 $0x12020;
	v0 =	vld [tilespmem:s12+$0x18000];
	s12 =	simm.s32 $0x40  }
.LBB2_72:
0x2c9: {  	p1 =	sne.s32 s12, $0x7FC0;
	v1 =	vld [tilespmem:s11+$0x0];
	_ =	sdelay $0x3  }
.Ltmp32:
0x2ca: {  	(pc) =	sbr.rel @p1 .LBB2_72-.Ltmp32, $3  }
0x2cb: {  	v0 =	vsub.f32 v1, v0;
	_ =	sdelay $0x1  }
0x2cc: {  	s13 =	sshra.s32 s12, $0x2;
	[tilespmem:s11+$0x0] =	vst v0  }
0x2cd: {  	s12 =	sadd.s32 $0x40, s12;
	s11 =	sadd.s32 $0x30, s11;
	v0 =	vld [tilespmem:s13+$0x18000]  }
0x2ce: {  	v1 =	vld [tilespmem:s11+$0x0];
	_ =	sdelay $0x4  }
0x2cf: {  	v0 =	vsub.f32 v1, v0;
	_ =	sdelay $0x1  }
0x2d0: {  	s13 =	simm.s32 $0x0;
	[tilespmem:s11+$0x0] =	vst v0  }
0x2d1: {  	[hbm4b:s15+s13] =	stream.linear.scatter [tilespmem:s31], [sflag:$0x3], $0x6000, $0x38;
	[tilespmem:$0x1A000] =	vst v63  }
0x2d2: {  	_ =	swait.ge [sflag:s25], $0x6000  }
0x2d3: {  	[sflag:s25] =	ssyncset.done $0x0  }
0x2d4: {  	s12 =	simm.s32 $0x4800;
	[sflag:s25] =	ssyncadd.s32 $0xFFFFA000  }
0x2d5: {  	[tilespmem:s31], [sflag:$0x2] =	stream.indirect.gather [hbm4b:s4+s28], $0x30, s12, s28, $0xb8;
	[tilespmem:$0x1A000] =	vst v63  }
0x2d6: {  	s13 =	simm.s32 $0x9800  }
0x2d7: {  	[tilespmem:s0], [sflag:$0x2] =	stream.indirect.gather [hbm4b:s2+s28], $0x10, s13, s28, $0xb8;
	[tilespmem:$0x1A000] =	vst v63  }
0x2d8: {  	_ =	swait.ge [sflag:s1], $0x6000  }
0x2d9: {  	[sflag:s1] =	ssyncset.done $0x0  }
0x2da: {  	[sflag:s1] =	ssyncadd.s32 $0xFFFFA000  }
0x2db: {  	_ =	swait.ge [sflag:s1], $0x2000  }
0x2dc: {  	[sflag:s1] =	ssyncset.done $0x0  }
0x2dd: {  	s12 =	simm.s32 $0x0;
	[sflag:s1] =	ssyncadd.s32 $0xFFFFE000  }
0x2de: {  	s11 =	simm.s32 $0xA020;
	v0 =	vld [tilespmem:s12+$0x10000];
	s12 =	simm.s32 $0x40  }
.LBB2_74:
0x2df: {  	p1 =	sne.s32 s12, $0x7FC0;
	v1 =	vld [tilespmem:s11+$0x0];
	_ =	sdelay $0x3  }
.Ltmp33:
0x2e0: {  	(pc) =	sbr.rel @p1 .LBB2_74-.Ltmp33, $3  }
0x2e1: {  	v0 =	vsub.f32 v1, v0;
	_ =	sdelay $0x1  }
0x2e2: {  	s13 =	sshra.s32 s12, $0x2;
	[tilespmem:s11+$0x0] =	vst v0  }
0x2e3: {  	s12 =	sadd.s32 $0x40, s12;
	s11 =	sadd.s32 $0x30, s11;
	v0 =	vld [tilespmem:s13+$0x10000]  }
0x2e4: {  	v1 =	vld [tilespmem:s11+$0x0];
	_ =	sdelay $0x4  }
0x2e5: {  	v0 =	vsub.f32 v1, v0;
	_ =	sdelay $0x1  }
0x2e6: {  	s13 =	simm.s32 $0x0;
	[tilespmem:s11+$0x0] =	vst v0  }
0x2e7: {  	[hbm4b:s16+s13] =	stream.linear.scatter [tilespmem:s29], [sflag:$0x3], $0x6000, $0x38;
	[tilespmem:$0x1A000] =	vst v63  }
0x2e8: {  	_ =	swait.ge [sflag:s25], $0x6000  }
0x2e9: {  	[sflag:s25] =	ssyncset.done $0x0  }
0x2ea: {  	s12 =	simm.s32 $0x4A00;
	[sflag:s25] =	ssyncadd.s32 $0xFFFFA000  }
0x2eb: {  	[tilespmem:s29], [sflag:$0x1] =	stream.indirect.gather [hbm4b:s4+s28], $0x30, s12, s28, $0xb8;
	[tilespmem:$0x1A000] =	vst v63  }
0x2ec: {  	s13 =	simm.s32 $0x9A00  }
0x2ed: {  	[tilespmem:s30], [sflag:$0x1] =	stream.indirect.gather [hbm4b:s2+s28], $0x10, s13, s28, $0xb8;
	[tilespmem:$0x1A000] =	vst v63  }
0x2ee: {  	_ =	swait.ge [sflag:s9], $0x6000  }
0x2ef: {  	[sflag:s9] =	ssyncset.done $0x0  }
0x2f0: {  	[sflag:s9] =	ssyncadd.s32 $0xFFFFA000  }
0x2f1: {  	_ =	swait.ge [sflag:s9], $0x2000  }
0x2f2: {  	[sflag:s9] =	ssyncset.done $0x0  }
0x2f3: {  	s12 =	simm.s32 $0x0;
	[sflag:s9] =	ssyncadd.s32 $0xFFFFE000  }
0x2f4: {  	s11 =	simm.s32 $0x12020;
	v0 =	vld [tilespmem:s12+$0x18000];
	s12 =	simm.s32 $0x40  }
.LBB2_76:
0x2f5: {  	p1 =	sne.s32 s12, $0x7FC0;
	v1 =	vld [tilespmem:s11+$0x0];
	_ =	sdelay $0x3  }
.Ltmp34:
0x2f6: {  	(pc) =	sbr.rel @p1 .LBB2_76-.Ltmp34, $3  }
0x2f7: {  	v0 =	vsub.f32 v1, v0;
	_ =	sdelay $0x1  }
0x2f8: {  	s13 =	sshra.s32 s12, $0x2;
	[tilespmem:s11+$0x0] =	vst v0  }
0x2f9: {  	s12 =	sadd.s32 $0x40, s12;
	s11 =	sadd.s32 $0x30, s11;
	v0 =	vld [tilespmem:s13+$0x18000]  }
0x2fa: {  	v1 =	vld [tilespmem:s11+$0x0];
	_ =	sdelay $0x4  }
0x2fb: {  	v0 =	vsub.f32 v1, v0;
	_ =	sdelay $0x1  }
0x2fc: {  	s13 =	simm.s32 $0x0;
	[tilespmem:s11+$0x0] =	vst v0  }
0x2fd: {  	[hbm4b:s17+s13] =	stream.linear.scatter [tilespmem:s31], [sflag:$0x3], $0x6000, $0x38;
	[tilespmem:$0x1A000] =	vst v63  }
0x2fe: {  	_ =	swait.ge [sflag:s25], $0x6000  }
0x2ff: {  	[sflag:s25] =	ssyncset.done $0x0  }
0x300: {  	s12 =	simm.s32 $0x4C00;
	[sflag:s25] =	ssyncadd.s32 $0xFFFFA000  }
0x301: {  	[tilespmem:s31], [sflag:$0x2] =	stream.indirect.gather [hbm4b:s4+s28], $0x30, s12, s28, $0xb8;
	[tilespmem:$0x1A000] =	vst v63  }
0x302: {  	s13 =	simm.s32 $0x9C00  }
0x303: {  	[tilespmem:s0], [sflag:$0x2] =	stream.indirect.gather [hbm4b:s2+s28], $0x10, s13, s28, $0xb8;
	[tilespmem:$0x1A000] =	vst v63  }
0x304: {  	_ =	swait.ge [sflag:s1], $0x6000  }
0x305: {  	[sflag:s1] =	ssyncset.done $0x0  }
0x306: {  	[sflag:s1] =	ssyncadd.s32 $0xFFFFA000  }
0x307: {  	_ =	swait.ge [sflag:s1], $0x2000  }
0x308: {  	[sflag:s1] =	ssyncset.done $0x0  }
0x309: {  	s12 =	simm.s32 $0x0;
	[sflag:s1] =	ssyncadd.s32 $0xFFFFE000  }
0x30a: {  	s11 =	simm.s32 $0xA020;
	v0 =	vld [tilespmem:s12+$0x10000];
	s12 =	simm.s32 $0x40  }
.LBB2_78:
0x30b: {  	p1 =	sne.s32 s12, $0x7FC0;
	v1 =	vld [tilespmem:s11+$0x0];
	_ =	sdelay $0x3  }
.Ltmp35:
0x30c: {  	(pc) =	sbr.rel @p1 .LBB2_78-.Ltmp35, $3  }
0x30d: {  	v0 =	vsub.f32 v1, v0;
	_ =	sdelay $0x1  }
0x30e: {  	s13 =	sshra.s32 s12, $0x2;
	[tilespmem:s11+$0x0] =	vst v0  }
0x30f: {  	s12 =	sadd.s32 $0x40, s12;
	s11 =	sadd.s32 $0x30, s11;
	v0 =	vld [tilespmem:s13+$0x10000]  }
0x310: {  	v1 =	vld [tilespmem:s11+$0x0];
	_ =	sdelay $0x4  }
0x311: {  	v0 =	vsub.f32 v1, v0;
	_ =	sdelay $0x1  }
0x312: {  	s13 =	simm.s32 $0x0;
	[tilespmem:s11+$0x0] =	vst v0  }
0x313: {  	[hbm4b:s18+s13] =	stream.linear.scatter [tilespmem:s29], [sflag:$0x3], $0x6000, $0x38;
	[tilespmem:$0x1A000] =	vst v63  }
0x314: {  	_ =	swait.ge [sflag:s25], $0x6000  }
0x315: {  	[sflag:s25] =	ssyncset.done $0x0  }
0x316: {  	s12 =	simm.s32 $0x4E00;
	[sflag:s25] =	ssyncadd.s32 $0xFFFFA000  }
0x317: {  	[tilespmem:s29], [sflag:$0x1] =	stream.indirect.gather [hbm4b:s4+s28], $0x30, s12, s28, $0xb8;
	[tilespmem:$0x1A000] =	vst v63  }
0x318: {  	s13 =	simm.s32 $0x9E00  }
0x319: {  	[tilespmem:s30], [sflag:$0x1] =	stream.indirect.gather [hbm4b:s2+s28], $0x10, s13, s28, $0xb8;
	[tilespmem:$0x1A000] =	vst v63  }
0x31a: {  	_ =	swait.ge [sflag:s9], $0x6000  }
0x31b: {  	[sflag:s9] =	ssyncset.done $0x0  }
0x31c: {  	[sflag:s9] =	ssyncadd.s32 $0xFFFFA000  }
0x31d: {  	_ =	swait.ge [sflag:s9], $0x2000  }
0x31e: {  	[sflag:s9] =	ssyncset.done $0x0  }
0x31f: {  	s12 =	simm.s32 $0x0;
	[sflag:s9] =	ssyncadd.s32 $0xFFFFE000  }
0x320: {  	s11 =	simm.s32 $0x12020;
	v0 =	vld [tilespmem:s12+$0x18000];
	s12 =	simm.s32 $0x40  }
.LBB2_80:
0x321: {  	p1 =	sne.s32 s12, $0x7FC0;
	v1 =	vld [tilespmem:s11+$0x0];
	_ =	sdelay $0x3  }
.Ltmp36:
0x322: {  	(pc) =	sbr.rel @p1 .LBB2_80-.Ltmp36, $3  }
0x323: {  	v0 =	vsub.f32 v1, v0;
	_ =	sdelay $0x1  }
0x324: {  	s13 =	sshra.s32 s12, $0x2;
	[tilespmem:s11+$0x0] =	vst v0  }
0x325: {  	s12 =	sadd.s32 $0x40, s12;
	s11 =	sadd.s32 $0x30, s11;
	v0 =	vld [tilespmem:s13+$0x18000]  }
0x326: {  	v1 =	vld [tilespmem:s11+$0x0];
	_ =	sdelay $0x4  }
0x327: {  	v0 =	vsub.f32 v1, v0;
	_ =	sdelay $0x1  }
0x328: {  	s13 =	simm.s32 $0x0;
	[tilespmem:s11+$0x0] =	vst v0  }
0x329: {  	[hbm4b:s19+s13] =	stream.linear.scatter [tilespmem:s31], [sflag:$0x3], $0x6000, $0x38;
	[tilespmem:$0x1A000] =	vst v63  }
0x32a: {  	_ =	swait.ge [sflag:s25], $0x6000  }
0x32b: {  	[sflag:s25] =	ssyncset.done $0x0  }
0x32c: {  	[sflag:s25] =	ssyncadd.s32 $0xFFFFA000  }
0x32d: {  	_ =	swait.ge [sflag:s1], $0x6000  }
0x32e: {  	[sflag:s1] =	ssyncset.done $0x0  }
0x32f: {  	[sflag:s1] =	ssyncadd.s32 $0xFFFFA000  }
0x330: {  	_ =	swait.ge [sflag:s1], $0x2000  }
0x331: {  	[sflag:s1] =	ssyncset.done $0x0  }
0x332: {  	s12 =	simm.s32 $0x0;
	[sflag:s1] =	ssyncadd.s32 $0xFFFFE000  }
0x333: {  	s11 =	simm.s32 $0xA020;
	v0 =	vld [tilespmem:s12+$0x10000];
	s12 =	simm.s32 $0x40  }
.LBB2_82:
0x334: {  	p1 =	sne.s32 s12, $0x7FC0;
	v1 =	vld [tilespmem:s11+$0x0];
	_ =	sdelay $0x3  }
.Ltmp37:
0x335: {  	(pc) =	sbr.rel @p1 .LBB2_82-.Ltmp37, $3  }
0x336: {  	v0 =	vsub.f32 v1, v0;
	_ =	sdelay $0x1  }
0x337: {  	s13 =	sshra.s32 s12, $0x2;
	[tilespmem:s11+$0x0] =	vst v0  }
0x338: {  	s12 =	sadd.s32 $0x40, s12;
	s11 =	sadd.s32 $0x30, s11;
	v0 =	vld [tilespmem:s13+$0x10000]  }
.Ltmp38:
0x339: {  	_ = 	snop;
	(pc) =	sbr.rel .LBB2_83-.Ltmp38, $1  }
0x33a: {  	_ =	sdelay $0x3  }
.LBB2_2:
0x33b: {  	s11 =	simm.s32 $0x0  }
0x33c: {  	[tilespmem:s29], [sflag:$0x1] =	stream.indirect.gather [hbm4b:s4+s28], $0x30, s11, s28, $0xb8;
	[tilespmem:$0x1A000] =	vst v63  }
0x33d: {  	_ = 	snop  }
0x33e: {  	[tilespmem:s30], [sflag:$0x1] =	stream.indirect.gather [hbm4b:s2+s28], $0x10, s26, s28, $0xb8;
	[tilespmem:$0x1A000] =	vst v63  }
0x33f: {  	_ = 	snop  }
0x340: {  	[tilespmem:s31], [sflag:$0x2] =	stream.indirect.gather [hbm4b:s4+s28], $0x30, s28, s28, $0xb8;
	[tilespmem:$0x1A000] =	vst v63  }
0x341: {  	s13 =	simm.s32 $0x5200  }
0x342: {  	[tilespmem:s0], [sflag:$0x2] =	stream.indirect.gather [hbm4b:s2+s28], $0x10, s13, s28, $0xb8;
	[tilespmem:$0x1A000] =	vst v63  }
0x343: {  	_ =	swait.ge [sflag:s1], $0x6000  }
0x344: {  	[sflag:s1] =	ssyncset.done $0x0  }
0x345: {  	[sflag:s1] =	ssyncadd.s32 $0xFFFFA000  }
0x346: {  	_ =	swait.ge [sflag:s1], $0x2000  }
0x347: {  	[sflag:s1] =	ssyncset.done $0x0  }
0x348: {  	s12 =	simm.s32 $0x0;
	[sflag:s1] =	ssyncadd.s32 $0xFFFFE000  }
0x349: {  	s11 =	simm.s32 $0xA020;
	v0 =	vld [tilespmem:s12+$0x10000];
	s12 =	simm.s32 $0x40  }
.LBB2_3:
0x34a: {  	p1 =	sne.s32 s12, $0x7FC0;
	v1 =	vld [tilespmem:s11+$0x0];
	_ =	sdelay $0x3  }
.Ltmp39:
0x34b: {  	(pc) =	sbr.rel @p1 .LBB2_3-.Ltmp39, $3  }
0x34c: {  	v0 =	vsub.f32 v1, v0;
	_ =	sdelay $0x1  }
0x34d: {  	s13 =	sshra.s32 s12, $0x2;
	[tilespmem:s11+$0x0] =	vst v0  }
0x34e: {  	s12 =	sadd.s32 $0x40, s12;
	s11 =	sadd.s32 $0x30, s11;
	v0 =	vld [tilespmem:s13+$0x10000]  }
0x34f: {  	v1 =	vld [tilespmem:s11+$0x0];
	_ =	sdelay $0x4  }
0x350: {  	v0 =	vsub.f32 v1, v0;
	_ =	sdelay $0x1  }
0x351: {  	s13 =	simm.s32 $0x0;
	[tilespmem:s11+$0x0] =	vst v0  }
0x352: {  	[hbm4b:s8+s13] =	stream.linear.scatter [tilespmem:s29], [sflag:$0x3], $0x6000, $0x38;
	[tilespmem:$0x1A000] =	vst v63  }
0x353: {  	_ =	swait.ge [sflag:s25], $0x6000  }
0x354: {  	[sflag:s25] =	ssyncset.done $0x0  }
0x355: {  	s12 =	simm.s32 $0x400;
	[sflag:s25] =	ssyncadd.s32 $0xFFFFA000  }
0x356: {  	[tilespmem:s29], [sflag:$0x1] =	stream.indirect.gather [hbm4b:s4+s28], $0x30, s12, s28, $0xb8;
	[tilespmem:$0x1A000] =	vst v63  }
0x357: {  	s13 =	simm.s32 $0x5400  }
0x358: {  	[tilespmem:s30], [sflag:$0x1] =	stream.indirect.gather [hbm4b:s2+s28], $0x10, s13, s28, $0xb8;
	[tilespmem:$0x1A000] =	vst v63  }
0x359: {  	_ =	swait.ge [sflag:s9], $0x6000  }
0x35a: {  	[sflag:s9] =	ssyncset.done $0x0  }
0x35b: {  	[sflag:s9] =	ssyncadd.s32 $0xFFFFA000  }
0x35c: {  	_ =	swait.ge [sflag:s9], $0x2000  }
0x35d: {  	[sflag:s9] =	ssyncset.done $0x0  }
0x35e: {  	s12 =	simm.s32 $0x0;
	[sflag:s9] =	ssyncadd.s32 $0xFFFFE000  }
0x35f: {  	s11 =	simm.s32 $0x12020;
	v0 =	vld [tilespmem:s12+$0x18000];
	s12 =	simm.s32 $0x40  }
.LBB2_5:
0x360: {  	p1 =	sne.s32 s12, $0x7FC0;
	v1 =	vld [tilespmem:s11+$0x0];
	_ =	sdelay $0x3  }
.Ltmp40:
0x361: {  	(pc) =	sbr.rel @p1 .LBB2_5-.Ltmp40, $3  }
0x362: {  	v0 =	vsub.f32 v1, v0;
	_ =	sdelay $0x1  }
0x363: {  	s13 =	sshra.s32 s12, $0x2;
	[tilespmem:s11+$0x0] =	vst v0  }
0x364: {  	s12 =	sadd.s32 $0x40, s12;
	s11 =	sadd.s32 $0x30, s11;
	v0 =	vld [tilespmem:s13+$0x18000]  }
0x365: {  	v1 =	vld [tilespmem:s11+$0x0];
	_ =	sdelay $0x4  }
0x366: {  	v0 =	vsub.f32 v1, v0;
	_ =	sdelay $0x1  }
0x367: {  	s13 =	simm.s32 $0x0;
	[tilespmem:s11+$0x0] =	vst v0  }
0x368: {  	[hbm4b:s23+s13] =	stream.linear.scatter [tilespmem:s31], [sflag:$0x3], $0x6000, $0x38;
	[tilespmem:$0x1A000] =	vst v63  }
0x369: {  	_ =	swait.ge [sflag:s25], $0x6000  }
0x36a: {  	[sflag:s25] =	ssyncset.done $0x0  }
0x36b: {  	s12 =	simm.s32 $0x600;
	[sflag:s25] =	ssyncadd.s32 $0xFFFFA000  }
0x36c: {  	[tilespmem:s31], [sflag:$0x2] =	stream.indirect.gather [hbm4b:s4+s28], $0x30, s12, s28, $0xb8;
	[tilespmem:$0x1A000] =	vst v63  }
0x36d: {  	s13 =	simm.s32 $0x5600  }
0x36e: {  	[tilespmem:s0], [sflag:$0x2] =	stream.indirect.gather [hbm4b:s2+s28], $0x10, s13, s28, $0xb8;
	[tilespmem:$0x1A000] =	vst v63  }
0x36f: {  	_ =	swait.ge [sflag:s1], $0x6000  }
0x370: {  	[sflag:s1] =	ssyncset.done $0x0  }
0x371: {  	[sflag:s1] =	ssyncadd.s32 $0xFFFFA000  }
0x372: {  	_ =	swait.ge [sflag:s1], $0x2000  }
0x373: {  	[sflag:s1] =	ssyncset.done $0x0  }
0x374: {  	s12 =	simm.s32 $0x0;
	[sflag:s1] =	ssyncadd.s32 $0xFFFFE000  }
0x375: {  	s11 =	simm.s32 $0xA020;
	v0 =	vld [tilespmem:s12+$0x10000];
	s12 =	simm.s32 $0x40  }
.LBB2_7:
0x376: {  	p1 =	sne.s32 s12, $0x7FC0;
	v1 =	vld [tilespmem:s11+$0x0];
	_ =	sdelay $0x3  }
.Ltmp41:
0x377: {  	(pc) =	sbr.rel @p1 .LBB2_7-.Ltmp41, $3  }
0x378: {  	v0 =	vsub.f32 v1, v0;
	_ =	sdelay $0x1  }
0x379: {  	s13 =	sshra.s32 s12, $0x2;
	[tilespmem:s11+$0x0] =	vst v0  }
0x37a: {  	s12 =	sadd.s32 $0x40, s12;
	s11 =	sadd.s32 $0x30, s11;
	v0 =	vld [tilespmem:s13+$0x10000]  }
0x37b: {  	v1 =	vld [tilespmem:s11+$0x0];
	_ =	sdelay $0x4  }
0x37c: {  	v0 =	vsub.f32 v1, v0;
	_ =	sdelay $0x1  }
0x37d: {  	s13 =	simm.s32 $0x0;
	[tilespmem:s11+$0x0] =	vst v0  }
0x37e: {  	[hbm4b:s24+s13] =	stream.linear.scatter [tilespmem:s29], [sflag:$0x3], $0x6000, $0x38;
	[tilespmem:$0x1A000] =	vst v63  }
0x37f: {  	_ =	swait.ge [sflag:s25], $0x6000  }
0x380: {  	[sflag:s25] =	ssyncset.done $0x0  }
0x381: {  	s12 =	simm.s32 $0x800;
	[sflag:s25] =	ssyncadd.s32 $0xFFFFA000  }
0x382: {  	[tilespmem:s29], [sflag:$0x1] =	stream.indirect.gather [hbm4b:s4+s28], $0x30, s12, s28, $0xb8;
	[tilespmem:$0x1A000] =	vst v63  }
0x383: {  	s13 =	simm.s32 $0x5800  }
0x384: {  	[tilespmem:s30], [sflag:$0x1] =	stream.indirect.gather [hbm4b:s2+s28], $0x10, s13, s28, $0xb8;
	[tilespmem:$0x1A000] =	vst v63  }
0x385: {  	_ =	swait.ge [sflag:s9], $0x6000  }
0x386: {  	[sflag:s9] =	ssyncset.done $0x0  }
0x387: {  	[sflag:s9] =	ssyncadd.s32 $0xFFFFA000  }
0x388: {  	_ =	swait.ge [sflag:s9], $0x2000  }
0x389: {  	[sflag:s9] =	ssyncset.done $0x0  }
0x38a: {  	s12 =	simm.s32 $0x0;
	[sflag:s9] =	ssyncadd.s32 $0xFFFFE000  }
0x38b: {  	s11 =	simm.s32 $0x12020;
	v0 =	vld [tilespmem:s12+$0x18000];
	s12 =	simm.s32 $0x40  }
.LBB2_9:
0x38c: {  	p1 =	sne.s32 s12, $0x7FC0;
	v1 =	vld [tilespmem:s11+$0x0];
	_ =	sdelay $0x3  }
.Ltmp42:
0x38d: {  	(pc) =	sbr.rel @p1 .LBB2_9-.Ltmp42, $3  }
0x38e: {  	v0 =	vsub.f32 v1, v0;
	_ =	sdelay $0x1  }
0x38f: {  	s13 =	sshra.s32 s12, $0x2;
	[tilespmem:s11+$0x0] =	vst v0  }
0x390: {  	s12 =	sadd.s32 $0x40, s12;
	s11 =	sadd.s32 $0x30, s11;
	v0 =	vld [tilespmem:s13+$0x18000]  }
0x391: {  	v1 =	vld [tilespmem:s11+$0x0];
	_ =	sdelay $0x4  }
0x392: {  	v0 =	vsub.f32 v1, v0;
	_ =	sdelay $0x1  }
0x393: {  	s13 =	simm.s32 $0x0;
	s12 =	rddreg [dreg:$0x3];
	[tilespmem:s11+$0x0] =	vst v0  }
0x394: {  	[hbm4b:s12+s13] =	stream.linear.scatter [tilespmem:s31], [sflag:$0x3], $0x6000, $0x38;
	[tilespmem:$0x1A000] =	vst v63  }
0x395: {  	_ =	swait.ge [sflag:s25], $0x6000  }
0x396: {  	[sflag:s25] =	ssyncset.done $0x0  }
0x397: {  	[sflag:s25] =	ssyncadd.s32 $0xFFFFA000  }
0x398: {  	_ =	swait.ge [sflag:s1], $0x6000  }
0x399: {  	[sflag:s1] =	ssyncset.done $0x0  }
0x39a: {  	[sflag:s1] =	ssyncadd.s32 $0xFFFFA000  }
0x39b: {  	_ =	swait.ge [sflag:s1], $0x2000  }
0x39c: {  	[sflag:s1] =	ssyncset.done $0x0  }
0x39d: {  	s13 =	simm.s32 $0x0;
	[sflag:s1] =	ssyncadd.s32 $0xFFFFE000  }
0x39e: {  	s11 =	simm.s32 $0xA020;
	s12 =	simm.s32 $0x40;
	v0 =	vld [tilespmem:s13+$0x10000]  }
.LBB2_11:
0x39f: {  	p1 =	seq.s32 s12, $0x7FC0;
	v1 =	vld [tilespmem:s11+$0x0];
	_ =	sdelay $0x3  }
.Ltmp43:
0x3a0: {  	(pc) =	sbr.rel @!p1 .LBB2_11-.Ltmp43, $3  }
0x3a1: {  	v0 =	vsub.f32 v1, v0;
	_ =	sdelay $0x1  }
0x3a2: {  	s13 =	sshra.s32 s12, $0x2;
	[tilespmem:s11+$0x0] =	vst v0  }
0x3a3: {  	s12 =	sadd.s32 $0x40, s12;
	s11 =	sadd.s32 $0x30, s11;
	v0 =	vld [tilespmem:s13+$0x10000]  }
0x3a4: {  	v1 =	vld [tilespmem:s11+$0x0];
	_ =	sdelay $0x2  }
.Ltmp44:
0x3a5: {  	_ = 	snop;
	(pc) =	sbr.rel .LBB2_84-.Ltmp44, $3  }
0x3a6: {  	_ = 	snop  }
0x3a7: {  	v0 =	vsub.f32 v1, v0;
	_ =	sdelay $0x1  }
0x3a8: {  	[tilespmem:s11+$0x0] =	vst v0;
	s11 =	smov.u32 s20  }
.LBB2_85:
0x3a9: {  	_ =	sfence.sel $0x180000  }
0x3aa: {  	[bflag:$0x0] =	sbarrier.arrive $0xFFFF  }
0x3ab: {  	_ =	strace $0x90000047  }
0x3ac: {  	s0 =	stileid.u32;
	[bflag:$0x2] =	sbarrier.arrive $0xFFFF  }
0x3ad: {  	p0 =	sne.s32 s0, $0x0;
	s0 =	rddreg [dreg:$0x2]  }
0x3ae: {  	s0 =	sadd.s32 @!p0 $0x100000, s0  }
0x3af: {  	[sflag:s0] =	ssyncadd.tile.s32 @!p0 $0x1;
	_ =	shalt  }
.Lfunc_end2:
_tile_overlayer_lowered:
.L_overlay_start_2:
0x3b0: {  	(tag) =	ssettag $0x2  }
0x3b1: {  	s0 =	rddreg [dreg:$0x0];
	s2 =	stileid.u32  }
0x3b2: {  	s1 =	rddreg [dreg:$0x1];
	p0 =	sne.s32 s2, $0x0  }
0x3b3: {  	s3 =	rddreg [dreg:$0x2];
	[bflag:$0x3] =	sbarrier.arrive $0xFFFF;
	s2 =	simm.s32 @!p0 $0x1C03  }
0x3b4: {  	[timem:s3], [sflag:s2] =	dma.local @!p0 [hbm:s0], s1  }
0x3b5: {  	s0 =	simm.s32 @!p0 $0x3  }
0x3b6: {  	_ =	swait.ge @!p0 [sflag:s0], s1  }
0x3b7: {  	s1 =	ssub.s32 @!p0 $0x0, s1;
	[sflag:s0] =	ssyncset.done @!p0 $0x0  }
0x3b8: {  	[sflag:s0] =	ssyncadd.s32 @!p0 s1  }
0x3b9: {  	[bflag:$0x3] =	sbarrier.arrive $0xFFFF  }
0x3ba: {  	_ =	shalt  }

</sc_bundles>
